<compile_context>
chip_gen: v7x
topology: tpu7x:2x2x1
jax: 0.10.2.dev20260603
libtpu: 0.0.44.dev20260713+nightly
codegen_flags: <defaults>
</compile_context>

<pallas_src>
import functools

import jax
import jax.numpy as jnp
from jax import lax
from jax.experimental import pallas as pl
from jax.experimental.pallas import tpu as pltpu
from jax.experimental.pallas import tpu_sc as plsc

N = 10000
D = 128
E = 320000
NC = 2
NS = 16
NW = NC * NS
C = 80
K = E // NW // C

HR = 5000
HP = 5120
SP = HP // NS
DUMMY = HP - 1


def _sc_mesh():
    return plsc.VectorSubcoreMesh(
        core_axis_name="c", subcore_axis_name="s", num_cores=NC, num_subcores=NS
    )


NB = 5


@functools.partial(
    pl.kernel,
    out_type=jax.ShapeDtypeStruct((NC, HP, D), jnp.float32),
    mesh=_sc_mesh(),
    scratch_types=[
        pltpu.VMEM((K, C), jnp.int32),
        pltpu.VMEM((K, C), jnp.int32),
        pltpu.VMEM((NB, C, D), jnp.float32),
        pltpu.VMEM_SHARED((HP, D), jnp.float32),
    ] + [pltpu.SemaphoreType.DMA] * NB,
)
def _agg_kernel(y_hbm, src_hbm, dst_hbm, zeros_hbm, out_hbm,
                src_v, dst_v, rows_v, agg_sh, *gsems):
    c = lax.axis_index("c")
    s = lax.axis_index("s")
    wid = s * NC + c
    pltpu.sync_copy(src_hbm.at[wid], src_v)
    pltpu.sync_copy(dst_hbm.at[wid], dst_v)
    base = s * SP
    pltpu.sync_copy(zeros_hbm, agg_sh.at[pl.ds(base, SP)])
    plsc.subcore_barrier()

    for b in range(NB):
        pltpu.async_copy(y_hbm.at[src_v.at[b]], rows_v.at[b], gsems[b])

    def group(g, carry):
        for b in range(NB):
            j = g * NB + b
            pltpu.make_async_copy(y_hbm.at[src_v.at[j]], rows_v.at[b],
                                  gsems[b]).wait()
            pltpu.sync_copy(rows_v.at[b], agg_sh.at[dst_v.at[j]], add=True)

            @pl.when(j + NB < K)
            def _():
                pltpu.async_copy(y_hbm.at[src_v.at[j + NB]], rows_v.at[b],
                                 gsems[b])
        return carry

    lax.fori_loop(0, K // NB, group, 0)
    plsc.subcore_barrier()
    pltpu.sync_copy(agg_sh.at[pl.ds(base, SP)], out_hbm.at[c].at[pl.ds(base, SP)])


_BLK = 1000
_GRID = (N // _BLK,)
_NLO = HR // _BLK

_row_spec = pl.BlockSpec((_BLK, D), lambda i: (i, 0))
_lo_spec = pl.BlockSpec((NC, _BLK, D), lambda i: (0, jnp.minimum(i, _NLO - 1), 0))
_hi_spec = pl.BlockSpec((NC, _BLK, D), lambda i: (0, jnp.maximum(i - _NLO, 0), 0))
_b_spec = pl.BlockSpec((1, D), lambda i: (0, 0))
_w_spec = pl.BlockSpec((D, D), lambda i: (0, 0))


def _sel(lo_ref, hi_ref):
    i = pl.program_id(0)
    return jnp.where(i < _NLO, lo_ref[0] + lo_ref[1], hi_ref[0] + hi_ref[1])


def _dinv(dlo_ref, dhi_ref):
    return lax.rsqrt(_sel(dlo_ref, dhi_ref)[:, 0:1] + 1.0)


def _mm1_body(dlo_ref, dhi_ref, x_ref, w_ref, y_ref):
    xw = jnp.dot(x_ref[...], w_ref[...],
                 preferred_element_type=jnp.float32,
                 precision=lax.Precision.HIGHEST)
    y_ref[...] = xw * _dinv(dlo_ref, dhi_ref)


_mm1 = pl.pallas_call(
    _mm1_body,
    grid=_GRID,
    in_specs=[_lo_spec, _hi_spec, _row_spec, _w_spec],
    out_specs=_row_spec,
    out_shape=jax.ShapeDtypeStruct((N, D), jnp.float32),
)


def _mid_body(dlo_ref, dhi_ref, alo_ref, ahi_ref, y1_ref, b1_ref, w2_ref,
              y2_ref):
    dinv = _dinv(dlo_ref, dhi_ref)
    a = _sel(alo_ref, ahi_ref) + y1_ref[...]
    z = jnp.maximum(a * dinv + b1_ref[...], 0.0)
    y2_ref[...] = jnp.dot(z, w2_ref[...],
                          preferred_element_type=jnp.float32,
                          precision=lax.Precision.HIGHEST) * dinv


_mid = pl.pallas_call(
    _mid_body,
    grid=_GRID,
    in_specs=[_lo_spec, _hi_spec, _lo_spec, _hi_spec, _row_spec, _b_spec,
              _w_spec],
    out_specs=_row_spec,
    out_shape=jax.ShapeDtypeStruct((N, D), jnp.float32),
)


def _fin_body(dlo_ref, dhi_ref, alo_ref, ahi_ref, y2_ref, b2_ref, out_ref):
    a = _sel(alo_ref, ahi_ref) + y2_ref[...]
    out_ref[...] = a * _dinv(dlo_ref, dhi_ref) + b2_ref[...]


_fin = pl.pallas_call(
    _fin_body,
    grid=_GRID,
    in_specs=[_lo_spec, _hi_spec, _lo_spec, _hi_spec, _row_spec, _b_spec],
    out_specs=_row_spec,
    out_shape=jax.ShapeDtypeStruct((N, D), jnp.float32),
)


def kernel(x, edge_index, W1, b1, W2, b2):
    src = edge_index[0]
    dst = edge_index[1]
    src3 = src.reshape(NW, K, C)
    dmy = (HR + jnp.arange(NW, dtype=dst.dtype))[:, None]
    dst2 = dst.reshape(NW, K * C)
    dlo3 = jnp.where(dst2 < HR, dst2, dmy).reshape(NW, K, C)
    dhi3 = jnp.where(dst2 >= HR, dst2 - HR, dmy).reshape(NW, K, C)
    zero3 = jnp.zeros((NW, K, C), jnp.int32)
    ones_tab = jnp.ones((N, D), jnp.float32)
    zerosSP = jnp.zeros((SP, D), jnp.float32)
    b1r = b1.reshape(1, D)
    b2r = b2.reshape(1, D)

    deglo = _agg_kernel(ones_tab, zero3, dlo3, zerosSP)
    deghi = _agg_kernel(ones_tab, zero3, dhi3, zerosSP)
    y1 = _mm1(deglo, deghi, x, W1)
    agg1lo = _agg_kernel(y1, src3, dlo3, zerosSP)
    agg1hi = _agg_kernel(y1, src3, dhi3, zerosSP)
    y2 = _mid(deglo, deghi, agg1lo, agg1hi, y1, b1r, W2)
    agg2lo = _agg_kernel(y2, src3, dlo3, zerosSP)
    agg2hi = _agg_kernel(y2, src3, dhi3, zerosSP)
    return _fin(deglo, deghi, agg2lo, agg2hi, y2, b2r)

# --- scband reference (transcript-rebuilt; emitter-appended) ---
"""Pipeline reference for scband-gnnmodel-58875411693913 (READ-ONLY COPY).

The authoritative reference and input builder live on the scoring server;
editing this copy changes nothing except your own understanding.
"""

import jax, jax.numpy as jnp
import numpy as np

N = 10000
E = 320000
D_IN = 128
D_HID = 128
D_OUT = 128


def setup_inputs(seed: int = 0) -> dict:
    key = jax.random.key(seed)
    k1, k2, k3, k4 = jax.random.split(key, 4)
    x = jax.random.normal(k1, (N, D_IN), dtype=jnp.float32)
    edge_index = jax.random.randint(k2, (2, E), 0, N, dtype=jnp.int32)
    W1 = jax.random.normal(k3, (D_IN, D_HID), dtype=jnp.float32) * (1.0 / np.sqrt(D_IN))
    b1 = jnp.zeros((D_HID,), dtype=jnp.float32)
    W2 = jax.random.normal(k4, (D_HID, D_OUT), dtype=jnp.float32) * (1.0 / np.sqrt(D_HID))
    b2 = jnp.zeros((D_OUT,), dtype=jnp.float32)
    return {"x": x, "edge_index": edge_index, "W1": W1, "b1": b1, "W2": W2, "b2": b2}


def gcn_conv(x, edge_index, W, b):
    # GCNConv: add self-loops, symmetric normalization D^{-1/2} (A+I) D^{-1/2} X W + b
    n = x.shape[0]
    loops = jnp.arange(n, dtype=edge_index.dtype)
    src = jnp.concatenate([edge_index[0], loops])
    dst = jnp.concatenate([edge_index[1], loops])
    deg = jnp.zeros((n,), dtype=x.dtype).at[dst].add(1.0)
    dinv = jnp.where(deg > 0, 1.0 / jnp.sqrt(deg), 0.0)
    xw = x @ W
    coef = dinv[src] * dinv[dst]
    msg = jnp.take(xw, src, axis=0) * coef[:, None]
    out = jnp.zeros((n, W.shape[1]), dtype=x.dtype).at[dst].add(msg)
    return out + b


def reference(x, edge_index, W1, b1, W2, b2):
    h = jax.nn.relu(gcn_conv(x, edge_index, W1, b1))
    return gcn_conv(h, edge_index, W2, b2)

if __name__ == "__main__":
    import jax
    _d = setup_inputs()
    print(jax.jit(kernel)(*tuple(_d.values())))

</pallas_src>

<mosaic_0001>
#map = affine_map<(d0, d1) -> (0, 0)>
#map1 = affine_map<(d0, d1) -> (0, 0, 0)>
module attributes {stable_mosaic.version = 14 : i64} {
  func.func @_agg_kernel(%arg0: i32, %arg1: i32, %arg2: memref<10000x128xf32, #tpu.memory_space<hbm>>, %arg3: memref<32x125x80xi32, #tpu.memory_space<hbm>>, %arg4: memref<32x125x80xi32, #tpu.memory_space<hbm>>, %arg5: memref<320x128xf32, #tpu.memory_space<hbm>>, %arg6: memref<2x5120x128xf32, #tpu.memory_space<hbm>>, %arg7: memref<125x80xi32, #tpu.memory_space<vmem>>, %arg8: memref<125x80xi32, #tpu.memory_space<vmem>>, %arg9: memref<5x80x128xf32, #tpu.memory_space<vmem>>, %arg10: memref<5120x128xf32, #tpu.memory_space<vmem_shared>>, %arg11: memref<!tpu.dma_semaphore, #tpu.memory_space<semaphore_mem>>, %arg12: memref<!tpu.dma_semaphore, #tpu.memory_space<semaphore_mem>>, %arg13: memref<!tpu.dma_semaphore, #tpu.memory_space<semaphore_mem>>, %arg14: memref<!tpu.dma_semaphore, #tpu.memory_space<semaphore_mem>>, %arg15: memref<!tpu.dma_semaphore, #tpu.memory_space<semaphore_mem>>) attributes {dimension_semantics = [#tpu.dimension_semantics<core_parallel>, #tpu.dimension_semantics<subcore_parallel>], iteration_bounds = array<i64: 2, 16>, scalar_prefetch = 0 : i64, scratch_operands = 9 : i64, tpu.core_type = #tpu.core_type<sc_vector_subcore>, window_params = [{transform_indices = #map}, {transform_indices = #map1}, {transform_indices = #map1}, {transform_indices = #map}, {transform_indices = #map1}]} {
    %mul3A = arith.constant 2 : i32
    %mul3A_0 = arith.muli %arg1, %mul3A : i32
    %add3A = arith.addi %mul3A_0, %arg0 : i32
    "tpu.region"() ({
      %run_scoped3A = tpu.sem_alloc : memref<!tpu.dma_semaphore, #tpu.memory_space<semaphore_mem>>
      %dma_start3A_68 = arith.constant 0 : i32
      %dma_start3A_69 = arith.constant 0 : i32
      %dma_start3A_70 = tpu.memref_slice %arg3[%add3A, %dma_start3A_68, %dma_start3A_69] : memref<32x125x80xi32, #tpu.memory_space<hbm>> -> memref<1x125x80xi32, #tpu.memory_space<hbm>>
      %dma_start3A_71 = tpu.memref_squeeze %dma_start3A_70 : memref<1x125x80xi32, #tpu.memory_space<hbm>> -> memref<125x80xi32, #tpu.memory_space<hbm>>
      %dma_start3A_72 = arith.constant 0 : i32
      %dma_start3A_73 = arith.constant 0 : i32
      %dma_start3A_74 = tpu.memref_slice %arg3[%add3A, %dma_start3A_72, %dma_start3A_73] : memref<32x125x80xi32, #tpu.memory_space<hbm>> -> memref<1x125x80xi32, #tpu.memory_space<hbm>>
      %dma_start3A_75 = tpu.memref_squeeze %dma_start3A_74 : memref<1x125x80xi32, #tpu.memory_space<hbm>> -> memref<125x80xi32, #tpu.memory_space<hbm>>
      tpu.enqueue_dma source(%dma_start3A_75 : memref<125x80xi32, #tpu.memory_space<hbm>>) target(%arg7 : memref<125x80xi32, #tpu.memory_space<vmem>>) target_semaphore(%run_scoped3A : memref<!tpu.dma_semaphore, #tpu.memory_space<semaphore_mem>>)
      %dma_wait3A = arith.constant 0 : i32
      %dma_wait3A_76 = arith.constant 0 : i32
      %dma_wait3A_77 = tpu.memref_slice %arg3[%add3A, %dma_wait3A, %dma_wait3A_76] : memref<32x125x80xi32, #tpu.memory_space<hbm>> -> memref<1x125x80xi32, #tpu.memory_space<hbm>>
      %dma_wait3A_78 = tpu.memref_squeeze %dma_wait3A_77 : memref<1x125x80xi32, #tpu.memory_space<hbm>> -> memref<125x80xi32, #tpu.memory_space<hbm>>
      %dma_wait3A_79 = arith.constant 0 : i32
      %dma_wait3A_80 = arith.constant 0 : i32
      %dma_wait3A_81 = tpu.memref_slice %arg3[%add3A, %dma_wait3A_79, %dma_wait3A_80] : memref<32x125x80xi32, #tpu.memory_space<hbm>> -> memref<1x125x80xi32, #tpu.memory_space<hbm>>
      %dma_wait3A_82 = tpu.memref_squeeze %dma_wait3A_81 : memref<1x125x80xi32, #tpu.memory_space<hbm>> -> memref<125x80xi32, #tpu.memory_space<hbm>>
      tpu.wait_dma2 semaphore(%run_scoped3A : memref<!tpu.dma_semaphore, #tpu.memory_space<semaphore_mem>>) src(%dma_wait3A_82 : memref<125x80xi32, #tpu.memory_space<hbm>>) dst(%arg7 : memref<125x80xi32, #tpu.memory_space<vmem>>)
      tpu.yield
    }) : () -> ()
    "tpu.region"() ({
      %run_scoped3A = tpu.sem_alloc : memref<!tpu.dma_semaphore, #tpu.memory_space<semaphore_mem>>
      %dma_start3A_68 = arith.constant 0 : i32
      %dma_start3A_69 = arith.constant 0 : i32
      %dma_start3A_70 = tpu.memref_slice %arg4[%add3A, %dma_start3A_68, %dma_start3A_69] : memref<32x125x80xi32, #tpu.memory_space<hbm>> -> memref<1x125x80xi32, #tpu.memory_space<hbm>>
      %dma_start3A_71 = tpu.memref_squeeze %dma_start3A_70 : memref<1x125x80xi32, #tpu.memory_space<hbm>> -> memref<125x80xi32, #tpu.memory_space<hbm>>
      %dma_start3A_72 = arith.constant 0 : i32
      %dma_start3A_73 = arith.constant 0 : i32
      %dma_start3A_74 = tpu.memref_slice %arg4[%add3A, %dma_start3A_72, %dma_start3A_73] : memref<32x125x80xi32, #tpu.memory_space<hbm>> -> memref<1x125x80xi32, #tpu.memory_space<hbm>>
      %dma_start3A_75 = tpu.memref_squeeze %dma_start3A_74 : memref<1x125x80xi32, #tpu.memory_space<hbm>> -> memref<125x80xi32, #tpu.memory_space<hbm>>
      tpu.enqueue_dma source(%dma_start3A_75 : memref<125x80xi32, #tpu.memory_space<hbm>>) target(%arg8 : memref<125x80xi32, #tpu.memory_space<vmem>>) target_semaphore(%run_scoped3A : memref<!tpu.dma_semaphore, #tpu.memory_space<semaphore_mem>>)
      %dma_wait3A = arith.constant 0 : i32
      %dma_wait3A_76 = arith.constant 0 : i32
      %dma_wait3A_77 = tpu.memref_slice %arg4[%add3A, %dma_wait3A, %dma_wait3A_76] : memref<32x125x80xi32, #tpu.memory_space<hbm>> -> memref<1x125x80xi32, #tpu.memory_space<hbm>>
      %dma_wait3A_78 = tpu.memref_squeeze %dma_wait3A_77 : memref<1x125x80xi32, #tpu.memory_space<hbm>> -> memref<125x80xi32, #tpu.memory_space<hbm>>
      %dma_wait3A_79 = arith.constant 0 : i32
      %dma_wait3A_80 = arith.constant 0 : i32
      %dma_wait3A_81 = tpu.memref_slice %arg4[%add3A, %dma_wait3A_79, %dma_wait3A_80] : memref<32x125x80xi32, #tpu.memory_space<hbm>> -> memref<1x125x80xi32, #tpu.memory_space<hbm>>
      %dma_wait3A_82 = tpu.memref_squeeze %dma_wait3A_81 : memref<1x125x80xi32, #tpu.memory_space<hbm>> -> memref<125x80xi32, #tpu.memory_space<hbm>>
      tpu.wait_dma2 semaphore(%run_scoped3A : memref<!tpu.dma_semaphore, #tpu.memory_space<semaphore_mem>>) src(%dma_wait3A_82 : memref<125x80xi32, #tpu.memory_space<hbm>>) dst(%arg8 : memref<125x80xi32, #tpu.memory_space<vmem>>)
      tpu.yield
    }) : () -> ()
    %mul3A_1 = arith.constant 320 : i32
    %mul3A_2 = arith.muli %arg1, %mul3A_1 : i32
    "tpu.region"() ({
      %run_scoped3A = tpu.sem_alloc : memref<!tpu.dma_semaphore, #tpu.memory_space<semaphore_mem>>
      %dma_start3A_68 = arith.constant 0 : i32
      %dma_start3A_69 = tpu.memref_slice %arg10[%mul3A_2, %dma_start3A_68] : memref<5120x128xf32, #tpu.memory_space<vmem_shared>> -> memref<320x128xf32, #tpu.memory_space<vmem_shared>>
      tpu.enqueue_dma source(%arg5 : memref<320x128xf32, #tpu.memory_space<hbm>>) target(%dma_start3A_69 : memref<320x128xf32, #tpu.memory_space<vmem_shared>>) target_semaphore(%run_scoped3A : memref<!tpu.dma_semaphore, #tpu.memory_space<semaphore_mem>>)
      %dma_wait3A = arith.constant 0 : i32
      %dma_wait3A_70 = tpu.memref_slice %arg10[%mul3A_2, %dma_wait3A] : memref<5120x128xf32, #tpu.memory_space<vmem_shared>> -> memref<320x128xf32, #tpu.memory_space<vmem_shared>>
      tpu.wait_dma2 semaphore(%run_scoped3A : memref<!tpu.dma_semaphore, #tpu.memory_space<semaphore_mem>>) src(%arg5 : memref<320x128xf32, #tpu.memory_space<hbm>>) dst(%dma_wait3A_70 : memref<320x128xf32, #tpu.memory_space<vmem_shared>>)
      tpu.yield
    }) : () -> ()
    %barrier3A = arith.constant 0 : index
    tpu.barrier barrier_id(%barrier3A)
    %dma_start3A = arith.constant 0 : i32
    %dma_start3A_3 = arith.constant 0 : i32
    %dma_start3A_4 = arith.constant 0 : i32
    %dma_start3A_5 = arith.constant 0 : i32
    %dma_start3A_6 = tpu.memref_slice %arg9[%dma_start3A_3, %dma_start3A_4, %dma_start3A_5] : memref<5x80x128xf32, #tpu.memory_space<vmem>> -> memref<1x80x128xf32, #tpu.memory_space<vmem>>
    %dma_start3A_7 = tpu.memref_squeeze %dma_start3A_6 : memref<1x80x128xf32, #tpu.memory_space<vmem>> -> memref<80x128xf32, #tpu.memory_space<vmem>>
    %dma_start3A_8 = arith.constant 0 : i32
    %dma_start3A_9 = tpu.memref_slice %arg7[%dma_start3A, %dma_start3A_8] : memref<125x80xi32, #tpu.memory_space<vmem>> -> memref<1x80xi32, #tpu.memory_space<vmem>>
    %dma_start3A_10 = tpu.memref_squeeze %dma_start3A_9 : memref<1x80xi32, #tpu.memory_space<vmem>> -> memref<80xi32, #tpu.memory_space<vmem>>
    %dma_start3A_11 = arith.constant 0 : i32
    %dma_start3A_12 = arith.constant 0 : i32
    %dma_start3A_13 = tpu.memref_slice %arg2[%dma_start3A_11, %dma_start3A_12] : memref<10000x128xf32, #tpu.memory_space<hbm>> -> memref<10000x128xf32, #tpu.memory_space<hbm>>
    tpu.enqueue_indirect_dma source(%dma_start3A_13 : memref<10000x128xf32, #tpu.memory_space<hbm>>) target(%dma_start3A_7 : memref<80x128xf32, #tpu.memory_space<vmem>>) offsets(%dma_start3A_10 : memref<80xi32, #tpu.memory_space<vmem>>) semaphore(%arg11 : memref<!tpu.dma_semaphore, #tpu.memory_space<semaphore_mem>>)
    %dma_start3A_14 = arith.constant 1 : i32
    %dma_start3A_15 = arith.constant 1 : i32
    %dma_start3A_16 = arith.constant 0 : i32
    %dma_start3A_17 = arith.constant 0 : i32
    %dma_start3A_18 = tpu.memref_slice %arg9[%dma_start3A_15, %dma_start3A_16, %dma_start3A_17] : memref<5x80x128xf32, #tpu.memory_space<vmem>> -> memref<1x80x128xf32, #tpu.memory_space<vmem>>
    %dma_start3A_19 = tpu.memref_squeeze %dma_start3A_18 : memref<1x80x128xf32, #tpu.memory_space<vmem>> -> memref<80x128xf32, #tpu.memory_space<vmem>>
    %dma_start3A_20 = arith.constant 0 : i32
    %dma_start3A_21 = tpu.memref_slice %arg7[%dma_start3A_14, %dma_start3A_20] : memref<125x80xi32, #tpu.memory_space<vmem>> -> memref<1x80xi32, #tpu.memory_space<vmem>>
    %dma_start3A_22 = tpu.memref_squeeze %dma_start3A_21 : memref<1x80xi32, #tpu.memory_space<vmem>> -> memref<80xi32, #tpu.memory_space<vmem>>
    %dma_start3A_23 = arith.constant 0 : i32
    %dma_start3A_24 = arith.constant 0 : i32
    %dma_start3A_25 = tpu.memref_slice %arg2[%dma_start3A_23, %dma_start3A_24] : memref<10000x128xf32, #tpu.memory_space<hbm>> -> memref<10000x128xf32, #tpu.memory_space<hbm>>
    tpu.enqueue_indirect_dma source(%dma_start3A_25 : memref<10000x128xf32, #tpu.memory_space<hbm>>) target(%dma_start3A_19 : memref<80x128xf32, #tpu.memory_space<vmem>>) offsets(%dma_start3A_22 : memref<80xi32, #tpu.memory_space<vmem>>) semaphore(%arg12 : memref<!tpu.dma_semaphore, #tpu.memory_space<semaphore_mem>>)
    %dma_start3A_26 = arith.constant 2 : i32
    %dma_start3A_27 = arith.constant 2 : i32
    %dma_start3A_28 = arith.constant 0 : i32
    %dma_start3A_29 = arith.constant 0 : i32
    %dma_start3A_30 = tpu.memref_slice %arg9[%dma_start3A_27, %dma_start3A_28, %dma_start3A_29] : memref<5x80x128xf32, #tpu.memory_space<vmem>> -> memref<1x80x128xf32, #tpu.memory_space<vmem>>
    %dma_start3A_31 = tpu.memref_squeeze %dma_start3A_30 : memref<1x80x128xf32, #tpu.memory_space<vmem>> -> memref<80x128xf32, #tpu.memory_space<vmem>>
    %dma_start3A_32 = arith.constant 0 : i32
    %dma_start3A_33 = tpu.memref_slice %arg7[%dma_start3A_26, %dma_start3A_32] : memref<125x80xi32, #tpu.memory_space<vmem>> -> memref<1x80xi32, #tpu.memory_space<vmem>>
    %dma_start3A_34 = tpu.memref_squeeze %dma_start3A_33 : memref<1x80xi32, #tpu.memory_space<vmem>> -> memref<80xi32, #tpu.memory_space<vmem>>
    %dma_start3A_35 = arith.constant 0 : i32
    %dma_start3A_36 = arith.constant 0 : i32
    %dma_start3A_37 = tpu.memref_slice %arg2[%dma_start3A_35, %dma_start3A_36] : memref<10000x128xf32, #tpu.memory_space<hbm>> -> memref<10000x128xf32, #tpu.memory_space<hbm>>
    tpu.enqueue_indirect_dma source(%dma_start3A_37 : memref<10000x128xf32, #tpu.memory_space<hbm>>) target(%dma_start3A_31 : memref<80x128xf32, #tpu.memory_space<vmem>>) offsets(%dma_start3A_34 : memref<80xi32, #tpu.memory_space<vmem>>) semaphore(%arg13 : memref<!tpu.dma_semaphore, #tpu.memory_space<semaphore_mem>>)
    %dma_start3A_38 = arith.constant 3 : i32
    %dma_start3A_39 = arith.constant 3 : i32
    %dma_start3A_40 = arith.constant 0 : i32
    %dma_start3A_41 = arith.constant 0 : i32
    %dma_start3A_42 = tpu.memref_slice %arg9[%dma_start3A_39, %dma_start3A_40, %dma_start3A_41] : memref<5x80x128xf32, #tpu.memory_space<vmem>> -> memref<1x80x128xf32, #tpu.memory_space<vmem>>
    %dma_start3A_43 = tpu.memref_squeeze %dma_start3A_42 : memref<1x80x128xf32, #tpu.memory_space<vmem>> -> memref<80x128xf32, #tpu.memory_space<vmem>>
    %dma_start3A_44 = arith.constant 0 : i32
    %dma_start3A_45 = tpu.memref_slice %arg7[%dma_start3A_38, %dma_start3A_44] : memref<125x80xi32, #tpu.memory_space<vmem>> -> memref<1x80xi32, #tpu.memory_space<vmem>>
    %dma_start3A_46 = tpu.memref_squeeze %dma_start3A_45 : memref<1x80xi32, #tpu.memory_space<vmem>> -> memref<80xi32, #tpu.memory_space<vmem>>
    %dma_start3A_47 = arith.constant 0 : i32
    %dma_start3A_48 = arith.constant 0 : i32
    %dma_start3A_49 = tpu.memref_slice %arg2[%dma_start3A_47, %dma_start3A_48] : memref<10000x128xf32, #tpu.memory_space<hbm>> -> memref<10000x128xf32, #tpu.memory_space<hbm>>
    tpu.enqueue_indirect_dma source(%dma_start3A_49 : memref<10000x128xf32, #tpu.memory_space<hbm>>) target(%dma_start3A_43 : memref<80x128xf32, #tpu.memory_space<vmem>>) offsets(%dma_start3A_46 : memref<80xi32, #tpu.memory_space<vmem>>) semaphore(%arg14 : memref<!tpu.dma_semaphore, #tpu.memory_space<semaphore_mem>>)
    %dma_start3A_50 = arith.constant 4 : i32
    %dma_start3A_51 = arith.constant 4 : i32
    %dma_start3A_52 = arith.constant 0 : i32
    %dma_start3A_53 = arith.constant 0 : i32
    %dma_start3A_54 = tpu.memref_slice %arg9[%dma_start3A_51, %dma_start3A_52, %dma_start3A_53] : memref<5x80x128xf32, #tpu.memory_space<vmem>> -> memref<1x80x128xf32, #tpu.memory_space<vmem>>
    %dma_start3A_55 = tpu.memref_squeeze %dma_start3A_54 : memref<1x80x128xf32, #tpu.memory_space<vmem>> -> memref<80x128xf32, #tpu.memory_space<vmem>>
    %dma_start3A_56 = arith.constant 0 : i32
    %dma_start3A_57 = tpu.memref_slice %arg7[%dma_start3A_50, %dma_start3A_56] : memref<125x80xi32, #tpu.memory_space<vmem>> -> memref<1x80xi32, #tpu.memory_space<vmem>>
    %dma_start3A_58 = tpu.memref_squeeze %dma_start3A_57 : memref<1x80xi32, #tpu.memory_space<vmem>> -> memref<80xi32, #tpu.memory_space<vmem>>
    %dma_start3A_59 = arith.constant 0 : i32
    %dma_start3A_60 = arith.constant 0 : i32
    %dma_start3A_61 = tpu.memref_slice %arg2[%dma_start3A_59, %dma_start3A_60] : memref<10000x128xf32, #tpu.memory_space<hbm>> -> memref<10000x128xf32, #tpu.memory_space<hbm>>
    tpu.enqueue_indirect_dma source(%dma_start3A_61 : memref<10000x128xf32, #tpu.memory_space<hbm>>) target(%dma_start3A_55 : memref<80x128xf32, #tpu.memory_space<vmem>>) offsets(%dma_start3A_58 : memref<80xi32, #tpu.memory_space<vmem>>) semaphore(%arg15 : memref<!tpu.dma_semaphore, #tpu.memory_space<semaphore_mem>>)
    %scan3A = arith.constant 0 : i32
    %scan3A_62 = arith.constant 0 : i32
    %scan3A_63 = arith.constant 25 : i32
    %scan3A_64 = arith.addi %scan3A_62, %scan3A_63 : i32
    %scan3A_65 = arith.constant 1 : i32
    scf.for %scan3A_68 = %scan3A_62 to %scan3A_64 step %scan3A_65  : i32 {
      %mul3A_69 = arith.constant 5 : i32
      %mul3A_70 = arith.muli %scan3A_68, %mul3A_69 : i32
      %add3A_71 = arith.constant 0 : i32
      %add3A_72 = arith.addi %mul3A_70, %add3A_71 : i32
      %dma_wait3A = arith.constant 0 : i32
      %dma_wait3A_73 = arith.constant 0 : i32
      %dma_wait3A_74 = arith.constant 0 : i32
      %dma_wait3A_75 = tpu.memref_slice %arg9[%dma_wait3A, %dma_wait3A_73, %dma_wait3A_74] : memref<5x80x128xf32, #tpu.memory_space<vmem>> -> memref<1x80x128xf32, #tpu.memory_space<vmem>>
      %dma_wait3A_76 = tpu.memref_squeeze %dma_wait3A_75 : memref<1x80x128xf32, #tpu.memory_space<vmem>> -> memref<80x128xf32, #tpu.memory_space<vmem>>
      %dma_wait3A_77 = arith.constant 0 : i32
      %dma_wait3A_78 = tpu.memref_slice %arg7[%add3A_72, %dma_wait3A_77] : memref<125x80xi32, #tpu.memory_space<vmem>> -> memref<1x80xi32, #tpu.memory_space<vmem>>
      %dma_wait3A_79 = tpu.memref_squeeze %dma_wait3A_78 : memref<1x80xi32, #tpu.memory_space<vmem>> -> memref<80xi32, #tpu.memory_space<vmem>>
      %dma_wait3A_80 = arith.constant 0 : i32
      %dma_wait3A_81 = arith.constant 0 : i32
      %dma_wait3A_82 = tpu.memref_slice %arg2[%dma_wait3A_80, %dma_wait3A_81] : memref<10000x128xf32, #tpu.memory_space<hbm>> -> memref<10000x128xf32, #tpu.memory_space<hbm>>
      tpu.wait_indirect_dma semaphore(%arg11 : memref<!tpu.dma_semaphore, #tpu.memory_space<semaphore_mem>>) src(%dma_wait3A_82 : memref<10000x128xf32, #tpu.memory_space<hbm>>) dst(%dma_wait3A_76 : memref<80x128xf32, #tpu.memory_space<vmem>>)
      %run_scoped3A = arith.constant 0 : i32
      "tpu.region"() ({
        %run_scoped3A_179 = tpu.sem_alloc : memref<!tpu.dma_semaphore, #tpu.memory_space<semaphore_mem>>
        %dma_start3A_180 = arith.constant 0 : i32
        %dma_start3A_181 = arith.constant 0 : i32
        %dma_start3A_182 = tpu.memref_slice %arg9[%run_scoped3A, %dma_start3A_180, %dma_start3A_181] : memref<5x80x128xf32, #tpu.memory_space<vmem>> -> memref<1x80x128xf32, #tpu.memory_space<vmem>>
        %dma_start3A_183 = tpu.memref_squeeze %dma_start3A_182 : memref<1x80x128xf32, #tpu.memory_space<vmem>> -> memref<80x128xf32, #tpu.memory_space<vmem>>
        %dma_start3A_184 = arith.constant 0 : i32
        %dma_start3A_185 = tpu.memref_slice %arg8[%add3A_72, %dma_start3A_184] : memref<125x80xi32, #tpu.memory_space<vmem>> -> memref<1x80xi32, #tpu.memory_space<vmem>>
        %dma_start3A_186 = tpu.memref_squeeze %dma_start3A_185 : memref<1x80xi32, #tpu.memory_space<vmem>> -> memref<80xi32, #tpu.memory_space<vmem>>
        %dma_start3A_187 = arith.constant 0 : i32
        %dma_start3A_188 = arith.constant 0 : i32
        %dma_start3A_189 = tpu.memref_slice %arg10[%dma_start3A_187, %dma_start3A_188] : memref<5120x128xf32, #tpu.memory_space<vmem_shared>> -> memref<5120x128xf32, #tpu.memory_space<vmem_shared>>
        tpu.enqueue_indirect_dma source(%dma_start3A_183 : memref<80x128xf32, #tpu.memory_space<vmem>>) target(%dma_start3A_189 : memref<5120x128xf32, #tpu.memory_space<vmem_shared>>) offsets(%dma_start3A_186 : memref<80xi32, #tpu.memory_space<vmem>>) semaphore(%run_scoped3A_179 : memref<!tpu.dma_semaphore, #tpu.memory_space<semaphore_mem>>) {add = true}
        %dma_wait3A_190 = arith.constant 0 : i32
        %dma_wait3A_191 = arith.constant 0 : i32
        %dma_wait3A_192 = tpu.memref_slice %arg9[%run_scoped3A, %dma_wait3A_190, %dma_wait3A_191] : memref<5x80x128xf32, #tpu.memory_space<vmem>> -> memref<1x80x128xf32, #tpu.memory_space<vmem>>
        %dma_wait3A_193 = tpu.memref_squeeze %dma_wait3A_192 : memref<1x80x128xf32, #tpu.memory_space<vmem>> -> memref<80x128xf32, #tpu.memory_space<vmem>>
        %dma_wait3A_194 = arith.constant 0 : i32
        %dma_wait3A_195 = tpu.memref_slice %arg8[%add3A_72, %dma_wait3A_194] : memref<125x80xi32, #tpu.memory_space<vmem>> -> memref<1x80xi32, #tpu.memory_space<vmem>>
        %dma_wait3A_196 = tpu.memref_squeeze %dma_wait3A_195 : memref<1x80xi32, #tpu.memory_space<vmem>> -> memref<80xi32, #tpu.memory_space<vmem>>
        %dma_wait3A_197 = arith.constant 0 : i32
        %dma_wait3A_198 = arith.constant 0 : i32
        %dma_wait3A_199 = tpu.memref_slice %arg10[%dma_wait3A_197, %dma_wait3A_198] : memref<5120x128xf32, #tpu.memory_space<vmem_shared>> -> memref<5120x128xf32, #tpu.memory_space<vmem_shared>>
        tpu.wait_indirect_dma semaphore(%run_scoped3A_179 : memref<!tpu.dma_semaphore, #tpu.memory_space<semaphore_mem>>) src(%dma_wait3A_193 : memref<80x128xf32, #tpu.memory_space<vmem>>) dst(%dma_wait3A_199 : memref<5120x128xf32, #tpu.memory_space<vmem_shared>>)
        tpu.yield
      }) : () -> ()
      %add3A_83 = arith.constant 5 : i32
      %add3A_84 = arith.addi %add3A_72, %add3A_83 : i32
      %lt3A = arith.constant 125 : i32
      %lt3A_85 = arith.cmpi slt, %add3A_84, %lt3A : i32
      %convert_element_type3A = arith.extui %lt3A_85 : i1 to i32
      %cond3A = arith.constant 0 : i32
      %cond3A_86 = arith.cmpi ne, %convert_element_type3A, %cond3A : i32
      scf.if %cond3A_86 {
        %add3A_179 = arith.constant 5 : i32
        %add3A_180 = arith.addi %add3A_72, %add3A_179 : i32
        %dma_start3A_181 = arith.constant 0 : i32
        %dma_start3A_182 = arith.constant 0 : i32
        %dma_start3A_183 = arith.constant 0 : i32
        %dma_start3A_184 = tpu.memref_slice %arg9[%dma_start3A_181, %dma_start3A_182, %dma_start3A_183] : memref<5x80x128xf32, #tpu.memory_space<vmem>> -> memref<1x80x128xf32, #tpu.memory_space<vmem>>
        %dma_start3A_185 = tpu.memref_squeeze %dma_start3A_184 : memref<1x80x128xf32, #tpu.memory_space<vmem>> -> memref<80x128xf32, #tpu.memory_space<vmem>>
        %dma_start3A_186 = arith.constant 0 : i32
        %dma_start3A_187 = tpu.memref_slice %arg7[%add3A_180, %dma_start3A_186] : memref<125x80xi32, #tpu.memory_space<vmem>> -> memref<1x80xi32, #tpu.memory_space<vmem>>
        %dma_start3A_188 = tpu.memref_squeeze %dma_start3A_187 : memref<1x80xi32, #tpu.memory_space<vmem>> -> memref<80xi32, #tpu.memory_space<vmem>>
        %dma_start3A_189 = arith.constant 0 : i32
        %dma_start3A_190 = arith.constant 0 : i32
        %dma_start3A_191 = tpu.memref_slice %arg2[%dma_start3A_189, %dma_start3A_190] : memref<10000x128xf32, #tpu.memory_space<hbm>> -> memref<10000x128xf32, #tpu.memory_space<hbm>>
        tpu.enqueue_indirect_dma source(%dma_start3A_191 : memref<10000x128xf32, #tpu.memory_space<hbm>>) target(%dma_start3A_185 : memref<80x128xf32, #tpu.memory_space<vmem>>) offsets(%dma_start3A_188 : memref<80xi32, #tpu.memory_space<vmem>>) semaphore(%arg11 : memref<!tpu.dma_semaphore, #tpu.memory_space<semaphore_mem>>)
      } else {
      }
      %mul3A_87 = arith.constant 5 : i32
      %mul3A_88 = arith.muli %scan3A_68, %mul3A_87 : i32
      %add3A_89 = arith.constant 1 : i32
      %add3A_90 = arith.addi %mul3A_88, %add3A_89 : i32
      %dma_wait3A_91 = arith.constant 1 : i32
      %dma_wait3A_92 = arith.constant 0 : i32
      %dma_wait3A_93 = arith.constant 0 : i32
      %dma_wait3A_94 = tpu.memref_slice %arg9[%dma_wait3A_91, %dma_wait3A_92, %dma_wait3A_93] : memref<5x80x128xf32, #tpu.memory_space<vmem>> -> memref<1x80x128xf32, #tpu.memory_space<vmem>>
      %dma_wait3A_95 = tpu.memref_squeeze %dma_wait3A_94 : memref<1x80x128xf32, #tpu.memory_space<vmem>> -> memref<80x128xf32, #tpu.memory_space<vmem>>
      %dma_wait3A_96 = arith.constant 0 : i32
      %dma_wait3A_97 = tpu.memref_slice %arg7[%add3A_90, %dma_wait3A_96] : memref<125x80xi32, #tpu.memory_space<vmem>> -> memref<1x80xi32, #tpu.memory_space<vmem>>
      %dma_wait3A_98 = tpu.memref_squeeze %dma_wait3A_97 : memref<1x80xi32, #tpu.memory_space<vmem>> -> memref<80xi32, #tpu.memory_space<vmem>>
      %dma_wait3A_99 = arith.constant 0 : i32
      %dma_wait3A_100 = arith.constant 0 : i32
      %dma_wait3A_101 = tpu.memref_slice %arg2[%dma_wait3A_99, %dma_wait3A_100] : memref<10000x128xf32, #tpu.memory_space<hbm>> -> memref<10000x128xf32, #tpu.memory_space<hbm>>
      tpu.wait_indirect_dma semaphore(%arg12 : memref<!tpu.dma_semaphore, #tpu.memory_space<semaphore_mem>>) src(%dma_wait3A_101 : memref<10000x128xf32, #tpu.memory_space<hbm>>) dst(%dma_wait3A_95 : memref<80x128xf32, #tpu.memory_space<vmem>>)
      %run_scoped3A_102 = arith.constant 1 : i32
      "tpu.region"() ({
        %run_scoped3A_179 = tpu.sem_alloc : memref<!tpu.dma_semaphore, #tpu.memory_space<semaphore_mem>>
        %dma_start3A_180 = arith.constant 0 : i32
        %dma_start3A_181 = arith.constant 0 : i32
        %dma_start3A_182 = tpu.memref_slice %arg9[%run_scoped3A_102, %dma_start3A_180, %dma_start3A_181] : memref<5x80x128xf32, #tpu.memory_space<vmem>> -> memref<1x80x128xf32, #tpu.memory_space<vmem>>
        %dma_start3A_183 = tpu.memref_squeeze %dma_start3A_182 : memref<1x80x128xf32, #tpu.memory_space<vmem>> -> memref<80x128xf32, #tpu.memory_space<vmem>>
        %dma_start3A_184 = arith.constant 0 : i32
        %dma_start3A_185 = tpu.memref_slice %arg8[%add3A_90, %dma_start3A_184] : memref<125x80xi32, #tpu.memory_space<vmem>> -> memref<1x80xi32, #tpu.memory_space<vmem>>
        %dma_start3A_186 = tpu.memref_squeeze %dma_start3A_185 : memref<1x80xi32, #tpu.memory_space<vmem>> -> memref<80xi32, #tpu.memory_space<vmem>>
        %dma_start3A_187 = arith.constant 0 : i32
        %dma_start3A_188 = arith.constant 0 : i32
        %dma_start3A_189 = tpu.memref_slice %arg10[%dma_start3A_187, %dma_start3A_188] : memref<5120x128xf32, #tpu.memory_space<vmem_shared>> -> memref<5120x128xf32, #tpu.memory_space<vmem_shared>>
        tpu.enqueue_indirect_dma source(%dma_start3A_183 : memref<80x128xf32, #tpu.memory_space<vmem>>) target(%dma_start3A_189 : memref<5120x128xf32, #tpu.memory_space<vmem_shared>>) offsets(%dma_start3A_186 : memref<80xi32, #tpu.memory_space<vmem>>) semaphore(%run_scoped3A_179 : memref<!tpu.dma_semaphore, #tpu.memory_space<semaphore_mem>>) {add = true}
        %dma_wait3A_190 = arith.constant 0 : i32
        %dma_wait3A_191 = arith.constant 0 : i32
        %dma_wait3A_192 = tpu.memref_slice %arg9[%run_scoped3A_102, %dma_wait3A_190, %dma_wait3A_191] : memref<5x80x128xf32, #tpu.memory_space<vmem>> -> memref<1x80x128xf32, #tpu.memory_space<vmem>>
        %dma_wait3A_193 = tpu.memref_squeeze %dma_wait3A_192 : memref<1x80x128xf32, #tpu.memory_space<vmem>> -> memref<80x128xf32, #tpu.memory_space<vmem>>
        %dma_wait3A_194 = arith.constant 0 : i32
        %dma_wait3A_195 = tpu.memref_slice %arg8[%add3A_90, %dma_wait3A_194] : memref<125x80xi32, #tpu.memory_space<vmem>> -> memref<1x80xi32, #tpu.memory_space<vmem>>
        %dma_wait3A_196 = tpu.memref_squeeze %dma_wait3A_195 : memref<1x80xi32, #tpu.memory_space<vmem>> -> memref<80xi32, #tpu.memory_space<vmem>>
        %dma_wait3A_197 = arith.constant 0 : i32
        %dma_wait3A_198 = arith.constant 0 : i32
        %dma_wait3A_199 = tpu.memref_slice %arg10[%dma_wait3A_197, %dma_wait3A_198] : memref<5120x128xf32, #tpu.memory_space<vmem_shared>> -> memref<5120x128xf32, #tpu.memory_space<vmem_shared>>
        tpu.wait_indirect_dma semaphore(%run_scoped3A_179 : memref<!tpu.dma_semaphore, #tpu.memory_space<semaphore_mem>>) src(%dma_wait3A_193 : memref<80x128xf32, #tpu.memory_space<vmem>>) dst(%dma_wait3A_199 : memref<5120x128xf32, #tpu.memory_space<vmem_shared>>)
        tpu.yield
      }) : () -> ()
      %add3A_103 = arith.constant 5 : i32
      %add3A_104 = arith.addi %add3A_90, %add3A_103 : i32
      %lt3A_105 = arith.constant 125 : i32
      %lt3A_106 = arith.cmpi slt, %add3A_104, %lt3A_105 : i32
      %convert_element_type3A_107 = arith.extui %lt3A_106 : i1 to i32
      %cond3A_108 = arith.constant 0 : i32
      %cond3A_109 = arith.cmpi ne, %convert_element_type3A_107, %cond3A_108 : i32
      scf.if %cond3A_109 {
        %add3A_179 = arith.constant 5 : i32
        %add3A_180 = arith.addi %add3A_90, %add3A_179 : i32
        %dma_start3A_181 = arith.constant 1 : i32
        %dma_start3A_182 = arith.constant 0 : i32
        %dma_start3A_183 = arith.constant 0 : i32
        %dma_start3A_184 = tpu.memref_slice %arg9[%dma_start3A_181, %dma_start3A_182, %dma_start3A_183] : memref<5x80x128xf32, #tpu.memory_space<vmem>> -> memref<1x80x128xf32, #tpu.memory_space<vmem>>
        %dma_start3A_185 = tpu.memref_squeeze %dma_start3A_184 : memref<1x80x128xf32, #tpu.memory_space<vmem>> -> memref<80x128xf32, #tpu.memory_space<vmem>>
        %dma_start3A_186 = arith.constant 0 : i32
        %dma_start3A_187 = tpu.memref_slice %arg7[%add3A_180, %dma_start3A_186] : memref<125x80xi32, #tpu.memory_space<vmem>> -> memref<1x80xi32, #tpu.memory_space<vmem>>
        %dma_start3A_188 = tpu.memref_squeeze %dma_start3A_187 : memref<1x80xi32, #tpu.memory_space<vmem>> -> memref<80xi32, #tpu.memory_space<vmem>>
        %dma_start3A_189 = arith.constant 0 : i32
        %dma_start3A_190 = arith.constant 0 : i32
        %dma_start3A_191 = tpu.memref_slice %arg2[%dma_start3A_189, %dma_start3A_190] : memref<10000x128xf32, #tpu.memory_space<hbm>> -> memref<10000x128xf32, #tpu.memory_space<hbm>>
        tpu.enqueue_indirect_dma source(%dma_start3A_191 : memref<10000x128xf32, #tpu.memory_space<hbm>>) target(%dma_start3A_185 : memref<80x128xf32, #tpu.memory_space<vmem>>) offsets(%dma_start3A_188 : memref<80xi32, #tpu.memory_space<vmem>>) semaphore(%arg12 : memref<!tpu.dma_semaphore, #tpu.memory_space<semaphore_mem>>)
      } else {
      }
      %mul3A_110 = arith.constant 5 : i32
      %mul3A_111 = arith.muli %scan3A_68, %mul3A_110 : i32
      %add3A_112 = arith.constant 2 : i32
      %add3A_113 = arith.addi %mul3A_111, %add3A_112 : i32
      %dma_wait3A_114 = arith.constant 2 : i32
      %dma_wait3A_115 = arith.constant 0 : i32
      %dma_wait3A_116 = arith.constant 0 : i32
      %dma_wait3A_117 = tpu.memref_slice %arg9[%dma_wait3A_114, %dma_wait3A_115, %dma_wait3A_116] : memref<5x80x128xf32, #tpu.memory_space<vmem>> -> memref<1x80x128xf32, #tpu.memory_space<vmem>>
      %dma_wait3A_118 = tpu.memref_squeeze %dma_wait3A_117 : memref<1x80x128xf32, #tpu.memory_space<vmem>> -> memref<80x128xf32, #tpu.memory_space<vmem>>
      %dma_wait3A_119 = arith.constant 0 : i32
      %dma_wait3A_120 = tpu.memref_slice %arg7[%add3A_113, %dma_wait3A_119] : memref<125x80xi32, #tpu.memory_space<vmem>> -> memref<1x80xi32, #tpu.memory_space<vmem>>
      %dma_wait3A_121 = tpu.memref_squeeze %dma_wait3A_120 : memref<1x80xi32, #tpu.memory_space<vmem>> -> memref<80xi32, #tpu.memory_space<vmem>>
      %dma_wait3A_122 = arith.constant 0 : i32
      %dma_wait3A_123 = arith.constant 0 : i32
      %dma_wait3A_124 = tpu.memref_slice %arg2[%dma_wait3A_122, %dma_wait3A_123] : memref<10000x128xf32, #tpu.memory_space<hbm>> -> memref<10000x128xf32, #tpu.memory_space<hbm>>
      tpu.wait_indirect_dma semaphore(%arg13 : memref<!tpu.dma_semaphore, #tpu.memory_space<semaphore_mem>>) src(%dma_wait3A_124 : memref<10000x128xf32, #tpu.memory_space<hbm>>) dst(%dma_wait3A_118 : memref<80x128xf32, #tpu.memory_space<vmem>>)
      %run_scoped3A_125 = arith.constant 2 : i32
      "tpu.region"() ({
        %run_scoped3A_179 = tpu.sem_alloc : memref<!tpu.dma_semaphore, #tpu.memory_space<semaphore_mem>>
        %dma_start3A_180 = arith.constant 0 : i32
        %dma_start3A_181 = arith.constant 0 : i32
        %dma_start3A_182 = tpu.memref_slice %arg9[%run_scoped3A_125, %dma_start3A_180, %dma_start3A_181] : memref<5x80x128xf32, #tpu.memory_space<vmem>> -> memref<1x80x128xf32, #tpu.memory_space<vmem>>
        %dma_start3A_183 = tpu.memref_squeeze %dma_start3A_182 : memref<1x80x128xf32, #tpu.memory_space<vmem>> -> memref<80x128xf32, #tpu.memory_space<vmem>>
        %dma_start3A_184 = arith.constant 0 : i32
        %dma_start3A_185 = tpu.memref_slice %arg8[%add3A_113, %dma_start3A_184] : memref<125x80xi32, #tpu.memory_space<vmem>> -> memref<1x80xi32, #tpu.memory_space<vmem>>
        %dma_start3A_186 = tpu.memref_squeeze %dma_start3A_185 : memref<1x80xi32, #tpu.memory_space<vmem>> -> memref<80xi32, #tpu.memory_space<vmem>>
        %dma_start3A_187 = arith.constant 0 : i32
        %dma_start3A_188 = arith.constant 0 : i32
        %dma_start3A_189 = tpu.memref_slice %arg10[%dma_start3A_187, %dma_start3A_188] : memref<5120x128xf32, #tpu.memory_space<vmem_shared>> -> memref<5120x128xf32, #tpu.memory_space<vmem_shared>>
        tpu.enqueue_indirect_dma source(%dma_start3A_183 : memref<80x128xf32, #tpu.memory_space<vmem>>) target(%dma_start3A_189 : memref<5120x128xf32, #tpu.memory_space<vmem_shared>>) offsets(%dma_start3A_186 : memref<80xi32, #tpu.memory_space<vmem>>) semaphore(%run_scoped3A_179 : memref<!tpu.dma_semaphore, #tpu.memory_space<semaphore_mem>>) {add = true}
        %dma_wait3A_190 = arith.constant 0 : i32
        %dma_wait3A_191 = arith.constant 0 : i32
        %dma_wait3A_192 = tpu.memref_slice %arg9[%run_scoped3A_125, %dma_wait3A_190, %dma_wait3A_191] : memref<5x80x128xf32, #tpu.memory_space<vmem>> -> memref<1x80x128xf32, #tpu.memory_space<vmem>>
        %dma_wait3A_193 = tpu.memref_squeeze %dma_wait3A_192 : memref<1x80x128xf32, #tpu.memory_space<vmem>> -> memref<80x128xf32, #tpu.memory_space<vmem>>
        %dma_wait3A_194 = arith.constant 0 : i32
        %dma_wait3A_195 = tpu.memref_slice %arg8[%add3A_113, %dma_wait3A_194] : memref<125x80xi32, #tpu.memory_space<vmem>> -> memref<1x80xi32, #tpu.memory_space<vmem>>
        %dma_wait3A_196 = tpu.memref_squeeze %dma_wait3A_195 : memref<1x80xi32, #tpu.memory_space<vmem>> -> memref<80xi32, #tpu.memory_space<vmem>>
        %dma_wait3A_197 = arith.constant 0 : i32
        %dma_wait3A_198 = arith.constant 0 : i32
        %dma_wait3A_199 = tpu.memref_slice %arg10[%dma_wait3A_197, %dma_wait3A_198] : memref<5120x128xf32, #tpu.memory_space<vmem_shared>> -> memref<5120x128xf32, #tpu.memory_space<vmem_shared>>
        tpu.wait_indirect_dma semaphore(%run_scoped3A_179 : memref<!tpu.dma_semaphore, #tpu.memory_space<semaphore_mem>>) src(%dma_wait3A_193 : memref<80x128xf32, #tpu.memory_space<vmem>>) dst(%dma_wait3A_199 : memref<5120x128xf32, #tpu.memory_space<vmem_shared>>)
        tpu.yield
      }) : () -> ()
      %add3A_126 = arith.constant 5 : i32
      %add3A_127 = arith.addi %add3A_113, %add3A_126 : i32
      %lt3A_128 = arith.constant 125 : i32
      %lt3A_129 = arith.cmpi slt, %add3A_127, %lt3A_128 : i32
      %convert_element_type3A_130 = arith.extui %lt3A_129 : i1 to i32
      %cond3A_131 = arith.constant 0 : i32
      %cond3A_132 = arith.cmpi ne, %convert_element_type3A_130, %cond3A_131 : i32
      scf.if %cond3A_132 {
        %add3A_179 = arith.constant 5 : i32
        %add3A_180 = arith.addi %add3A_113, %add3A_179 : i32
        %dma_start3A_181 = arith.constant 2 : i32
        %dma_start3A_182 = arith.constant 0 : i32
        %dma_start3A_183 = arith.constant 0 : i32
        %dma_start3A_184 = tpu.memref_slice %arg9[%dma_start3A_181, %dma_start3A_182, %dma_start3A_183] : memref<5x80x128xf32, #tpu.memory_space<vmem>> -> memref<1x80x128xf32, #tpu.memory_space<vmem>>
        %dma_start3A_185 = tpu.memref_squeeze %dma_start3A_184 : memref<1x80x128xf32, #tpu.memory_space<vmem>> -> memref<80x128xf32, #tpu.memory_space<vmem>>
        %dma_start3A_186 = arith.constant 0 : i32
        %dma_start3A_187 = tpu.memref_slice %arg7[%add3A_180, %dma_start3A_186] : memref<125x80xi32, #tpu.memory_space<vmem>> -> memref<1x80xi32, #tpu.memory_space<vmem>>
        %dma_start3A_188 = tpu.memref_squeeze %dma_start3A_187 : memref<1x80xi32, #tpu.memory_space<vmem>> -> memref<80xi32, #tpu.memory_space<vmem>>
        %dma_start3A_189 = arith.constant 0 : i32
        %dma_start3A_190 = arith.constant 0 : i32
        %dma_start3A_191 = tpu.memref_slice %arg2[%dma_start3A_189, %dma_start3A_190] : memref<10000x128xf32, #tpu.memory_space<hbm>> -> memref<10000x128xf32, #tpu.memory_space<hbm>>
        tpu.enqueue_indirect_dma source(%dma_start3A_191 : memref<10000x128xf32, #tpu.memory_space<hbm>>) target(%dma_start3A_185 : memref<80x128xf32, #tpu.memory_space<vmem>>) offsets(%dma_start3A_188 : memref<80xi32, #tpu.memory_space<vmem>>) semaphore(%arg13 : memref<!tpu.dma_semaphore, #tpu.memory_space<semaphore_mem>>)
      } else {
      }
      %mul3A_133 = arith.constant 5 : i32
      %mul3A_134 = arith.muli %scan3A_68, %mul3A_133 : i32
      %add3A_135 = arith.constant 3 : i32
      %add3A_136 = arith.addi %mul3A_134, %add3A_135 : i32
      %dma_wait3A_137 = arith.constant 3 : i32
      %dma_wait3A_138 = arith.constant 0 : i32
      %dma_wait3A_139 = arith.constant 0 : i32
      %dma_wait3A_140 = tpu.memref_slice %arg9[%dma_wait3A_137, %dma_wait3A_138, %dma_wait3A_139] : memref<5x80x128xf32, #tpu.memory_space<vmem>> -> memref<1x80x128xf32, #tpu.memory_space<vmem>>
      %dma_wait3A_141 = tpu.memref_squeeze %dma_wait3A_140 : memref<1x80x128xf32, #tpu.memory_space<vmem>> -> memref<80x128xf32, #tpu.memory_space<vmem>>
      %dma_wait3A_142 = arith.constant 0 : i32
      %dma_wait3A_143 = tpu.memref_slice %arg7[%add3A_136, %dma_wait3A_142] : memref<125x80xi32, #tpu.memory_space<vmem>> -> memref<1x80xi32, #tpu.memory_space<vmem>>
      %dma_wait3A_144 = tpu.memref_squeeze %dma_wait3A_143 : memref<1x80xi32, #tpu.memory_space<vmem>> -> memref<80xi32, #tpu.memory_space<vmem>>
      %dma_wait3A_145 = arith.constant 0 : i32
      %dma_wait3A_146 = arith.constant 0 : i32
      %dma_wait3A_147 = tpu.memref_slice %arg2[%dma_wait3A_145, %dma_wait3A_146] : memref<10000x128xf32, #tpu.memory_space<hbm>> -> memref<10000x128xf32, #tpu.memory_space<hbm>>
      tpu.wait_indirect_dma semaphore(%arg14 : memref<!tpu.dma_semaphore, #tpu.memory_space<semaphore_mem>>) src(%dma_wait3A_147 : memref<10000x128xf32, #tpu.memory_space<hbm>>) dst(%dma_wait3A_141 : memref<80x128xf32, #tpu.memory_space<vmem>>)
      %run_scoped3A_148 = arith.constant 3 : i32
      "tpu.region"() ({
        %run_scoped3A_179 = tpu.sem_alloc : memref<!tpu.dma_semaphore, #tpu.memory_space<semaphore_mem>>
        %dma_start3A_180 = arith.constant 0 : i32
        %dma_start3A_181 = arith.constant 0 : i32
        %dma_start3A_182 = tpu.memref_slice %arg9[%run_scoped3A_148, %dma_start3A_180, %dma_start3A_181] : memref<5x80x128xf32, #tpu.memory_space<vmem>> -> memref<1x80x128xf32, #tpu.memory_space<vmem>>
        %dma_start3A_183 = tpu.memref_squeeze %dma_start3A_182 : memref<1x80x128xf32, #tpu.memory_space<vmem>> -> memref<80x128xf32, #tpu.memory_space<vmem>>
        %dma_start3A_184 = arith.constant 0 : i32
        %dma_start3A_185 = tpu.memref_slice %arg8[%add3A_136, %dma_start3A_184] : memref<125x80xi32, #tpu.memory_space<vmem>> -> memref<1x80xi32, #tpu.memory_space<vmem>>
        %dma_start3A_186 = tpu.memref_squeeze %dma_start3A_185 : memref<1x80xi32, #tpu.memory_space<vmem>> -> memref<80xi32, #tpu.memory_space<vmem>>
        %dma_start3A_187 = arith.constant 0 : i32
        %dma_start3A_188 = arith.constant 0 : i32
        %dma_start3A_189 = tpu.memref_slice %arg10[%dma_start3A_187, %dma_start3A_188] : memref<5120x128xf32, #tpu.memory_space<vmem_shared>> -> memref<5120x128xf32, #tpu.memory_space<vmem_shared>>
        tpu.enqueue_indirect_dma source(%dma_start3A_183 : memref<80x128xf32, #tpu.memory_space<vmem>>) target(%dma_start3A_189 : memref<5120x128xf32, #tpu.memory_space<vmem_shared>>) offsets(%dma_start3A_186 : memref<80xi32, #tpu.memory_space<vmem>>) semaphore(%run_scoped3A_179 : memref<!tpu.dma_semaphore, #tpu.memory_space<semaphore_mem>>) {add = true}
        %dma_wait3A_190 = arith.constant 0 : i32
        %dma_wait3A_191 = arith.constant 0 : i32
        %dma_wait3A_192 = tpu.memref_slice %arg9[%run_scoped3A_148, %dma_wait3A_190, %dma_wait3A_191] : memref<5x80x128xf32, #tpu.memory_space<vmem>> -> memref<1x80x128xf32, #tpu.memory_space<vmem>>
        %dma_wait3A_193 = tpu.memref_squeeze %dma_wait3A_192 : memref<1x80x128xf32, #tpu.memory_space<vmem>> -> memref<80x128xf32, #tpu.memory_space<vmem>>
        %dma_wait3A_194 = arith.constant 0 : i32
        %dma_wait3A_195 = tpu.memref_slice %arg8[%add3A_136, %dma_wait3A_194] : memref<125x80xi32, #tpu.memory_space<vmem>> -> memref<1x80xi32, #tpu.memory_space<vmem>>
        %dma_wait3A_196 = tpu.memref_squeeze %dma_wait3A_195 : memref<1x80xi32, #tpu.memory_space<vmem>> -> memref<80xi32, #tpu.memory_space<vmem>>
        %dma_wait3A_197 = arith.constant 0 : i32
        %dma_wait3A_198 = arith.constant 0 : i32
        %dma_wait3A_199 = tpu.memref_slice %arg10[%dma_wait3A_197, %dma_wait3A_198] : memref<5120x128xf32, #tpu.memory_space<vmem_shared>> -> memref<5120x128xf32, #tpu.memory_space<vmem_shared>>
        tpu.wait_indirect_dma semaphore(%run_scoped3A_179 : memref<!tpu.dma_semaphore, #tpu.memory_space<semaphore_mem>>) src(%dma_wait3A_193 : memref<80x128xf32, #tpu.memory_space<vmem>>) dst(%dma_wait3A_199 : memref<5120x128xf32, #tpu.memory_space<vmem_shared>>)
        tpu.yield
      }) : () -> ()
      %add3A_149 = arith.constant 5 : i32
      %add3A_150 = arith.addi %add3A_136, %add3A_149 : i32
      %lt3A_151 = arith.constant 125 : i32
      %lt3A_152 = arith.cmpi slt, %add3A_150, %lt3A_151 : i32
      %convert_element_type3A_153 = arith.extui %lt3A_152 : i1 to i32
      %cond3A_154 = arith.constant 0 : i32
      %cond3A_155 = arith.cmpi ne, %convert_element_type3A_153, %cond3A_154 : i32
      scf.if %cond3A_155 {
        %add3A_179 = arith.constant 5 : i32
        %add3A_180 = arith.addi %add3A_136, %add3A_179 : i32
        %dma_start3A_181 = arith.constant 3 : i32
        %dma_start3A_182 = arith.constant 0 : i32
        %dma_start3A_183 = arith.constant 0 : i32
        %dma_start3A_184 = tpu.memref_slice %arg9[%dma_start3A_181, %dma_start3A_182, %dma_start3A_183] : memref<5x80x128xf32, #tpu.memory_space<vmem>> -> memref<1x80x128xf32, #tpu.memory_space<vmem>>
        %dma_start3A_185 = tpu.memref_squeeze %dma_start3A_184 : memref<1x80x128xf32, #tpu.memory_space<vmem>> -> memref<80x128xf32, #tpu.memory_space<vmem>>
        %dma_start3A_186 = arith.constant 0 : i32
        %dma_start3A_187 = tpu.memref_slice %arg7[%add3A_180, %dma_start3A_186] : memref<125x80xi32, #tpu.memory_space<vmem>> -> memref<1x80xi32, #tpu.memory_space<vmem>>
        %dma_start3A_188 = tpu.memref_squeeze %dma_start3A_187 : memref<1x80xi32, #tpu.memory_space<vmem>> -> memref<80xi32, #tpu.memory_space<vmem>>
        %dma_start3A_189 = arith.constant 0 : i32
        %dma_start3A_190 = arith.constant 0 : i32
        %dma_start3A_191 = tpu.memref_slice %arg2[%dma_start3A_189, %dma_start3A_190] : memref<10000x128xf32, #tpu.memory_space<hbm>> -> memref<10000x128xf32, #tpu.memory_space<hbm>>
        tpu.enqueue_indirect_dma source(%dma_start3A_191 : memref<10000x128xf32, #tpu.memory_space<hbm>>) target(%dma_start3A_185 : memref<80x128xf32, #tpu.memory_space<vmem>>) offsets(%dma_start3A_188 : memref<80xi32, #tpu.memory_space<vmem>>) semaphore(%arg14 : memref<!tpu.dma_semaphore, #tpu.memory_space<semaphore_mem>>)
      } else {
      }
      %mul3A_156 = arith.constant 5 : i32
      %mul3A_157 = arith.muli %scan3A_68, %mul3A_156 : i32
      %add3A_158 = arith.constant 4 : i32
      %add3A_159 = arith.addi %mul3A_157, %add3A_158 : i32
      %dma_wait3A_160 = arith.constant 4 : i32
      %dma_wait3A_161 = arith.constant 0 : i32
      %dma_wait3A_162 = arith.constant 0 : i32
      %dma_wait3A_163 = tpu.memref_slice %arg9[%dma_wait3A_160, %dma_wait3A_161, %dma_wait3A_162] : memref<5x80x128xf32, #tpu.memory_space<vmem>> -> memref<1x80x128xf32, #tpu.memory_space<vmem>>
      %dma_wait3A_164 = tpu.memref_squeeze %dma_wait3A_163 : memref<1x80x128xf32, #tpu.memory_space<vmem>> -> memref<80x128xf32, #tpu.memory_space<vmem>>
      %dma_wait3A_165 = arith.constant 0 : i32
      %dma_wait3A_166 = tpu.memref_slice %arg7[%add3A_159, %dma_wait3A_165] : memref<125x80xi32, #tpu.memory_space<vmem>> -> memref<1x80xi32, #tpu.memory_space<vmem>>
      %dma_wait3A_167 = tpu.memref_squeeze %dma_wait3A_166 : memref<1x80xi32, #tpu.memory_space<vmem>> -> memref<80xi32, #tpu.memory_space<vmem>>
      %dma_wait3A_168 = arith.constant 0 : i32
      %dma_wait3A_169 = arith.constant 0 : i32
      %dma_wait3A_170 = tpu.memref_slice %arg2[%dma_wait3A_168, %dma_wait3A_169] : memref<10000x128xf32, #tpu.memory_space<hbm>> -> memref<10000x128xf32, #tpu.memory_space<hbm>>
      tpu.wait_indirect_dma semaphore(%arg15 : memref<!tpu.dma_semaphore, #tpu.memory_space<semaphore_mem>>) src(%dma_wait3A_170 : memref<10000x128xf32, #tpu.memory_space<hbm>>) dst(%dma_wait3A_164 : memref<80x128xf32, #tpu.memory_space<vmem>>)
      %run_scoped3A_171 = arith.constant 4 : i32
      "tpu.region"() ({
        %run_scoped3A_179 = tpu.sem_alloc : memref<!tpu.dma_semaphore, #tpu.memory_space<semaphore_mem>>
        %dma_start3A_180 = arith.constant 0 : i32
        %dma_start3A_181 = arith.constant 0 : i32
        %dma_start3A_182 = tpu.memref_slice %arg9[%run_scoped3A_171, %dma_start3A_180, %dma_start3A_181] : memref<5x80x128xf32, #tpu.memory_space<vmem>> -> memref<1x80x128xf32, #tpu.memory_space<vmem>>
        %dma_start3A_183 = tpu.memref_squeeze %dma_start3A_182 : memref<1x80x128xf32, #tpu.memory_space<vmem>> -> memref<80x128xf32, #tpu.memory_space<vmem>>
        %dma_start3A_184 = arith.constant 0 : i32
        %dma_start3A_185 = tpu.memref_slice %arg8[%add3A_159, %dma_start3A_184] : memref<125x80xi32, #tpu.memory_space<vmem>> -> memref<1x80xi32, #tpu.memory_space<vmem>>
        %dma_start3A_186 = tpu.memref_squeeze %dma_start3A_185 : memref<1x80xi32, #tpu.memory_space<vmem>> -> memref<80xi32, #tpu.memory_space<vmem>>
        %dma_start3A_187 = arith.constant 0 : i32
        %dma_start3A_188 = arith.constant 0 : i32
        %dma_start3A_189 = tpu.memref_slice %arg10[%dma_start3A_187, %dma_start3A_188] : memref<5120x128xf32, #tpu.memory_space<vmem_shared>> -> memref<5120x128xf32, #tpu.memory_space<vmem_shared>>
        tpu.enqueue_indirect_dma source(%dma_start3A_183 : memref<80x128xf32, #tpu.memory_space<vmem>>) target(%dma_start3A_189 : memref<5120x128xf32, #tpu.memory_space<vmem_shared>>) offsets(%dma_start3A_186 : memref<80xi32, #tpu.memory_space<vmem>>) semaphore(%run_scoped3A_179 : memref<!tpu.dma_semaphore, #tpu.memory_space<semaphore_mem>>) {add = true}
        %dma_wait3A_190 = arith.constant 0 : i32
        %dma_wait3A_191 = arith.constant 0 : i32
        %dma_wait3A_192 = tpu.memref_slice %arg9[%run_scoped3A_171, %dma_wait3A_190, %dma_wait3A_191] : memref<5x80x128xf32, #tpu.memory_space<vmem>> -> memref<1x80x128xf32, #tpu.memory_space<vmem>>
        %dma_wait3A_193 = tpu.memref_squeeze %dma_wait3A_192 : memref<1x80x128xf32, #tpu.memory_space<vmem>> -> memref<80x128xf32, #tpu.memory_space<vmem>>
        %dma_wait3A_194 = arith.constant 0 : i32
        %dma_wait3A_195 = tpu.memref_slice %arg8[%add3A_159, %dma_wait3A_194] : memref<125x80xi32, #tpu.memory_space<vmem>> -> memref<1x80xi32, #tpu.memory_space<vmem>>
        %dma_wait3A_196 = tpu.memref_squeeze %dma_wait3A_195 : memref<1x80xi32, #tpu.memory_space<vmem>> -> memref<80xi32, #tpu.memory_space<vmem>>
        %dma_wait3A_197 = arith.constant 0 : i32
        %dma_wait3A_198 = arith.constant 0 : i32
        %dma_wait3A_199 = tpu.memref_slice %arg10[%dma_wait3A_197, %dma_wait3A_198] : memref<5120x128xf32, #tpu.memory_space<vmem_shared>> -> memref<5120x128xf32, #tpu.memory_space<vmem_shared>>
        tpu.wait_indirect_dma semaphore(%run_scoped3A_179 : memref<!tpu.dma_semaphore, #tpu.memory_space<semaphore_mem>>) src(%dma_wait3A_193 : memref<80x128xf32, #tpu.memory_space<vmem>>) dst(%dma_wait3A_199 : memref<5120x128xf32, #tpu.memory_space<vmem_shared>>)
        tpu.yield
      }) : () -> ()
      %add3A_172 = arith.constant 5 : i32
      %add3A_173 = arith.addi %add3A_159, %add3A_172 : i32
      %lt3A_174 = arith.constant 125 : i32
      %lt3A_175 = arith.cmpi slt, %add3A_173, %lt3A_174 : i32
      %convert_element_type3A_176 = arith.extui %lt3A_175 : i1 to i32
      %cond3A_177 = arith.constant 0 : i32
      %cond3A_178 = arith.cmpi ne, %convert_element_type3A_176, %cond3A_177 : i32
      scf.if %cond3A_178 {
        %add3A_179 = arith.constant 5 : i32
        %add3A_180 = arith.addi %add3A_159, %add3A_179 : i32
        %dma_start3A_181 = arith.constant 4 : i32
        %dma_start3A_182 = arith.constant 0 : i32
        %dma_start3A_183 = arith.constant 0 : i32
        %dma_start3A_184 = tpu.memref_slice %arg9[%dma_start3A_181, %dma_start3A_182, %dma_start3A_183] : memref<5x80x128xf32, #tpu.memory_space<vmem>> -> memref<1x80x128xf32, #tpu.memory_space<vmem>>
        %dma_start3A_185 = tpu.memref_squeeze %dma_start3A_184 : memref<1x80x128xf32, #tpu.memory_space<vmem>> -> memref<80x128xf32, #tpu.memory_space<vmem>>
        %dma_start3A_186 = arith.constant 0 : i32
        %dma_start3A_187 = tpu.memref_slice %arg7[%add3A_180, %dma_start3A_186] : memref<125x80xi32, #tpu.memory_space<vmem>> -> memref<1x80xi32, #tpu.memory_space<vmem>>
        %dma_start3A_188 = tpu.memref_squeeze %dma_start3A_187 : memref<1x80xi32, #tpu.memory_space<vmem>> -> memref<80xi32, #tpu.memory_space<vmem>>
        %dma_start3A_189 = arith.constant 0 : i32
        %dma_start3A_190 = arith.constant 0 : i32
        %dma_start3A_191 = tpu.memref_slice %arg2[%dma_start3A_189, %dma_start3A_190] : memref<10000x128xf32, #tpu.memory_space<hbm>> -> memref<10000x128xf32, #tpu.memory_space<hbm>>
        tpu.enqueue_indirect_dma source(%dma_start3A_191 : memref<10000x128xf32, #tpu.memory_space<hbm>>) target(%dma_start3A_185 : memref<80x128xf32, #tpu.memory_space<vmem>>) offsets(%dma_start3A_188 : memref<80xi32, #tpu.memory_space<vmem>>) semaphore(%arg15 : memref<!tpu.dma_semaphore, #tpu.memory_space<semaphore_mem>>)
      } else {
      }
    }
    %scan3A_66 = arith.constant 25 : i32
    %barrier3A_67 = arith.constant 0 : index
    tpu.barrier barrier_id(%barrier3A_67)
    "tpu.region"() ({
      %run_scoped3A = tpu.sem_alloc : memref<!tpu.dma_semaphore, #tpu.memory_space<semaphore_mem>>
      %dma_start3A_68 = arith.constant 0 : i32
      %dma_start3A_69 = arith.constant 0 : i32
      %dma_start3A_70 = tpu.memref_slice %arg6[%arg0, %dma_start3A_68, %dma_start3A_69] : memref<2x5120x128xf32, #tpu.memory_space<hbm>> -> memref<1x5120x128xf32, #tpu.memory_space<hbm>>
      %dma_start3A_71 = tpu.memref_squeeze %dma_start3A_70 : memref<1x5120x128xf32, #tpu.memory_space<hbm>> -> memref<5120x128xf32, #tpu.memory_space<hbm>>
      %dma_start3A_72 = arith.constant 0 : i32
      %dma_start3A_73 = tpu.memref_slice %dma_start3A_71[%mul3A_2, %dma_start3A_72] : memref<5120x128xf32, #tpu.memory_space<hbm>> -> memref<320x128xf32, #tpu.memory_space<hbm>>
      %dma_start3A_74 = arith.constant 0 : i32
      %dma_start3A_75 = tpu.memref_slice %arg10[%mul3A_2, %dma_start3A_74] : memref<5120x128xf32, #tpu.memory_space<vmem_shared>> -> memref<320x128xf32, #tpu.memory_space<vmem_shared>>
      tpu.enqueue_dma source(%dma_start3A_75 : memref<320x128xf32, #tpu.memory_space<vmem_shared>>) target(%dma_start3A_73 : memref<320x128xf32, #tpu.memory_space<hbm>>) target_semaphore(%run_scoped3A : memref<!tpu.dma_semaphore, #tpu.memory_space<semaphore_mem>>)
      %dma_wait3A = arith.constant 0 : i32
      %dma_wait3A_76 = arith.constant 0 : i32
      %dma_wait3A_77 = tpu.memref_slice %arg6[%arg0, %dma_wait3A, %dma_wait3A_76] : memref<2x5120x128xf32, #tpu.memory_space<hbm>> -> memref<1x5120x128xf32, #tpu.memory_space<hbm>>
      %dma_wait3A_78 = tpu.memref_squeeze %dma_wait3A_77 : memref<1x5120x128xf32, #tpu.memory_space<hbm>> -> memref<5120x128xf32, #tpu.memory_space<hbm>>
      %dma_wait3A_79 = arith.constant 0 : i32
      %dma_wait3A_80 = tpu.memref_slice %dma_wait3A_78[%mul3A_2, %dma_wait3A_79] : memref<5120x128xf32, #tpu.memory_space<hbm>> -> memref<320x128xf32, #tpu.memory_space<hbm>>
      %dma_wait3A_81 = arith.constant 0 : i32
      %dma_wait3A_82 = tpu.memref_slice %arg10[%mul3A_2, %dma_wait3A_81] : memref<5120x128xf32, #tpu.memory_space<vmem_shared>> -> memref<320x128xf32, #tpu.memory_space<vmem_shared>>
      tpu.wait_dma2 semaphore(%run_scoped3A : memref<!tpu.dma_semaphore, #tpu.memory_space<semaphore_mem>>) src(%dma_wait3A_82 : memref<320x128xf32, #tpu.memory_space<vmem_shared>>) dst(%dma_wait3A_80 : memref<320x128xf32, #tpu.memory_space<hbm>>)
      tpu.yield
    }) : () -> ()
    return
  }
}

#map = affine_map<(d0, d1) -> (0, 0)>
#map1 = affine_map<(d0, d1) -> (0, 0, 0)>
module attributes {stable_mosaic.version = 14 : i64} {
  func.func @_agg_kernel(%arg0: i32, %arg1: i32, %arg2: memref<10000x128xf32, #tpu.memory_space<hbm>>, %arg3: memref<32x125x80xi32, #tpu.memory_space<hbm>>, %arg4: memref<32x125x80xi32, #tpu.memory_space<hbm>>, %arg5: memref<320x128xf32, #tpu.memory_space<hbm>>, %arg6: memref<2x5120x128xf32, #tpu.memory_space<hbm>>, %arg7: memref<125x80xi32, #tpu.memory_space<vmem>>, %arg8: memref<125x80xi32, #tpu.memory_space<vmem>>, %arg9: memref<5x80x128xf32, #tpu.memory_space<vmem>>, %arg10: memref<5120x128xf32, #tpu.memory_space<vmem_shared>>, %arg11: memref<!tpu.dma_semaphore, #tpu.memory_space<semaphore_mem>>, %arg12: memref<!tpu.dma_semaphore, #tpu.memory_space<semaphore_mem>>, %arg13: memref<!tpu.dma_semaphore, #tpu.memory_space<semaphore_mem>>, %arg14: memref<!tpu.dma_semaphore, #tpu.memory_space<semaphore_mem>>, %arg15: memref<!tpu.dma_semaphore, #tpu.memory_space<semaphore_mem>>) attributes {dimension_semantics = [#tpu.dimension_semantics<core_parallel>, #tpu.dimension_semantics<subcore_parallel>], iteration_bounds = array<i64: 2, 16>, scalar_prefetch = 0 : i64, scratch_operands = 9 : i64, tpu.core_type = #tpu.core_type<sc_vector_subcore>, window_params = [{transform_indices = #map}, {transform_indices = #map1}, {transform_indices = #map1}, {transform_indices = #map}, {transform_indices = #map1}]} {
    %mul3A = arith.constant 2 : i32
    %mul3A_0 = arith.muli %arg1, %mul3A : i32
    %add3A = arith.addi %mul3A_0, %arg0 : i32
    "tpu.region"() ({
      %run_scoped3A = tpu.sem_alloc : memref<!tpu.dma_semaphore, #tpu.memory_space<semaphore_mem>>
      %dma_start3A_68 = arith.constant 0 : i32
      %dma_start3A_69 = arith.constant 0 : i32
      %dma_start3A_70 = tpu.memref_slice %arg3[%add3A, %dma_start3A_68, %dma_start3A_69] : memref<32x125x80xi32, #tpu.memory_space<hbm>> -> memref<1x125x80xi32, #tpu.memory_space<hbm>>
      %dma_start3A_71 = tpu.memref_squeeze %dma_start3A_70 : memref<1x125x80xi32, #tpu.memory_space<hbm>> -> memref<125x80xi32, #tpu.memory_space<hbm>>
      %dma_start3A_72 = arith.constant 0 : i32
      %dma_start3A_73 = arith.constant 0 : i32
      %dma_start3A_74 = tpu.memref_slice %arg3[%add3A, %dma_start3A_72, %dma_start3A_73] : memref<32x125x80xi32, #tpu.memory_space<hbm>> -> memref<1x125x80xi32, #tpu.memory_space<hbm>>
      %dma_start3A_75 = tpu.memref_squeeze %dma_start3A_74 : memref<1x125x80xi32, #tpu.memory_space<hbm>> -> memref<125x80xi32, #tpu.memory_space<hbm>>
      tpu.enqueue_dma source(%dma_start3A_75 : memref<125x80xi32, #tpu.memory_space<hbm>>) target(%arg7 : memref<125x80xi32, #tpu.memory_space<vmem>>) target_semaphore(%run_scoped3A : memref<!tpu.dma_semaphore, #tpu.memory_space<semaphore_mem>>)
      %dma_wait3A = arith.constant 0 : i32
      %dma_wait3A_76 = arith.constant 0 : i32
      %dma_wait3A_77 = tpu.memref_slice %arg3[%add3A, %dma_wait3A, %dma_wait3A_76] : memref<32x125x80xi32, #tpu.memory_space<hbm>> -> memref<1x125x80xi32, #tpu.memory_space<hbm>>
      %dma_wait3A_78 = tpu.memref_squeeze %dma_wait3A_77 : memref<1x125x80xi32, #tpu.memory_space<hbm>> -> memref<125x80xi32, #tpu.memory_space<hbm>>
      %dma_wait3A_79 = arith.constant 0 : i32
      %dma_wait3A_80 = arith.constant 0 : i32
      %dma_wait3A_81 = tpu.memref_slice %arg3[%add3A, %dma_wait3A_79, %dma_wait3A_80] : memref<32x125x80xi32, #tpu.memory_space<hbm>> -> memref<1x125x80xi32, #tpu.memory_space<hbm>>
      %dma_wait3A_82 = tpu.memref_squeeze %dma_wait3A_81 : memref<1x125x80xi32, #tpu.memory_space<hbm>> -> memref<125x80xi32, #tpu.memory_space<hbm>>
      tpu.wait_dma2 semaphore(%run_scoped3A : memref<!tpu.dma_semaphore, #tpu.memory_space<semaphore_mem>>) src(%dma_wait3A_82 : memref<125x80xi32, #tpu.memory_space<hbm>>) dst(%arg7 : memref<125x80xi32, #tpu.memory_space<vmem>>)
      tpu.yield
    }) : () -> ()
    "tpu.region"() ({
      %run_scoped3A = tpu.sem_alloc : memref<!tpu.dma_semaphore, #tpu.memory_space<semaphore_mem>>
      %dma_start3A_68 = arith.constant 0 : i32
      %dma_start3A_69 = arith.constant 0 : i32
      %dma_start3A_70 = tpu.memref_slice %arg4[%add3A, %dma_start3A_68, %dma_start3A_69] : memref<32x125x80xi32, #tpu.memory_space<hbm>> -> memref<1x125x80xi32, #tpu.memory_space<hbm>>
      %dma_start3A_71 = tpu.memref_squeeze %dma_start3A_70 : memref<1x125x80xi32, #tpu.memory_space<hbm>> -> memref<125x80xi32, #tpu.memory_space<hbm>>
      %dma_start3A_72 = arith.constant 0 : i32
      %dma_start3A_73 = arith.constant 0 : i32
      %dma_start3A_74 = tpu.memref_slice %arg4[%add3A, %dma_start3A_72, %dma_start3A_73] : memref<32x125x80xi32, #tpu.memory_space<hbm>> -> memref<1x125x80xi32, #tpu.memory_space<hbm>>
      %dma_start3A_75 = tpu.memref_squeeze %dma_start3A_74 : memref<1x125x80xi32, #tpu.memory_space<hbm>> -> memref<125x80xi32, #tpu.memory_space<hbm>>
      tpu.enqueue_dma source(%dma_start3A_75 : memref<125x80xi32, #tpu.memory_space<hbm>>) target(%arg8 : memref<125x80xi32, #tpu.memory_space<vmem>>) target_semaphore(%run_scoped3A : memref<!tpu.dma_semaphore, #tpu.memory_space<semaphore_mem>>)
      %dma_wait3A = arith.constant 0 : i32
      %dma_wait3A_76 = arith.constant 0 : i32
      %dma_wait3A_77 = tpu.memref_slice %arg4[%add3A, %dma_wait3A, %dma_wait3A_76] : memref<32x125x80xi32, #tpu.memory_space<hbm>> -> memref<1x125x80xi32, #tpu.memory_space<hbm>>
      %dma_wait3A_78 = tpu.memref_squeeze %dma_wait3A_77 : memref<1x125x80xi32, #tpu.memory_space<hbm>> -> memref<125x80xi32, #tpu.memory_space<hbm>>
      %dma_wait3A_79 = arith.constant 0 : i32
      %dma_wait3A_80 = arith.constant 0 : i32
      %dma_wait3A_81 = tpu.memref_slice %arg4[%add3A, %dma_wait3A_79, %dma_wait3A_80] : memref<32x125x80xi32, #tpu.memory_space<hbm>> -> memref<1x125x80xi32, #tpu.memory_space<hbm>>
      %dma_wait3A_82 = tpu.memref_squeeze %dma_wait3A_81 : memref<1x125x80xi32, #tpu.memory_space<hbm>> -> memref<125x80xi32, #tpu.memory_space<hbm>>
      tpu.wait_dma2 semaphore(%run_scoped3A : memref<!tpu.dma_semaphore, #tpu.memory_space<semaphore_mem>>) src(%dma_wait3A_82 : memref<125x80xi32, #tpu.memory_space<hbm>>) dst(%arg8 : memref<125x80xi32, #tpu.memory_space<vmem>>)
      tpu.yield
    }) : () -> ()
    %mul3A_1 = arith.constant 320 : i32
    %mul3A_2 = arith.muli %arg1, %mul3A_1 : i32
    "tpu.region"() ({
      %run_scoped3A = tpu.sem_alloc : memref<!tpu.dma_semaphore, #tpu.memory_space<semaphore_mem>>
      %dma_start3A_68 = arith.constant 0 : i32
      %dma_start3A_69 = tpu.memref_slice %arg10[%mul3A_2, %dma_start3A_68] : memref<5120x128xf32, #tpu.memory_space<vmem_shared>> -> memref<320x128xf32, #tpu.memory_space<vmem_shared>>
      tpu.enqueue_dma source(%arg5 : memref<320x128xf32, #tpu.memory_space<hbm>>) target(%dma_start3A_69 : memref<320x128xf32, #tpu.memory_space<vmem_shared>>) target_semaphore(%run_scoped3A : memref<!tpu.dma_semaphore, #tpu.memory_space<semaphore_mem>>)
      %dma_wait3A = arith.constant 0 : i32
      %dma_wait3A_70 = tpu.memref_slice %arg10[%mul3A_2, %dma_wait3A] : memref<5120x128xf32, #tpu.memory_space<vmem_shared>> -> memref<320x128xf32, #tpu.memory_space<vmem_shared>>
      tpu.wait_dma2 semaphore(%run_scoped3A : memref<!tpu.dma_semaphore, #tpu.memory_space<semaphore_mem>>) src(%arg5 : memref<320x128xf32, #tpu.memory_space<hbm>>) dst(%dma_wait3A_70 : memref<320x128xf32, #tpu.memory_space<vmem_shared>>)
      tpu.yield
    }) : () -> ()
    %barrier3A = arith.constant 0 : index
    tpu.barrier barrier_id(%barrier3A)
    %dma_start3A = arith.constant 0 : i32
    %dma_start3A_3 = arith.constant 0 : i32
    %dma_start3A_4 = arith.constant 0 : i32
    %dma_start3A_5 = arith.constant 0 : i32
    %dma_start3A_6 = tpu.memref_slice %arg9[%dma_start3A_3, %dma_start3A_4, %dma_start3A_5] : memref<5x80x128xf32, #tpu.memory_space<vmem>> -> memref<1x80x128xf32, #tpu.memory_space<vmem>>
    %dma_start3A_7 = tpu.memref_squeeze %dma_start3A_6 : memref<1x80x128xf32, #tpu.memory_space<vmem>> -> memref<80x128xf32, #tpu.memory_space<vmem>>
    %dma_start3A_8 = arith.constant 0 : i32
    %dma_start3A_9 = tpu.memref_slice %arg7[%dma_start3A, %dma_start3A_8] : memref<125x80xi32, #tpu.memory_space<vmem>> -> memref<1x80xi32, #tpu.memory_space<vmem>>
    %dma_start3A_10 = tpu.memref_squeeze %dma_start3A_9 : memref<1x80xi32, #tpu.memory_space<vmem>> -> memref<80xi32, #tpu.memory_space<vmem>>
    %dma_start3A_11 = arith.constant 0 : i32
    %dma_start3A_12 = arith.constant 0 : i32
    %dma_start3A_13 = tpu.memref_slice %arg2[%dma_start3A_11, %dma_start3A_12] : memref<10000x128xf32, #tpu.memory_space<hbm>> -> memref<10000x128xf32, #tpu.memory_space<hbm>>
    tpu.enqueue_indirect_dma source(%dma_start3A_13 : memref<10000x128xf32, #tpu.memory_space<hbm>>) target(%dma_start3A_7 : memref<80x128xf32, #tpu.memory_space<vmem>>) offsets(%dma_start3A_10 : memref<80xi32, #tpu.memory_space<vmem>>) semaphore(%arg11 : memref<!tpu.dma_semaphore, #tpu.memory_space<semaphore_mem>>)
    %dma_start3A_14 = arith.constant 1 : i32
    %dma_start3A_15 = arith.constant 1 : i32
    %dma_start3A_16 = arith.constant 0 : i32
    %dma_start3A_17 = arith.constant 0 : i32
    %dma_start3A_18 = tpu.memref_slice %arg9[%dma_start3A_15, %dma_start3A_16, %dma_start3A_17] : memref<5x80x128xf32, #tpu.memory_space<vmem>> -> memref<1x80x128xf32, #tpu.memory_space<vmem>>
    %dma_start3A_19 = tpu.memref_squeeze %dma_start3A_18 : memref<1x80x128xf32, #tpu.memory_space<vmem>> -> memref<80x128xf32, #tpu.memory_space<vmem>>
    %dma_start3A_20 = arith.constant 0 : i32
    %dma_start3A_21 = tpu.memref_slice %arg7[%dma_start3A_14, %dma_start3A_20] : memref<125x80xi32, #tpu.memory_space<vmem>> -> memref<1x80xi32, #tpu.memory_space<vmem>>
    %dma_start3A_22 = tpu.memref_squeeze %dma_start3A_21 : memref<1x80xi32, #tpu.memory_space<vmem>> -> memref<80xi32, #tpu.memory_space<vmem>>
    %dma_start3A_23 = arith.constant 0 : i32
    %dma_start3A_24 = arith.constant 0 : i32
    %dma_start3A_25 = tpu.memref_slice %arg2[%dma_start3A_23, %dma_start3A_24] : memref<10000x128xf32, #tpu.memory_space<hbm>> -> memref<10000x128xf32, #tpu.memory_space<hbm>>
    tpu.enqueue_indirect_dma source(%dma_start3A_25 : memref<10000x128xf32, #tpu.memory_space<hbm>>) target(%dma_start3A_19 : memref<80x128xf32, #tpu.memory_space<vmem>>) offsets(%dma_start3A_22 : memref<80xi32, #tpu.memory_space<vmem>>) semaphore(%arg12 : memref<!tpu.dma_semaphore, #tpu.memory_space<semaphore_mem>>)
    %dma_start3A_26 = arith.constant 2 : i32
    %dma_start3A_27 = arith.constant 2 : i32
    %dma_start3A_28 = arith.constant 0 : i32
    %dma_start3A_29 = arith.constant 0 : i32
    %dma_start3A_30 = tpu.memref_slice %arg9[%dma_start3A_27, %dma_start3A_28, %dma_start3A_29] : memref<5x80x128xf32, #tpu.memory_space<vmem>> -> memref<1x80x128xf32, #tpu.memory_space<vmem>>
    %dma_start3A_31 = tpu.memref_squeeze %dma_start3A_30 : memref<1x80x128xf32, #tpu.memory_space<vmem>> -> memref<80x128xf32, #tpu.memory_space<vmem>>
    %dma_start3A_32 = arith.constant 0 : i32
    %dma_start3A_33 = tpu.memref_slice %arg7[%dma_start3A_26, %dma_start3A_32] : memref<125x80xi32, #tpu.memory_space<vmem>> -> memref<1x80xi32, #tpu.memory_space<vmem>>
    %dma_start3A_34 = tpu.memref_squeeze %dma_start3A_33 : memref<1x80xi32, #tpu.memory_space<vmem>> -> memref<80xi32, #tpu.memory_space<vmem>>
    %dma_start3A_35 = arith.constant 0 : i32
    %dma_start3A_36 = arith.constant 0 : i32
    %dma_start3A_37 = tpu.memref_slice %arg2[%dma_start3A_35, %dma_start3A_36] : memref<10000x128xf32, #tpu.memory_space<hbm>> -> memref<10000x128xf32, #tpu.memory_space<hbm>>
    tpu.enqueue_indirect_dma source(%dma_start3A_37 : memref<10000x128xf32, #tpu.memory_space<hbm>>) target(%dma_start3A_31 : memref<80x128xf32, #tpu.memory_space<vmem>>) offsets(%dma_start3A_34 : memref<80xi32, #tpu.memory_space<vmem>>) semaphore(%arg13 : memref<!tpu.dma_semaphore, #tpu.memory_space<semaphore_mem>>)
    %dma_start3A_38 = arith.constant 3 : i32
    %dma_start3A_39 = arith.constant 3 : i32
    %dma_start3A_40 = arith.constant 0 : i32
    %dma_start3A_41 = arith.constant 0 : i32
    %dma_start3A_42 = tpu.memref_slice %arg9[%dma_start3A_39, %dma_start3A_40, %dma_start3A_41] : memref<5x80x128xf32, #tpu.memory_space<vmem>> -> memref<1x80x128xf32, #tpu.memory_space<vmem>>
    %dma_start3A_43 = tpu.memref_squeeze %dma_start3A_42 : memref<1x80x128xf32, #tpu.memory_space<vmem>> -> memref<80x128xf32, #tpu.memory_space<vmem>>
    %dma_start3A_44 = arith.constant 0 : i32
    %dma_start3A_45 = tpu.memref_slice %arg7[%dma_start3A_38, %dma_start3A_44] : memref<125x80xi32, #tpu.memory_space<vmem>> -> memref<1x80xi32, #tpu.memory_space<vmem>>
    %dma_start3A_46 = tpu.memref_squeeze %dma_start3A_45 : memref<1x80xi32, #tpu.memory_space<vmem>> -> memref<80xi32, #tpu.memory_space<vmem>>
    %dma_start3A_47 = arith.constant 0 : i32
    %dma_start3A_48 = arith.constant 0 : i32
    %dma_start3A_49 = tpu.memref_slice %arg2[%dma_start3A_47, %dma_start3A_48] : memref<10000x128xf32, #tpu.memory_space<hbm>> -> memref<10000x128xf32, #tpu.memory_space<hbm>>
    tpu.enqueue_indirect_dma source(%dma_start3A_49 : memref<10000x128xf32, #tpu.memory_space<hbm>>) target(%dma_start3A_43 : memref<80x128xf32, #tpu.memory_space<vmem>>) offsets(%dma_start3A_46 : memref<80xi32, #tpu.memory_space<vmem>>) semaphore(%arg14 : memref<!tpu.dma_semaphore, #tpu.memory_space<semaphore_mem>>)
    %dma_start3A_50 = arith.constant 4 : i32
    %dma_start3A_51 = arith.constant 4 : i32
    %dma_start3A_52 = arith.constant 0 : i32
    %dma_start3A_53 = arith.constant 0 : i32
    %dma_start3A_54 = tpu.memref_slice %arg9[%dma_start3A_51, %dma_start3A_52, %dma_start3A_53] : memref<5x80x128xf32, #tpu.memory_space<vmem>> -> memref<1x80x128xf32, #tpu.memory_space<vmem>>
    %dma_start3A_55 = tpu.memref_squeeze %dma_start3A_54 : memref<1x80x128xf32, #tpu.memory_space<vmem>> -> memref<80x128xf32, #tpu.memory_space<vmem>>
    %dma_start3A_56 = arith.constant 0 : i32
    %dma_start3A_57 = tpu.memref_slice %arg7[%dma_start3A_50, %dma_start3A_56] : memref<125x80xi32, #tpu.memory_space<vmem>> -> memref<1x80xi32, #tpu.memory_space<vmem>>
    %dma_start3A_58 = tpu.memref_squeeze %dma_start3A_57 : memref<1x80xi32, #tpu.memory_space<vmem>> -> memref<80xi32, #tpu.memory_space<vmem>>
    %dma_start3A_59 = arith.constant 0 : i32
    %dma_start3A_60 = arith.constant 0 : i32
    %dma_start3A_61 = tpu.memref_slice %arg2[%dma_start3A_59, %dma_start3A_60] : memref<10000x128xf32, #tpu.memory_space<hbm>> -> memref<10000x128xf32, #tpu.memory_space<hbm>>
    tpu.enqueue_indirect_dma source(%dma_start3A_61 : memref<10000x128xf32, #tpu.memory_space<hbm>>) target(%dma_start3A_55 : memref<80x128xf32, #tpu.memory_space<vmem>>) offsets(%dma_start3A_58 : memref<80xi32, #tpu.memory_space<vmem>>) semaphore(%arg15 : memref<!tpu.dma_semaphore, #tpu.memory_space<semaphore_mem>>)
    %scan3A = arith.constant 0 : i32
    %scan3A_62 = arith.constant 0 : i32
    %scan3A_63 = arith.constant 25 : i32
    %scan3A_64 = arith.addi %scan3A_62, %scan3A_63 : i32
    %scan3A_65 = arith.constant 1 : i32
    scf.for %scan3A_68 = %scan3A_62 to %scan3A_64 step %scan3A_65  : i32 {
      %mul3A_69 = arith.constant 5 : i32
      %mul3A_70 = arith.muli %scan3A_68, %mul3A_69 : i32
      %add3A_71 = arith.constant 0 : i32
      %add3A_72 = arith.addi %mul3A_70, %add3A_71 : i32
      %dma_wait3A = arith.constant 0 : i32
      %dma_wait3A_73 = arith.constant 0 : i32
      %dma_wait3A_74 = arith.constant 0 : i32
      %dma_wait3A_75 = tpu.memref_slice %arg9[%dma_wait3A, %dma_wait3A_73, %dma_wait3A_74] : memref<5x80x128xf32, #tpu.memory_space<vmem>> -> memref<1x80x128xf32, #tpu.memory_space<vmem>>
      %dma_wait3A_76 = tpu.memref_squeeze %dma_wait3A_75 : memref<1x80x128xf32, #tpu.memory_space<vmem>> -> memref<80x128xf32, #tpu.memory_space<vmem>>
      %dma_wait3A_77 = arith.constant 0 : i32
      %dma_wait3A_78 = tpu.memref_slice %arg7[%add3A_72, %dma_wait3A_77] : memref<125x80xi32, #tpu.memory_space<vmem>> -> memref<1x80xi32, #tpu.memory_space<vmem>>
      %dma_wait3A_79 = tpu.memref_squeeze %dma_wait3A_78 : memref<1x80xi32, #tpu.memory_space<vmem>> -> memref<80xi32, #tpu.memory_space<vmem>>
      %dma_wait3A_80 = arith.constant 0 : i32
      %dma_wait3A_81 = arith.constant 0 : i32
      %dma_wait3A_82 = tpu.memref_slice %arg2[%dma_wait3A_80, %dma_wait3A_81] : memref<10000x128xf32, #tpu.memory_space<hbm>> -> memref<10000x128xf32, #tpu.memory_space<hbm>>
      tpu.wait_indirect_dma semaphore(%arg11 : memref<!tpu.dma_semaphore, #tpu.memory_space<semaphore_mem>>) src(%dma_wait3A_82 : memref<10000x128xf32, #tpu.memory_space<hbm>>) dst(%dma_wait3A_76 : memref<80x128xf32, #tpu.memory_space<vmem>>)
      %run_scoped3A = arith.constant 0 : i32
      "tpu.region"() ({
        %run_scoped3A_179 = tpu.sem_alloc : memref<!tpu.dma_semaphore, #tpu.memory_space<semaphore_mem>>
        %dma_start3A_180 = arith.constant 0 : i32
        %dma_start3A_181 = arith.constant 0 : i32
        %dma_start3A_182 = tpu.memref_slice %arg9[%run_scoped3A, %dma_start3A_180, %dma_start3A_181] : memref<5x80x128xf32, #tpu.memory_space<vmem>> -> memref<1x80x128xf32, #tpu.memory_space<vmem>>
        %dma_start3A_183 = tpu.memref_squeeze %dma_start3A_182 : memref<1x80x128xf32, #tpu.memory_space<vmem>> -> memref<80x128xf32, #tpu.memory_space<vmem>>
        %dma_start3A_184 = arith.constant 0 : i32
        %dma_start3A_185 = tpu.memref_slice %arg8[%add3A_72, %dma_start3A_184] : memref<125x80xi32, #tpu.memory_space<vmem>> -> memref<1x80xi32, #tpu.memory_space<vmem>>
        %dma_start3A_186 = tpu.memref_squeeze %dma_start3A_185 : memref<1x80xi32, #tpu.memory_space<vmem>> -> memref<80xi32, #tpu.memory_space<vmem>>
        %dma_start3A_187 = arith.constant 0 : i32
        %dma_start3A_188 = arith.constant 0 : i32
        %dma_start3A_189 = tpu.memref_slice %arg10[%dma_start3A_187, %dma_start3A_188] : memref<5120x128xf32, #tpu.memory_space<vmem_shared>> -> memref<5120x128xf32, #tpu.memory_space<vmem_shared>>
        tpu.enqueue_indirect_dma source(%dma_start3A_183 : memref<80x128xf32, #tpu.memory_space<vmem>>) target(%dma_start3A_189 : memref<5120x128xf32, #tpu.memory_space<vmem_shared>>) offsets(%dma_start3A_186 : memref<80xi32, #tpu.memory_space<vmem>>) semaphore(%run_scoped3A_179 : memref<!tpu.dma_semaphore, #tpu.memory_space<semaphore_mem>>) {add = true}
        %dma_wait3A_190 = arith.constant 0 : i32
        %dma_wait3A_191 = arith.constant 0 : i32
        %dma_wait3A_192 = tpu.memref_slice %arg9[%run_scoped3A, %dma_wait3A_190, %dma_wait3A_191] : memref<5x80x128xf32, #tpu.memory_space<vmem>> -> memref<1x80x128xf32, #tpu.memory_space<vmem>>
        %dma_wait3A_193 = tpu.memref_squeeze %dma_wait3A_192 : memref<1x80x128xf32, #tpu.memory_space<vmem>> -> memref<80x128xf32, #tpu.memory_space<vmem>>
        %dma_wait3A_194 = arith.constant 0 : i32
        %dma_wait3A_195 = tpu.memref_slice %arg8[%add3A_72, %dma_wait3A_194] : memref<125x80xi32, #tpu.memory_space<vmem>> -> memref<1x80xi32, #tpu.memory_space<vmem>>
        %dma_wait3A_196 = tpu.memref_squeeze %dma_wait3A_195 : memref<1x80xi32, #tpu.memory_space<vmem>> -> memref<80xi32, #tpu.memory_space<vmem>>
        %dma_wait3A_197 = arith.constant 0 : i32
        %dma_wait3A_198 = arith.constant 0 : i32
        %dma_wait3A_199 = tpu.memref_slice %arg10[%dma_wait3A_197, %dma_wait3A_198] : memref<5120x128xf32, #tpu.memory_space<vmem_shared>> -> memref<5120x128xf32, #tpu.memory_space<vmem_shared>>
        tpu.wait_indirect_dma semaphore(%run_scoped3A_179 : memref<!tpu.dma_semaphore, #tpu.memory_space<semaphore_mem>>) src(%dma_wait3A_193 : memref<80x128xf32, #tpu.memory_space<vmem>>) dst(%dma_wait3A_199 : memref<5120x128xf32, #tpu.memory_space<vmem_shared>>)
        tpu.yield
      }) : () -> ()
      %add3A_83 = arith.constant 5 : i32
      %add3A_84 = arith.addi %add3A_72, %add3A_83 : i32
      %lt3A = arith.constant 125 : i32
      %lt3A_85 = arith.cmpi slt, %add3A_84, %lt3A : i32
      %convert_element_type3A = arith.extui %lt3A_85 : i1 to i32
      %cond3A = arith.constant 0 : i32
      %cond3A_86 = arith.cmpi ne, %convert_element_type3A, %cond3A : i32
      scf.if %cond3A_86 {
        %add3A_179 = arith.constant 5 : i32
        %add3A_180 = arith.addi %add3A_72, %add3A_179 : i32
        %dma_start3A_181 = arith.constant 0 : i32
        %dma_start3A_182 = arith.constant 0 : i32
        %dma_start3A_183 = arith.constant 0 : i32
        %dma_start3A_184 = tpu.memref_slice %arg9[%dma_start3A_181, %dma_start3A_182, %dma_start3A_183] : memref<5x80x128xf32, #tpu.memory_space<vmem>> -> memref<1x80x128xf32, #tpu.memory_space<vmem>>
        %dma_start3A_185 = tpu.memref_squeeze %dma_start3A_184 : memref<1x80x128xf32, #tpu.memory_space<vmem>> -> memref<80x128xf32, #tpu.memory_space<vmem>>
        %dma_start3A_186 = arith.constant 0 : i32
        %dma_start3A_187 = tpu.memref_slice %arg7[%add3A_180, %dma_start3A_186] : memref<125x80xi32, #tpu.memory_space<vmem>> -> memref<1x80xi32, #tpu.memory_space<vmem>>
        %dma_start3A_188 = tpu.memref_squeeze %dma_start3A_187 : memref<1x80xi32, #tpu.memory_space<vmem>> -> memref<80xi32, #tpu.memory_space<vmem>>
        %dma_start3A_189 = arith.constant 0 : i32
        %dma_start3A_190 = arith.constant 0 : i32
        %dma_start3A_191 = tpu.memref_slice %arg2[%dma_start3A_189, %dma_start3A_190] : memref<10000x128xf32, #tpu.memory_space<hbm>> -> memref<10000x128xf32, #tpu.memory_space<hbm>>
        tpu.enqueue_indirect_dma source(%dma_start3A_191 : memref<10000x128xf32, #tpu.memory_space<hbm>>) target(%dma_start3A_185 : memref<80x128xf32, #tpu.memory_space<vmem>>) offsets(%dma_start3A_188 : memref<80xi32, #tpu.memory_space<vmem>>) semaphore(%arg11 : memref<!tpu.dma_semaphore, #tpu.memory_space<semaphore_mem>>)
      } else {
      }
      %mul3A_87 = arith.constant 5 : i32
      %mul3A_88 = arith.muli %scan3A_68, %mul3A_87 : i32
      %add3A_89 = arith.constant 1 : i32
      %add3A_90 = arith.addi %mul3A_88, %add3A_89 : i32
      %dma_wait3A_91 = arith.constant 1 : i32
      %dma_wait3A_92 = arith.constant 0 : i32
      %dma_wait3A_93 = arith.constant 0 : i32
      %dma_wait3A_94 = tpu.memref_slice %arg9[%dma_wait3A_91, %dma_wait3A_92, %dma_wait3A_93] : memref<5x80x128xf32, #tpu.memory_space<vmem>> -> memref<1x80x128xf32, #tpu.memory_space<vmem>>
      %dma_wait3A_95 = tpu.memref_squeeze %dma_wait3A_94 : memref<1x80x128xf32, #tpu.memory_space<vmem>> -> memref<80x128xf32, #tpu.memory_space<vmem>>
      %dma_wait3A_96 = arith.constant 0 : i32
      %dma_wait3A_97 = tpu.memref_slice %arg7[%add3A_90, %dma_wait3A_96] : memref<125x80xi32, #tpu.memory_space<vmem>> -> memref<1x80xi32, #tpu.memory_space<vmem>>
      %dma_wait3A_98 = tpu.memref_squeeze %dma_wait3A_97 : memref<1x80xi32, #tpu.memory_space<vmem>> -> memref<80xi32, #tpu.memory_space<vmem>>
      %dma_wait3A_99 = arith.constant 0 : i32
      %dma_wait3A_100 = arith.constant 0 : i32
      %dma_wait3A_101 = tpu.memref_slice %arg2[%dma_wait3A_99, %dma_wait3A_100] : memref<10000x128xf32, #tpu.memory_space<hbm>> -> memref<10000x128xf32, #tpu.memory_space<hbm>>
      tpu.wait_indirect_dma semaphore(%arg12 : memref<!tpu.dma_semaphore, #tpu.memory_space<semaphore_mem>>) src(%dma_wait3A_101 : memref<10000x128xf32, #tpu.memory_space<hbm>>) dst(%dma_wait3A_95 : memref<80x128xf32, #tpu.memory_space<vmem>>)
      %run_scoped3A_102 = arith.constant 1 : i32
      "tpu.region"() ({
        %run_scoped3A_179 = tpu.sem_alloc : memref<!tpu.dma_semaphore, #tpu.memory_space<semaphore_mem>>
        %dma_start3A_180 = arith.constant 0 : i32
        %dma_start3A_181 = arith.constant 0 : i32
        %dma_start3A_182 = tpu.memref_slice %arg9[%run_scoped3A_102, %dma_start3A_180, %dma_start3A_181] : memref<5x80x128xf32, #tpu.memory_space<vmem>> -> memref<1x80x128xf32, #tpu.memory_space<vmem>>
        %dma_start3A_183 = tpu.memref_squeeze %dma_start3A_182 : memref<1x80x128xf32, #tpu.memory_space<vmem>> -> memref<80x128xf32, #tpu.memory_space<vmem>>
        %dma_start3A_184 = arith.constant 0 : i32
        %dma_start3A_185 = tpu.memref_slice %arg8[%add3A_90, %dma_start3A_184] : memref<125x80xi32, #tpu.memory_space<vmem>> -> memref<1x80xi32, #tpu.memory_space<vmem>>
        %dma_start3A_186 = tpu.memref_squeeze %dma_start3A_185 : memref<1x80xi32, #tpu.memory_space<vmem>> -> memref<80xi32, #tpu.memory_space<vmem>>
        %dma_start3A_187 = arith.constant 0 : i32
        %dma_start3A_188 = arith.constant 0 : i32
        %dma_start3A_189 = tpu.memref_slice %arg10[%dma_start3A_187, %dma_start3A_188] : memref<5120x128xf32, #tpu.memory_space<vmem_shared>> -> memref<5120x128xf32, #tpu.memory_space<vmem_shared>>
        tpu.enqueue_indirect_dma source(%dma_start3A_183 : memref<80x128xf32, #tpu.memory_space<vmem>>) target(%dma_start3A_189 : memref<5120x128xf32, #tpu.memory_space<vmem_shared>>) offsets(%dma_start3A_186 : memref<80xi32, #tpu.memory_space<vmem>>) semaphore(%run_scoped3A_179 : memref<!tpu.dma_semaphore, #tpu.memory_space<semaphore_mem>>) {add = true}
        %dma_wait3A_190 = arith.constant 0 : i32
        %dma_wait3A_191 = arith.constant 0 : i32
        %dma_wait3A_192 = tpu.memref_slice %arg9[%run_scoped3A_102, %dma_wait3A_190, %dma_wait3A_191] : memref<5x80x128xf32, #tpu.memory_space<vmem>> -> memref<1x80x128xf32, #tpu.memory_space<vmem>>
        %dma_wait3A_193 = tpu.memref_squeeze %dma_wait3A_192 : memref<1x80x128xf32, #tpu.memory_space<vmem>> -> memref<80x128xf32, #tpu.memory_space<vmem>>
        %dma_wait3A_194 = arith.constant 0 : i32
        %dma_wait3A_195 = tpu.memref_slice %arg8[%add3A_90, %dma_wait3A_194] : memref<125x80xi32, #tpu.memory_space<vmem>> -> memref<1x80xi32, #tpu.memory_space<vmem>>
        %dma_wait3A_196 = tpu.memref_squeeze %dma_wait3A_195 : memref<1x80xi32, #tpu.memory_space<vmem>> -> memref<80xi32, #tpu.memory_space<vmem>>
        %dma_wait3A_197 = arith.constant 0 : i32
        %dma_wait3A_198 = arith.constant 0 : i32
        %dma_wait3A_199 = tpu.memref_slice %arg10[%dma_wait3A_197, %dma_wait3A_198] : memref<5120x128xf32, #tpu.memory_space<vmem_shared>> -> memref<5120x128xf32, #tpu.memory_space<vmem_shared>>
        tpu.wait_indirect_dma semaphore(%run_scoped3A_179 : memref<!tpu.dma_semaphore, #tpu.memory_space<semaphore_mem>>) src(%dma_wait3A_193 : memref<80x128xf32, #tpu.memory_space<vmem>>) dst(%dma_wait3A_199 : memref<5120x128xf32, #tpu.memory_space<vmem_shared>>)
        tpu.yield
      }) : () -> ()
      %add3A_103 = arith.constant 5 : i32
      %add3A_104 = arith.addi %add3A_90, %add3A_103 : i32
      %lt3A_105 = arith.constant 125 : i32
      %lt3A_106 = arith.cmpi slt, %add3A_104, %lt3A_105 : i32
      %convert_element_type3A_107 = arith.extui %lt3A_106 : i1 to i32
      %cond3A_108 = arith.constant 0 : i32
      %cond3A_109 = arith.cmpi ne, %convert_element_type3A_107, %cond3A_108 : i32
      scf.if %cond3A_109 {
        %add3A_179 = arith.constant 5 : i32
        %add3A_180 = arith.addi %add3A_90, %add3A_179 : i32
        %dma_start3A_181 = arith.constant 1 : i32
        %dma_start3A_182 = arith.constant 0 : i32
        %dma_start3A_183 = arith.constant 0 : i32
        %dma_start3A_184 = tpu.memref_slice %arg9[%dma_start3A_181, %dma_start3A_182, %dma_start3A_183] : memref<5x80x128xf32, #tpu.memory_space<vmem>> -> memref<1x80x128xf32, #tpu.memory_space<vmem>>
        %dma_start3A_185 = tpu.memref_squeeze %dma_start3A_184 : memref<1x80x128xf32, #tpu.memory_space<vmem>> -> memref<80x128xf32, #tpu.memory_space<vmem>>
        %dma_start3A_186 = arith.constant 0 : i32
        %dma_start3A_187 = tpu.memref_slice %arg7[%add3A_180, %dma_start3A_186] : memref<125x80xi32, #tpu.memory_space<vmem>> -> memref<1x80xi32, #tpu.memory_space<vmem>>
        %dma_start3A_188 = tpu.memref_squeeze %dma_start3A_187 : memref<1x80xi32, #tpu.memory_space<vmem>> -> memref<80xi32, #tpu.memory_space<vmem>>
        %dma_start3A_189 = arith.constant 0 : i32
        %dma_start3A_190 = arith.constant 0 : i32
        %dma_start3A_191 = tpu.memref_slice %arg2[%dma_start3A_189, %dma_start3A_190] : memref<10000x128xf32, #tpu.memory_space<hbm>> -> memref<10000x128xf32, #tpu.memory_space<hbm>>
        tpu.enqueue_indirect_dma source(%dma_start3A_191 : memref<10000x128xf32, #tpu.memory_space<hbm>>) target(%dma_start3A_185 : memref<80x128xf32, #tpu.memory_space<vmem>>) offsets(%dma_start3A_188 : memref<80xi32, #tpu.memory_space<vmem>>) semaphore(%arg12 : memref<!tpu.dma_semaphore, #tpu.memory_space<semaphore_mem>>)
      } else {
      }
      %mul3A_110 = arith.constant 5 : i32
      %mul3A_111 = arith.muli %scan3A_68, %mul3A_110 : i32
      %add3A_112 = arith.constant 2 : i32
      %add3A_113 = arith.addi %mul3A_111, %add3A_112 : i32
      %dma_wait3A_114 = arith.constant 2 : i32
      %dma_wait3A_115 = arith.constant 0 : i32
      %dma_wait3A_116 = arith.constant 0 : i32
      %dma_wait3A_117 = tpu.memref_slice %arg9[%dma_wait3A_114, %dma_wait3A_115, %dma_wait3A_116] : memref<5x80x128xf32, #tpu.memory_space<vmem>> -> memref<1x80x128xf32, #tpu.memory_space<vmem>>
      %dma_wait3A_118 = tpu.memref_squeeze %dma_wait3A_117 : memref<1x80x128xf32, #tpu.memory_space<vmem>> -> memref<80x128xf32, #tpu.memory_space<vmem>>
      %dma_wait3A_119 = arith.constant 0 : i32
      %dma_wait3A_120 = tpu.memref_slice %arg7[%add3A_113, %dma_wait3A_119] : memref<125x80xi32, #tpu.memory_space<vmem>> -> memref<1x80xi32, #tpu.memory_space<vmem>>
      %dma_wait3A_121 = tpu.memref_squeeze %dma_wait3A_120 : memref<1x80xi32, #tpu.memory_space<vmem>> -> memref<80xi32, #tpu.memory_space<vmem>>
      %dma_wait3A_122 = arith.constant 0 : i32
      %dma_wait3A_123 = arith.constant 0 : i32
      %dma_wait3A_124 = tpu.memref_slice %arg2[%dma_wait3A_122, %dma_wait3A_123] : memref<10000x128xf32, #tpu.memory_space<hbm>> -> memref<10000x128xf32, #tpu.memory_space<hbm>>
      tpu.wait_indirect_dma semaphore(%arg13 : memref<!tpu.dma_semaphore, #tpu.memory_space<semaphore_mem>>) src(%dma_wait3A_124 : memref<10000x128xf32, #tpu.memory_space<hbm>>) dst(%dma_wait3A_118 : memref<80x128xf32, #tpu.memory_space<vmem>>)
      %run_scoped3A_125 = arith.constant 2 : i32
      "tpu.region"() ({
        %run_scoped3A_179 = tpu.sem_alloc : memref<!tpu.dma_semaphore, #tpu.memory_space<semaphore_mem>>
        %dma_start3A_180 = arith.constant 0 : i32
        %dma_start3A_181 = arith.constant 0 : i32
        %dma_start3A_182 = tpu.memref_slice %arg9[%run_scoped3A_125, %dma_start3A_180, %dma_start3A_181] : memref<5x80x128xf32, #tpu.memory_space<vmem>> -> memref<1x80x128xf32, #tpu.memory_space<vmem>>
        %dma_start3A_183 = tpu.memref_squeeze %dma_start3A_182 : memref<1x80x128xf32, #tpu.memory_space<vmem>> -> memref<80x128xf32, #tpu.memory_space<vmem>>
        %dma_start3A_184 = arith.constant 0 : i32
        %dma_start3A_185 = tpu.memref_slice %arg8[%add3A_113, %dma_start3A_184] : memref<125x80xi32, #tpu.memory_space<vmem>> -> memref<1x80xi32, #tpu.memory_space<vmem>>
        %dma_start3A_186 = tpu.memref_squeeze %dma_start3A_185 : memref<1x80xi32, #tpu.memory_space<vmem>> -> memref<80xi32, #tpu.memory_space<vmem>>
        %dma_start3A_187 = arith.constant 0 : i32
        %dma_start3A_188 = arith.constant 0 : i32
        %dma_start3A_189 = tpu.memref_slice %arg10[%dma_start3A_187, %dma_start3A_188] : memref<5120x128xf32, #tpu.memory_space<vmem_shared>> -> memref<5120x128xf32, #tpu.memory_space<vmem_shared>>
        tpu.enqueue_indirect_dma source(%dma_start3A_183 : memref<80x128xf32, #tpu.memory_space<vmem>>) target(%dma_start3A_189 : memref<5120x128xf32, #tpu.memory_space<vmem_shared>>) offsets(%dma_start3A_186 : memref<80xi32, #tpu.memory_space<vmem>>) semaphore(%run_scoped3A_179 : memref<!tpu.dma_semaphore, #tpu.memory_space<semaphore_mem>>) {add = true}
        %dma_wait3A_190 = arith.constant 0 : i32
        %dma_wait3A_191 = arith.constant 0 : i32
        %dma_wait3A_192 = tpu.memref_slice %arg9[%run_scoped3A_125, %dma_wait3A_190, %dma_wait3A_191] : memref<5x80x128xf32, #tpu.memory_space<vmem>> -> memref<1x80x128xf32, #tpu.memory_space<vmem>>
        %dma_wait3A_193 = tpu.memref_squeeze %dma_wait3A_192 : memref<1x80x128xf32, #tpu.memory_space<vmem>> -> memref<80x128xf32, #tpu.memory_space<vmem>>
        %dma_wait3A_194 = arith.constant 0 : i32
        %dma_wait3A_195 = tpu.memref_slice %arg8[%add3A_113, %dma_wait3A_194] : memref<125x80xi32, #tpu.memory_space<vmem>> -> memref<1x80xi32, #tpu.memory_space<vmem>>
        %dma_wait3A_196 = tpu.memref_squeeze %dma_wait3A_195 : memref<1x80xi32, #tpu.memory_space<vmem>> -> memref<80xi32, #tpu.memory_space<vmem>>
        %dma_wait3A_197 = arith.constant 0 : i32
        %dma_wait3A_198 = arith.constant 0 : i32
        %dma_wait3A_199 = tpu.memref_slice %arg10[%dma_wait3A_197, %dma_wait3A_198] : memref<5120x128xf32, #tpu.memory_space<vmem_shared>> -> memref<5120x128xf32, #tpu.memory_space<vmem_shared>>
        tpu.wait_indirect_dma semaphore(%run_scoped3A_179 : memref<!tpu.dma_semaphore, #tpu.memory_space<semaphore_mem>>) src(%dma_wait3A_193 : memref<80x128xf32, #tpu.memory_space<vmem>>) dst(%dma_wait3A_199 : memref<5120x128xf32, #tpu.memory_space<vmem_shared>>)
        tpu.yield
      }) : () -> ()
      %add3A_126 = arith.constant 5 : i32
      %add3A_127 = arith.addi %add3A_113, %add3A_126 : i32
      %lt3A_128 = arith.constant 125 : i32
      %lt3A_129 = arith.cmpi slt, %add3A_127, %lt3A_128 : i32
      %convert_element_type3A_130 = arith.extui %lt3A_129 : i1 to i32
      %cond3A_131 = arith.constant 0 : i32
      %cond3A_132 = arith.cmpi ne, %convert_element_type3A_130, %cond3A_131 : i32
      scf.if %cond3A_132 {
        %add3A_179 = arith.constant 5 : i32
        %add3A_180 = arith.addi %add3A_113, %add3A_179 : i32
        %dma_start3A_181 = arith.constant 2 : i32
        %dma_start3A_182 = arith.constant 0 : i32
        %dma_start3A_183 = arith.constant 0 : i32
        %dma_start3A_184 = tpu.memref_slice %arg9[%dma_start3A_181, %dma_start3A_182, %dma_start3A_183] : memref<5x80x128xf32, #tpu.memory_space<vmem>> -> memref<1x80x128xf32, #tpu.memory_space<vmem>>
        %dma_start3A_185 = tpu.memref_squeeze %dma_start3A_184 : memref<1x80x128xf32, #tpu.memory_space<vmem>> -> memref<80x128xf32, #tpu.memory_space<vmem>>
        %dma_start3A_186 = arith.constant 0 : i32
        %dma_start3A_187 = tpu.memref_slice %arg7[%add3A_180, %dma_start3A_186] : memref<125x80xi32, #tpu.memory_space<vmem>> -> memref<1x80xi32, #tpu.memory_space<vmem>>
        %dma_start3A_188 = tpu.memref_squeeze %dma_start3A_187 : memref<1x80xi32, #tpu.memory_space<vmem>> -> memref<80xi32, #tpu.memory_space<vmem>>
        %dma_start3A_189 = arith.constant 0 : i32
        %dma_start3A_190 = arith.constant 0 : i32
        %dma_start3A_191 = tpu.memref_slice %arg2[%dma_start3A_189, %dma_start3A_190] : memref<10000x128xf32, #tpu.memory_space<hbm>> -> memref<10000x128xf32, #tpu.memory_space<hbm>>
        tpu.enqueue_indirect_dma source(%dma_start3A_191 : memref<10000x128xf32, #tpu.memory_space<hbm>>) target(%dma_start3A_185 : memref<80x128xf32, #tpu.memory_space<vmem>>) offsets(%dma_start3A_188 : memref<80xi32, #tpu.memory_space<vmem>>) semaphore(%arg13 : memref<!tpu.dma_semaphore, #tpu.memory_space<semaphore_mem>>)
      } else {
      }
      %mul3A_133 = arith.constant 5 : i32
      %mul3A_134 = arith.muli %scan3A_68, %mul3A_133 : i32
      %add3A_135 = arith.constant 3 : i32
      %add3A_136 = arith.addi %mul3A_134, %add3A_135 : i32
      %dma_wait3A_137 = arith.constant 3 : i32
      %dma_wait3A_138 = arith.constant 0 : i32
      %dma_wait3A_139 = arith.constant 0 : i32
      %dma_wait3A_140 = tpu.memref_slice %arg9[%dma_wait3A_137, %dma_wait3A_138, %dma_wait3A_139] : memref<5x80x128xf32, #tpu.memory_space<vmem>> -> memref<1x80x128xf32, #tpu.memory_space<vmem>>
      %dma_wait3A_141 = tpu.memref_squeeze %dma_wait3A_140 : memref<1x80x128xf32, #tpu.memory_space<vmem>> -> memref<80x128xf32, #tpu.memory_space<vmem>>
      %dma_wait3A_142 = arith.constant 0 : i32
      %dma_wait3A_143 = tpu.memref_slice %arg7[%add3A_136, %dma_wait3A_142] : memref<125x80xi32, #tpu.memory_space<vmem>> -> memref<1x80xi32, #tpu.memory_space<vmem>>
      %dma_wait3A_144 = tpu.memref_squeeze %dma_wait3A_143 : memref<1x80xi32, #tpu.memory_space<vmem>> -> memref<80xi32, #tpu.memory_space<vmem>>
      %dma_wait3A_145 = arith.constant 0 : i32
      %dma_wait3A_146 = arith.constant 0 : i32
      %dma_wait3A_147 = tpu.memref_slice %arg2[%dma_wait3A_145, %dma_wait3A_146] : memref<10000x128xf32, #tpu.memory_space<hbm>> -> memref<10000x128xf32, #tpu.memory_space<hbm>>
      tpu.wait_indirect_dma semaphore(%arg14 : memref<!tpu.dma_semaphore, #tpu.memory_space<semaphore_mem>>) src(%dma_wait3A_147 : memref<10000x128xf32, #tpu.memory_space<hbm>>) dst(%dma_wait3A_141 : memref<80x128xf32, #tpu.memory_space<vmem>>)
      %run_scoped3A_148 = arith.constant 3 : i32
      "tpu.region"() ({
        %run_scoped3A_179 = tpu.sem_alloc : memref<!tpu.dma_semaphore, #tpu.memory_space<semaphore_mem>>
        %dma_start3A_180 = arith.constant 0 : i32
        %dma_start3A_181 = arith.constant 0 : i32
        %dma_start3A_182 = tpu.memref_slice %arg9[%run_scoped3A_148, %dma_start3A_180, %dma_start3A_181] : memref<5x80x128xf32, #tpu.memory_space<vmem>> -> memref<1x80x128xf32, #tpu.memory_space<vmem>>
        %dma_start3A_183 = tpu.memref_squeeze %dma_start3A_182 : memref<1x80x128xf32, #tpu.memory_space<vmem>> -> memref<80x128xf32, #tpu.memory_space<vmem>>
        %dma_start3A_184 = arith.constant 0 : i32
        %dma_start3A_185 = tpu.memref_slice %arg8[%add3A_136, %dma_start3A_184] : memref<125x80xi32, #tpu.memory_space<vmem>> -> memref<1x80xi32, #tpu.memory_space<vmem>>
        %dma_start3A_186 = tpu.memref_squeeze %dma_start3A_185 : memref<1x80xi32, #tpu.memory_space<vmem>> -> memref<80xi32, #tpu.memory_space<vmem>>
        %dma_start3A_187 = arith.constant 0 : i32
        %dma_start3A_188 = arith.constant 0 : i32
        %dma_start3A_189 = tpu.memref_slice %arg10[%dma_start3A_187, %dma_start3A_188] : memref<5120x128xf32, #tpu.memory_space<vmem_shared>> -> memref<5120x128xf32, #tpu.memory_space<vmem_shared>>
        tpu.enqueue_indirect_dma source(%dma_start3A_183 : memref<80x128xf32, #tpu.memory_space<vmem>>) target(%dma_start3A_189 : memref<5120x128xf32, #tpu.memory_space<vmem_shared>>) offsets(%dma_start3A_186 : memref<80xi32, #tpu.memory_space<vmem>>) semaphore(%run_scoped3A_179 : memref<!tpu.dma_semaphore, #tpu.memory_space<semaphore_mem>>) {add = true}
        %dma_wait3A_190 = arith.constant 0 : i32
        %dma_wait3A_191 = arith.constant 0 : i32
        %dma_wait3A_192 = tpu.memref_slice %arg9[%run_scoped3A_148, %dma_wait3A_190, %dma_wait3A_191] : memref<5x80x128xf32, #tpu.memory_space<vmem>> -> memref<1x80x128xf32, #tpu.memory_space<vmem>>
        %dma_wait3A_193 = tpu.memref_squeeze %dma_wait3A_192 : memref<1x80x128xf32, #tpu.memory_space<vmem>> -> memref<80x128xf32, #tpu.memory_space<vmem>>
        %dma_wait3A_194 = arith.constant 0 : i32
        %dma_wait3A_195 = tpu.memref_slice %arg8[%add3A_136, %dma_wait3A_194] : memref<125x80xi32, #tpu.memory_space<vmem>> -> memref<1x80xi32, #tpu.memory_space<vmem>>
        %dma_wait3A_196 = tpu.memref_squeeze %dma_wait3A_195 : memref<1x80xi32, #tpu.memory_space<vmem>> -> memref<80xi32, #tpu.memory_space<vmem>>
        %dma_wait3A_197 = arith.constant 0 : i32
        %dma_wait3A_198 = arith.constant 0 : i32
        %dma_wait3A_199 = tpu.memref_slice %arg10[%dma_wait3A_197, %dma_wait3A_198] : memref<5120x128xf32, #tpu.memory_space<vmem_shared>> -> memref<5120x128xf32, #tpu.memory_space<vmem_shared>>
        tpu.wait_indirect_dma semaphore(%run_scoped3A_179 : memref<!tpu.dma_semaphore, #tpu.memory_space<semaphore_mem>>) src(%dma_wait3A_193 : memref<80x128xf32, #tpu.memory_space<vmem>>) dst(%dma_wait3A_199 : memref<5120x128xf32, #tpu.memory_space<vmem_shared>>)
        tpu.yield
      }) : () -> ()
      %add3A_149 = arith.constant 5 : i32
      %add3A_150 = arith.addi %add3A_136, %add3A_149 : i32
      %lt3A_151 = arith.constant 125 : i32
      %lt3A_152 = arith.cmpi slt, %add3A_150, %lt3A_151 : i32
      %convert_element_type3A_153 = arith.extui %lt3A_152 : i1 to i32
      %cond3A_154 = arith.constant 0 : i32
      %cond3A_155 = arith.cmpi ne, %convert_element_type3A_153, %cond3A_154 : i32
      scf.if %cond3A_155 {
        %add3A_179 = arith.constant 5 : i32
        %add3A_180 = arith.addi %add3A_136, %add3A_179 : i32
        %dma_start3A_181 = arith.constant 3 : i32
        %dma_start3A_182 = arith.constant 0 : i32
        %dma_start3A_183 = arith.constant 0 : i32
        %dma_start3A_184 = tpu.memref_slice %arg9[%dma_start3A_181, %dma_start3A_182, %dma_start3A_183] : memref<5x80x128xf32, #tpu.memory_space<vmem>> -> memref<1x80x128xf32, #tpu.memory_space<vmem>>
        %dma_start3A_185 = tpu.memref_squeeze %dma_start3A_184 : memref<1x80x128xf32, #tpu.memory_space<vmem>> -> memref<80x128xf32, #tpu.memory_space<vmem>>
        %dma_start3A_186 = arith.constant 0 : i32
        %dma_start3A_187 = tpu.memref_slice %arg7[%add3A_180, %dma_start3A_186] : memref<125x80xi32, #tpu.memory_space<vmem>> -> memref<1x80xi32, #tpu.memory_space<vmem>>
        %dma_start3A_188 = tpu.memref_squeeze %dma_start3A_187 : memref<1x80xi32, #tpu.memory_space<vmem>> -> memref<80xi32, #tpu.memory_space<vmem>>
        %dma_start3A_189 = arith.constant 0 : i32
        %dma_start3A_190 = arith.constant 0 : i32
        %dma_start3A_191 = tpu.memref_slice %arg2[%dma_start3A_189, %dma_start3A_190] : memref<10000x128xf32, #tpu.memory_space<hbm>> -> memref<10000x128xf32, #tpu.memory_space<hbm>>
        tpu.enqueue_indirect_dma source(%dma_start3A_191 : memref<10000x128xf32, #tpu.memory_space<hbm>>) target(%dma_start3A_185 : memref<80x128xf32, #tpu.memory_space<vmem>>) offsets(%dma_start3A_188 : memref<80xi32, #tpu.memory_space<vmem>>) semaphore(%arg14 : memref<!tpu.dma_semaphore, #tpu.memory_space<semaphore_mem>>)
      } else {
      }
      %mul3A_156 = arith.constant 5 : i32
      %mul3A_157 = arith.muli %scan3A_68, %mul3A_156 : i32
      %add3A_158 = arith.constant 4 : i32
      %add3A_159 = arith.addi %mul3A_157, %add3A_158 : i32
      %dma_wait3A_160 = arith.constant 4 : i32
      %dma_wait3A_161 = arith.constant 0 : i32
      %dma_wait3A_162 = arith.constant 0 : i32
      %dma_wait3A_163 = tpu.memref_slice %arg9[%dma_wait3A_160, %dma_wait3A_161, %dma_wait3A_162] : memref<5x80x128xf32, #tpu.memory_space<vmem>> -> memref<1x80x128xf32, #tpu.memory_space<vmem>>
      %dma_wait3A_164 = tpu.memref_squeeze %dma_wait3A_163 : memref<1x80x128xf32, #tpu.memory_space<vmem>> -> memref<80x128xf32, #tpu.memory_space<vmem>>
      %dma_wait3A_165 = arith.constant 0 : i32
      %dma_wait3A_166 = tpu.memref_slice %arg7[%add3A_159, %dma_wait3A_165] : memref<125x80xi32, #tpu.memory_space<vmem>> -> memref<1x80xi32, #tpu.memory_space<vmem>>
      %dma_wait3A_167 = tpu.memref_squeeze %dma_wait3A_166 : memref<1x80xi32, #tpu.memory_space<vmem>> -> memref<80xi32, #tpu.memory_space<vmem>>
      %dma_wait3A_168 = arith.constant 0 : i32
      %dma_wait3A_169 = arith.constant 0 : i32
      %dma_wait3A_170 = tpu.memref_slice %arg2[%dma_wait3A_168, %dma_wait3A_169] : memref<10000x128xf32, #tpu.memory_space<hbm>> -> memref<10000x128xf32, #tpu.memory_space<hbm>>
      tpu.wait_indirect_dma semaphore(%arg15 : memref<!tpu.dma_semaphore, #tpu.memory_space<semaphore_mem>>) src(%dma_wait3A_170 : memref<10000x128xf32, #tpu.memory_space<hbm>>) dst(%dma_wait3A_164 : memref<80x128xf32, #tpu.memory_space<vmem>>)
      %run_scoped3A_171 = arith.constant 4 : i32
      "tpu.region"() ({
        %run_scoped3A_179 = tpu.sem_alloc : memref<!tpu.dma_semaphore, #tpu.memory_space<semaphore_mem>>
        %dma_start3A_180 = arith.constant 0 : i32
        %dma_start3A_181 = arith.constant 0 : i32
        %dma_start3A_182 = tpu.memref_slice %arg9[%run_scoped3A_171, %dma_start3A_180, %dma_start3A_181] : memref<5x80x128xf32, #tpu.memory_space<vmem>> -> memref<1x80x128xf32, #tpu.memory_space<vmem>>
        %dma_start3A_183 = tpu.memref_squeeze %dma_start3A_182 : memref<1x80x128xf32, #tpu.memory_space<vmem>> -> memref<80x128xf32, #tpu.memory_space<vmem>>
        %dma_start3A_184 = arith.constant 0 : i32
        %dma_start3A_185 = tpu.memref_slice %arg8[%add3A_159, %dma_start3A_184] : memref<125x80xi32, #tpu.memory_space<vmem>> -> memref<1x80xi32, #tpu.memory_space<vmem>>
        %dma_start3A_186 = tpu.memref_squeeze %dma_start3A_185 : memref<1x80xi32, #tpu.memory_space<vmem>> -> memref<80xi32, #tpu.memory_space<vmem>>
        %dma_start3A_187 = arith.constant 0 : i32
        %dma_start3A_188 = arith.constant 0 : i32
        %dma_start3A_189 = tpu.memref_slice %arg10[%dma_start3A_187, %dma_start3A_188] : memref<5120x128xf32, #tpu.memory_space<vmem_shared>> -> memref<5120x128xf32, #tpu.memory_space<vmem_shared>>
        tpu.enqueue_indirect_dma source(%dma_start3A_183 : memref<80x128xf32, #tpu.memory_space<vmem>>) target(%dma_start3A_189 : memref<5120x128xf32, #tpu.memory_space<vmem_shared>>) offsets(%dma_start3A_186 : memref<80xi32, #tpu.memory_space<vmem>>) semaphore(%run_scoped3A_179 : memref<!tpu.dma_semaphore, #tpu.memory_space<semaphore_mem>>) {add = true}
        %dma_wait3A_190 = arith.constant 0 : i32
        %dma_wait3A_191 = arith.constant 0 : i32
        %dma_wait3A_192 = tpu.memref_slice %arg9[%run_scoped3A_171, %dma_wait3A_190, %dma_wait3A_191] : memref<5x80x128xf32, #tpu.memory_space<vmem>> -> memref<1x80x128xf32, #tpu.memory_space<vmem>>
        %dma_wait3A_193 = tpu.memref_squeeze %dma_wait3A_192 : memref<1x80x128xf32, #tpu.memory_space<vmem>> -> memref<80x128xf32, #tpu.memory_space<vmem>>
        %dma_wait3A_194 = arith.constant 0 : i32
        %dma_wait3A_195 = tpu.memref_slice %arg8[%add3A_159, %dma_wait3A_194] : memref<125x80xi32, #tpu.memory_space<vmem>> -> memref<1x80xi32, #tpu.memory_space<vmem>>
        %dma_wait3A_196 = tpu.memref_squeeze %dma_wait3A_195 : memref<1x80xi32, #tpu.memory_space<vmem>> -> memref<80xi32, #tpu.memory_space<vmem>>
        %dma_wait3A_197 = arith.constant 0 : i32
        %dma_wait3A_198 = arith.constant 0 : i32
        %dma_wait3A_199 = tpu.memref_slice %arg10[%dma_wait3A_197, %dma_wait3A_198] : memref<5120x128xf32, #tpu.memory_space<vmem_shared>> -> memref<5120x128xf32, #tpu.memory_space<vmem_shared>>
        tpu.wait_indirect_dma semaphore(%run_scoped3A_179 : memref<!tpu.dma_semaphore, #tpu.memory_space<semaphore_mem>>) src(%dma_wait3A_193 : memref<80x128xf32, #tpu.memory_space<vmem>>) dst(%dma_wait3A_199 : memref<5120x128xf32, #tpu.memory_space<vmem_shared>>)
        tpu.yield
      }) : () -> ()
      %add3A_172 = arith.constant 5 : i32
      %add3A_173 = arith.addi %add3A_159, %add3A_172 : i32
      %lt3A_174 = arith.constant 125 : i32
      %lt3A_175 = arith.cmpi slt, %add3A_173, %lt3A_174 : i32
      %convert_element_type3A_176 = arith.extui %lt3A_175 : i1 to i32
      %cond3A_177 = arith.constant 0 : i32
      %cond3A_178 = arith.cmpi ne, %convert_element_type3A_176, %cond3A_177 : i32
      scf.if %cond3A_178 {
        %add3A_179 = arith.constant 5 : i32
        %add3A_180 = arith.addi %add3A_159, %add3A_179 : i32
        %dma_start3A_181 = arith.constant 4 : i32
        %dma_start3A_182 = arith.constant 0 : i32
        %dma_start3A_183 = arith.constant 0 : i32
        %dma_start3A_184 = tpu.memref_slice %arg9[%dma_start3A_181, %dma_start3A_182, %dma_start3A_183] : memref<5x80x128xf32, #tpu.memory_space<vmem>> -> memref<1x80x128xf32, #tpu.memory_space<vmem>>
        %dma_start3A_185 = tpu.memref_squeeze %dma_start3A_184 : memref<1x80x128xf32, #tpu.memory_space<vmem>> -> memref<80x128xf32, #tpu.memory_space<vmem>>
        %dma_start3A_186 = arith.constant 0 : i32
        %dma_start3A_187 = tpu.memref_slice %arg7[%add3A_180, %dma_start3A_186] : memref<125x80xi32, #tpu.memory_space<vmem>> -> memref<1x80xi32, #tpu.memory_space<vmem>>
        %dma_start3A_188 = tpu.memref_squeeze %dma_start3A_187 : memref<1x80xi32, #tpu.memory_space<vmem>> -> memref<80xi32, #tpu.memory_space<vmem>>
        %dma_start3A_189 = arith.constant 0 : i32
        %dma_start3A_190 = arith.constant 0 : i32
        %dma_start3A_191 = tpu.memref_slice %arg2[%dma_start3A_189, %dma_start3A_190] : memref<10000x128xf32, #tpu.memory_space<hbm>> -> memref<10000x128xf32, #tpu.memory_space<hbm>>
        tpu.enqueue_indirect_dma source(%dma_start3A_191 : memref<10000x128xf32, #tpu.memory_space<hbm>>) target(%dma_start3A_185 : memref<80x128xf32, #tpu.memory_space<vmem>>) offsets(%dma_start3A_188 : memref<80xi32, #tpu.memory_space<vmem>>) semaphore(%arg15 : memref<!tpu.dma_semaphore, #tpu.memory_space<semaphore_mem>>)
      } else {
      }
    }
    %scan3A_66 = arith.constant 25 : i32
    %barrier3A_67 = arith.constant 0 : index
    tpu.barrier barrier_id(%barrier3A_67)
    "tpu.region"() ({
      %run_scoped3A = tpu.sem_alloc : memref<!tpu.dma_semaphore, #tpu.memory_space<semaphore_mem>>
      %dma_start3A_68 = arith.constant 0 : i32
      %dma_start3A_69 = arith.constant 0 : i32
      %dma_start3A_70 = tpu.memref_slice %arg6[%arg0, %dma_start3A_68, %dma_start3A_69] : memref<2x5120x128xf32, #tpu.memory_space<hbm>> -> memref<1x5120x128xf32, #tpu.memory_space<hbm>>
      %dma_start3A_71 = tpu.memref_squeeze %dma_start3A_70 : memref<1x5120x128xf32, #tpu.memory_space<hbm>> -> memref<5120x128xf32, #tpu.memory_space<hbm>>
      %dma_start3A_72 = arith.constant 0 : i32
      %dma_start3A_73 = tpu.memref_slice %dma_start3A_71[%mul3A_2, %dma_start3A_72] : memref<5120x128xf32, #tpu.memory_space<hbm>> -> memref<320x128xf32, #tpu.memory_space<hbm>>
      %dma_start3A_74 = arith.constant 0 : i32
      %dma_start3A_75 = tpu.memref_slice %arg10[%mul3A_2, %dma_start3A_74] : memref<5120x128xf32, #tpu.memory_space<vmem_shared>> -> memref<320x128xf32, #tpu.memory_space<vmem_shared>>
      tpu.enqueue_dma source(%dma_start3A_75 : memref<320x128xf32, #tpu.memory_space<vmem_shared>>) target(%dma_start3A_73 : memref<320x128xf32, #tpu.memory_space<hbm>>) target_semaphore(%run_scoped3A : memref<!tpu.dma_semaphore, #tpu.memory_space<semaphore_mem>>)
      %dma_wait3A = arith.constant 0 : i32
      %dma_wait3A_76 = arith.constant 0 : i32
      %dma_wait3A_77 = tpu.memref_slice %arg6[%arg0, %dma_wait3A, %dma_wait3A_76] : memref<2x5120x128xf32, #tpu.memory_space<hbm>> -> memref<1x5120x128xf32, #tpu.memory_space<hbm>>
      %dma_wait3A_78 = tpu.memref_squeeze %dma_wait3A_77 : memref<1x5120x128xf32, #tpu.memory_space<hbm>> -> memref<5120x128xf32, #tpu.memory_space<hbm>>
      %dma_wait3A_79 = arith.constant 0 : i32
      %dma_wait3A_80 = tpu.memref_slice %dma_wait3A_78[%mul3A_2, %dma_wait3A_79] : memref<5120x128xf32, #tpu.memory_space<hbm>> -> memref<320x128xf32, #tpu.memory_space<hbm>>
      %dma_wait3A_81 = arith.constant 0 : i32
      %dma_wait3A_82 = tpu.memref_slice %arg10[%mul3A_2, %dma_wait3A_81] : memref<5120x128xf32, #tpu.memory_space<vmem_shared>> -> memref<320x128xf32, #tpu.memory_space<vmem_shared>>
      tpu.wait_dma2 semaphore(%run_scoped3A : memref<!tpu.dma_semaphore, #tpu.memory_space<semaphore_mem>>) src(%dma_wait3A_82 : memref<320x128xf32, #tpu.memory_space<vmem_shared>>) dst(%dma_wait3A_80 : memref<320x128xf32, #tpu.memory_space<hbm>>)
      tpu.yield
    }) : () -> ()
    return
  }
}

#map = affine_map<(d0, d1) -> (0, 0)>
#map1 = affine_map<(d0, d1) -> (0, 0, 0)>
module attributes {stable_mosaic.version = 14 : i64} {
  func.func @_agg_kernel(%arg0: i32, %arg1: i32, %arg2: memref<10000x128xf32, #tpu.memory_space<hbm>>, %arg3: memref<32x125x80xi32, #tpu.memory_space<hbm>>, %arg4: memref<32x125x80xi32, #tpu.memory_space<hbm>>, %arg5: memref<320x128xf32, #tpu.memory_space<hbm>>, %arg6: memref<2x5120x128xf32, #tpu.memory_space<hbm>>, %arg7: memref<125x80xi32, #tpu.memory_space<vmem>>, %arg8: memref<125x80xi32, #tpu.memory_space<vmem>>, %arg9: memref<5x80x128xf32, #tpu.memory_space<vmem>>, %arg10: memref<5120x128xf32, #tpu.memory_space<vmem_shared>>, %arg11: memref<!tpu.dma_semaphore, #tpu.memory_space<semaphore_mem>>, %arg12: memref<!tpu.dma_semaphore, #tpu.memory_space<semaphore_mem>>, %arg13: memref<!tpu.dma_semaphore, #tpu.memory_space<semaphore_mem>>, %arg14: memref<!tpu.dma_semaphore, #tpu.memory_space<semaphore_mem>>, %arg15: memref<!tpu.dma_semaphore, #tpu.memory_space<semaphore_mem>>) attributes {dimension_semantics = [#tpu.dimension_semantics<core_parallel>, #tpu.dimension_semantics<subcore_parallel>], iteration_bounds = array<i64: 2, 16>, scalar_prefetch = 0 : i64, scratch_operands = 9 : i64, tpu.core_type = #tpu.core_type<sc_vector_subcore>, window_params = [{transform_indices = #map}, {transform_indices = #map1}, {transform_indices = #map1}, {transform_indices = #map}, {transform_indices = #map1}]} {
    %mul3A = arith.constant 2 : i32
    %mul3A_0 = arith.muli %arg1, %mul3A : i32
    %add3A = arith.addi %mul3A_0, %arg0 : i32
    "tpu.region"() ({
      %run_scoped3A = tpu.sem_alloc : memref<!tpu.dma_semaphore, #tpu.memory_space<semaphore_mem>>
      %dma_start3A_68 = arith.constant 0 : i32
      %dma_start3A_69 = arith.constant 0 : i32
      %dma_start3A_70 = tpu.memref_slice %arg3[%add3A, %dma_start3A_68, %dma_start3A_69] : memref<32x125x80xi32, #tpu.memory_space<hbm>> -> memref<1x125x80xi32, #tpu.memory_space<hbm>>
      %dma_start3A_71 = tpu.memref_squeeze %dma_start3A_70 : memref<1x125x80xi32, #tpu.memory_space<hbm>> -> memref<125x80xi32, #tpu.memory_space<hbm>>
      %dma_start3A_72 = arith.constant 0 : i32
      %dma_start3A_73 = arith.constant 0 : i32
      %dma_start3A_74 = tpu.memref_slice %arg3[%add3A, %dma_start3A_72, %dma_start3A_73] : memref<32x125x80xi32, #tpu.memory_space<hbm>> -> memref<1x125x80xi32, #tpu.memory_space<hbm>>
      %dma_start3A_75 = tpu.memref_squeeze %dma_start3A_74 : memref<1x125x80xi32, #tpu.memory_space<hbm>> -> memref<125x80xi32, #tpu.memory_space<hbm>>
      tpu.enqueue_dma source(%dma_start3A_75 : memref<125x80xi32, #tpu.memory_space<hbm>>) target(%arg7 : memref<125x80xi32, #tpu.memory_space<vmem>>) target_semaphore(%run_scoped3A : memref<!tpu.dma_semaphore, #tpu.memory_space<semaphore_mem>>)
      %dma_wait3A = arith.constant 0 : i32
      %dma_wait3A_76 = arith.constant 0 : i32
      %dma_wait3A_77 = tpu.memref_slice %arg3[%add3A, %dma_wait3A, %dma_wait3A_76] : memref<32x125x80xi32, #tpu.memory_space<hbm>> -> memref<1x125x80xi32, #tpu.memory_space<hbm>>
      %dma_wait3A_78 = tpu.memref_squeeze %dma_wait3A_77 : memref<1x125x80xi32, #tpu.memory_space<hbm>> -> memref<125x80xi32, #tpu.memory_space<hbm>>
      %dma_wait3A_79 = arith.constant 0 : i32
      %dma_wait3A_80 = arith.constant 0 : i32
      %dma_wait3A_81 = tpu.memref_slice %arg3[%add3A, %dma_wait3A_79, %dma_wait3A_80] : memref<32x125x80xi32, #tpu.memory_space<hbm>> -> memref<1x125x80xi32, #tpu.memory_space<hbm>>
      %dma_wait3A_82 = tpu.memref_squeeze %dma_wait3A_81 : memref<1x125x80xi32, #tpu.memory_space<hbm>> -> memref<125x80xi32, #tpu.memory_space<hbm>>
      tpu.wait_dma2 semaphore(%run_scoped3A : memref<!tpu.dma_semaphore, #tpu.memory_space<semaphore_mem>>) src(%dma_wait3A_82 : memref<125x80xi32, #tpu.memory_space<hbm>>) dst(%arg7 : memref<125x80xi32, #tpu.memory_space<vmem>>)
      tpu.yield
    }) : () -> ()
    "tpu.region"() ({
      %run_scoped3A = tpu.sem_alloc : memref<!tpu.dma_semaphore, #tpu.memory_space<semaphore_mem>>
      %dma_start3A_68 = arith.constant 0 : i32
      %dma_start3A_69 = arith.constant 0 : i32
      %dma_start3A_70 = tpu.memref_slice %arg4[%add3A, %dma_start3A_68, %dma_start3A_69] : memref<32x125x80xi32, #tpu.memory_space<hbm>> -> memref<1x125x80xi32, #tpu.memory_space<hbm>>
      %dma_start3A_71 = tpu.memref_squeeze %dma_start3A_70 : memref<1x125x80xi32, #tpu.memory_space<hbm>> -> memref<125x80xi32, #tpu.memory_space<hbm>>
      %dma_start3A_72 = arith.constant 0 : i32
      %dma_start3A_73 = arith.constant 0 : i32
      %dma_start3A_74 = tpu.memref_slice %arg4[%add3A, %dma_start3A_72, %dma_start3A_73] : memref<32x125x80xi32, #tpu.memory_space<hbm>> -> memref<1x125x80xi32, #tpu.memory_space<hbm>>
      %dma_start3A_75 = tpu.memref_squeeze %dma_start3A_74 : memref<1x125x80xi32, #tpu.memory_space<hbm>> -> memref<125x80xi32, #tpu.memory_space<hbm>>
      tpu.enqueue_dma source(%dma_start3A_75 : memref<125x80xi32, #tpu.memory_space<hbm>>) target(%arg8 : memref<125x80xi32, #tpu.memory_space<vmem>>) target_semaphore(%run_scoped3A : memref<!tpu.dma_semaphore, #tpu.memory_space<semaphore_mem>>)
      %dma_wait3A = arith.constant 0 : i32
      %dma_wait3A_76 = arith.constant 0 : i32
      %dma_wait3A_77 = tpu.memref_slice %arg4[%add3A, %dma_wait3A, %dma_wait3A_76] : memref<32x125x80xi32, #tpu.memory_space<hbm>> -> memref<1x125x80xi32, #tpu.memory_space<hbm>>
      %dma_wait3A_78 = tpu.memref_squeeze %dma_wait3A_77 : memref<1x125x80xi32, #tpu.memory_space<hbm>> -> memref<125x80xi32, #tpu.memory_space<hbm>>
      %dma_wait3A_79 = arith.constant 0 : i32
      %dma_wait3A_80 = arith.constant 0 : i32
      %dma_wait3A_81 = tpu.memref_slice %arg4[%add3A, %dma_wait3A_79, %dma_wait3A_80] : memref<32x125x80xi32, #tpu.memory_space<hbm>> -> memref<1x125x80xi32, #tpu.memory_space<hbm>>
      %dma_wait3A_82 = tpu.memref_squeeze %dma_wait3A_81 : memref<1x125x80xi32, #tpu.memory_space<hbm>> -> memref<125x80xi32, #tpu.memory_space<hbm>>
      tpu.wait_dma2 semaphore(%run_scoped3A : memref<!tpu.dma_semaphore, #tpu.memory_space<semaphore_mem>>) src(%dma_wait3A_82 : memref<125x80xi32, #tpu.memory_space<hbm>>) dst(%arg8 : memref<125x80xi32, #tpu.memory_space<vmem>>)
      tpu.yield
    }) : () -> ()
    %mul3A_1 = arith.constant 320 : i32
    %mul3A_2 = arith.muli %arg1, %mul3A_1 : i32
    "tpu.region"() ({
      %run_scoped3A = tpu.sem_alloc : memref<!tpu.dma_semaphore, #tpu.memory_space<semaphore_mem>>
      %dma_start3A_68 = arith.constant 0 : i32
      %dma_start3A_69 = tpu.memref_slice %arg10[%mul3A_2, %dma_start3A_68] : memref<5120x128xf32, #tpu.memory_space<vmem_shared>> -> memref<320x128xf32, #tpu.memory_space<vmem_shared>>
      tpu.enqueue_dma source(%arg5 : memref<320x128xf32, #tpu.memory_space<hbm>>) target(%dma_start3A_69 : memref<320x128xf32, #tpu.memory_space<vmem_shared>>) target_semaphore(%run_scoped3A : memref<!tpu.dma_semaphore, #tpu.memory_space<semaphore_mem>>)
      %dma_wait3A = arith.constant 0 : i32
      %dma_wait3A_70 = tpu.memref_slice %arg10[%mul3A_2, %dma_wait3A] : memref<5120x128xf32, #tpu.memory_space<vmem_shared>> -> memref<320x128xf32, #tpu.memory_space<vmem_shared>>
      tpu.wait_dma2 semaphore(%run_scoped3A : memref<!tpu.dma_semaphore, #tpu.memory_space<semaphore_mem>>) src(%arg5 : memref<320x128xf32, #tpu.memory_space<hbm>>) dst(%dma_wait3A_70 : memref<320x128xf32, #tpu.memory_space<vmem_shared>>)
      tpu.yield
    }) : () -> ()
    %barrier3A = arith.constant 0 : index
    tpu.barrier barrier_id(%barrier3A)
    %dma_start3A = arith.constant 0 : i32
    %dma_start3A_3 = arith.constant 0 : i32
    %dma_start3A_4 = arith.constant 0 : i32
    %dma_start3A_5 = arith.constant 0 : i32
    %dma_start3A_6 = tpu.memref_slice %arg9[%dma_start3A_3, %dma_start3A_4, %dma_start3A_5] : memref<5x80x128xf32, #tpu.memory_space<vmem>> -> memref<1x80x128xf32, #tpu.memory_space<vmem>>
    %dma_start3A_7 = tpu.memref_squeeze %dma_start3A_6 : memref<1x80x128xf32, #tpu.memory_space<vmem>> -> memref<80x128xf32, #tpu.memory_space<vmem>>
    %dma_start3A_8 = arith.constant 0 : i32
    %dma_start3A_9 = tpu.memref_slice %arg7[%dma_start3A, %dma_start3A_8] : memref<125x80xi32, #tpu.memory_space<vmem>> -> memref<1x80xi32, #tpu.memory_space<vmem>>
    %dma_start3A_10 = tpu.memref_squeeze %dma_start3A_9 : memref<1x80xi32, #tpu.memory_space<vmem>> -> memref<80xi32, #tpu.memory_space<vmem>>
    %dma_start3A_11 = arith.constant 0 : i32
    %dma_start3A_12 = arith.constant 0 : i32
    %dma_start3A_13 = tpu.memref_slice %arg2[%dma_start3A_11, %dma_start3A_12] : memref<10000x128xf32, #tpu.memory_space<hbm>> -> memref<10000x128xf32, #tpu.memory_space<hbm>>
    tpu.enqueue_indirect_dma source(%dma_start3A_13 : memref<10000x128xf32, #tpu.memory_space<hbm>>) target(%dma_start3A_7 : memref<80x128xf32, #tpu.memory_space<vmem>>) offsets(%dma_start3A_10 : memref<80xi32, #tpu.memory_space<vmem>>) semaphore(%arg11 : memref<!tpu.dma_semaphore, #tpu.memory_space<semaphore_mem>>)
    %dma_start3A_14 = arith.constant 1 : i32
    %dma_start3A_15 = arith.constant 1 : i32
    %dma_start3A_16 = arith.constant 0 : i32
    %dma_start3A_17 = arith.constant 0 : i32
    %dma_start3A_18 = tpu.memref_slice %arg9[%dma_start3A_15, %dma_start3A_16, %dma_start3A_17] : memref<5x80x128xf32, #tpu.memory_space<vmem>> -> memref<1x80x128xf32, #tpu.memory_space<vmem>>
    %dma_start3A_19 = tpu.memref_squeeze %dma_start3A_18 : memref<1x80x128xf32, #tpu.memory_space<vmem>> -> memref<80x128xf32, #tpu.memory_space<vmem>>
    %dma_start3A_20 = arith.constant 0 : i32
    %dma_start3A_21 = tpu.memref_slice %arg7[%dma_start3A_14, %dma_start3A_20] : memref<125x80xi32, #tpu.memory_space<vmem>> -> memref<1x80xi32, #tpu.memory_space<vmem>>
    %dma_start3A_22 = tpu.memref_squeeze %dma_start3A_21 : memref<1x80xi32, #tpu.memory_space<vmem>> -> memref<80xi32, #tpu.memory_space<vmem>>
    %dma_start3A_23 = arith.constant 0 : i32
    %dma_start3A_24 = arith.constant 0 : i32
    %dma_start3A_25 = tpu.memref_slice %arg2[%dma_start3A_23, %dma_start3A_24] : memref<10000x128xf32, #tpu.memory_space<hbm>> -> memref<10000x128xf32, #tpu.memory_space<hbm>>
    tpu.enqueue_indirect_dma source(%dma_start3A_25 : memref<10000x128xf32, #tpu.memory_space<hbm>>) target(%dma_start3A_19 : memref<80x128xf32, #tpu.memory_space<vmem>>) offsets(%dma_start3A_22 : memref<80xi32, #tpu.memory_space<vmem>>) semaphore(%arg12 : memref<!tpu.dma_semaphore, #tpu.memory_space<semaphore_mem>>)
    %dma_start3A_26 = arith.constant 2 : i32
    %dma_start3A_27 = arith.constant 2 : i32
    %dma_start3A_28 = arith.constant 0 : i32
    %dma_start3A_29 = arith.constant 0 : i32
    %dma_start3A_30 = tpu.memref_slice %arg9[%dma_start3A_27, %dma_start3A_28, %dma_start3A_29] : memref<5x80x128xf32, #tpu.memory_space<vmem>> -> memref<1x80x128xf32, #tpu.memory_space<vmem>>
    %dma_start3A_31 = tpu.memref_squeeze %dma_start3A_30 : memref<1x80x128xf32, #tpu.memory_space<vmem>> -> memref<80x128xf32, #tpu.memory_space<vmem>>
    %dma_start3A_32 = arith.constant 0 : i32
    %dma_start3A_33 = tpu.memref_slice %arg7[%dma_start3A_26, %dma_start3A_32] : memref<125x80xi32, #tpu.memory_space<vmem>> -> memref<1x80xi32, #tpu.memory_space<vmem>>
    %dma_start3A_34 = tpu.memref_squeeze %dma_start3A_33 : memref<1x80xi32, #tpu.memory_space<vmem>> -> memref<80xi32, #tpu.memory_space<vmem>>
    %dma_start3A_35 = arith.constant 0 : i32
    %dma_start3A_36 = arith.constant 0 : i32
    %dma_start3A_37 = tpu.memref_slice %arg2[%dma_start3A_35, %dma_start3A_36] : memref<10000x128xf32, #tpu.memory_space<hbm>> -> memref<10000x128xf32, #tpu.memory_space<hbm>>
    tpu.enqueue_indirect_dma source(%dma_start3A_37 : memref<10000x128xf32, #tpu.memory_space<hbm>>) target(%dma_start3A_31 : memref<80x128xf32, #tpu.memory_space<vmem>>) offsets(%dma_start3A_34 : memref<80xi32, #tpu.memory_space<vmem>>) semaphore(%arg13 : memref<!tpu.dma_semaphore, #tpu.memory_space<semaphore_mem>>)
    %dma_start3A_38 = arith.constant 3 : i32
    %dma_start3A_39 = arith.constant 3 : i32
    %dma_start3A_40 = arith.constant 0 : i32
    %dma_start3A_41 = arith.constant 0 : i32
    %dma_start3A_42 = tpu.memref_slice %arg9[%dma_start3A_39, %dma_start3A_40, %dma_start3A_41] : memref<5x80x128xf32, #tpu.memory_space<vmem>> -> memref<1x80x128xf32, #tpu.memory_space<vmem>>
    %dma_start3A_43 = tpu.memref_squeeze %dma_start3A_42 : memref<1x80x128xf32, #tpu.memory_space<vmem>> -> memref<80x128xf32, #tpu.memory_space<vmem>>
    %dma_start3A_44 = arith.constant 0 : i32
    %dma_start3A_45 = tpu.memref_slice %arg7[%dma_start3A_38, %dma_start3A_44] : memref<125x80xi32, #tpu.memory_space<vmem>> -> memref<1x80xi32, #tpu.memory_space<vmem>>
    %dma_start3A_46 = tpu.memref_squeeze %dma_start3A_45 : memref<1x80xi32, #tpu.memory_space<vmem>> -> memref<80xi32, #tpu.memory_space<vmem>>
    %dma_start3A_47 = arith.constant 0 : i32
    %dma_start3A_48 = arith.constant 0 : i32
    %dma_start3A_49 = tpu.memref_slice %arg2[%dma_start3A_47, %dma_start3A_48] : memref<10000x128xf32, #tpu.memory_space<hbm>> -> memref<10000x128xf32, #tpu.memory_space<hbm>>
    tpu.enqueue_indirect_dma source(%dma_start3A_49 : memref<10000x128xf32, #tpu.memory_space<hbm>>) target(%dma_start3A_43 : memref<80x128xf32, #tpu.memory_space<vmem>>) offsets(%dma_start3A_46 : memref<80xi32, #tpu.memory_space<vmem>>) semaphore(%arg14 : memref<!tpu.dma_semaphore, #tpu.memory_space<semaphore_mem>>)
    %dma_start3A_50 = arith.constant 4 : i32
    %dma_start3A_51 = arith.constant 4 : i32
    %dma_start3A_52 = arith.constant 0 : i32
    %dma_start3A_53 = arith.constant 0 : i32
    %dma_start3A_54 = tpu.memref_slice %arg9[%dma_start3A_51, %dma_start3A_52, %dma_start3A_53] : memref<5x80x128xf32, #tpu.memory_space<vmem>> -> memref<1x80x128xf32, #tpu.memory_space<vmem>>
    %dma_start3A_55 = tpu.memref_squeeze %dma_start3A_54 : memref<1x80x128xf32, #tpu.memory_space<vmem>> -> memref<80x128xf32, #tpu.memory_space<vmem>>
    %dma_start3A_56 = arith.constant 0 : i32
    %dma_start3A_57 = tpu.memref_slice %arg7[%dma_start3A_50, %dma_start3A_56] : memref<125x80xi32, #tpu.memory_space<vmem>> -> memref<1x80xi32, #tpu.memory_space<vmem>>
    %dma_start3A_58 = tpu.memref_squeeze %dma_start3A_57 : memref<1x80xi32, #tpu.memory_space<vmem>> -> memref<80xi32, #tpu.memory_space<vmem>>
    %dma_start3A_59 = arith.constant 0 : i32
    %dma_start3A_60 = arith.constant 0 : i32
    %dma_start3A_61 = tpu.memref_slice %arg2[%dma_start3A_59, %dma_start3A_60] : memref<10000x128xf32, #tpu.memory_space<hbm>> -> memref<10000x128xf32, #tpu.memory_space<hbm>>
    tpu.enqueue_indirect_dma source(%dma_start3A_61 : memref<10000x128xf32, #tpu.memory_space<hbm>>) target(%dma_start3A_55 : memref<80x128xf32, #tpu.memory_space<vmem>>) offsets(%dma_start3A_58 : memref<80xi32, #tpu.memory_space<vmem>>) semaphore(%arg15 : memref<!tpu.dma_semaphore, #tpu.memory_space<semaphore_mem>>)
    %scan3A = arith.constant 0 : i32
    %scan3A_62 = arith.constant 0 : i32
    %scan3A_63 = arith.constant 25 : i32
    %scan3A_64 = arith.addi %scan3A_62, %scan3A_63 : i32
    %scan3A_65 = arith.constant 1 : i32
    scf.for %scan3A_68 = %scan3A_62 to %scan3A_64 step %scan3A_65  : i32 {
      %mul3A_69 = arith.constant 5 : i32
      %mul3A_70 = arith.muli %scan3A_68, %mul3A_69 : i32
      %add3A_71 = arith.constant 0 : i32
      %add3A_72 = arith.addi %mul3A_70, %add3A_71 : i32
      %dma_wait3A = arith.constant 0 : i32
      %dma_wait3A_73 = arith.constant 0 : i32
      %dma_wait3A_74 = arith.constant 0 : i32
      %dma_wait3A_75 = tpu.memref_slice %arg9[%dma_wait3A, %dma_wait3A_73, %dma_wait3A_74] : memref<5x80x128xf32, #tpu.memory_space<vmem>> -> memref<1x80x128xf32, #tpu.memory_space<vmem>>
      %dma_wait3A_76 = tpu.memref_squeeze %dma_wait3A_75 : memref<1x80x128xf32, #tpu.memory_space<vmem>> -> memref<80x128xf32, #tpu.memory_space<vmem>>
      %dma_wait3A_77 = arith.constant 0 : i32
      %dma_wait3A_78 = tpu.memref_slice %arg7[%add3A_72, %dma_wait3A_77] : memref<125x80xi32, #tpu.memory_space<vmem>> -> memref<1x80xi32, #tpu.memory_space<vmem>>
      %dma_wait3A_79 = tpu.memref_squeeze %dma_wait3A_78 : memref<1x80xi32, #tpu.memory_space<vmem>> -> memref<80xi32, #tpu.memory_space<vmem>>
      %dma_wait3A_80 = arith.constant 0 : i32
      %dma_wait3A_81 = arith.constant 0 : i32
      %dma_wait3A_82 = tpu.memref_slice %arg2[%dma_wait3A_80, %dma_wait3A_81] : memref<10000x128xf32, #tpu.memory_space<hbm>> -> memref<10000x128xf32, #tpu.memory_space<hbm>>
      tpu.wait_indirect_dma semaphore(%arg11 : memref<!tpu.dma_semaphore, #tpu.memory_space<semaphore_mem>>) src(%dma_wait3A_82 : memref<10000x128xf32, #tpu.memory_space<hbm>>) dst(%dma_wait3A_76 : memref<80x128xf32, #tpu.memory_space<vmem>>)
      %run_scoped3A = arith.constant 0 : i32
      "tpu.region"() ({
        %run_scoped3A_179 = tpu.sem_alloc : memref<!tpu.dma_semaphore, #tpu.memory_space<semaphore_mem>>
        %dma_start3A_180 = arith.constant 0 : i32
        %dma_start3A_181 = arith.constant 0 : i32
        %dma_start3A_182 = tpu.memref_slice %arg9[%run_scoped3A, %dma_start3A_180, %dma_start3A_181] : memref<5x80x128xf32, #tpu.memory_space<vmem>> -> memref<1x80x128xf32, #tpu.memory_space<vmem>>
        %dma_start3A_183 = tpu.memref_squeeze %dma_start3A_182 : memref<1x80x128xf32, #tpu.memory_space<vmem>> -> memref<80x128xf32, #tpu.memory_space<vmem>>
        %dma_start3A_184 = arith.constant 0 : i32
        %dma_start3A_185 = tpu.memref_slice %arg8[%add3A_72, %dma_start3A_184] : memref<125x80xi32, #tpu.memory_space<vmem>> -> memref<1x80xi32, #tpu.memory_space<vmem>>
        %dma_start3A_186 = tpu.memref_squeeze %dma_start3A_185 : memref<1x80xi32, #tpu.memory_space<vmem>> -> memref<80xi32, #tpu.memory_space<vmem>>
        %dma_start3A_187 = arith.constant 0 : i32
        %dma_start3A_188 = arith.constant 0 : i32
        %dma_start3A_189 = tpu.memref_slice %arg10[%dma_start3A_187, %dma_start3A_188] : memref<5120x128xf32, #tpu.memory_space<vmem_shared>> -> memref<5120x128xf32, #tpu.memory_space<vmem_shared>>
        tpu.enqueue_indirect_dma source(%dma_start3A_183 : memref<80x128xf32, #tpu.memory_space<vmem>>) target(%dma_start3A_189 : memref<5120x128xf32, #tpu.memory_space<vmem_shared>>) offsets(%dma_start3A_186 : memref<80xi32, #tpu.memory_space<vmem>>) semaphore(%run_scoped3A_179 : memref<!tpu.dma_semaphore, #tpu.memory_space<semaphore_mem>>) {add = true}
        %dma_wait3A_190 = arith.constant 0 : i32
        %dma_wait3A_191 = arith.constant 0 : i32
        %dma_wait3A_192 = tpu.memref_slice %arg9[%run_scoped3A, %dma_wait3A_190, %dma_wait3A_191] : memref<5x80x128xf32, #tpu.memory_space<vmem>> -> memref<1x80x128xf32, #tpu.memory_space<vmem>>
        %dma_wait3A_193 = tpu.memref_squeeze %dma_wait3A_192 : memref<1x80x128xf32, #tpu.memory_space<vmem>> -> memref<80x128xf32, #tpu.memory_space<vmem>>
        %dma_wait3A_194 = arith.constant 0 : i32
        %dma_wait3A_195 = tpu.memref_slice %arg8[%add3A_72, %dma_wait3A_194] : memref<125x80xi32, #tpu.memory_space<vmem>> -> memref<1x80xi32, #tpu.memory_space<vmem>>
        %dma_wait3A_196 = tpu.memref_squeeze %dma_wait3A_195 : memref<1x80xi32, #tpu.memory_space<vmem>> -> memref<80xi32, #tpu.memory_space<vmem>>
        %dma_wait3A_197 = arith.constant 0 : i32
        %dma_wait3A_198 = arith.constant 0 : i32
        %dma_wait3A_199 = tpu.memref_slice %arg10[%dma_wait3A_197, %dma_wait3A_198] : memref<5120x128xf32, #tpu.memory_space<vmem_shared>> -> memref<5120x128xf32, #tpu.memory_space<vmem_shared>>
        tpu.wait_indirect_dma semaphore(%run_scoped3A_179 : memref<!tpu.dma_semaphore, #tpu.memory_space<semaphore_mem>>) src(%dma_wait3A_193 : memref<80x128xf32, #tpu.memory_space<vmem>>) dst(%dma_wait3A_199 : memref<5120x128xf32, #tpu.memory_space<vmem_shared>>)
        tpu.yield
      }) : () -> ()
      %add3A_83 = arith.constant 5 : i32
      %add3A_84 = arith.addi %add3A_72, %add3A_83 : i32
      %lt3A = arith.constant 125 : i32
      %lt3A_85 = arith.cmpi slt, %add3A_84, %lt3A : i32
      %convert_element_type3A = arith.extui %lt3A_85 : i1 to i32
      %cond3A = arith.constant 0 : i32
      %cond3A_86 = arith.cmpi ne, %convert_element_type3A, %cond3A : i32
      scf.if %cond3A_86 {
        %add3A_179 = arith.constant 5 : i32
        %add3A_180 = arith.addi %add3A_72, %add3A_179 : i32
        %dma_start3A_181 = arith.constant 0 : i32
        %dma_start3A_182 = arith.constant 0 : i32
        %dma_start3A_183 = arith.constant 0 : i32
        %dma_start3A_184 = tpu.memref_slice %arg9[%dma_start3A_181, %dma_start3A_182, %dma_start3A_183] : memref<5x80x128xf32, #tpu.memory_space<vmem>> -> memref<1x80x128xf32, #tpu.memory_space<vmem>>
        %dma_start3A_185 = tpu.memref_squeeze %dma_start3A_184 : memref<1x80x128xf32, #tpu.memory_space<vmem>> -> memref<80x128xf32, #tpu.memory_space<vmem>>
        %dma_start3A_186 = arith.constant 0 : i32
        %dma_start3A_187 = tpu.memref_slice %arg7[%add3A_180, %dma_start3A_186] : memref<125x80xi32, #tpu.memory_space<vmem>> -> memref<1x80xi32, #tpu.memory_space<vmem>>
        %dma_start3A_188 = tpu.memref_squeeze %dma_start3A_187 : memref<1x80xi32, #tpu.memory_space<vmem>> -> memref<80xi32, #tpu.memory_space<vmem>>
        %dma_start3A_189 = arith.constant 0 : i32
        %dma_start3A_190 = arith.constant 0 : i32
        %dma_start3A_191 = tpu.memref_slice %arg2[%dma_start3A_189, %dma_start3A_190] : memref<10000x128xf32, #tpu.memory_space<hbm>> -> memref<10000x128xf32, #tpu.memory_space<hbm>>
        tpu.enqueue_indirect_dma source(%dma_start3A_191 : memref<10000x128xf32, #tpu.memory_space<hbm>>) target(%dma_start3A_185 : memref<80x128xf32, #tpu.memory_space<vmem>>) offsets(%dma_start3A_188 : memref<80xi32, #tpu.memory_space<vmem>>) semaphore(%arg11 : memref<!tpu.dma_semaphore, #tpu.memory_space<semaphore_mem>>)
      } else {
      }
      %mul3A_87 = arith.constant 5 : i32
      %mul3A_88 = arith.muli %scan3A_68, %mul3A_87 : i32
      %add3A_89 = arith.constant 1 : i32
      %add3A_90 = arith.addi %mul3A_88, %add3A_89 : i32
      %dma_wait3A_91 = arith.constant 1 : i32
      %dma_wait3A_92 = arith.constant 0 : i32
      %dma_wait3A_93 = arith.constant 0 : i32
      %dma_wait3A_94 = tpu.memref_slice %arg9[%dma_wait3A_91, %dma_wait3A_92, %dma_wait3A_93] : memref<5x80x128xf32, #tpu.memory_space<vmem>> -> memref<1x80x128xf32, #tpu.memory_space<vmem>>
      %dma_wait3A_95 = tpu.memref_squeeze %dma_wait3A_94 : memref<1x80x128xf32, #tpu.memory_space<vmem>> -> memref<80x128xf32, #tpu.memory_space<vmem>>
      %dma_wait3A_96 = arith.constant 0 : i32
      %dma_wait3A_97 = tpu.memref_slice %arg7[%add3A_90, %dma_wait3A_96] : memref<125x80xi32, #tpu.memory_space<vmem>> -> memref<1x80xi32, #tpu.memory_space<vmem>>
      %dma_wait3A_98 = tpu.memref_squeeze %dma_wait3A_97 : memref<1x80xi32, #tpu.memory_space<vmem>> -> memref<80xi32, #tpu.memory_space<vmem>>
      %dma_wait3A_99 = arith.constant 0 : i32
      %dma_wait3A_100 = arith.constant 0 : i32
      %dma_wait3A_101 = tpu.memref_slice %arg2[%dma_wait3A_99, %dma_wait3A_100] : memref<10000x128xf32, #tpu.memory_space<hbm>> -> memref<10000x128xf32, #tpu.memory_space<hbm>>
      tpu.wait_indirect_dma semaphore(%arg12 : memref<!tpu.dma_semaphore, #tpu.memory_space<semaphore_mem>>) src(%dma_wait3A_101 : memref<10000x128xf32, #tpu.memory_space<hbm>>) dst(%dma_wait3A_95 : memref<80x128xf32, #tpu.memory_space<vmem>>)
      %run_scoped3A_102 = arith.constant 1 : i32
      "tpu.region"() ({
        %run_scoped3A_179 = tpu.sem_alloc : memref<!tpu.dma_semaphore, #tpu.memory_space<semaphore_mem>>
        %dma_start3A_180 = arith.constant 0 : i32
        %dma_start3A_181 = arith.constant 0 : i32
        %dma_start3A_182 = tpu.memref_slice %arg9[%run_scoped3A_102, %dma_start3A_180, %dma_start3A_181] : memref<5x80x128xf32, #tpu.memory_space<vmem>> -> memref<1x80x128xf32, #tpu.memory_space<vmem>>
        %dma_start3A_183 = tpu.memref_squeeze %dma_start3A_182 : memref<1x80x128xf32, #tpu.memory_space<vmem>> -> memref<80x128xf32, #tpu.memory_space<vmem>>
        %dma_start3A_184 = arith.constant 0 : i32
        %dma_start3A_185 = tpu.memref_slice %arg8[%add3A_90, %dma_start3A_184] : memref<125x80xi32, #tpu.memory_space<vmem>> -> memref<1x80xi32, #tpu.memory_space<vmem>>
        %dma_start3A_186 = tpu.memref_squeeze %dma_start3A_185 : memref<1x80xi32, #tpu.memory_space<vmem>> -> memref<80xi32, #tpu.memory_space<vmem>>
        %dma_start3A_187 = arith.constant 0 : i32
        %dma_start3A_188 = arith.constant 0 : i32
        %dma_start3A_189 = tpu.memref_slice %arg10[%dma_start3A_187, %dma_start3A_188] : memref<5120x128xf32, #tpu.memory_space<vmem_shared>> -> memref<5120x128xf32, #tpu.memory_space<vmem_shared>>
        tpu.enqueue_indirect_dma source(%dma_start3A_183 : memref<80x128xf32, #tpu.memory_space<vmem>>) target(%dma_start3A_189 : memref<5120x128xf32, #tpu.memory_space<vmem_shared>>) offsets(%dma_start3A_186 : memref<80xi32, #tpu.memory_space<vmem>>) semaphore(%run_scoped3A_179 : memref<!tpu.dma_semaphore, #tpu.memory_space<semaphore_mem>>) {add = true}
        %dma_wait3A_190 = arith.constant 0 : i32
        %dma_wait3A_191 = arith.constant 0 : i32
        %dma_wait3A_192 = tpu.memref_slice %arg9[%run_scoped3A_102, %dma_wait3A_190, %dma_wait3A_191] : memref<5x80x128xf32, #tpu.memory_space<vmem>> -> memref<1x80x128xf32, #tpu.memory_space<vmem>>
        %dma_wait3A_193 = tpu.memref_squeeze %dma_wait3A_192 : memref<1x80x128xf32, #tpu.memory_space<vmem>> -> memref<80x128xf32, #tpu.memory_space<vmem>>
        %dma_wait3A_194 = arith.constant 0 : i32
        %dma_wait3A_195 = tpu.memref_slice %arg8[%add3A_90, %dma_wait3A_194] : memref<125x80xi32, #tpu.memory_space<vmem>> -> memref<1x80xi32, #tpu.memory_space<vmem>>
        %dma_wait3A_196 = tpu.memref_squeeze %dma_wait3A_195 : memref<1x80xi32, #tpu.memory_space<vmem>> -> memref<80xi32, #tpu.memory_space<vmem>>
        %dma_wait3A_197 = arith.constant 0 : i32
        %dma_wait3A_198 = arith.constant 0 : i32
        %dma_wait3A_199 = tpu.memref_slice %arg10[%dma_wait3A_197, %dma_wait3A_198] : memref<5120x128xf32, #tpu.memory_space<vmem_shared>> -> memref<5120x128xf32, #tpu.memory_space<vmem_shared>>
        tpu.wait_indirect_dma semaphore(%run_scoped3A_179 : memref<!tpu.dma_semaphore, #tpu.memory_space<semaphore_mem>>) src(%dma_wait3A_193 : memref<80x128xf32, #tpu.memory_space<vmem>>) dst(%dma_wait3A_199 : memref<5120x128xf32, #tpu.memory_space<vmem_shared>>)
        tpu.yield
      }) : () -> ()
      %add3A_103 = arith.constant 5 : i32
      %add3A_104 = arith.addi %add3A_90, %add3A_103 : i32
      %lt3A_105 = arith.constant 125 : i32
      %lt3A_106 = arith.cmpi slt, %add3A_104, %lt3A_105 : i32
      %convert_element_type3A_107 = arith.extui %lt3A_106 : i1 to i32
      %cond3A_108 = arith.constant 0 : i32
      %cond3A_109 = arith.cmpi ne, %convert_element_type3A_107, %cond3A_108 : i32
      scf.if %cond3A_109 {
        %add3A_179 = arith.constant 5 : i32
        %add3A_180 = arith.addi %add3A_90, %add3A_179 : i32
        %dma_start3A_181 = arith.constant 1 : i32
        %dma_start3A_182 = arith.constant 0 : i32
        %dma_start3A_183 = arith.constant 0 : i32
        %dma_start3A_184 = tpu.memref_slice %arg9[%dma_start3A_181, %dma_start3A_182, %dma_start3A_183] : memref<5x80x128xf32, #tpu.memory_space<vmem>> -> memref<1x80x128xf32, #tpu.memory_space<vmem>>
        %dma_start3A_185 = tpu.memref_squeeze %dma_start3A_184 : memref<1x80x128xf32, #tpu.memory_space<vmem>> -> memref<80x128xf32, #tpu.memory_space<vmem>>
        %dma_start3A_186 = arith.constant 0 : i32
        %dma_start3A_187 = tpu.memref_slice %arg7[%add3A_180, %dma_start3A_186] : memref<125x80xi32, #tpu.memory_space<vmem>> -> memref<1x80xi32, #tpu.memory_space<vmem>>
        %dma_start3A_188 = tpu.memref_squeeze %dma_start3A_187 : memref<1x80xi32, #tpu.memory_space<vmem>> -> memref<80xi32, #tpu.memory_space<vmem>>
        %dma_start3A_189 = arith.constant 0 : i32
        %dma_start3A_190 = arith.constant 0 : i32
        %dma_start3A_191 = tpu.memref_slice %arg2[%dma_start3A_189, %dma_start3A_190] : memref<10000x128xf32, #tpu.memory_space<hbm>> -> memref<10000x128xf32, #tpu.memory_space<hbm>>
        tpu.enqueue_indirect_dma source(%dma_start3A_191 : memref<10000x128xf32, #tpu.memory_space<hbm>>) target(%dma_start3A_185 : memref<80x128xf32, #tpu.memory_space<vmem>>) offsets(%dma_start3A_188 : memref<80xi32, #tpu.memory_space<vmem>>) semaphore(%arg12 : memref<!tpu.dma_semaphore, #tpu.memory_space<semaphore_mem>>)
      } else {
      }
      %mul3A_110 = arith.constant 5 : i32
      %mul3A_111 = arith.muli %scan3A_68, %mul3A_110 : i32
      %add3A_112 = arith.constant 2 : i32
      %add3A_113 = arith.addi %mul3A_111, %add3A_112 : i32
      %dma_wait3A_114 = arith.constant 2 : i32
      %dma_wait3A_115 = arith.constant 0 : i32
      %dma_wait3A_116 = arith.constant 0 : i32
      %dma_wait3A_117 = tpu.memref_slice %arg9[%dma_wait3A_114, %dma_wait3A_115, %dma_wait3A_116] : memref<5x80x128xf32, #tpu.memory_space<vmem>> -> memref<1x80x128xf32, #tpu.memory_space<vmem>>
      %dma_wait3A_118 = tpu.memref_squeeze %dma_wait3A_117 : memref<1x80x128xf32, #tpu.memory_space<vmem>> -> memref<80x128xf32, #tpu.memory_space<vmem>>
      %dma_wait3A_119 = arith.constant 0 : i32
      %dma_wait3A_120 = tpu.memref_slice %arg7[%add3A_113, %dma_wait3A_119] : memref<125x80xi32, #tpu.memory_space<vmem>> -> memref<1x80xi32, #tpu.memory_space<vmem>>
      %dma_wait3A_121 = tpu.memref_squeeze %dma_wait3A_120 : memref<1x80xi32, #tpu.memory_space<vmem>> -> memref<80xi32, #tpu.memory_space<vmem>>
      %dma_wait3A_122 = arith.constant 0 : i32
      %dma_wait3A_123 = arith.constant 0 : i32
      %dma_wait3A_124 = tpu.memref_slice %arg2[%dma_wait3A_122, %dma_wait3A_123] : memref<10000x128xf32, #tpu.memory_space<hbm>> -> memref<10000x128xf32, #tpu.memory_space<hbm>>
      tpu.wait_indirect_dma semaphore(%arg13 : memref<!tpu.dma_semaphore, #tpu.memory_space<semaphore_mem>>) src(%dma_wait3A_124 : memref<10000x128xf32, #tpu.memory_space<hbm>>) dst(%dma_wait3A_118 : memref<80x128xf32, #tpu.memory_space<vmem>>)
      %run_scoped3A_125 = arith.constant 2 : i32
      "tpu.region"() ({
        %run_scoped3A_179 = tpu.sem_alloc : memref<!tpu.dma_semaphore, #tpu.memory_space<semaphore_mem>>
        %dma_start3A_180 = arith.constant 0 : i32
        %dma_start3A_181 = arith.constant 0 : i32
        %dma_start3A_182 = tpu.memref_slice %arg9[%run_scoped3A_125, %dma_start3A_180, %dma_start3A_181] : memref<5x80x128xf32, #tpu.memory_space<vmem>> -> memref<1x80x128xf32, #tpu.memory_space<vmem>>
        %dma_start3A_183 = tpu.memref_squeeze %dma_start3A_182 : memref<1x80x128xf32, #tpu.memory_space<vmem>> -> memref<80x128xf32, #tpu.memory_space<vmem>>
        %dma_start3A_184 = arith.constant 0 : i32
        %dma_start3A_185 = tpu.memref_slice %arg8[%add3A_113, %dma_start3A_184] : memref<125x80xi32, #tpu.memory_space<vmem>> -> memref<1x80xi32, #tpu.memory_space<vmem>>
        %dma_start3A_186 = tpu.memref_squeeze %dma_start3A_185 : memref<1x80xi32, #tpu.memory_space<vmem>> -> memref<80xi32, #tpu.memory_space<vmem>>
        %dma_start3A_187 = arith.constant 0 : i32
        %dma_start3A_188 = arith.constant 0 : i32
        %dma_start3A_189 = tpu.memref_slice %arg10[%dma_start3A_187, %dma_start3A_188] : memref<5120x128xf32, #tpu.memory_space<vmem_shared>> -> memref<5120x128xf32, #tpu.memory_space<vmem_shared>>
        tpu.enqueue_indirect_dma source(%dma_start3A_183 : memref<80x128xf32, #tpu.memory_space<vmem>>) target(%dma_start3A_189 : memref<5120x128xf32, #tpu.memory_space<vmem_shared>>) offsets(%dma_start3A_186 : memref<80xi32, #tpu.memory_space<vmem>>) semaphore(%run_scoped3A_179 : memref<!tpu.dma_semaphore, #tpu.memory_space<semaphore_mem>>) {add = true}
        %dma_wait3A_190 = arith.constant 0 : i32
        %dma_wait3A_191 = arith.constant 0 : i32
        %dma_wait3A_192 = tpu.memref_slice %arg9[%run_scoped3A_125, %dma_wait3A_190, %dma_wait3A_191] : memref<5x80x128xf32, #tpu.memory_space<vmem>> -> memref<1x80x128xf32, #tpu.memory_space<vmem>>
        %dma_wait3A_193 = tpu.memref_squeeze %dma_wait3A_192 : memref<1x80x128xf32, #tpu.memory_space<vmem>> -> memref<80x128xf32, #tpu.memory_space<vmem>>
        %dma_wait3A_194 = arith.constant 0 : i32
        %dma_wait3A_195 = tpu.memref_slice %arg8[%add3A_113, %dma_wait3A_194] : memref<125x80xi32, #tpu.memory_space<vmem>> -> memref<1x80xi32, #tpu.memory_space<vmem>>
        %dma_wait3A_196 = tpu.memref_squeeze %dma_wait3A_195 : memref<1x80xi32, #tpu.memory_space<vmem>> -> memref<80xi32, #tpu.memory_space<vmem>>
        %dma_wait3A_197 = arith.constant 0 : i32
        %dma_wait3A_198 = arith.constant 0 : i32
        %dma_wait3A_199 = tpu.memref_slice %arg10[%dma_wait3A_197, %dma_wait3A_198] : memref<5120x128xf32, #tpu.memory_space<vmem_shared>> -> memref<5120x128xf32, #tpu.memory_space<vmem_shared>>
        tpu.wait_indirect_dma semaphore(%run_scoped3A_179 : memref<!tpu.dma_semaphore, #tpu.memory_space<semaphore_mem>>) src(%dma_wait3A_193 : memref<80x128xf32, #tpu.memory_space<vmem>>) dst(%dma_wait3A_199 : memref<5120x128xf32, #tpu.memory_space<vmem_shared>>)
        tpu.yield
      }) : () -> ()
      %add3A_126 = arith.constant 5 : i32
      %add3A_127 = arith.addi %add3A_113, %add3A_126 : i32
      %lt3A_128 = arith.constant 125 : i32
      %lt3A_129 = arith.cmpi slt, %add3A_127, %lt3A_128 : i32
      %convert_element_type3A_130 = arith.extui %lt3A_129 : i1 to i32
      %cond3A_131 = arith.constant 0 : i32
      %cond3A_132 = arith.cmpi ne, %convert_element_type3A_130, %cond3A_131 : i32
      scf.if %cond3A_132 {
        %add3A_179 = arith.constant 5 : i32
        %add3A_180 = arith.addi %add3A_113, %add3A_179 : i32
        %dma_start3A_181 = arith.constant 2 : i32
        %dma_start3A_182 = arith.constant 0 : i32
        %dma_start3A_183 = arith.constant 0 : i32
        %dma_start3A_184 = tpu.memref_slice %arg9[%dma_start3A_181, %dma_start3A_182, %dma_start3A_183] : memref<5x80x128xf32, #tpu.memory_space<vmem>> -> memref<1x80x128xf32, #tpu.memory_space<vmem>>
        %dma_start3A_185 = tpu.memref_squeeze %dma_start3A_184 : memref<1x80x128xf32, #tpu.memory_space<vmem>> -> memref<80x128xf32, #tpu.memory_space<vmem>>
        %dma_start3A_186 = arith.constant 0 : i32
        %dma_start3A_187 = tpu.memref_slice %arg7[%add3A_180, %dma_start3A_186] : memref<125x80xi32, #tpu.memory_space<vmem>> -> memref<1x80xi32, #tpu.memory_space<vmem>>
        %dma_start3A_188 = tpu.memref_squeeze %dma_start3A_187 : memref<1x80xi32, #tpu.memory_space<vmem>> -> memref<80xi32, #tpu.memory_space<vmem>>
        %dma_start3A_189 = arith.constant 0 : i32
        %dma_start3A_190 = arith.constant 0 : i32
        %dma_start3A_191 = tpu.memref_slice %arg2[%dma_start3A_189, %dma_start3A_190] : memref<10000x128xf32, #tpu.memory_space<hbm>> -> memref<10000x128xf32, #tpu.memory_space<hbm>>
        tpu.enqueue_indirect_dma source(%dma_start3A_191 : memref<10000x128xf32, #tpu.memory_space<hbm>>) target(%dma_start3A_185 : memref<80x128xf32, #tpu.memory_space<vmem>>) offsets(%dma_start3A_188 : memref<80xi32, #tpu.memory_space<vmem>>) semaphore(%arg13 : memref<!tpu.dma_semaphore, #tpu.memory_space<semaphore_mem>>)
      } else {
      }
      %mul3A_133 = arith.constant 5 : i32
      %mul3A_134 = arith.muli %scan3A_68, %mul3A_133 : i32
      %add3A_135 = arith.constant 3 : i32
      %add3A_136 = arith.addi %mul3A_134, %add3A_135 : i32
      %dma_wait3A_137 = arith.constant 3 : i32
      %dma_wait3A_138 = arith.constant 0 : i32
      %dma_wait3A_139 = arith.constant 0 : i32
      %dma_wait3A_140 = tpu.memref_slice %arg9[%dma_wait3A_137, %dma_wait3A_138, %dma_wait3A_139] : memref<5x80x128xf32, #tpu.memory_space<vmem>> -> memref<1x80x128xf32, #tpu.memory_space<vmem>>
      %dma_wait3A_141 = tpu.memref_squeeze %dma_wait3A_140 : memref<1x80x128xf32, #tpu.memory_space<vmem>> -> memref<80x128xf32, #tpu.memory_space<vmem>>
      %dma_wait3A_142 = arith.constant 0 : i32
      %dma_wait3A_143 = tpu.memref_slice %arg7[%add3A_136, %dma_wait3A_142] : memref<125x80xi32, #tpu.memory_space<vmem>> -> memref<1x80xi32, #tpu.memory_space<vmem>>
      %dma_wait3A_144 = tpu.memref_squeeze %dma_wait3A_143 : memref<1x80xi32, #tpu.memory_space<vmem>> -> memref<80xi32, #tpu.memory_space<vmem>>
      %dma_wait3A_145 = arith.constant 0 : i32
      %dma_wait3A_146 = arith.constant 0 : i32
      %dma_wait3A_147 = tpu.memref_slice %arg2[%dma_wait3A_145, %dma_wait3A_146] : memref<10000x128xf32, #tpu.memory_space<hbm>> -> memref<10000x128xf32, #tpu.memory_space<hbm>>
      tpu.wait_indirect_dma semaphore(%arg14 : memref<!tpu.dma_semaphore, #tpu.memory_space<semaphore_mem>>) src(%dma_wait3A_147 : memref<10000x128xf32, #tpu.memory_space<hbm>>) dst(%dma_wait3A_141 : memref<80x128xf32, #tpu.memory_space<vmem>>)
      %run_scoped3A_148 = arith.constant 3 : i32
      "tpu.region"() ({
        %run_scoped3A_179 = tpu.sem_alloc : memref<!tpu.dma_semaphore, #tpu.memory_space<semaphore_mem>>
        %dma_start3A_180 = arith.constant 0 : i32
        %dma_start3A_181 = arith.constant 0 : i32
        %dma_start3A_182 = tpu.memref_slice %arg9[%run_scoped3A_148, %dma_start3A_180, %dma_start3A_181] : memref<5x80x128xf32, #tpu.memory_space<vmem>> -> memref<1x80x128xf32, #tpu.memory_space<vmem>>
        %dma_start3A_183 = tpu.memref_squeeze %dma_start3A_182 : memref<1x80x128xf32, #tpu.memory_space<vmem>> -> memref<80x128xf32, #tpu.memory_space<vmem>>
        %dma_start3A_184 = arith.constant 0 : i32
        %dma_start3A_185 = tpu.memref_slice %arg8[%add3A_136, %dma_start3A_184] : memref<125x80xi32, #tpu.memory_space<vmem>> -> memref<1x80xi32, #tpu.memory_space<vmem>>
        %dma_start3A_186 = tpu.memref_squeeze %dma_start3A_185 : memref<1x80xi32, #tpu.memory_space<vmem>> -> memref<80xi32, #tpu.memory_space<vmem>>
        %dma_start3A_187 = arith.constant 0 : i32
        %dma_start3A_188 = arith.constant 0 : i32
        %dma_start3A_189 = tpu.memref_slice %arg10[%dma_start3A_187, %dma_start3A_188] : memref<5120x128xf32, #tpu.memory_space<vmem_shared>> -> memref<5120x128xf32, #tpu.memory_space<vmem_shared>>
        tpu.enqueue_indirect_dma source(%dma_start3A_183 : memref<80x128xf32, #tpu.memory_space<vmem>>) target(%dma_start3A_189 : memref<5120x128xf32, #tpu.memory_space<vmem_shared>>) offsets(%dma_start3A_186 : memref<80xi32, #tpu.memory_space<vmem>>) semaphore(%run_scoped3A_179 : memref<!tpu.dma_semaphore, #tpu.memory_space<semaphore_mem>>) {add = true}
        %dma_wait3A_190 = arith.constant 0 : i32
        %dma_wait3A_191 = arith.constant 0 : i32
        %dma_wait3A_192 = tpu.memref_slice %arg9[%run_scoped3A_148, %dma_wait3A_190, %dma_wait3A_191] : memref<5x80x128xf32, #tpu.memory_space<vmem>> -> memref<1x80x128xf32, #tpu.memory_space<vmem>>
        %dma_wait3A_193 = tpu.memref_squeeze %dma_wait3A_192 : memref<1x80x128xf32, #tpu.memory_space<vmem>> -> memref<80x128xf32, #tpu.memory_space<vmem>>
        %dma_wait3A_194 = arith.constant 0 : i32
        %dma_wait3A_195 = tpu.memref_slice %arg8[%add3A_136, %dma_wait3A_194] : memref<125x80xi32, #tpu.memory_space<vmem>> -> memref<1x80xi32, #tpu.memory_space<vmem>>
        %dma_wait3A_196 = tpu.memref_squeeze %dma_wait3A_195 : memref<1x80xi32, #tpu.memory_space<vmem>> -> memref<80xi32, #tpu.memory_space<vmem>>
        %dma_wait3A_197 = arith.constant 0 : i32
        %dma_wait3A_198 = arith.constant 0 : i32
        %dma_wait3A_199 = tpu.memref_slice %arg10[%dma_wait3A_197, %dma_wait3A_198] : memref<5120x128xf32, #tpu.memory_space<vmem_shared>> -> memref<5120x128xf32, #tpu.memory_space<vmem_shared>>
        tpu.wait_indirect_dma semaphore(%run_scoped3A_179 : memref<!tpu.dma_semaphore, #tpu.memory_space<semaphore_mem>>) src(%dma_wait3A_193 : memref<80x128xf32, #tpu.memory_space<vmem>>) dst(%dma_wait3A_199 : memref<5120x128xf32, #tpu.memory_space<vmem_shared>>)
        tpu.yield
      }) : () -> ()
      %add3A_149 = arith.constant 5 : i32
      %add3A_150 = arith.addi %add3A_136, %add3A_149 : i32
      %lt3A_151 = arith.constant 125 : i32
      %lt3A_152 = arith.cmpi slt, %add3A_150, %lt3A_151 : i32
      %convert_element_type3A_153 = arith.extui %lt3A_152 : i1 to i32
      %cond3A_154 = arith.constant 0 : i32
      %cond3A_155 = arith.cmpi ne, %convert_element_type3A_153, %cond3A_154 : i32
      scf.if %cond3A_155 {
        %add3A_179 = arith.constant 5 : i32
        %add3A_180 = arith.addi %add3A_136, %add3A_179 : i32
        %dma_start3A_181 = arith.constant 3 : i32
        %dma_start3A_182 = arith.constant 0 : i32
        %dma_start3A_183 = arith.constant 0 : i32
        %dma_start3A_184 = tpu.memref_slice %arg9[%dma_start3A_181, %dma_start3A_182, %dma_start3A_183] : memref<5x80x128xf32, #tpu.memory_space<vmem>> -> memref<1x80x128xf32, #tpu.memory_space<vmem>>
        %dma_start3A_185 = tpu.memref_squeeze %dma_start3A_184 : memref<1x80x128xf32, #tpu.memory_space<vmem>> -> memref<80x128xf32, #tpu.memory_space<vmem>>
        %dma_start3A_186 = arith.constant 0 : i32
        %dma_start3A_187 = tpu.memref_slice %arg7[%add3A_180, %dma_start3A_186] : memref<125x80xi32, #tpu.memory_space<vmem>> -> memref<1x80xi32, #tpu.memory_space<vmem>>
        %dma_start3A_188 = tpu.memref_squeeze %dma_start3A_187 : memref<1x80xi32, #tpu.memory_space<vmem>> -> memref<80xi32, #tpu.memory_space<vmem>>
        %dma_start3A_189 = arith.constant 0 : i32
        %dma_start3A_190 = arith.constant 0 : i32
        %dma_start3A_191 = tpu.memref_slice %arg2[%dma_start3A_189, %dma_start3A_190] : memref<10000x128xf32, #tpu.memory_space<hbm>> -> memref<10000x128xf32, #tpu.memory_space<hbm>>
        tpu.enqueue_indirect_dma source(%dma_start3A_191 : memref<10000x128xf32, #tpu.memory_space<hbm>>) target(%dma_start3A_185 : memref<80x128xf32, #tpu.memory_space<vmem>>) offsets(%dma_start3A_188 : memref<80xi32, #tpu.memory_space<vmem>>) semaphore(%arg14 : memref<!tpu.dma_semaphore, #tpu.memory_space<semaphore_mem>>)
      } else {
      }
      %mul3A_156 = arith.constant 5 : i32
      %mul3A_157 = arith.muli %scan3A_68, %mul3A_156 : i32
      %add3A_158 = arith.constant 4 : i32
      %add3A_159 = arith.addi %mul3A_157, %add3A_158 : i32
      %dma_wait3A_160 = arith.constant 4 : i32
      %dma_wait3A_161 = arith.constant 0 : i32
      %dma_wait3A_162 = arith.constant 0 : i32
      %dma_wait3A_163 = tpu.memref_slice %arg9[%dma_wait3A_160, %dma_wait3A_161, %dma_wait3A_162] : memref<5x80x128xf32, #tpu.memory_space<vmem>> -> memref<1x80x128xf32, #tpu.memory_space<vmem>>
      %dma_wait3A_164 = tpu.memref_squeeze %dma_wait3A_163 : memref<1x80x128xf32, #tpu.memory_space<vmem>> -> memref<80x128xf32, #tpu.memory_space<vmem>>
      %dma_wait3A_165 = arith.constant 0 : i32
      %dma_wait3A_166 = tpu.memref_slice %arg7[%add3A_159, %dma_wait3A_165] : memref<125x80xi32, #tpu.memory_space<vmem>> -> memref<1x80xi32, #tpu.memory_space<vmem>>
      %dma_wait3A_167 = tpu.memref_squeeze %dma_wait3A_166 : memref<1x80xi32, #tpu.memory_space<vmem>> -> memref<80xi32, #tpu.memory_space<vmem>>
      %dma_wait3A_168 = arith.constant 0 : i32
      %dma_wait3A_169 = arith.constant 0 : i32
      %dma_wait3A_170 = tpu.memref_slice %arg2[%dma_wait3A_168, %dma_wait3A_169] : memref<10000x128xf32, #tpu.memory_space<hbm>> -> memref<10000x128xf32, #tpu.memory_space<hbm>>
      tpu.wait_indirect_dma semaphore(%arg15 : memref<!tpu.dma_semaphore, #tpu.memory_space<semaphore_mem>>) src(%dma_wait3A_170 : memref<10000x128xf32, #tpu.memory_space<hbm>>) dst(%dma_wait3A_164 : memref<80x128xf32, #tpu.memory_space<vmem>>)
      %run_scoped3A_171 = arith.constant 4 : i32
      "tpu.region"() ({
        %run_scoped3A_179 = tpu.sem_alloc : memref<!tpu.dma_semaphore, #tpu.memory_space<semaphore_mem>>
        %dma_start3A_180 = arith.constant 0 : i32
        %dma_start3A_181 = arith.constant 0 : i32
        %dma_start3A_182 = tpu.memref_slice %arg9[%run_scoped3A_171, %dma_start3A_180, %dma_start3A_181] : memref<5x80x128xf32, #tpu.memory_space<vmem>> -> memref<1x80x128xf32, #tpu.memory_space<vmem>>
        %dma_start3A_183 = tpu.memref_squeeze %dma_start3A_182 : memref<1x80x128xf32, #tpu.memory_space<vmem>> -> memref<80x128xf32, #tpu.memory_space<vmem>>
        %dma_start3A_184 = arith.constant 0 : i32
        %dma_start3A_185 = tpu.memref_slice %arg8[%add3A_159, %dma_start3A_184] : memref<125x80xi32, #tpu.memory_space<vmem>> -> memref<1x80xi32, #tpu.memory_space<vmem>>
        %dma_start3A_186 = tpu.memref_squeeze %dma_start3A_185 : memref<1x80xi32, #tpu.memory_space<vmem>> -> memref<80xi32, #tpu.memory_space<vmem>>
        %dma_start3A_187 = arith.constant 0 : i32
        %dma_start3A_188 = arith.constant 0 : i32
        %dma_start3A_189 = tpu.memref_slice %arg10[%dma_start3A_187, %dma_start3A_188] : memref<5120x128xf32, #tpu.memory_space<vmem_shared>> -> memref<5120x128xf32, #tpu.memory_space<vmem_shared>>
        tpu.enqueue_indirect_dma source(%dma_start3A_183 : memref<80x128xf32, #tpu.memory_space<vmem>>) target(%dma_start3A_189 : memref<5120x128xf32, #tpu.memory_space<vmem_shared>>) offsets(%dma_start3A_186 : memref<80xi32, #tpu.memory_space<vmem>>) semaphore(%run_scoped3A_179 : memref<!tpu.dma_semaphore, #tpu.memory_space<semaphore_mem>>) {add = true}
        %dma_wait3A_190 = arith.constant 0 : i32
        %dma_wait3A_191 = arith.constant 0 : i32
        %dma_wait3A_192 = tpu.memref_slice %arg9[%run_scoped3A_171, %dma_wait3A_190, %dma_wait3A_191] : memref<5x80x128xf32, #tpu.memory_space<vmem>> -> memref<1x80x128xf32, #tpu.memory_space<vmem>>
        %dma_wait3A_193 = tpu.memref_squeeze %dma_wait3A_192 : memref<1x80x128xf32, #tpu.memory_space<vmem>> -> memref<80x128xf32, #tpu.memory_space<vmem>>
        %dma_wait3A_194 = arith.constant 0 : i32
        %dma_wait3A_195 = tpu.memref_slice %arg8[%add3A_159, %dma_wait3A_194] : memref<125x80xi32, #tpu.memory_space<vmem>> -> memref<1x80xi32, #tpu.memory_space<vmem>>
        %dma_wait3A_196 = tpu.memref_squeeze %dma_wait3A_195 : memref<1x80xi32, #tpu.memory_space<vmem>> -> memref<80xi32, #tpu.memory_space<vmem>>
        %dma_wait3A_197 = arith.constant 0 : i32
        %dma_wait3A_198 = arith.constant 0 : i32
        %dma_wait3A_199 = tpu.memref_slice %arg10[%dma_wait3A_197, %dma_wait3A_198] : memref<5120x128xf32, #tpu.memory_space<vmem_shared>> -> memref<5120x128xf32, #tpu.memory_space<vmem_shared>>
        tpu.wait_indirect_dma semaphore(%run_scoped3A_179 : memref<!tpu.dma_semaphore, #tpu.memory_space<semaphore_mem>>) src(%dma_wait3A_193 : memref<80x128xf32, #tpu.memory_space<vmem>>) dst(%dma_wait3A_199 : memref<5120x128xf32, #tpu.memory_space<vmem_shared>>)
        tpu.yield
      }) : () -> ()
      %add3A_172 = arith.constant 5 : i32
      %add3A_173 = arith.addi %add3A_159, %add3A_172 : i32
      %lt3A_174 = arith.constant 125 : i32
      %lt3A_175 = arith.cmpi slt, %add3A_173, %lt3A_174 : i32
      %convert_element_type3A_176 = arith.extui %lt3A_175 : i1 to i32
      %cond3A_177 = arith.constant 0 : i32
      %cond3A_178 = arith.cmpi ne, %convert_element_type3A_176, %cond3A_177 : i32
      scf.if %cond3A_178 {
        %add3A_179 = arith.constant 5 : i32
        %add3A_180 = arith.addi %add3A_159, %add3A_179 : i32
        %dma_start3A_181 = arith.constant 4 : i32
        %dma_start3A_182 = arith.constant 0 : i32
        %dma_start3A_183 = arith.constant 0 : i32
        %dma_start3A_184 = tpu.memref_slice %arg9[%dma_start3A_181, %dma_start3A_182, %dma_start3A_183] : memref<5x80x128xf32, #tpu.memory_space<vmem>> -> memref<1x80x128xf32, #tpu.memory_space<vmem>>
        %dma_start3A_185 = tpu.memref_squeeze %dma_start3A_184 : memref<1x80x128xf32, #tpu.memory_space<vmem>> -> memref<80x128xf32, #tpu.memory_space<vmem>>
        %dma_start3A_186 = arith.constant 0 : i32
        %dma_start3A_187 = tpu.memref_slice %arg7[%add3A_180, %dma_start3A_186] : memref<125x80xi32, #tpu.memory_space<vmem>> -> memref<1x80xi32, #tpu.memory_space<vmem>>
        %dma_start3A_188 = tpu.memref_squeeze %dma_start3A_187 : memref<1x80xi32, #tpu.memory_space<vmem>> -> memref<80xi32, #tpu.memory_space<vmem>>
        %dma_start3A_189 = arith.constant 0 : i32
        %dma_start3A_190 = arith.constant 0 : i32
        %dma_start3A_191 = tpu.memref_slice %arg2[%dma_start3A_189, %dma_start3A_190] : memref<10000x128xf32, #tpu.memory_space<hbm>> -> memref<10000x128xf32, #tpu.memory_space<hbm>>
        tpu.enqueue_indirect_dma source(%dma_start3A_191 : memref<10000x128xf32, #tpu.memory_space<hbm>>) target(%dma_start3A_185 : memref<80x128xf32, #tpu.memory_space<vmem>>) offsets(%dma_start3A_188 : memref<80xi32, #tpu.memory_space<vmem>>) semaphore(%arg15 : memref<!tpu.dma_semaphore, #tpu.memory_space<semaphore_mem>>)
      } else {
      }
    }
    %scan3A_66 = arith.constant 25 : i32
    %barrier3A_67 = arith.constant 0 : index
    tpu.barrier barrier_id(%barrier3A_67)
    "tpu.region"() ({
      %run_scoped3A = tpu.sem_alloc : memref<!tpu.dma_semaphore, #tpu.memory_space<semaphore_mem>>
      %dma_start3A_68 = arith.constant 0 : i32
      %dma_start3A_69 = arith.constant 0 : i32
      %dma_start3A_70 = tpu.memref_slice %arg6[%arg0, %dma_start3A_68, %dma_start3A_69] : memref<2x5120x128xf32, #tpu.memory_space<hbm>> -> memref<1x5120x128xf32, #tpu.memory_space<hbm>>
      %dma_start3A_71 = tpu.memref_squeeze %dma_start3A_70 : memref<1x5120x128xf32, #tpu.memory_space<hbm>> -> memref<5120x128xf32, #tpu.memory_space<hbm>>
      %dma_start3A_72 = arith.constant 0 : i32
      %dma_start3A_73 = tpu.memref_slice %dma_start3A_71[%mul3A_2, %dma_start3A_72] : memref<5120x128xf32, #tpu.memory_space<hbm>> -> memref<320x128xf32, #tpu.memory_space<hbm>>
      %dma_start3A_74 = arith.constant 0 : i32
      %dma_start3A_75 = tpu.memref_slice %arg10[%mul3A_2, %dma_start3A_74] : memref<5120x128xf32, #tpu.memory_space<vmem_shared>> -> memref<320x128xf32, #tpu.memory_space<vmem_shared>>
      tpu.enqueue_dma source(%dma_start3A_75 : memref<320x128xf32, #tpu.memory_space<vmem_shared>>) target(%dma_start3A_73 : memref<320x128xf32, #tpu.memory_space<hbm>>) target_semaphore(%run_scoped3A : memref<!tpu.dma_semaphore, #tpu.memory_space<semaphore_mem>>)
      %dma_wait3A = arith.constant 0 : i32
      %dma_wait3A_76 = arith.constant 0 : i32
      %dma_wait3A_77 = tpu.memref_slice %arg6[%arg0, %dma_wait3A, %dma_wait3A_76] : memref<2x5120x128xf32, #tpu.memory_space<hbm>> -> memref<1x5120x128xf32, #tpu.memory_space<hbm>>
      %dma_wait3A_78 = tpu.memref_squeeze %dma_wait3A_77 : memref<1x5120x128xf32, #tpu.memory_space<hbm>> -> memref<5120x128xf32, #tpu.memory_space<hbm>>
      %dma_wait3A_79 = arith.constant 0 : i32
      %dma_wait3A_80 = tpu.memref_slice %dma_wait3A_78[%mul3A_2, %dma_wait3A_79] : memref<5120x128xf32, #tpu.memory_space<hbm>> -> memref<320x128xf32, #tpu.memory_space<hbm>>
      %dma_wait3A_81 = arith.constant 0 : i32
      %dma_wait3A_82 = tpu.memref_slice %arg10[%mul3A_2, %dma_wait3A_81] : memref<5120x128xf32, #tpu.memory_space<vmem_shared>> -> memref<320x128xf32, #tpu.memory_space<vmem_shared>>
      tpu.wait_dma2 semaphore(%run_scoped3A : memref<!tpu.dma_semaphore, #tpu.memory_space<semaphore_mem>>) src(%dma_wait3A_82 : memref<320x128xf32, #tpu.memory_space<vmem_shared>>) dst(%dma_wait3A_80 : memref<320x128xf32, #tpu.memory_space<hbm>>)
      tpu.yield
    }) : () -> ()
    return
  }
}

#map = affine_map<(d0, d1) -> (0, 0)>
#map1 = affine_map<(d0, d1) -> (0, 0, 0)>
module attributes {stable_mosaic.version = 14 : i64} {
  func.func @_agg_kernel(%arg0: i32, %arg1: i32, %arg2: memref<10000x128xf32, #tpu.memory_space<hbm>>, %arg3: memref<32x125x80xi32, #tpu.memory_space<hbm>>, %arg4: memref<32x125x80xi32, #tpu.memory_space<hbm>>, %arg5: memref<320x128xf32, #tpu.memory_space<hbm>>, %arg6: memref<2x5120x128xf32, #tpu.memory_space<hbm>>, %arg7: memref<125x80xi32, #tpu.memory_space<vmem>>, %arg8: memref<125x80xi32, #tpu.memory_space<vmem>>, %arg9: memref<5x80x128xf32, #tpu.memory_space<vmem>>, %arg10: memref<5120x128xf32, #tpu.memory_space<vmem_shared>>, %arg11: memref<!tpu.dma_semaphore, #tpu.memory_space<semaphore_mem>>, %arg12: memref<!tpu.dma_semaphore, #tpu.memory_space<semaphore_mem>>, %arg13: memref<!tpu.dma_semaphore, #tpu.memory_space<semaphore_mem>>, %arg14: memref<!tpu.dma_semaphore, #tpu.memory_space<semaphore_mem>>, %arg15: memref<!tpu.dma_semaphore, #tpu.memory_space<semaphore_mem>>) attributes {dimension_semantics = [#tpu.dimension_semantics<core_parallel>, #tpu.dimension_semantics<subcore_parallel>], iteration_bounds = array<i64: 2, 16>, scalar_prefetch = 0 : i64, scratch_operands = 9 : i64, tpu.core_type = #tpu.core_type<sc_vector_subcore>, window_params = [{transform_indices = #map}, {transform_indices = #map1}, {transform_indices = #map1}, {transform_indices = #map}, {transform_indices = #map1}]} {
    %mul3A = arith.constant 2 : i32
    %mul3A_0 = arith.muli %arg1, %mul3A : i32
    %add3A = arith.addi %mul3A_0, %arg0 : i32
    "tpu.region"() ({
      %run_scoped3A = tpu.sem_alloc : memref<!tpu.dma_semaphore, #tpu.memory_space<semaphore_mem>>
      %dma_start3A_68 = arith.constant 0 : i32
      %dma_start3A_69 = arith.constant 0 : i32
      %dma_start3A_70 = tpu.memref_slice %arg3[%add3A, %dma_start3A_68, %dma_start3A_69] : memref<32x125x80xi32, #tpu.memory_space<hbm>> -> memref<1x125x80xi32, #tpu.memory_space<hbm>>
      %dma_start3A_71 = tpu.memref_squeeze %dma_start3A_70 : memref<1x125x80xi32, #tpu.memory_space<hbm>> -> memref<125x80xi32, #tpu.memory_space<hbm>>
      %dma_start3A_72 = arith.constant 0 : i32
      %dma_start3A_73 = arith.constant 0 : i32
      %dma_start3A_74 = tpu.memref_slice %arg3[%add3A, %dma_start3A_72, %dma_start3A_73] : memref<32x125x80xi32, #tpu.memory_space<hbm>> -> memref<1x125x80xi32, #tpu.memory_space<hbm>>
      %dma_start3A_75 = tpu.memref_squeeze %dma_start3A_74 : memref<1x125x80xi32, #tpu.memory_space<hbm>> -> memref<125x80xi32, #tpu.memory_space<hbm>>
      tpu.enqueue_dma source(%dma_start3A_75 : memref<125x80xi32, #tpu.memory_space<hbm>>) target(%arg7 : memref<125x80xi32, #tpu.memory_space<vmem>>) target_semaphore(%run_scoped3A : memref<!tpu.dma_semaphore, #tpu.memory_space<semaphore_mem>>)
      %dma_wait3A = arith.constant 0 : i32
      %dma_wait3A_76 = arith.constant 0 : i32
      %dma_wait3A_77 = tpu.memref_slice %arg3[%add3A, %dma_wait3A, %dma_wait3A_76] : memref<32x125x80xi32, #tpu.memory_space<hbm>> -> memref<1x125x80xi32, #tpu.memory_space<hbm>>
      %dma_wait3A_78 = tpu.memref_squeeze %dma_wait3A_77 : memref<1x125x80xi32, #tpu.memory_space<hbm>> -> memref<125x80xi32, #tpu.memory_space<hbm>>
      %dma_wait3A_79 = arith.constant 0 : i32
      %dma_wait3A_80 = arith.constant 0 : i32
      %dma_wait3A_81 = tpu.memref_slice %arg3[%add3A, %dma_wait3A_79, %dma_wait3A_80] : memref<32x125x80xi32, #tpu.memory_space<hbm>> -> memref<1x125x80xi32, #tpu.memory_space<hbm>>
      %dma_wait3A_82 = tpu.memref_squeeze %dma_wait3A_81 : memref<1x125x80xi32, #tpu.memory_space<hbm>> -> memref<125x80xi32, #tpu.memory_space<hbm>>
      tpu.wait_dma2 semaphore(%run_scoped3A : memref<!tpu.dma_semaphore, #tpu.memory_space<semaphore_mem>>) src(%dma_wait3A_82 : memref<125x80xi32, #tpu.memory_space<hbm>>) dst(%arg7 : memref<125x80xi32, #tpu.memory_space<vmem>>)
      tpu.yield
    }) : () -> ()
    "tpu.region"() ({
      %run_scoped3A = tpu.sem_alloc : memref<!tpu.dma_semaphore, #tpu.memory_space<semaphore_mem>>
      %dma_start3A_68 = arith.constant 0 : i32
      %dma_start3A_69 = arith.constant 0 : i32
      %dma_start3A_70 = tpu.memref_slice %arg4[%add3A, %dma_start3A_68, %dma_start3A_69] : memref<32x125x80xi32, #tpu.memory_space<hbm>> -> memref<1x125x80xi32, #tpu.memory_space<hbm>>
      %dma_start3A_71 = tpu.memref_squeeze %dma_start3A_70 : memref<1x125x80xi32, #tpu.memory_space<hbm>> -> memref<125x80xi32, #tpu.memory_space<hbm>>
      %dma_start3A_72 = arith.constant 0 : i32
      %dma_start3A_73 = arith.constant 0 : i32
      %dma_start3A_74 = tpu.memref_slice %arg4[%add3A, %dma_start3A_72, %dma_start3A_73] : memref<32x125x80xi32, #tpu.memory_space<hbm>> -> memref<1x125x80xi32, #tpu.memory_space<hbm>>
      %dma_start3A_75 = tpu.memref_squeeze %dma_start3A_74 : memref<1x125x80xi32, #tpu.memory_space<hbm>> -> memref<125x80xi32, #tpu.memory_space<hbm>>
      tpu.enqueue_dma source(%dma_start3A_75 : memref<125x80xi32, #tpu.memory_space<hbm>>) target(%arg8 : memref<125x80xi32, #tpu.memory_space<vmem>>) target_semaphore(%run_scoped3A : memref<!tpu.dma_semaphore, #tpu.memory_space<semaphore_mem>>)
      %dma_wait3A = arith.constant 0 : i32
      %dma_wait3A_76 = arith.constant 0 : i32
      %dma_wait3A_77 = tpu.memref_slice %arg4[%add3A, %dma_wait3A, %dma_wait3A_76] : memref<32x125x80xi32, #tpu.memory_space<hbm>> -> memref<1x125x80xi32, #tpu.memory_space<hbm>>
      %dma_wait3A_78 = tpu.memref_squeeze %dma_wait3A_77 : memref<1x125x80xi32, #tpu.memory_space<hbm>> -> memref<125x80xi32, #tpu.memory_space<hbm>>
      %dma_wait3A_79 = arith.constant 0 : i32
      %dma_wait3A_80 = arith.constant 0 : i32
      %dma_wait3A_81 = tpu.memref_slice %arg4[%add3A, %dma_wait3A_79, %dma_wait3A_80] : memref<32x125x80xi32, #tpu.memory_space<hbm>> -> memref<1x125x80xi32, #tpu.memory_space<hbm>>
      %dma_wait3A_82 = tpu.memref_squeeze %dma_wait3A_81 : memref<1x125x80xi32, #tpu.memory_space<hbm>> -> memref<125x80xi32, #tpu.memory_space<hbm>>
      tpu.wait_dma2 semaphore(%run_scoped3A : memref<!tpu.dma_semaphore, #tpu.memory_space<semaphore_mem>>) src(%dma_wait3A_82 : memref<125x80xi32, #tpu.memory_space<hbm>>) dst(%arg8 : memref<125x80xi32, #tpu.memory_space<vmem>>)
      tpu.yield
    }) : () -> ()
    %mul3A_1 = arith.constant 320 : i32
    %mul3A_2 = arith.muli %arg1, %mul3A_1 : i32
    "tpu.region"() ({
      %run_scoped3A = tpu.sem_alloc : memref<!tpu.dma_semaphore, #tpu.memory_space<semaphore_mem>>
      %dma_start3A_68 = arith.constant 0 : i32
      %dma_start3A_69 = tpu.memref_slice %arg10[%mul3A_2, %dma_start3A_68] : memref<5120x128xf32, #tpu.memory_space<vmem_shared>> -> memref<320x128xf32, #tpu.memory_space<vmem_shared>>
      tpu.enqueue_dma source(%arg5 : memref<320x128xf32, #tpu.memory_space<hbm>>) target(%dma_start3A_69 : memref<320x128xf32, #tpu.memory_space<vmem_shared>>) target_semaphore(%run_scoped3A : memref<!tpu.dma_semaphore, #tpu.memory_space<semaphore_mem>>)
      %dma_wait3A = arith.constant 0 : i32
      %dma_wait3A_70 = tpu.memref_slice %arg10[%mul3A_2, %dma_wait3A] : memref<5120x128xf32, #tpu.memory_space<vmem_shared>> -> memref<320x128xf32, #tpu.memory_space<vmem_shared>>
      tpu.wait_dma2 semaphore(%run_scoped3A : memref<!tpu.dma_semaphore, #tpu.memory_space<semaphore_mem>>) src(%arg5 : memref<320x128xf32, #tpu.memory_space<hbm>>) dst(%dma_wait3A_70 : memref<320x128xf32, #tpu.memory_space<vmem_shared>>)
      tpu.yield
    }) : () -> ()
    %barrier3A = arith.constant 0 : index
    tpu.barrier barrier_id(%barrier3A)
    %dma_start3A = arith.constant 0 : i32
    %dma_start3A_3 = arith.constant 0 : i32
    %dma_start3A_4 = arith.constant 0 : i32
    %dma_start3A_5 = arith.constant 0 : i32
    %dma_start3A_6 = tpu.memref_slice %arg9[%dma_start3A_3, %dma_start3A_4, %dma_start3A_5] : memref<5x80x128xf32, #tpu.memory_space<vmem>> -> memref<1x80x128xf32, #tpu.memory_space<vmem>>
    %dma_start3A_7 = tpu.memref_squeeze %dma_start3A_6 : memref<1x80x128xf32, #tpu.memory_space<vmem>> -> memref<80x128xf32, #tpu.memory_space<vmem>>
    %dma_start3A_8 = arith.constant 0 : i32
    %dma_start3A_9 = tpu.memref_slice %arg7[%dma_start3A, %dma_start3A_8] : memref<125x80xi32, #tpu.memory_space<vmem>> -> memref<1x80xi32, #tpu.memory_space<vmem>>
    %dma_start3A_10 = tpu.memref_squeeze %dma_start3A_9 : memref<1x80xi32, #tpu.memory_space<vmem>> -> memref<80xi32, #tpu.memory_space<vmem>>
    %dma_start3A_11 = arith.constant 0 : i32
    %dma_start3A_12 = arith.constant 0 : i32
    %dma_start3A_13 = tpu.memref_slice %arg2[%dma_start3A_11, %dma_start3A_12] : memref<10000x128xf32, #tpu.memory_space<hbm>> -> memref<10000x128xf32, #tpu.memory_space<hbm>>
    tpu.enqueue_indirect_dma source(%dma_start3A_13 : memref<10000x128xf32, #tpu.memory_space<hbm>>) target(%dma_start3A_7 : memref<80x128xf32, #tpu.memory_space<vmem>>) offsets(%dma_start3A_10 : memref<80xi32, #tpu.memory_space<vmem>>) semaphore(%arg11 : memref<!tpu.dma_semaphore, #tpu.memory_space<semaphore_mem>>)
    %dma_start3A_14 = arith.constant 1 : i32
    %dma_start3A_15 = arith.constant 1 : i32
    %dma_start3A_16 = arith.constant 0 : i32
    %dma_start3A_17 = arith.constant 0 : i32
    %dma_start3A_18 = tpu.memref_slice %arg9[%dma_start3A_15, %dma_start3A_16, %dma_start3A_17] : memref<5x80x128xf32, #tpu.memory_space<vmem>> -> memref<1x80x128xf32, #tpu.memory_space<vmem>>
    %dma_start3A_19 = tpu.memref_squeeze %dma_start3A_18 : memref<1x80x128xf32, #tpu.memory_space<vmem>> -> memref<80x128xf32, #tpu.memory_space<vmem>>
    %dma_start3A_20 = arith.constant 0 : i32
    %dma_start3A_21 = tpu.memref_slice %arg7[%dma_start3A_14, %dma_start3A_20] : memref<125x80xi32, #tpu.memory_space<vmem>> -> memref<1x80xi32, #tpu.memory_space<vmem>>
    %dma_start3A_22 = tpu.memref_squeeze %dma_start3A_21 : memref<1x80xi32, #tpu.memory_space<vmem>> -> memref<80xi32, #tpu.memory_space<vmem>>
    %dma_start3A_23 = arith.constant 0 : i32
    %dma_start3A_24 = arith.constant 0 : i32
    %dma_start3A_25 = tpu.memref_slice %arg2[%dma_start3A_23, %dma_start3A_24] : memref<10000x128xf32, #tpu.memory_space<hbm>> -> memref<10000x128xf32, #tpu.memory_space<hbm>>
    tpu.enqueue_indirect_dma source(%dma_start3A_25 : memref<10000x128xf32, #tpu.memory_space<hbm>>) target(%dma_start3A_19 : memref<80x128xf32, #tpu.memory_space<vmem>>) offsets(%dma_start3A_22 : memref<80xi32, #tpu.memory_space<vmem>>) semaphore(%arg12 : memref<!tpu.dma_semaphore, #tpu.memory_space<semaphore_mem>>)
    %dma_start3A_26 = arith.constant 2 : i32
    %dma_start3A_27 = arith.constant 2 : i32
    %dma_start3A_28 = arith.constant 0 : i32
    %dma_start3A_29 = arith.constant 0 : i32
    %dma_start3A_30 = tpu.memref_slice %arg9[%dma_start3A_27, %dma_start3A_28, %dma_start3A_29] : memref<5x80x128xf32, #tpu.memory_space<vmem>> -> memref<1x80x128xf32, #tpu.memory_space<vmem>>
    %dma_start3A_31 = tpu.memref_squeeze %dma_start3A_30 : memref<1x80x128xf32, #tpu.memory_space<vmem>> -> memref<80x128xf32, #tpu.memory_space<vmem>>
    %dma_start3A_32 = arith.constant 0 : i32
    %dma_start3A_33 = tpu.memref_slice %arg7[%dma_start3A_26, %dma_start3A_32] : memref<125x80xi32, #tpu.memory_space<vmem>> -> memref<1x80xi32, #tpu.memory_space<vmem>>
    %dma_start3A_34 = tpu.memref_squeeze %dma_start3A_33 : memref<1x80xi32, #tpu.memory_space<vmem>> -> memref<80xi32, #tpu.memory_space<vmem>>
    %dma_start3A_35 = arith.constant 0 : i32
    %dma_start3A_36 = arith.constant 0 : i32
    %dma_start3A_37 = tpu.memref_slice %arg2[%dma_start3A_35, %dma_start3A_36] : memref<10000x128xf32, #tpu.memory_space<hbm>> -> memref<10000x128xf32, #tpu.memory_space<hbm>>
    tpu.enqueue_indirect_dma source(%dma_start3A_37 : memref<10000x128xf32, #tpu.memory_space<hbm>>) target(%dma_start3A_31 : memref<80x128xf32, #tpu.memory_space<vmem>>) offsets(%dma_start3A_34 : memref<80xi32, #tpu.memory_space<vmem>>) semaphore(%arg13 : memref<!tpu.dma_semaphore, #tpu.memory_space<semaphore_mem>>)
    %dma_start3A_38 = arith.constant 3 : i32
    %dma_start3A_39 = arith.constant 3 : i32
    %dma_start3A_40 = arith.constant 0 : i32
    %dma_start3A_41 = arith.constant 0 : i32
    %dma_start3A_42 = tpu.memref_slice %arg9[%dma_start3A_39, %dma_start3A_40, %dma_start3A_41] : memref<5x80x128xf32, #tpu.memory_space<vmem>> -> memref<1x80x128xf32, #tpu.memory_space<vmem>>
    %dma_start3A_43 = tpu.memref_squeeze %dma_start3A_42 : memref<1x80x128xf32, #tpu.memory_space<vmem>> -> memref<80x128xf32, #tpu.memory_space<vmem>>
    %dma_start3A_44 = arith.constant 0 : i32
    %dma_start3A_45 = tpu.memref_slice %arg7[%dma_start3A_38, %dma_start3A_44] : memref<125x80xi32, #tpu.memory_space<vmem>> -> memref<1x80xi32, #tpu.memory_space<vmem>>
    %dma_start3A_46 = tpu.memref_squeeze %dma_start3A_45 : memref<1x80xi32, #tpu.memory_space<vmem>> -> memref<80xi32, #tpu.memory_space<vmem>>
    %dma_start3A_47 = arith.constant 0 : i32
    %dma_start3A_48 = arith.constant 0 : i32
    %dma_start3A_49 = tpu.memref_slice %arg2[%dma_start3A_47, %dma_start3A_48] : memref<10000x128xf32, #tpu.memory_space<hbm>> -> memref<10000x128xf32, #tpu.memory_space<hbm>>
    tpu.enqueue_indirect_dma source(%dma_start3A_49 : memref<10000x128xf32, #tpu.memory_space<hbm>>) target(%dma_start3A_43 : memref<80x128xf32, #tpu.memory_space<vmem>>) offsets(%dma_start3A_46 : memref<80xi32, #tpu.memory_space<vmem>>) semaphore(%arg14 : memref<!tpu.dma_semaphore, #tpu.memory_space<semaphore_mem>>)
    %dma_start3A_50 = arith.constant 4 : i32
    %dma_start3A_51 = arith.constant 4 : i32
    %dma_start3A_52 = arith.constant 0 : i32
    %dma_start3A_53 = arith.constant 0 : i32
    %dma_start3A_54 = tpu.memref_slice %arg9[%dma_start3A_51, %dma_start3A_52, %dma_start3A_53] : memref<5x80x128xf32, #tpu.memory_space<vmem>> -> memref<1x80x128xf32, #tpu.memory_space<vmem>>
    %dma_start3A_55 = tpu.memref_squeeze %dma_start3A_54 : memref<1x80x128xf32, #tpu.memory_space<vmem>> -> memref<80x128xf32, #tpu.memory_space<vmem>>
    %dma_start3A_56 = arith.constant 0 : i32
    %dma_start3A_57 = tpu.memref_slice %arg7[%dma_start3A_50, %dma_start3A_56] : memref<125x80xi32, #tpu.memory_space<vmem>> -> memref<1x80xi32, #tpu.memory_space<vmem>>
    %dma_start3A_58 = tpu.memref_squeeze %dma_start3A_57 : memref<1x80xi32, #tpu.memory_space<vmem>> -> memref<80xi32, #tpu.memory_space<vmem>>
    %dma_start3A_59 = arith.constant 0 : i32
    %dma_start3A_60 = arith.constant 0 : i32
    %dma_start3A_61 = tpu.memref_slice %arg2[%dma_start3A_59, %dma_start3A_60] : memref<10000x128xf32, #tpu.memory_space<hbm>> -> memref<10000x128xf32, #tpu.memory_space<hbm>>
    tpu.enqueue_indirect_dma source(%dma_start3A_61 : memref<10000x128xf32, #tpu.memory_space<hbm>>) target(%dma_start3A_55 : memref<80x128xf32, #tpu.memory_space<vmem>>) offsets(%dma_start3A_58 : memref<80xi32, #tpu.memory_space<vmem>>) semaphore(%arg15 : memref<!tpu.dma_semaphore, #tpu.memory_space<semaphore_mem>>)
    %scan3A = arith.constant 0 : i32
    %scan3A_62 = arith.constant 0 : i32
    %scan3A_63 = arith.constant 25 : i32
    %scan3A_64 = arith.addi %scan3A_62, %scan3A_63 : i32
    %scan3A_65 = arith.constant 1 : i32
    scf.for %scan3A_68 = %scan3A_62 to %scan3A_64 step %scan3A_65  : i32 {
      %mul3A_69 = arith.constant 5 : i32
      %mul3A_70 = arith.muli %scan3A_68, %mul3A_69 : i32
      %add3A_71 = arith.constant 0 : i32
      %add3A_72 = arith.addi %mul3A_70, %add3A_71 : i32
      %dma_wait3A = arith.constant 0 : i32
      %dma_wait3A_73 = arith.constant 0 : i32
      %dma_wait3A_74 = arith.constant 0 : i32
      %dma_wait3A_75 = tpu.memref_slice %arg9[%dma_wait3A, %dma_wait3A_73, %dma_wait3A_74] : memref<5x80x128xf32, #tpu.memory_space<vmem>> -> memref<1x80x128xf32, #tpu.memory_space<vmem>>
      %dma_wait3A_76 = tpu.memref_squeeze %dma_wait3A_75 : memref<1x80x128xf32, #tpu.memory_space<vmem>> -> memref<80x128xf32, #tpu.memory_space<vmem>>
      %dma_wait3A_77 = arith.constant 0 : i32
      %dma_wait3A_78 = tpu.memref_slice %arg7[%add3A_72, %dma_wait3A_77] : memref<125x80xi32, #tpu.memory_space<vmem>> -> memref<1x80xi32, #tpu.memory_space<vmem>>
      %dma_wait3A_79 = tpu.memref_squeeze %dma_wait3A_78 : memref<1x80xi32, #tpu.memory_space<vmem>> -> memref<80xi32, #tpu.memory_space<vmem>>
      %dma_wait3A_80 = arith.constant 0 : i32
      %dma_wait3A_81 = arith.constant 0 : i32
      %dma_wait3A_82 = tpu.memref_slice %arg2[%dma_wait3A_80, %dma_wait3A_81] : memref<10000x128xf32, #tpu.memory_space<hbm>> -> memref<10000x128xf32, #tpu.memory_space<hbm>>
      tpu.wait_indirect_dma semaphore(%arg11 : memref<!tpu.dma_semaphore, #tpu.memory_space<semaphore_mem>>) src(%dma_wait3A_82 : memref<10000x128xf32, #tpu.memory_space<hbm>>) dst(%dma_wait3A_76 : memref<80x128xf32, #tpu.memory_space<vmem>>)
      %run_scoped3A = arith.constant 0 : i32
      "tpu.region"() ({
        %run_scoped3A_179 = tpu.sem_alloc : memref<!tpu.dma_semaphore, #tpu.memory_space<semaphore_mem>>
        %dma_start3A_180 = arith.constant 0 : i32
        %dma_start3A_181 = arith.constant 0 : i32
        %dma_start3A_182 = tpu.memref_slice %arg9[%run_scoped3A, %dma_start3A_180, %dma_start3A_181] : memref<5x80x128xf32, #tpu.memory_space<vmem>> -> memref<1x80x128xf32, #tpu.memory_space<vmem>>
        %dma_start3A_183 = tpu.memref_squeeze %dma_start3A_182 : memref<1x80x128xf32, #tpu.memory_space<vmem>> -> memref<80x128xf32, #tpu.memory_space<vmem>>
        %dma_start3A_184 = arith.constant 0 : i32
        %dma_start3A_185 = tpu.memref_slice %arg8[%add3A_72, %dma_start3A_184] : memref<125x80xi32, #tpu.memory_space<vmem>> -> memref<1x80xi32, #tpu.memory_space<vmem>>
        %dma_start3A_186 = tpu.memref_squeeze %dma_start3A_185 : memref<1x80xi32, #tpu.memory_space<vmem>> -> memref<80xi32, #tpu.memory_space<vmem>>
        %dma_start3A_187 = arith.constant 0 : i32
        %dma_start3A_188 = arith.constant 0 : i32
        %dma_start3A_189 = tpu.memref_slice %arg10[%dma_start3A_187, %dma_start3A_188] : memref<5120x128xf32, #tpu.memory_space<vmem_shared>> -> memref<5120x128xf32, #tpu.memory_space<vmem_shared>>
        tpu.enqueue_indirect_dma source(%dma_start3A_183 : memref<80x128xf32, #tpu.memory_space<vmem>>) target(%dma_start3A_189 : memref<5120x128xf32, #tpu.memory_space<vmem_shared>>) offsets(%dma_start3A_186 : memref<80xi32, #tpu.memory_space<vmem>>) semaphore(%run_scoped3A_179 : memref<!tpu.dma_semaphore, #tpu.memory_space<semaphore_mem>>) {add = true}
        %dma_wait3A_190 = arith.constant 0 : i32
        %dma_wait3A_191 = arith.constant 0 : i32
        %dma_wait3A_192 = tpu.memref_slice %arg9[%run_scoped3A, %dma_wait3A_190, %dma_wait3A_191] : memref<5x80x128xf32, #tpu.memory_space<vmem>> -> memref<1x80x128xf32, #tpu.memory_space<vmem>>
        %dma_wait3A_193 = tpu.memref_squeeze %dma_wait3A_192 : memref<1x80x128xf32, #tpu.memory_space<vmem>> -> memref<80x128xf32, #tpu.memory_space<vmem>>
        %dma_wait3A_194 = arith.constant 0 : i32
        %dma_wait3A_195 = tpu.memref_slice %arg8[%add3A_72, %dma_wait3A_194] : memref<125x80xi32, #tpu.memory_space<vmem>> -> memref<1x80xi32, #tpu.memory_space<vmem>>
        %dma_wait3A_196 = tpu.memref_squeeze %dma_wait3A_195 : memref<1x80xi32, #tpu.memory_space<vmem>> -> memref<80xi32, #tpu.memory_space<vmem>>
        %dma_wait3A_197 = arith.constant 0 : i32
        %dma_wait3A_198 = arith.constant 0 : i32
        %dma_wait3A_199 = tpu.memref_slice %arg10[%dma_wait3A_197, %dma_wait3A_198] : memref<5120x128xf32, #tpu.memory_space<vmem_shared>> -> memref<5120x128xf32, #tpu.memory_space<vmem_shared>>
        tpu.wait_indirect_dma semaphore(%run_scoped3A_179 : memref<!tpu.dma_semaphore, #tpu.memory_space<semaphore_mem>>) src(%dma_wait3A_193 : memref<80x128xf32, #tpu.memory_space<vmem>>) dst(%dma_wait3A_199 : memref<5120x128xf32, #tpu.memory_space<vmem_shared>>)
        tpu.yield
      }) : () -> ()
      %add3A_83 = arith.constant 5 : i32
      %add3A_84 = arith.addi %add3A_72, %add3A_83 : i32
      %lt3A = arith.constant 125 : i32
      %lt3A_85 = arith.cmpi slt, %add3A_84, %lt3A : i32
      %convert_element_type3A = arith.extui %lt3A_85 : i1 to i32
      %cond3A = arith.constant 0 : i32
      %cond3A_86 = arith.cmpi ne, %convert_element_type3A, %cond3A : i32
      scf.if %cond3A_86 {
        %add3A_179 = arith.constant 5 : i32
        %add3A_180 = arith.addi %add3A_72, %add3A_179 : i32
        %dma_start3A_181 = arith.constant 0 : i32
        %dma_start3A_182 = arith.constant 0 : i32
        %dma_start3A_183 = arith.constant 0 : i32
        %dma_start3A_184 = tpu.memref_slice %arg9[%dma_start3A_181, %dma_start3A_182, %dma_start3A_183] : memref<5x80x128xf32, #tpu.memory_space<vmem>> -> memref<1x80x128xf32, #tpu.memory_space<vmem>>
        %dma_start3A_185 = tpu.memref_squeeze %dma_start3A_184 : memref<1x80x128xf32, #tpu.memory_space<vmem>> -> memref<80x128xf32, #tpu.memory_space<vmem>>
        %dma_start3A_186 = arith.constant 0 : i32
        %dma_start3A_187 = tpu.memref_slice %arg7[%add3A_180, %dma_start3A_186] : memref<125x80xi32, #tpu.memory_space<vmem>> -> memref<1x80xi32, #tpu.memory_space<vmem>>
        %dma_start3A_188 = tpu.memref_squeeze %dma_start3A_187 : memref<1x80xi32, #tpu.memory_space<vmem>> -> memref<80xi32, #tpu.memory_space<vmem>>
        %dma_start3A_189 = arith.constant 0 : i32
        %dma_start3A_190 = arith.constant 0 : i32
        %dma_start3A_191 = tpu.memref_slice %arg2[%dma_start3A_189, %dma_start3A_190] : memref<10000x128xf32, #tpu.memory_space<hbm>> -> memref<10000x128xf32, #tpu.memory_space<hbm>>
        tpu.enqueue_indirect_dma source(%dma_start3A_191 : memref<10000x128xf32, #tpu.memory_space<hbm>>) target(%dma_start3A_185 : memref<80x128xf32, #tpu.memory_space<vmem>>) offsets(%dma_start3A_188 : memref<80xi32, #tpu.memory_space<vmem>>) semaphore(%arg11 : memref<!tpu.dma_semaphore, #tpu.memory_space<semaphore_mem>>)
      } else {
      }
      %mul3A_87 = arith.constant 5 : i32
      %mul3A_88 = arith.muli %scan3A_68, %mul3A_87 : i32
      %add3A_89 = arith.constant 1 : i32
      %add3A_90 = arith.addi %mul3A_88, %add3A_89 : i32
      %dma_wait3A_91 = arith.constant 1 : i32
      %dma_wait3A_92 = arith.constant 0 : i32
      %dma_wait3A_93 = arith.constant 0 : i32
      %dma_wait3A_94 = tpu.memref_slice %arg9[%dma_wait3A_91, %dma_wait3A_92, %dma_wait3A_93] : memref<5x80x128xf32, #tpu.memory_space<vmem>> -> memref<1x80x128xf32, #tpu.memory_space<vmem>>
      %dma_wait3A_95 = tpu.memref_squeeze %dma_wait3A_94 : memref<1x80x128xf32, #tpu.memory_space<vmem>> -> memref<80x128xf32, #tpu.memory_space<vmem>>
      %dma_wait3A_96 = arith.constant 0 : i32
      %dma_wait3A_97 = tpu.memref_slice %arg7[%add3A_90, %dma_wait3A_96] : memref<125x80xi32, #tpu.memory_space<vmem>> -> memref<1x80xi32, #tpu.memory_space<vmem>>
      %dma_wait3A_98 = tpu.memref_squeeze %dma_wait3A_97 : memref<1x80xi32, #tpu.memory_space<vmem>> -> memref<80xi32, #tpu.memory_space<vmem>>
      %dma_wait3A_99 = arith.constant 0 : i32
      %dma_wait3A_100 = arith.constant 0 : i32
      %dma_wait3A_101 = tpu.memref_slice %arg2[%dma_wait3A_99, %dma_wait3A_100] : memref<10000x128xf32, #tpu.memory_space<hbm>> -> memref<10000x128xf32, #tpu.memory_space<hbm>>
      tpu.wait_indirect_dma semaphore(%arg12 : memref<!tpu.dma_semaphore, #tpu.memory_space<semaphore_mem>>) src(%dma_wait3A_101 : memref<10000x128xf32, #tpu.memory_space<hbm>>) dst(%dma_wait3A_95 : memref<80x128xf32, #tpu.memory_space<vmem>>)
      %run_scoped3A_102 = arith.constant 1 : i32
      "tpu.region"() ({
        %run_scoped3A_179 = tpu.sem_alloc : memref<!tpu.dma_semaphore, #tpu.memory_space<semaphore_mem>>
        %dma_start3A_180 = arith.constant 0 : i32
        %dma_start3A_181 = arith.constant 0 : i32
        %dma_start3A_182 = tpu.memref_slice %arg9[%run_scoped3A_102, %dma_start3A_180, %dma_start3A_181] : memref<5x80x128xf32, #tpu.memory_space<vmem>> -> memref<1x80x128xf32, #tpu.memory_space<vmem>>
        %dma_start3A_183 = tpu.memref_squeeze %dma_start3A_182 : memref<1x80x128xf32, #tpu.memory_space<vmem>> -> memref<80x128xf32, #tpu.memory_space<vmem>>
        %dma_start3A_184 = arith.constant 0 : i32
        %dma_start3A_185 = tpu.memref_slice %arg8[%add3A_90, %dma_start3A_184] : memref<125x80xi32, #tpu.memory_space<vmem>> -> memref<1x80xi32, #tpu.memory_space<vmem>>
        %dma_start3A_186 = tpu.memref_squeeze %dma_start3A_185 : memref<1x80xi32, #tpu.memory_space<vmem>> -> memref<80xi32, #tpu.memory_space<vmem>>
        %dma_start3A_187 = arith.constant 0 : i32
        %dma_start3A_188 = arith.constant 0 : i32
        %dma_start3A_189 = tpu.memref_slice %arg10[%dma_start3A_187, %dma_start3A_188] : memref<5120x128xf32, #tpu.memory_space<vmem_shared>> -> memref<5120x128xf32, #tpu.memory_space<vmem_shared>>
        tpu.enqueue_indirect_dma source(%dma_start3A_183 : memref<80x128xf32, #tpu.memory_space<vmem>>) target(%dma_start3A_189 : memref<5120x128xf32, #tpu.memory_space<vmem_shared>>) offsets(%dma_start3A_186 : memref<80xi32, #tpu.memory_space<vmem>>) semaphore(%run_scoped3A_179 : memref<!tpu.dma_semaphore, #tpu.memory_space<semaphore_mem>>) {add = true}
        %dma_wait3A_190 = arith.constant 0 : i32
        %dma_wait3A_191 = arith.constant 0 : i32
        %dma_wait3A_192 = tpu.memref_slice %arg9[%run_scoped3A_102, %dma_wait3A_190, %dma_wait3A_191] : memref<5x80x128xf32, #tpu.memory_space<vmem>> -> memref<1x80x128xf32, #tpu.memory_space<vmem>>
        %dma_wait3A_193 = tpu.memref_squeeze %dma_wait3A_192 : memref<1x80x128xf32, #tpu.memory_space<vmem>> -> memref<80x128xf32, #tpu.memory_space<vmem>>
        %dma_wait3A_194 = arith.constant 0 : i32
        %dma_wait3A_195 = tpu.memref_slice %arg8[%add3A_90, %dma_wait3A_194] : memref<125x80xi32, #tpu.memory_space<vmem>> -> memref<1x80xi32, #tpu.memory_space<vmem>>
        %dma_wait3A_196 = tpu.memref_squeeze %dma_wait3A_195 : memref<1x80xi32, #tpu.memory_space<vmem>> -> memref<80xi32, #tpu.memory_space<vmem>>
        %dma_wait3A_197 = arith.constant 0 : i32
        %dma_wait3A_198 = arith.constant 0 : i32
        %dma_wait3A_199 = tpu.memref_slice %arg10[%dma_wait3A_197, %dma_wait3A_198] : memref<5120x128xf32, #tpu.memory_space<vmem_shared>> -> memref<5120x128xf32, #tpu.memory_space<vmem_shared>>
        tpu.wait_indirect_dma semaphore(%run_scoped3A_179 : memref<!tpu.dma_semaphore, #tpu.memory_space<semaphore_mem>>) src(%dma_wait3A_193 : memref<80x128xf32, #tpu.memory_space<vmem>>) dst(%dma_wait3A_199 : memref<5120x128xf32, #tpu.memory_space<vmem_shared>>)
        tpu.yield
      }) : () -> ()
      %add3A_103 = arith.constant 5 : i32
      %add3A_104 = arith.addi %add3A_90, %add3A_103 : i32
      %lt3A_105 = arith.constant 125 : i32
      %lt3A_106 = arith.cmpi slt, %add3A_104, %lt3A_105 : i32
      %convert_element_type3A_107 = arith.extui %lt3A_106 : i1 to i32
      %cond3A_108 = arith.constant 0 : i32
      %cond3A_109 = arith.cmpi ne, %convert_element_type3A_107, %cond3A_108 : i32
      scf.if %cond3A_109 {
        %add3A_179 = arith.constant 5 : i32
        %add3A_180 = arith.addi %add3A_90, %add3A_179 : i32
        %dma_start3A_181 = arith.constant 1 : i32
        %dma_start3A_182 = arith.constant 0 : i32
        %dma_start3A_183 = arith.constant 0 : i32
        %dma_start3A_184 = tpu.memref_slice %arg9[%dma_start3A_181, %dma_start3A_182, %dma_start3A_183] : memref<5x80x128xf32, #tpu.memory_space<vmem>> -> memref<1x80x128xf32, #tpu.memory_space<vmem>>
        %dma_start3A_185 = tpu.memref_squeeze %dma_start3A_184 : memref<1x80x128xf32, #tpu.memory_space<vmem>> -> memref<80x128xf32, #tpu.memory_space<vmem>>
        %dma_start3A_186 = arith.constant 0 : i32
        %dma_start3A_187 = tpu.memref_slice %arg7[%add3A_180, %dma_start3A_186] : memref<125x80xi32, #tpu.memory_space<vmem>> -> memref<1x80xi32, #tpu.memory_space<vmem>>
        %dma_start3A_188 = tpu.memref_squeeze %dma_start3A_187 : memref<1x80xi32, #tpu.memory_space<vmem>> -> memref<80xi32, #tpu.memory_space<vmem>>
        %dma_start3A_189 = arith.constant 0 : i32
        %dma_start3A_190 = arith.constant 0 : i32
        %dma_start3A_191 = tpu.memref_slice %arg2[%dma_start3A_189, %dma_start3A_190] : memref<10000x128xf32, #tpu.memory_space<hbm>> -> memref<10000x128xf32, #tpu.memory_space<hbm>>
        tpu.enqueue_indirect_dma source(%dma_start3A_191 : memref<10000x128xf32, #tpu.memory_space<hbm>>) target(%dma_start3A_185 : memref<80x128xf32, #tpu.memory_space<vmem>>) offsets(%dma_start3A_188 : memref<80xi32, #tpu.memory_space<vmem>>) semaphore(%arg12 : memref<!tpu.dma_semaphore, #tpu.memory_space<semaphore_mem>>)
      } else {
      }
      %mul3A_110 = arith.constant 5 : i32
      %mul3A_111 = arith.muli %scan3A_68, %mul3A_110 : i32
      %add3A_112 = arith.constant 2 : i32
      %add3A_113 = arith.addi %mul3A_111, %add3A_112 : i32
      %dma_wait3A_114 = arith.constant 2 : i32
      %dma_wait3A_115 = arith.constant 0 : i32
      %dma_wait3A_116 = arith.constant 0 : i32
      %dma_wait3A_117 = tpu.memref_slice %arg9[%dma_wait3A_114, %dma_wait3A_115, %dma_wait3A_116] : memref<5x80x128xf32, #tpu.memory_space<vmem>> -> memref<1x80x128xf32, #tpu.memory_space<vmem>>
      %dma_wait3A_118 = tpu.memref_squeeze %dma_wait3A_117 : memref<1x80x128xf32, #tpu.memory_space<vmem>> -> memref<80x128xf32, #tpu.memory_space<vmem>>
      %dma_wait3A_119 = arith.constant 0 : i32
      %dma_wait3A_120 = tpu.memref_slice %arg7[%add3A_113, %dma_wait3A_119] : memref<125x80xi32, #tpu.memory_space<vmem>> -> memref<1x80xi32, #tpu.memory_space<vmem>>
      %dma_wait3A_121 = tpu.memref_squeeze %dma_wait3A_120 : memref<1x80xi32, #tpu.memory_space<vmem>> -> memref<80xi32, #tpu.memory_space<vmem>>
      %dma_wait3A_122 = arith.constant 0 : i32
      %dma_wait3A_123 = arith.constant 0 : i32
      %dma_wait3A_124 = tpu.memref_slice %arg2[%dma_wait3A_122, %dma_wait3A_123] : memref<10000x128xf32, #tpu.memory_space<hbm>> -> memref<10000x128xf32, #tpu.memory_space<hbm>>
      tpu.wait_indirect_dma semaphore(%arg13 : memref<!tpu.dma_semaphore, #tpu.memory_space<semaphore_mem>>) src(%dma_wait3A_124 : memref<10000x128xf32, #tpu.memory_space<hbm>>) dst(%dma_wait3A_118 : memref<80x128xf32, #tpu.memory_space<vmem>>)
      %run_scoped3A_125 = arith.constant 2 : i32
      "tpu.region"() ({
        %run_scoped3A_179 = tpu.sem_alloc : memref<!tpu.dma_semaphore, #tpu.memory_space<semaphore_mem>>
        %dma_start3A_180 = arith.constant 0 : i32
        %dma_start3A_181 = arith.constant 0 : i32
        %dma_start3A_182 = tpu.memref_slice %arg9[%run_scoped3A_125, %dma_start3A_180, %dma_start3A_181] : memref<5x80x128xf32, #tpu.memory_space<vmem>> -> memref<1x80x128xf32, #tpu.memory_space<vmem>>
        %dma_start3A_183 = tpu.memref_squeeze %dma_start3A_182 : memref<1x80x128xf32, #tpu.memory_space<vmem>> -> memref<80x128xf32, #tpu.memory_space<vmem>>
        %dma_start3A_184 = arith.constant 0 : i32
        %dma_start3A_185 = tpu.memref_slice %arg8[%add3A_113, %dma_start3A_184] : memref<125x80xi32, #tpu.memory_space<vmem>> -> memref<1x80xi32, #tpu.memory_space<vmem>>
        %dma_start3A_186 = tpu.memref_squeeze %dma_start3A_185 : memref<1x80xi32, #tpu.memory_space<vmem>> -> memref<80xi32, #tpu.memory_space<vmem>>
        %dma_start3A_187 = arith.constant 0 : i32
        %dma_start3A_188 = arith.constant 0 : i32
        %dma_start3A_189 = tpu.memref_slice %arg10[%dma_start3A_187, %dma_start3A_188] : memref<5120x128xf32, #tpu.memory_space<vmem_shared>> -> memref<5120x128xf32, #tpu.memory_space<vmem_shared>>
        tpu.enqueue_indirect_dma source(%dma_start3A_183 : memref<80x128xf32, #tpu.memory_space<vmem>>) target(%dma_start3A_189 : memref<5120x128xf32, #tpu.memory_space<vmem_shared>>) offsets(%dma_start3A_186 : memref<80xi32, #tpu.memory_space<vmem>>) semaphore(%run_scoped3A_179 : memref<!tpu.dma_semaphore, #tpu.memory_space<semaphore_mem>>) {add = true}
        %dma_wait3A_190 = arith.constant 0 : i32
        %dma_wait3A_191 = arith.constant 0 : i32
        %dma_wait3A_192 = tpu.memref_slice %arg9[%run_scoped3A_125, %dma_wait3A_190, %dma_wait3A_191] : memref<5x80x128xf32, #tpu.memory_space<vmem>> -> memref<1x80x128xf32, #tpu.memory_space<vmem>>
        %dma_wait3A_193 = tpu.memref_squeeze %dma_wait3A_192 : memref<1x80x128xf32, #tpu.memory_space<vmem>> -> memref<80x128xf32, #tpu.memory_space<vmem>>
        %dma_wait3A_194 = arith.constant 0 : i32
        %dma_wait3A_195 = tpu.memref_slice %arg8[%add3A_113, %dma_wait3A_194] : memref<125x80xi32, #tpu.memory_space<vmem>> -> memref<1x80xi32, #tpu.memory_space<vmem>>
        %dma_wait3A_196 = tpu.memref_squeeze %dma_wait3A_195 : memref<1x80xi32, #tpu.memory_space<vmem>> -> memref<80xi32, #tpu.memory_space<vmem>>
        %dma_wait3A_197 = arith.constant 0 : i32
        %dma_wait3A_198 = arith.constant 0 : i32
        %dma_wait3A_199 = tpu.memref_slice %arg10[%dma_wait3A_197, %dma_wait3A_198] : memref<5120x128xf32, #tpu.memory_space<vmem_shared>> -> memref<5120x128xf32, #tpu.memory_space<vmem_shared>>
        tpu.wait_indirect_dma semaphore(%run_scoped3A_179 : memref<!tpu.dma_semaphore, #tpu.memory_space<semaphore_mem>>) src(%dma_wait3A_193 : memref<80x128xf32, #tpu.memory_space<vmem>>) dst(%dma_wait3A_199 : memref<5120x128xf32, #tpu.memory_space<vmem_shared>>)
        tpu.yield
      }) : () -> ()
      %add3A_126 = arith.constant 5 : i32
      %add3A_127 = arith.addi %add3A_113, %add3A_126 : i32
      %lt3A_128 = arith.constant 125 : i32
      %lt3A_129 = arith.cmpi slt, %add3A_127, %lt3A_128 : i32
      %convert_element_type3A_130 = arith.extui %lt3A_129 : i1 to i32
      %cond3A_131 = arith.constant 0 : i32
      %cond3A_132 = arith.cmpi ne, %convert_element_type3A_130, %cond3A_131 : i32
      scf.if %cond3A_132 {
        %add3A_179 = arith.constant 5 : i32
        %add3A_180 = arith.addi %add3A_113, %add3A_179 : i32
        %dma_start3A_181 = arith.constant 2 : i32
        %dma_start3A_182 = arith.constant 0 : i32
        %dma_start3A_183 = arith.constant 0 : i32
        %dma_start3A_184 = tpu.memref_slice %arg9[%dma_start3A_181, %dma_start3A_182, %dma_start3A_183] : memref<5x80x128xf32, #tpu.memory_space<vmem>> -> memref<1x80x128xf32, #tpu.memory_space<vmem>>
        %dma_start3A_185 = tpu.memref_squeeze %dma_start3A_184 : memref<1x80x128xf32, #tpu.memory_space<vmem>> -> memref<80x128xf32, #tpu.memory_space<vmem>>
        %dma_start3A_186 = arith.constant 0 : i32
        %dma_start3A_187 = tpu.memref_slice %arg7[%add3A_180, %dma_start3A_186] : memref<125x80xi32, #tpu.memory_space<vmem>> -> memref<1x80xi32, #tpu.memory_space<vmem>>
        %dma_start3A_188 = tpu.memref_squeeze %dma_start3A_187 : memref<1x80xi32, #tpu.memory_space<vmem>> -> memref<80xi32, #tpu.memory_space<vmem>>
        %dma_start3A_189 = arith.constant 0 : i32
        %dma_start3A_190 = arith.constant 0 : i32
        %dma_start3A_191 = tpu.memref_slice %arg2[%dma_start3A_189, %dma_start3A_190] : memref<10000x128xf32, #tpu.memory_space<hbm>> -> memref<10000x128xf32, #tpu.memory_space<hbm>>
        tpu.enqueue_indirect_dma source(%dma_start3A_191 : memref<10000x128xf32, #tpu.memory_space<hbm>>) target(%dma_start3A_185 : memref<80x128xf32, #tpu.memory_space<vmem>>) offsets(%dma_start3A_188 : memref<80xi32, #tpu.memory_space<vmem>>) semaphore(%arg13 : memref<!tpu.dma_semaphore, #tpu.memory_space<semaphore_mem>>)
      } else {
      }
      %mul3A_133 = arith.constant 5 : i32
      %mul3A_134 = arith.muli %scan3A_68, %mul3A_133 : i32
      %add3A_135 = arith.constant 3 : i32
      %add3A_136 = arith.addi %mul3A_134, %add3A_135 : i32
      %dma_wait3A_137 = arith.constant 3 : i32
      %dma_wait3A_138 = arith.constant 0 : i32
      %dma_wait3A_139 = arith.constant 0 : i32
      %dma_wait3A_140 = tpu.memref_slice %arg9[%dma_wait3A_137, %dma_wait3A_138, %dma_wait3A_139] : memref<5x80x128xf32, #tpu.memory_space<vmem>> -> memref<1x80x128xf32, #tpu.memory_space<vmem>>
      %dma_wait3A_141 = tpu.memref_squeeze %dma_wait3A_140 : memref<1x80x128xf32, #tpu.memory_space<vmem>> -> memref<80x128xf32, #tpu.memory_space<vmem>>
      %dma_wait3A_142 = arith.constant 0 : i32
      %dma_wait3A_143 = tpu.memref_slice %arg7[%add3A_136, %dma_wait3A_142] : memref<125x80xi32, #tpu.memory_space<vmem>> -> memref<1x80xi32, #tpu.memory_space<vmem>>
      %dma_wait3A_144 = tpu.memref_squeeze %dma_wait3A_143 : memref<1x80xi32, #tpu.memory_space<vmem>> -> memref<80xi32, #tpu.memory_space<vmem>>
      %dma_wait3A_145 = arith.constant 0 : i32
      %dma_wait3A_146 = arith.constant 0 : i32
      %dma_wait3A_147 = tpu.memref_slice %arg2[%dma_wait3A_145, %dma_wait3A_146] : memref<10000x128xf32, #tpu.memory_space<hbm>> -> memref<10000x128xf32, #tpu.memory_space<hbm>>
      tpu.wait_indirect_dma semaphore(%arg14 : memref<!tpu.dma_semaphore, #tpu.memory_space<semaphore_mem>>) src(%dma_wait3A_147 : memref<10000x128xf32, #tpu.memory_space<hbm>>) dst(%dma_wait3A_141 : memref<80x128xf32, #tpu.memory_space<vmem>>)
      %run_scoped3A_148 = arith.constant 3 : i32
      "tpu.region"() ({
        %run_scoped3A_179 = tpu.sem_alloc : memref<!tpu.dma_semaphore, #tpu.memory_space<semaphore_mem>>
        %dma_start3A_180 = arith.constant 0 : i32
        %dma_start3A_181 = arith.constant 0 : i32
        %dma_start3A_182 = tpu.memref_slice %arg9[%run_scoped3A_148, %dma_start3A_180, %dma_start3A_181] : memref<5x80x128xf32, #tpu.memory_space<vmem>> -> memref<1x80x128xf32, #tpu.memory_space<vmem>>
        %dma_start3A_183 = tpu.memref_squeeze %dma_start3A_182 : memref<1x80x128xf32, #tpu.memory_space<vmem>> -> memref<80x128xf32, #tpu.memory_space<vmem>>
        %dma_start3A_184 = arith.constant 0 : i32
        %dma_start3A_185 = tpu.memref_slice %arg8[%add3A_136, %dma_start3A_184] : memref<125x80xi32, #tpu.memory_space<vmem>> -> memref<1x80xi32, #tpu.memory_space<vmem>>
        %dma_start3A_186 = tpu.memref_squeeze %dma_start3A_185 : memref<1x80xi32, #tpu.memory_space<vmem>> -> memref<80xi32, #tpu.memory_space<vmem>>
        %dma_start3A_187 = arith.constant 0 : i32
        %dma_start3A_188 = arith.constant 0 : i32
        %dma_start3A_189 = tpu.memref_slice %arg10[%dma_start3A_187, %dma_start3A_188] : memref<5120x128xf32, #tpu.memory_space<vmem_shared>> -> memref<5120x128xf32, #tpu.memory_space<vmem_shared>>
        tpu.enqueue_indirect_dma source(%dma_start3A_183 : memref<80x128xf32, #tpu.memory_space<vmem>>) target(%dma_start3A_189 : memref<5120x128xf32, #tpu.memory_space<vmem_shared>>) offsets(%dma_start3A_186 : memref<80xi32, #tpu.memory_space<vmem>>) semaphore(%run_scoped3A_179 : memref<!tpu.dma_semaphore, #tpu.memory_space<semaphore_mem>>) {add = true}
        %dma_wait3A_190 = arith.constant 0 : i32
        %dma_wait3A_191 = arith.constant 0 : i32
        %dma_wait3A_192 = tpu.memref_slice %arg9[%run_scoped3A_148, %dma_wait3A_190, %dma_wait3A_191] : memref<5x80x128xf32, #tpu.memory_space<vmem>> -> memref<1x80x128xf32, #tpu.memory_space<vmem>>
        %dma_wait3A_193 = tpu.memref_squeeze %dma_wait3A_192 : memref<1x80x128xf32, #tpu.memory_space<vmem>> -> memref<80x128xf32, #tpu.memory_space<vmem>>
        %dma_wait3A_194 = arith.constant 0 : i32
        %dma_wait3A_195 = tpu.memref_slice %arg8[%add3A_136, %dma_wait3A_194] : memref<125x80xi32, #tpu.memory_space<vmem>> -> memref<1x80xi32, #tpu.memory_space<vmem>>
        %dma_wait3A_196 = tpu.memref_squeeze %dma_wait3A_195 : memref<1x80xi32, #tpu.memory_space<vmem>> -> memref<80xi32, #tpu.memory_space<vmem>>
        %dma_wait3A_197 = arith.constant 0 : i32
        %dma_wait3A_198 = arith.constant 0 : i32
        %dma_wait3A_199 = tpu.memref_slice %arg10[%dma_wait3A_197, %dma_wait3A_198] : memref<5120x128xf32, #tpu.memory_space<vmem_shared>> -> memref<5120x128xf32, #tpu.memory_space<vmem_shared>>
        tpu.wait_indirect_dma semaphore(%run_scoped3A_179 : memref<!tpu.dma_semaphore, #tpu.memory_space<semaphore_mem>>) src(%dma_wait3A_193 : memref<80x128xf32, #tpu.memory_space<vmem>>) dst(%dma_wait3A_199 : memref<5120x128xf32, #tpu.memory_space<vmem_shared>>)
        tpu.yield
      }) : () -> ()
      %add3A_149 = arith.constant 5 : i32
      %add3A_150 = arith.addi %add3A_136, %add3A_149 : i32
      %lt3A_151 = arith.constant 125 : i32
      %lt3A_152 = arith.cmpi slt, %add3A_150, %lt3A_151 : i32
      %convert_element_type3A_153 = arith.extui %lt3A_152 : i1 to i32
      %cond3A_154 = arith.constant 0 : i32
      %cond3A_155 = arith.cmpi ne, %convert_element_type3A_153, %cond3A_154 : i32
      scf.if %cond3A_155 {
        %add3A_179 = arith.constant 5 : i32
        %add3A_180 = arith.addi %add3A_136, %add3A_179 : i32
        %dma_start3A_181 = arith.constant 3 : i32
        %dma_start3A_182 = arith.constant 0 : i32
        %dma_start3A_183 = arith.constant 0 : i32
        %dma_start3A_184 = tpu.memref_slice %arg9[%dma_start3A_181, %dma_start3A_182, %dma_start3A_183] : memref<5x80x128xf32, #tpu.memory_space<vmem>> -> memref<1x80x128xf32, #tpu.memory_space<vmem>>
        %dma_start3A_185 = tpu.memref_squeeze %dma_start3A_184 : memref<1x80x128xf32, #tpu.memory_space<vmem>> -> memref<80x128xf32, #tpu.memory_space<vmem>>
        %dma_start3A_186 = arith.constant 0 : i32
        %dma_start3A_187 = tpu.memref_slice %arg7[%add3A_180, %dma_start3A_186] : memref<125x80xi32, #tpu.memory_space<vmem>> -> memref<1x80xi32, #tpu.memory_space<vmem>>
        %dma_start3A_188 = tpu.memref_squeeze %dma_start3A_187 : memref<1x80xi32, #tpu.memory_space<vmem>> -> memref<80xi32, #tpu.memory_space<vmem>>
        %dma_start3A_189 = arith.constant 0 : i32
        %dma_start3A_190 = arith.constant 0 : i32
        %dma_start3A_191 = tpu.memref_slice %arg2[%dma_start3A_189, %dma_start3A_190] : memref<10000x128xf32, #tpu.memory_space<hbm>> -> memref<10000x128xf32, #tpu.memory_space<hbm>>
        tpu.enqueue_indirect_dma source(%dma_start3A_191 : memref<10000x128xf32, #tpu.memory_space<hbm>>) target(%dma_start3A_185 : memref<80x128xf32, #tpu.memory_space<vmem>>) offsets(%dma_start3A_188 : memref<80xi32, #tpu.memory_space<vmem>>) semaphore(%arg14 : memref<!tpu.dma_semaphore, #tpu.memory_space<semaphore_mem>>)
      } else {
      }
      %mul3A_156 = arith.constant 5 : i32
      %mul3A_157 = arith.muli %scan3A_68, %mul3A_156 : i32
      %add3A_158 = arith.constant 4 : i32
      %add3A_159 = arith.addi %mul3A_157, %add3A_158 : i32
      %dma_wait3A_160 = arith.constant 4 : i32
      %dma_wait3A_161 = arith.constant 0 : i32
      %dma_wait3A_162 = arith.constant 0 : i32
      %dma_wait3A_163 = tpu.memref_slice %arg9[%dma_wait3A_160, %dma_wait3A_161, %dma_wait3A_162] : memref<5x80x128xf32, #tpu.memory_space<vmem>> -> memref<1x80x128xf32, #tpu.memory_space<vmem>>
      %dma_wait3A_164 = tpu.memref_squeeze %dma_wait3A_163 : memref<1x80x128xf32, #tpu.memory_space<vmem>> -> memref<80x128xf32, #tpu.memory_space<vmem>>
      %dma_wait3A_165 = arith.constant 0 : i32
      %dma_wait3A_166 = tpu.memref_slice %arg7[%add3A_159, %dma_wait3A_165] : memref<125x80xi32, #tpu.memory_space<vmem>> -> memref<1x80xi32, #tpu.memory_space<vmem>>
      %dma_wait3A_167 = tpu.memref_squeeze %dma_wait3A_166 : memref<1x80xi32, #tpu.memory_space<vmem>> -> memref<80xi32, #tpu.memory_space<vmem>>
      %dma_wait3A_168 = arith.constant 0 : i32
      %dma_wait3A_169 = arith.constant 0 : i32
      %dma_wait3A_170 = tpu.memref_slice %arg2[%dma_wait3A_168, %dma_wait3A_169] : memref<10000x128xf32, #tpu.memory_space<hbm>> -> memref<10000x128xf32, #tpu.memory_space<hbm>>
      tpu.wait_indirect_dma semaphore(%arg15 : memref<!tpu.dma_semaphore, #tpu.memory_space<semaphore_mem>>) src(%dma_wait3A_170 : memref<10000x128xf32, #tpu.memory_space<hbm>>) dst(%dma_wait3A_164 : memref<80x128xf32, #tpu.memory_space<vmem>>)
      %run_scoped3A_171 = arith.constant 4 : i32
      "tpu.region"() ({
        %run_scoped3A_179 = tpu.sem_alloc : memref<!tpu.dma_semaphore, #tpu.memory_space<semaphore_mem>>
        %dma_start3A_180 = arith.constant 0 : i32
        %dma_start3A_181 = arith.constant 0 : i32
        %dma_start3A_182 = tpu.memref_slice %arg9[%run_scoped3A_171, %dma_start3A_180, %dma_start3A_181] : memref<5x80x128xf32, #tpu.memory_space<vmem>> -> memref<1x80x128xf32, #tpu.memory_space<vmem>>
        %dma_start3A_183 = tpu.memref_squeeze %dma_start3A_182 : memref<1x80x128xf32, #tpu.memory_space<vmem>> -> memref<80x128xf32, #tpu.memory_space<vmem>>
        %dma_start3A_184 = arith.constant 0 : i32
        %dma_start3A_185 = tpu.memref_slice %arg8[%add3A_159, %dma_start3A_184] : memref<125x80xi32, #tpu.memory_space<vmem>> -> memref<1x80xi32, #tpu.memory_space<vmem>>
        %dma_start3A_186 = tpu.memref_squeeze %dma_start3A_185 : memref<1x80xi32, #tpu.memory_space<vmem>> -> memref<80xi32, #tpu.memory_space<vmem>>
        %dma_start3A_187 = arith.constant 0 : i32
        %dma_start3A_188 = arith.constant 0 : i32
        %dma_start3A_189 = tpu.memref_slice %arg10[%dma_start3A_187, %dma_start3A_188] : memref<5120x128xf32, #tpu.memory_space<vmem_shared>> -> memref<5120x128xf32, #tpu.memory_space<vmem_shared>>
        tpu.enqueue_indirect_dma source(%dma_start3A_183 : memref<80x128xf32, #tpu.memory_space<vmem>>) target(%dma_start3A_189 : memref<5120x128xf32, #tpu.memory_space<vmem_shared>>) offsets(%dma_start3A_186 : memref<80xi32, #tpu.memory_space<vmem>>) semaphore(%run_scoped3A_179 : memref<!tpu.dma_semaphore, #tpu.memory_space<semaphore_mem>>) {add = true}
        %dma_wait3A_190 = arith.constant 0 : i32
        %dma_wait3A_191 = arith.constant 0 : i32
        %dma_wait3A_192 = tpu.memref_slice %arg9[%run_scoped3A_171, %dma_wait3A_190, %dma_wait3A_191] : memref<5x80x128xf32, #tpu.memory_space<vmem>> -> memref<1x80x128xf32, #tpu.memory_space<vmem>>
        %dma_wait3A_193 = tpu.memref_squeeze %dma_wait3A_192 : memref<1x80x128xf32, #tpu.memory_space<vmem>> -> memref<80x128xf32, #tpu.memory_space<vmem>>
        %dma_wait3A_194 = arith.constant 0 : i32
        %dma_wait3A_195 = tpu.memref_slice %arg8[%add3A_159, %dma_wait3A_194] : memref<125x80xi32, #tpu.memory_space<vmem>> -> memref<1x80xi32, #tpu.memory_space<vmem>>
        %dma_wait3A_196 = tpu.memref_squeeze %dma_wait3A_195 : memref<1x80xi32, #tpu.memory_space<vmem>> -> memref<80xi32, #tpu.memory_space<vmem>>
        %dma_wait3A_197 = arith.constant 0 : i32
        %dma_wait3A_198 = arith.constant 0 : i32
        %dma_wait3A_199 = tpu.memref_slice %arg10[%dma_wait3A_197, %dma_wait3A_198] : memref<5120x128xf32, #tpu.memory_space<vmem_shared>> -> memref<5120x128xf32, #tpu.memory_space<vmem_shared>>
        tpu.wait_indirect_dma semaphore(%run_scoped3A_179 : memref<!tpu.dma_semaphore, #tpu.memory_space<semaphore_mem>>) src(%dma_wait3A_193 : memref<80x128xf32, #tpu.memory_space<vmem>>) dst(%dma_wait3A_199 : memref<5120x128xf32, #tpu.memory_space<vmem_shared>>)
        tpu.yield
      }) : () -> ()
      %add3A_172 = arith.constant 5 : i32
      %add3A_173 = arith.addi %add3A_159, %add3A_172 : i32
      %lt3A_174 = arith.constant 125 : i32
      %lt3A_175 = arith.cmpi slt, %add3A_173, %lt3A_174 : i32
      %convert_element_type3A_176 = arith.extui %lt3A_175 : i1 to i32
      %cond3A_177 = arith.constant 0 : i32
      %cond3A_178 = arith.cmpi ne, %convert_element_type3A_176, %cond3A_177 : i32
      scf.if %cond3A_178 {
        %add3A_179 = arith.constant 5 : i32
        %add3A_180 = arith.addi %add3A_159, %add3A_179 : i32
        %dma_start3A_181 = arith.constant 4 : i32
        %dma_start3A_182 = arith.constant 0 : i32
        %dma_start3A_183 = arith.constant 0 : i32
        %dma_start3A_184 = tpu.memref_slice %arg9[%dma_start3A_181, %dma_start3A_182, %dma_start3A_183] : memref<5x80x128xf32, #tpu.memory_space<vmem>> -> memref<1x80x128xf32, #tpu.memory_space<vmem>>
        %dma_start3A_185 = tpu.memref_squeeze %dma_start3A_184 : memref<1x80x128xf32, #tpu.memory_space<vmem>> -> memref<80x128xf32, #tpu.memory_space<vmem>>
        %dma_start3A_186 = arith.constant 0 : i32
        %dma_start3A_187 = tpu.memref_slice %arg7[%add3A_180, %dma_start3A_186] : memref<125x80xi32, #tpu.memory_space<vmem>> -> memref<1x80xi32, #tpu.memory_space<vmem>>
        %dma_start3A_188 = tpu.memref_squeeze %dma_start3A_187 : memref<1x80xi32, #tpu.memory_space<vmem>> -> memref<80xi32, #tpu.memory_space<vmem>>
        %dma_start3A_189 = arith.constant 0 : i32
        %dma_start3A_190 = arith.constant 0 : i32
        %dma_start3A_191 = tpu.memref_slice %arg2[%dma_start3A_189, %dma_start3A_190] : memref<10000x128xf32, #tpu.memory_space<hbm>> -> memref<10000x128xf32, #tpu.memory_space<hbm>>
        tpu.enqueue_indirect_dma source(%dma_start3A_191 : memref<10000x128xf32, #tpu.memory_space<hbm>>) target(%dma_start3A_185 : memref<80x128xf32, #tpu.memory_space<vmem>>) offsets(%dma_start3A_188 : memref<80xi32, #tpu.memory_space<vmem>>) semaphore(%arg15 : memref<!tpu.dma_semaphore, #tpu.memory_space<semaphore_mem>>)
      } else {
      }
    }
    %scan3A_66 = arith.constant 25 : i32
    %barrier3A_67 = arith.constant 0 : index
    tpu.barrier barrier_id(%barrier3A_67)
    "tpu.region"() ({
      %run_scoped3A = tpu.sem_alloc : memref<!tpu.dma_semaphore, #tpu.memory_space<semaphore_mem>>
      %dma_start3A_68 = arith.constant 0 : i32
      %dma_start3A_69 = arith.constant 0 : i32
      %dma_start3A_70 = tpu.memref_slice %arg6[%arg0, %dma_start3A_68, %dma_start3A_69] : memref<2x5120x128xf32, #tpu.memory_space<hbm>> -> memref<1x5120x128xf32, #tpu.memory_space<hbm>>
      %dma_start3A_71 = tpu.memref_squeeze %dma_start3A_70 : memref<1x5120x128xf32, #tpu.memory_space<hbm>> -> memref<5120x128xf32, #tpu.memory_space<hbm>>
      %dma_start3A_72 = arith.constant 0 : i32
      %dma_start3A_73 = tpu.memref_slice %dma_start3A_71[%mul3A_2, %dma_start3A_72] : memref<5120x128xf32, #tpu.memory_space<hbm>> -> memref<320x128xf32, #tpu.memory_space<hbm>>
      %dma_start3A_74 = arith.constant 0 : i32
      %dma_start3A_75 = tpu.memref_slice %arg10[%mul3A_2, %dma_start3A_74] : memref<5120x128xf32, #tpu.memory_space<vmem_shared>> -> memref<320x128xf32, #tpu.memory_space<vmem_shared>>
      tpu.enqueue_dma source(%dma_start3A_75 : memref<320x128xf32, #tpu.memory_space<vmem_shared>>) target(%dma_start3A_73 : memref<320x128xf32, #tpu.memory_space<hbm>>) target_semaphore(%run_scoped3A : memref<!tpu.dma_semaphore, #tpu.memory_space<semaphore_mem>>)
      %dma_wait3A = arith.constant 0 : i32
      %dma_wait3A_76 = arith.constant 0 : i32
      %dma_wait3A_77 = tpu.memref_slice %arg6[%arg0, %dma_wait3A, %dma_wait3A_76] : memref<2x5120x128xf32, #tpu.memory_space<hbm>> -> memref<1x5120x128xf32, #tpu.memory_space<hbm>>
      %dma_wait3A_78 = tpu.memref_squeeze %dma_wait3A_77 : memref<1x5120x128xf32, #tpu.memory_space<hbm>> -> memref<5120x128xf32, #tpu.memory_space<hbm>>
      %dma_wait3A_79 = arith.constant 0 : i32
      %dma_wait3A_80 = tpu.memref_slice %dma_wait3A_78[%mul3A_2, %dma_wait3A_79] : memref<5120x128xf32, #tpu.memory_space<hbm>> -> memref<320x128xf32, #tpu.memory_space<hbm>>
      %dma_wait3A_81 = arith.constant 0 : i32
      %dma_wait3A_82 = tpu.memref_slice %arg10[%mul3A_2, %dma_wait3A_81] : memref<5120x128xf32, #tpu.memory_space<vmem_shared>> -> memref<320x128xf32, #tpu.memory_space<vmem_shared>>
      tpu.wait_dma2 semaphore(%run_scoped3A : memref<!tpu.dma_semaphore, #tpu.memory_space<semaphore_mem>>) src(%dma_wait3A_82 : memref<320x128xf32, #tpu.memory_space<vmem_shared>>) dst(%dma_wait3A_80 : memref<320x128xf32, #tpu.memory_space<hbm>>)
      tpu.yield
    }) : () -> ()
    return
  }
}

#map = affine_map<(d0, d1) -> (0, 0)>
#map1 = affine_map<(d0, d1) -> (0, 0, 0)>
module attributes {stable_mosaic.version = 14 : i64} {
  func.func @_agg_kernel(%arg0: i32, %arg1: i32, %arg2: memref<10000x128xf32, #tpu.memory_space<hbm>>, %arg3: memref<32x125x80xi32, #tpu.memory_space<hbm>>, %arg4: memref<32x125x80xi32, #tpu.memory_space<hbm>>, %arg5: memref<320x128xf32, #tpu.memory_space<hbm>>, %arg6: memref<2x5120x128xf32, #tpu.memory_space<hbm>>, %arg7: memref<125x80xi32, #tpu.memory_space<vmem>>, %arg8: memref<125x80xi32, #tpu.memory_space<vmem>>, %arg9: memref<5x80x128xf32, #tpu.memory_space<vmem>>, %arg10: memref<5120x128xf32, #tpu.memory_space<vmem_shared>>, %arg11: memref<!tpu.dma_semaphore, #tpu.memory_space<semaphore_mem>>, %arg12: memref<!tpu.dma_semaphore, #tpu.memory_space<semaphore_mem>>, %arg13: memref<!tpu.dma_semaphore, #tpu.memory_space<semaphore_mem>>, %arg14: memref<!tpu.dma_semaphore, #tpu.memory_space<semaphore_mem>>, %arg15: memref<!tpu.dma_semaphore, #tpu.memory_space<semaphore_mem>>) attributes {dimension_semantics = [#tpu.dimension_semantics<core_parallel>, #tpu.dimension_semantics<subcore_parallel>], iteration_bounds = array<i64: 2, 16>, scalar_prefetch = 0 : i64, scratch_operands = 9 : i64, tpu.core_type = #tpu.core_type<sc_vector_subcore>, window_params = [{transform_indices = #map}, {transform_indices = #map1}, {transform_indices = #map1}, {transform_indices = #map}, {transform_indices = #map1}]} {
    %mul3A = arith.constant 2 : i32
    %mul3A_0 = arith.muli %arg1, %mul3A : i32
    %add3A = arith.addi %mul3A_0, %arg0 : i32
    "tpu.region"() ({
      %run_scoped3A = tpu.sem_alloc : memref<!tpu.dma_semaphore, #tpu.memory_space<semaphore_mem>>
      %dma_start3A_68 = arith.constant 0 : i32
      %dma_start3A_69 = arith.constant 0 : i32
      %dma_start3A_70 = tpu.memref_slice %arg3[%add3A, %dma_start3A_68, %dma_start3A_69] : memref<32x125x80xi32, #tpu.memory_space<hbm>> -> memref<1x125x80xi32, #tpu.memory_space<hbm>>
      %dma_start3A_71 = tpu.memref_squeeze %dma_start3A_70 : memref<1x125x80xi32, #tpu.memory_space<hbm>> -> memref<125x80xi32, #tpu.memory_space<hbm>>
      %dma_start3A_72 = arith.constant 0 : i32
      %dma_start3A_73 = arith.constant 0 : i32
      %dma_start3A_74 = tpu.memref_slice %arg3[%add3A, %dma_start3A_72, %dma_start3A_73] : memref<32x125x80xi32, #tpu.memory_space<hbm>> -> memref<1x125x80xi32, #tpu.memory_space<hbm>>
      %dma_start3A_75 = tpu.memref_squeeze %dma_start3A_74 : memref<1x125x80xi32, #tpu.memory_space<hbm>> -> memref<125x80xi32, #tpu.memory_space<hbm>>
      tpu.enqueue_dma source(%dma_start3A_75 : memref<125x80xi32, #tpu.memory_space<hbm>>) target(%arg7 : memref<125x80xi32, #tpu.memory_space<vmem>>) target_semaphore(%run_scoped3A : memref<!tpu.dma_semaphore, #tpu.memory_space<semaphore_mem>>)
      %dma_wait3A = arith.constant 0 : i32
      %dma_wait3A_76 = arith.constant 0 : i32
      %dma_wait3A_77 = tpu.memref_slice %arg3[%add3A, %dma_wait3A, %dma_wait3A_76] : memref<32x125x80xi32, #tpu.memory_space<hbm>> -> memref<1x125x80xi32, #tpu.memory_space<hbm>>
      %dma_wait3A_78 = tpu.memref_squeeze %dma_wait3A_77 : memref<1x125x80xi32, #tpu.memory_space<hbm>> -> memref<125x80xi32, #tpu.memory_space<hbm>>
      %dma_wait3A_79 = arith.constant 0 : i32
      %dma_wait3A_80 = arith.constant 0 : i32
      %dma_wait3A_81 = tpu.memref_slice %arg3[%add3A, %dma_wait3A_79, %dma_wait3A_80] : memref<32x125x80xi32, #tpu.memory_space<hbm>> -> memref<1x125x80xi32, #tpu.memory_space<hbm>>
      %dma_wait3A_82 = tpu.memref_squeeze %dma_wait3A_81 : memref<1x125x80xi32, #tpu.memory_space<hbm>> -> memref<125x80xi32, #tpu.memory_space<hbm>>
      tpu.wait_dma2 semaphore(%run_scoped3A : memref<!tpu.dma_semaphore, #tpu.memory_space<semaphore_mem>>) src(%dma_wait3A_82 : memref<125x80xi32, #tpu.memory_space<hbm>>) dst(%arg7 : memref<125x80xi32, #tpu.memory_space<vmem>>)
      tpu.yield
    }) : () -> ()
    "tpu.region"() ({
      %run_scoped3A = tpu.sem_alloc : memref<!tpu.dma_semaphore, #tpu.memory_space<semaphore_mem>>
      %dma_start3A_68 = arith.constant 0 : i32
      %dma_start3A_69 = arith.constant 0 : i32
      %dma_start3A_70 = tpu.memref_slice %arg4[%add3A, %dma_start3A_68, %dma_start3A_69] : memref<32x125x80xi32, #tpu.memory_space<hbm>> -> memref<1x125x80xi32, #tpu.memory_space<hbm>>
      %dma_start3A_71 = tpu.memref_squeeze %dma_start3A_70 : memref<1x125x80xi32, #tpu.memory_space<hbm>> -> memref<125x80xi32, #tpu.memory_space<hbm>>
      %dma_start3A_72 = arith.constant 0 : i32
      %dma_start3A_73 = arith.constant 0 : i32
      %dma_start3A_74 = tpu.memref_slice %arg4[%add3A, %dma_start3A_72, %dma_start3A_73] : memref<32x125x80xi32, #tpu.memory_space<hbm>> -> memref<1x125x80xi32, #tpu.memory_space<hbm>>
      %dma_start3A_75 = tpu.memref_squeeze %dma_start3A_74 : memref<1x125x80xi32, #tpu.memory_space<hbm>> -> memref<125x80xi32, #tpu.memory_space<hbm>>
      tpu.enqueue_dma source(%dma_start3A_75 : memref<125x80xi32, #tpu.memory_space<hbm>>) target(%arg8 : memref<125x80xi32, #tpu.memory_space<vmem>>) target_semaphore(%run_scoped3A : memref<!tpu.dma_semaphore, #tpu.memory_space<semaphore_mem>>)
      %dma_wait3A = arith.constant 0 : i32
      %dma_wait3A_76 = arith.constant 0 : i32
      %dma_wait3A_77 = tpu.memref_slice %arg4[%add3A, %dma_wait3A, %dma_wait3A_76] : memref<32x125x80xi32, #tpu.memory_space<hbm>> -> memref<1x125x80xi32, #tpu.memory_space<hbm>>
      %dma_wait3A_78 = tpu.memref_squeeze %dma_wait3A_77 : memref<1x125x80xi32, #tpu.memory_space<hbm>> -> memref<125x80xi32, #tpu.memory_space<hbm>>
      %dma_wait3A_79 = arith.constant 0 : i32
      %dma_wait3A_80 = arith.constant 0 : i32
      %dma_wait3A_81 = tpu.memref_slice %arg4[%add3A, %dma_wait3A_79, %dma_wait3A_80] : memref<32x125x80xi32, #tpu.memory_space<hbm>> -> memref<1x125x80xi32, #tpu.memory_space<hbm>>
      %dma_wait3A_82 = tpu.memref_squeeze %dma_wait3A_81 : memref<1x125x80xi32, #tpu.memory_space<hbm>> -> memref<125x80xi32, #tpu.memory_space<hbm>>
      tpu.wait_dma2 semaphore(%run_scoped3A : memref<!tpu.dma_semaphore, #tpu.memory_space<semaphore_mem>>) src(%dma_wait3A_82 : memref<125x80xi32, #tpu.memory_space<hbm>>) dst(%arg8 : memref<125x80xi32, #tpu.memory_space<vmem>>)
      tpu.yield
    }) : () -> ()
    %mul3A_1 = arith.constant 320 : i32
    %mul3A_2 = arith.muli %arg1, %mul3A_1 : i32
    "tpu.region"() ({
      %run_scoped3A = tpu.sem_alloc : memref<!tpu.dma_semaphore, #tpu.memory_space<semaphore_mem>>
      %dma_start3A_68 = arith.constant 0 : i32
      %dma_start3A_69 = tpu.memref_slice %arg10[%mul3A_2, %dma_start3A_68] : memref<5120x128xf32, #tpu.memory_space<vmem_shared>> -> memref<320x128xf32, #tpu.memory_space<vmem_shared>>
      tpu.enqueue_dma source(%arg5 : memref<320x128xf32, #tpu.memory_space<hbm>>) target(%dma_start3A_69 : memref<320x128xf32, #tpu.memory_space<vmem_shared>>) target_semaphore(%run_scoped3A : memref<!tpu.dma_semaphore, #tpu.memory_space<semaphore_mem>>)
      %dma_wait3A = arith.constant 0 : i32
      %dma_wait3A_70 = tpu.memref_slice %arg10[%mul3A_2, %dma_wait3A] : memref<5120x128xf32, #tpu.memory_space<vmem_shared>> -> memref<320x128xf32, #tpu.memory_space<vmem_shared>>
      tpu.wait_dma2 semaphore(%run_scoped3A : memref<!tpu.dma_semaphore, #tpu.memory_space<semaphore_mem>>) src(%arg5 : memref<320x128xf32, #tpu.memory_space<hbm>>) dst(%dma_wait3A_70 : memref<320x128xf32, #tpu.memory_space<vmem_shared>>)
      tpu.yield
    }) : () -> ()
    %barrier3A = arith.constant 0 : index
    tpu.barrier barrier_id(%barrier3A)
    %dma_start3A = arith.constant 0 : i32
    %dma_start3A_3 = arith.constant 0 : i32
    %dma_start3A_4 = arith.constant 0 : i32
    %dma_start3A_5 = arith.constant 0 : i32
    %dma_start3A_6 = tpu.memref_slice %arg9[%dma_start3A_3, %dma_start3A_4, %dma_start3A_5] : memref<5x80x128xf32, #tpu.memory_space<vmem>> -> memref<1x80x128xf32, #tpu.memory_space<vmem>>
    %dma_start3A_7 = tpu.memref_squeeze %dma_start3A_6 : memref<1x80x128xf32, #tpu.memory_space<vmem>> -> memref<80x128xf32, #tpu.memory_space<vmem>>
    %dma_start3A_8 = arith.constant 0 : i32
    %dma_start3A_9 = tpu.memref_slice %arg7[%dma_start3A, %dma_start3A_8] : memref<125x80xi32, #tpu.memory_space<vmem>> -> memref<1x80xi32, #tpu.memory_space<vmem>>
    %dma_start3A_10 = tpu.memref_squeeze %dma_start3A_9 : memref<1x80xi32, #tpu.memory_space<vmem>> -> memref<80xi32, #tpu.memory_space<vmem>>
    %dma_start3A_11 = arith.constant 0 : i32
    %dma_start3A_12 = arith.constant 0 : i32
    %dma_start3A_13 = tpu.memref_slice %arg2[%dma_start3A_11, %dma_start3A_12] : memref<10000x128xf32, #tpu.memory_space<hbm>> -> memref<10000x128xf32, #tpu.memory_space<hbm>>
    tpu.enqueue_indirect_dma source(%dma_start3A_13 : memref<10000x128xf32, #tpu.memory_space<hbm>>) target(%dma_start3A_7 : memref<80x128xf32, #tpu.memory_space<vmem>>) offsets(%dma_start3A_10 : memref<80xi32, #tpu.memory_space<vmem>>) semaphore(%arg11 : memref<!tpu.dma_semaphore, #tpu.memory_space<semaphore_mem>>)
    %dma_start3A_14 = arith.constant 1 : i32
    %dma_start3A_15 = arith.constant 1 : i32
    %dma_start3A_16 = arith.constant 0 : i32
    %dma_start3A_17 = arith.constant 0 : i32
    %dma_start3A_18 = tpu.memref_slice %arg9[%dma_start3A_15, %dma_start3A_16, %dma_start3A_17] : memref<5x80x128xf32, #tpu.memory_space<vmem>> -> memref<1x80x128xf32, #tpu.memory_space<vmem>>
    %dma_start3A_19 = tpu.memref_squeeze %dma_start3A_18 : memref<1x80x128xf32, #tpu.memory_space<vmem>> -> memref<80x128xf32, #tpu.memory_space<vmem>>
    %dma_start3A_20 = arith.constant 0 : i32
    %dma_start3A_21 = tpu.memref_slice %arg7[%dma_start3A_14, %dma_start3A_20] : memref<125x80xi32, #tpu.memory_space<vmem>> -> memref<1x80xi32, #tpu.memory_space<vmem>>
    %dma_start3A_22 = tpu.memref_squeeze %dma_start3A_21 : memref<1x80xi32, #tpu.memory_space<vmem>> -> memref<80xi32, #tpu.memory_space<vmem>>
    %dma_start3A_23 = arith.constant 0 : i32
    %dma_start3A_24 = arith.constant 0 : i32
    %dma_start3A_25 = tpu.memref_slice %arg2[%dma_start3A_23, %dma_start3A_24] : memref<10000x128xf32, #tpu.memory_space<hbm>> -> memref<10000x128xf32, #tpu.memory_space<hbm>>
    tpu.enqueue_indirect_dma source(%dma_start3A_25 : memref<10000x128xf32, #tpu.memory_space<hbm>>) target(%dma_start3A_19 : memref<80x128xf32, #tpu.memory_space<vmem>>) offsets(%dma_start3A_22 : memref<80xi32, #tpu.memory_space<vmem>>) semaphore(%arg12 : memref<!tpu.dma_semaphore, #tpu.memory_space<semaphore_mem>>)
    %dma_start3A_26 = arith.constant 2 : i32
    %dma_start3A_27 = arith.constant 2 : i32
    %dma_start3A_28 = arith.constant 0 : i32
    %dma_start3A_29 = arith.constant 0 : i32
    %dma_start3A_30 = tpu.memref_slice %arg9[%dma_start3A_27, %dma_start3A_28, %dma_start3A_29] : memref<5x80x128xf32, #tpu.memory_space<vmem>> -> memref<1x80x128xf32, #tpu.memory_space<vmem>>
    %dma_start3A_31 = tpu.memref_squeeze %dma_start3A_30 : memref<1x80x128xf32, #tpu.memory_space<vmem>> -> memref<80x128xf32, #tpu.memory_space<vmem>>
    %dma_start3A_32 = arith.constant 0 : i32
    %dma_start3A_33 = tpu.memref_slice %arg7[%dma_start3A_26, %dma_start3A_32] : memref<125x80xi32, #tpu.memory_space<vmem>> -> memref<1x80xi32, #tpu.memory_space<vmem>>
    %dma_start3A_34 = tpu.memref_squeeze %dma_start3A_33 : memref<1x80xi32, #tpu.memory_space<vmem>> -> memref<80xi32, #tpu.memory_space<vmem>>
    %dma_start3A_35 = arith.constant 0 : i32
    %dma_start3A_36 = arith.constant 0 : i32
    %dma_start3A_37 = tpu.memref_slice %arg2[%dma_start3A_35, %dma_start3A_36] : memref<10000x128xf32, #tpu.memory_space<hbm>> -> memref<10000x128xf32, #tpu.memory_space<hbm>>
    tpu.enqueue_indirect_dma source(%dma_start3A_37 : memref<10000x128xf32, #tpu.memory_space<hbm>>) target(%dma_start3A_31 : memref<80x128xf32, #tpu.memory_space<vmem>>) offsets(%dma_start3A_34 : memref<80xi32, #tpu.memory_space<vmem>>) semaphore(%arg13 : memref<!tpu.dma_semaphore, #tpu.memory_space<semaphore_mem>>)
    %dma_start3A_38 = arith.constant 3 : i32
    %dma_start3A_39 = arith.constant 3 : i32
    %dma_start3A_40 = arith.constant 0 : i32
    %dma_start3A_41 = arith.constant 0 : i32
    %dma_start3A_42 = tpu.memref_slice %arg9[%dma_start3A_39, %dma_start3A_40, %dma_start3A_41] : memref<5x80x128xf32, #tpu.memory_space<vmem>> -> memref<1x80x128xf32, #tpu.memory_space<vmem>>
    %dma_start3A_43 = tpu.memref_squeeze %dma_start3A_42 : memref<1x80x128xf32, #tpu.memory_space<vmem>> -> memref<80x128xf32, #tpu.memory_space<vmem>>
    %dma_start3A_44 = arith.constant 0 : i32
    %dma_start3A_45 = tpu.memref_slice %arg7[%dma_start3A_38, %dma_start3A_44] : memref<125x80xi32, #tpu.memory_space<vmem>> -> memref<1x80xi32, #tpu.memory_space<vmem>>
    %dma_start3A_46 = tpu.memref_squeeze %dma_start3A_45 : memref<1x80xi32, #tpu.memory_space<vmem>> -> memref<80xi32, #tpu.memory_space<vmem>>
    %dma_start3A_47 = arith.constant 0 : i32
    %dma_start3A_48 = arith.constant 0 : i32
    %dma_start3A_49 = tpu.memref_slice %arg2[%dma_start3A_47, %dma_start3A_48] : memref<10000x128xf32, #tpu.memory_space<hbm>> -> memref<10000x128xf32, #tpu.memory_space<hbm>>
    tpu.enqueue_indirect_dma source(%dma_start3A_49 : memref<10000x128xf32, #tpu.memory_space<hbm>>) target(%dma_start3A_43 : memref<80x128xf32, #tpu.memory_space<vmem>>) offsets(%dma_start3A_46 : memref<80xi32, #tpu.memory_space<vmem>>) semaphore(%arg14 : memref<!tpu.dma_semaphore, #tpu.memory_space<semaphore_mem>>)
    %dma_start3A_50 = arith.constant 4 : i32
    %dma_start3A_51 = arith.constant 4 : i32
    %dma_start3A_52 = arith.constant 0 : i32
    %dma_start3A_53 = arith.constant 0 : i32
    %dma_start3A_54 = tpu.memref_slice %arg9[%dma_start3A_51, %dma_start3A_52, %dma_start3A_53] : memref<5x80x128xf32, #tpu.memory_space<vmem>> -> memref<1x80x128xf32, #tpu.memory_space<vmem>>
    %dma_start3A_55 = tpu.memref_squeeze %dma_start3A_54 : memref<1x80x128xf32, #tpu.memory_space<vmem>> -> memref<80x128xf32, #tpu.memory_space<vmem>>
    %dma_start3A_56 = arith.constant 0 : i32
    %dma_start3A_57 = tpu.memref_slice %arg7[%dma_start3A_50, %dma_start3A_56] : memref<125x80xi32, #tpu.memory_space<vmem>> -> memref<1x80xi32, #tpu.memory_space<vmem>>
    %dma_start3A_58 = tpu.memref_squeeze %dma_start3A_57 : memref<1x80xi32, #tpu.memory_space<vmem>> -> memref<80xi32, #tpu.memory_space<vmem>>
    %dma_start3A_59 = arith.constant 0 : i32
    %dma_start3A_60 = arith.constant 0 : i32
    %dma_start3A_61 = tpu.memref_slice %arg2[%dma_start3A_59, %dma_start3A_60] : memref<10000x128xf32, #tpu.memory_space<hbm>> -> memref<10000x128xf32, #tpu.memory_space<hbm>>
    tpu.enqueue_indirect_dma source(%dma_start3A_61 : memref<10000x128xf32, #tpu.memory_space<hbm>>) target(%dma_start3A_55 : memref<80x128xf32, #tpu.memory_space<vmem>>) offsets(%dma_start3A_58 : memref<80xi32, #tpu.memory_space<vmem>>) semaphore(%arg15 : memref<!tpu.dma_semaphore, #tpu.memory_space<semaphore_mem>>)
    %scan3A = arith.constant 0 : i32
    %scan3A_62 = arith.constant 0 : i32
    %scan3A_63 = arith.constant 25 : i32
    %scan3A_64 = arith.addi %scan3A_62, %scan3A_63 : i32
    %scan3A_65 = arith.constant 1 : i32
    scf.for %scan3A_68 = %scan3A_62 to %scan3A_64 step %scan3A_65  : i32 {
      %mul3A_69 = arith.constant 5 : i32
      %mul3A_70 = arith.muli %scan3A_68, %mul3A_69 : i32
      %add3A_71 = arith.constant 0 : i32
      %add3A_72 = arith.addi %mul3A_70, %add3A_71 : i32
      %dma_wait3A = arith.constant 0 : i32
      %dma_wait3A_73 = arith.constant 0 : i32
      %dma_wait3A_74 = arith.constant 0 : i32
      %dma_wait3A_75 = tpu.memref_slice %arg9[%dma_wait3A, %dma_wait3A_73, %dma_wait3A_74] : memref<5x80x128xf32, #tpu.memory_space<vmem>> -> memref<1x80x128xf32, #tpu.memory_space<vmem>>
      %dma_wait3A_76 = tpu.memref_squeeze %dma_wait3A_75 : memref<1x80x128xf32, #tpu.memory_space<vmem>> -> memref<80x128xf32, #tpu.memory_space<vmem>>
      %dma_wait3A_77 = arith.constant 0 : i32
      %dma_wait3A_78 = tpu.memref_slice %arg7[%add3A_72, %dma_wait3A_77] : memref<125x80xi32, #tpu.memory_space<vmem>> -> memref<1x80xi32, #tpu.memory_space<vmem>>
      %dma_wait3A_79 = tpu.memref_squeeze %dma_wait3A_78 : memref<1x80xi32, #tpu.memory_space<vmem>> -> memref<80xi32, #tpu.memory_space<vmem>>
      %dma_wait3A_80 = arith.constant 0 : i32
      %dma_wait3A_81 = arith.constant 0 : i32
      %dma_wait3A_82 = tpu.memref_slice %arg2[%dma_wait3A_80, %dma_wait3A_81] : memref<10000x128xf32, #tpu.memory_space<hbm>> -> memref<10000x128xf32, #tpu.memory_space<hbm>>
      tpu.wait_indirect_dma semaphore(%arg11 : memref<!tpu.dma_semaphore, #tpu.memory_space<semaphore_mem>>) src(%dma_wait3A_82 : memref<10000x128xf32, #tpu.memory_space<hbm>>) dst(%dma_wait3A_76 : memref<80x128xf32, #tpu.memory_space<vmem>>)
      %run_scoped3A = arith.constant 0 : i32
      "tpu.region"() ({
        %run_scoped3A_179 = tpu.sem_alloc : memref<!tpu.dma_semaphore, #tpu.memory_space<semaphore_mem>>
        %dma_start3A_180 = arith.constant 0 : i32
        %dma_start3A_181 = arith.constant 0 : i32
        %dma_start3A_182 = tpu.memref_slice %arg9[%run_scoped3A, %dma_start3A_180, %dma_start3A_181] : memref<5x80x128xf32, #tpu.memory_space<vmem>> -> memref<1x80x128xf32, #tpu.memory_space<vmem>>
        %dma_start3A_183 = tpu.memref_squeeze %dma_start3A_182 : memref<1x80x128xf32, #tpu.memory_space<vmem>> -> memref<80x128xf32, #tpu.memory_space<vmem>>
        %dma_start3A_184 = arith.constant 0 : i32
        %dma_start3A_185 = tpu.memref_slice %arg8[%add3A_72, %dma_start3A_184] : memref<125x80xi32, #tpu.memory_space<vmem>> -> memref<1x80xi32, #tpu.memory_space<vmem>>
        %dma_start3A_186 = tpu.memref_squeeze %dma_start3A_185 : memref<1x80xi32, #tpu.memory_space<vmem>> -> memref<80xi32, #tpu.memory_space<vmem>>
        %dma_start3A_187 = arith.constant 0 : i32
        %dma_start3A_188 = arith.constant 0 : i32
        %dma_start3A_189 = tpu.memref_slice %arg10[%dma_start3A_187, %dma_start3A_188] : memref<5120x128xf32, #tpu.memory_space<vmem_shared>> -> memref<5120x128xf32, #tpu.memory_space<vmem_shared>>
        tpu.enqueue_indirect_dma source(%dma_start3A_183 : memref<80x128xf32, #tpu.memory_space<vmem>>) target(%dma_start3A_189 : memref<5120x128xf32, #tpu.memory_space<vmem_shared>>) offsets(%dma_start3A_186 : memref<80xi32, #tpu.memory_space<vmem>>) semaphore(%run_scoped3A_179 : memref<!tpu.dma_semaphore, #tpu.memory_space<semaphore_mem>>) {add = true}
        %dma_wait3A_190 = arith.constant 0 : i32
        %dma_wait3A_191 = arith.constant 0 : i32
        %dma_wait3A_192 = tpu.memref_slice %arg9[%run_scoped3A, %dma_wait3A_190, %dma_wait3A_191] : memref<5x80x128xf32, #tpu.memory_space<vmem>> -> memref<1x80x128xf32, #tpu.memory_space<vmem>>
        %dma_wait3A_193 = tpu.memref_squeeze %dma_wait3A_192 : memref<1x80x128xf32, #tpu.memory_space<vmem>> -> memref<80x128xf32, #tpu.memory_space<vmem>>
        %dma_wait3A_194 = arith.constant 0 : i32
        %dma_wait3A_195 = tpu.memref_slice %arg8[%add3A_72, %dma_wait3A_194] : memref<125x80xi32, #tpu.memory_space<vmem>> -> memref<1x80xi32, #tpu.memory_space<vmem>>
        %dma_wait3A_196 = tpu.memref_squeeze %dma_wait3A_195 : memref<1x80xi32, #tpu.memory_space<vmem>> -> memref<80xi32, #tpu.memory_space<vmem>>
        %dma_wait3A_197 = arith.constant 0 : i32
        %dma_wait3A_198 = arith.constant 0 : i32
        %dma_wait3A_199 = tpu.memref_slice %arg10[%dma_wait3A_197, %dma_wait3A_198] : memref<5120x128xf32, #tpu.memory_space<vmem_shared>> -> memref<5120x128xf32, #tpu.memory_space<vmem_shared>>
        tpu.wait_indirect_dma semaphore(%run_scoped3A_179 : memref<!tpu.dma_semaphore, #tpu.memory_space<semaphore_mem>>) src(%dma_wait3A_193 : memref<80x128xf32, #tpu.memory_space<vmem>>) dst(%dma_wait3A_199 : memref<5120x128xf32, #tpu.memory_space<vmem_shared>>)
        tpu.yield
      }) : () -> ()
      %add3A_83 = arith.constant 5 : i32
      %add3A_84 = arith.addi %add3A_72, %add3A_83 : i32
      %lt3A = arith.constant 125 : i32
      %lt3A_85 = arith.cmpi slt, %add3A_84, %lt3A : i32
      %convert_element_type3A = arith.extui %lt3A_85 : i1 to i32
      %cond3A = arith.constant 0 : i32
      %cond3A_86 = arith.cmpi ne, %convert_element_type3A, %cond3A : i32
      scf.if %cond3A_86 {
        %add3A_179 = arith.constant 5 : i32
        %add3A_180 = arith.addi %add3A_72, %add3A_179 : i32
        %dma_start3A_181 = arith.constant 0 : i32
        %dma_start3A_182 = arith.constant 0 : i32
        %dma_start3A_183 = arith.constant 0 : i32
        %dma_start3A_184 = tpu.memref_slice %arg9[%dma_start3A_181, %dma_start3A_182, %dma_start3A_183] : memref<5x80x128xf32, #tpu.memory_space<vmem>> -> memref<1x80x128xf32, #tpu.memory_space<vmem>>
        %dma_start3A_185 = tpu.memref_squeeze %dma_start3A_184 : memref<1x80x128xf32, #tpu.memory_space<vmem>> -> memref<80x128xf32, #tpu.memory_space<vmem>>
        %dma_start3A_186 = arith.constant 0 : i32
        %dma_start3A_187 = tpu.memref_slice %arg7[%add3A_180, %dma_start3A_186] : memref<125x80xi32, #tpu.memory_space<vmem>> -> memref<1x80xi32, #tpu.memory_space<vmem>>
        %dma_start3A_188 = tpu.memref_squeeze %dma_start3A_187 : memref<1x80xi32, #tpu.memory_space<vmem>> -> memref<80xi32, #tpu.memory_space<vmem>>
        %dma_start3A_189 = arith.constant 0 : i32
        %dma_start3A_190 = arith.constant 0 : i32
        %dma_start3A_191 = tpu.memref_slice %arg2[%dma_start3A_189, %dma_start3A_190] : memref<10000x128xf32, #tpu.memory_space<hbm>> -> memref<10000x128xf32, #tpu.memory_space<hbm>>
        tpu.enqueue_indirect_dma source(%dma_start3A_191 : memref<10000x128xf32, #tpu.memory_space<hbm>>) target(%dma_start3A_185 : memref<80x128xf32, #tpu.memory_space<vmem>>) offsets(%dma_start3A_188 : memref<80xi32, #tpu.memory_space<vmem>>) semaphore(%arg11 : memref<!tpu.dma_semaphore, #tpu.memory_space<semaphore_mem>>)
      } else {
      }
      %mul3A_87 = arith.constant 5 : i32
      %mul3A_88 = arith.muli %scan3A_68, %mul3A_87 : i32
      %add3A_89 = arith.constant 1 : i32
      %add3A_90 = arith.addi %mul3A_88, %add3A_89 : i32
      %dma_wait3A_91 = arith.constant 1 : i32
      %dma_wait3A_92 = arith.constant 0 : i32
      %dma_wait3A_93 = arith.constant 0 : i32
      %dma_wait3A_94 = tpu.memref_slice %arg9[%dma_wait3A_91, %dma_wait3A_92, %dma_wait3A_93] : memref<5x80x128xf32, #tpu.memory_space<vmem>> -> memref<1x80x128xf32, #tpu.memory_space<vmem>>
      %dma_wait3A_95 = tpu.memref_squeeze %dma_wait3A_94 : memref<1x80x128xf32, #tpu.memory_space<vmem>> -> memref<80x128xf32, #tpu.memory_space<vmem>>
      %dma_wait3A_96 = arith.constant 0 : i32
      %dma_wait3A_97 = tpu.memref_slice %arg7[%add3A_90, %dma_wait3A_96] : memref<125x80xi32, #tpu.memory_space<vmem>> -> memref<1x80xi32, #tpu.memory_space<vmem>>
      %dma_wait3A_98 = tpu.memref_squeeze %dma_wait3A_97 : memref<1x80xi32, #tpu.memory_space<vmem>> -> memref<80xi32, #tpu.memory_space<vmem>>
      %dma_wait3A_99 = arith.constant 0 : i32
      %dma_wait3A_100 = arith.constant 0 : i32
      %dma_wait3A_101 = tpu.memref_slice %arg2[%dma_wait3A_99, %dma_wait3A_100] : memref<10000x128xf32, #tpu.memory_space<hbm>> -> memref<10000x128xf32, #tpu.memory_space<hbm>>
      tpu.wait_indirect_dma semaphore(%arg12 : memref<!tpu.dma_semaphore, #tpu.memory_space<semaphore_mem>>) src(%dma_wait3A_101 : memref<10000x128xf32, #tpu.memory_space<hbm>>) dst(%dma_wait3A_95 : memref<80x128xf32, #tpu.memory_space<vmem>>)
      %run_scoped3A_102 = arith.constant 1 : i32
      "tpu.region"() ({
        %run_scoped3A_179 = tpu.sem_alloc : memref<!tpu.dma_semaphore, #tpu.memory_space<semaphore_mem>>
        %dma_start3A_180 = arith.constant 0 : i32
        %dma_start3A_181 = arith.constant 0 : i32
        %dma_start3A_182 = tpu.memref_slice %arg9[%run_scoped3A_102, %dma_start3A_180, %dma_start3A_181] : memref<5x80x128xf32, #tpu.memory_space<vmem>> -> memref<1x80x128xf32, #tpu.memory_space<vmem>>
        %dma_start3A_183 = tpu.memref_squeeze %dma_start3A_182 : memref<1x80x128xf32, #tpu.memory_space<vmem>> -> memref<80x128xf32, #tpu.memory_space<vmem>>
        %dma_start3A_184 = arith.constant 0 : i32
        %dma_start3A_185 = tpu.memref_slice %arg8[%add3A_90, %dma_start3A_184] : memref<125x80xi32, #tpu.memory_space<vmem>> -> memref<1x80xi32, #tpu.memory_space<vmem>>
        %dma_start3A_186 = tpu.memref_squeeze %dma_start3A_185 : memref<1x80xi32, #tpu.memory_space<vmem>> -> memref<80xi32, #tpu.memory_space<vmem>>
        %dma_start3A_187 = arith.constant 0 : i32
        %dma_start3A_188 = arith.constant 0 : i32
        %dma_start3A_189 = tpu.memref_slice %arg10[%dma_start3A_187, %dma_start3A_188] : memref<5120x128xf32, #tpu.memory_space<vmem_shared>> -> memref<5120x128xf32, #tpu.memory_space<vmem_shared>>
        tpu.enqueue_indirect_dma source(%dma_start3A_183 : memref<80x128xf32, #tpu.memory_space<vmem>>) target(%dma_start3A_189 : memref<5120x128xf32, #tpu.memory_space<vmem_shared>>) offsets(%dma_start3A_186 : memref<80xi32, #tpu.memory_space<vmem>>) semaphore(%run_scoped3A_179 : memref<!tpu.dma_semaphore, #tpu.memory_space<semaphore_mem>>) {add = true}
        %dma_wait3A_190 = arith.constant 0 : i32
        %dma_wait3A_191 = arith.constant 0 : i32
        %dma_wait3A_192 = tpu.memref_slice %arg9[%run_scoped3A_102, %dma_wait3A_190, %dma_wait3A_191] : memref<5x80x128xf32, #tpu.memory_space<vmem>> -> memref<1x80x128xf32, #tpu.memory_space<vmem>>
        %dma_wait3A_193 = tpu.memref_squeeze %dma_wait3A_192 : memref<1x80x128xf32, #tpu.memory_space<vmem>> -> memref<80x128xf32, #tpu.memory_space<vmem>>
        %dma_wait3A_194 = arith.constant 0 : i32
        %dma_wait3A_195 = tpu.memref_slice %arg8[%add3A_90, %dma_wait3A_194] : memref<125x80xi32, #tpu.memory_space<vmem>> -> memref<1x80xi32, #tpu.memory_space<vmem>>
        %dma_wait3A_196 = tpu.memref_squeeze %dma_wait3A_195 : memref<1x80xi32, #tpu.memory_space<vmem>> -> memref<80xi32, #tpu.memory_space<vmem>>
        %dma_wait3A_197 = arith.constant 0 : i32
        %dma_wait3A_198 = arith.constant 0 : i32
        %dma_wait3A_199 = tpu.memref_slice %arg10[%dma_wait3A_197, %dma_wait3A_198] : memref<5120x128xf32, #tpu.memory_space<vmem_shared>> -> memref<5120x128xf32, #tpu.memory_space<vmem_shared>>
        tpu.wait_indirect_dma semaphore(%run_scoped3A_179 : memref<!tpu.dma_semaphore, #tpu.memory_space<semaphore_mem>>) src(%dma_wait3A_193 : memref<80x128xf32, #tpu.memory_space<vmem>>) dst(%dma_wait3A_199 : memref<5120x128xf32, #tpu.memory_space<vmem_shared>>)
        tpu.yield
      }) : () -> ()
      %add3A_103 = arith.constant 5 : i32
      %add3A_104 = arith.addi %add3A_90, %add3A_103 : i32
      %lt3A_105 = arith.constant 125 : i32
      %lt3A_106 = arith.cmpi slt, %add3A_104, %lt3A_105 : i32
      %convert_element_type3A_107 = arith.extui %lt3A_106 : i1 to i32
      %cond3A_108 = arith.constant 0 : i32
      %cond3A_109 = arith.cmpi ne, %convert_element_type3A_107, %cond3A_108 : i32
      scf.if %cond3A_109 {
        %add3A_179 = arith.constant 5 : i32
        %add3A_180 = arith.addi %add3A_90, %add3A_179 : i32
        %dma_start3A_181 = arith.constant 1 : i32
        %dma_start3A_182 = arith.constant 0 : i32
        %dma_start3A_183 = arith.constant 0 : i32
        %dma_start3A_184 = tpu.memref_slice %arg9[%dma_start3A_181, %dma_start3A_182, %dma_start3A_183] : memref<5x80x128xf32, #tpu.memory_space<vmem>> -> memref<1x80x128xf32, #tpu.memory_space<vmem>>
        %dma_start3A_185 = tpu.memref_squeeze %dma_start3A_184 : memref<1x80x128xf32, #tpu.memory_space<vmem>> -> memref<80x128xf32, #tpu.memory_space<vmem>>
        %dma_start3A_186 = arith.constant 0 : i32
        %dma_start3A_187 = tpu.memref_slice %arg7[%add3A_180, %dma_start3A_186] : memref<125x80xi32, #tpu.memory_space<vmem>> -> memref<1x80xi32, #tpu.memory_space<vmem>>
        %dma_start3A_188 = tpu.memref_squeeze %dma_start3A_187 : memref<1x80xi32, #tpu.memory_space<vmem>> -> memref<80xi32, #tpu.memory_space<vmem>>
        %dma_start3A_189 = arith.constant 0 : i32
        %dma_start3A_190 = arith.constant 0 : i32
        %dma_start3A_191 = tpu.memref_slice %arg2[%dma_start3A_189, %dma_start3A_190] : memref<10000x128xf32, #tpu.memory_space<hbm>> -> memref<10000x128xf32, #tpu.memory_space<hbm>>
        tpu.enqueue_indirect_dma source(%dma_start3A_191 : memref<10000x128xf32, #tpu.memory_space<hbm>>) target(%dma_start3A_185 : memref<80x128xf32, #tpu.memory_space<vmem>>) offsets(%dma_start3A_188 : memref<80xi32, #tpu.memory_space<vmem>>) semaphore(%arg12 : memref<!tpu.dma_semaphore, #tpu.memory_space<semaphore_mem>>)
      } else {
      }
      %mul3A_110 = arith.constant 5 : i32
      %mul3A_111 = arith.muli %scan3A_68, %mul3A_110 : i32
      %add3A_112 = arith.constant 2 : i32
      %add3A_113 = arith.addi %mul3A_111, %add3A_112 : i32
      %dma_wait3A_114 = arith.constant 2 : i32
      %dma_wait3A_115 = arith.constant 0 : i32
      %dma_wait3A_116 = arith.constant 0 : i32
      %dma_wait3A_117 = tpu.memref_slice %arg9[%dma_wait3A_114, %dma_wait3A_115, %dma_wait3A_116] : memref<5x80x128xf32, #tpu.memory_space<vmem>> -> memref<1x80x128xf32, #tpu.memory_space<vmem>>
      %dma_wait3A_118 = tpu.memref_squeeze %dma_wait3A_117 : memref<1x80x128xf32, #tpu.memory_space<vmem>> -> memref<80x128xf32, #tpu.memory_space<vmem>>
      %dma_wait3A_119 = arith.constant 0 : i32
      %dma_wait3A_120 = tpu.memref_slice %arg7[%add3A_113, %dma_wait3A_119] : memref<125x80xi32, #tpu.memory_space<vmem>> -> memref<1x80xi32, #tpu.memory_space<vmem>>
      %dma_wait3A_121 = tpu.memref_squeeze %dma_wait3A_120 : memref<1x80xi32, #tpu.memory_space<vmem>> -> memref<80xi32, #tpu.memory_space<vmem>>
      %dma_wait3A_122 = arith.constant 0 : i32
      %dma_wait3A_123 = arith.constant 0 : i32
      %dma_wait3A_124 = tpu.memref_slice %arg2[%dma_wait3A_122, %dma_wait3A_123] : memref<10000x128xf32, #tpu.memory_space<hbm>> -> memref<10000x128xf32, #tpu.memory_space<hbm>>
      tpu.wait_indirect_dma semaphore(%arg13 : memref<!tpu.dma_semaphore, #tpu.memory_space<semaphore_mem>>) src(%dma_wait3A_124 : memref<10000x128xf32, #tpu.memory_space<hbm>>) dst(%dma_wait3A_118 : memref<80x128xf32, #tpu.memory_space<vmem>>)
      %run_scoped3A_125 = arith.constant 2 : i32
      "tpu.region"() ({
        %run_scoped3A_179 = tpu.sem_alloc : memref<!tpu.dma_semaphore, #tpu.memory_space<semaphore_mem>>
        %dma_start3A_180 = arith.constant 0 : i32
        %dma_start3A_181 = arith.constant 0 : i32
        %dma_start3A_182 = tpu.memref_slice %arg9[%run_scoped3A_125, %dma_start3A_180, %dma_start3A_181] : memref<5x80x128xf32, #tpu.memory_space<vmem>> -> memref<1x80x128xf32, #tpu.memory_space<vmem>>
        %dma_start3A_183 = tpu.memref_squeeze %dma_start3A_182 : memref<1x80x128xf32, #tpu.memory_space<vmem>> -> memref<80x128xf32, #tpu.memory_space<vmem>>
        %dma_start3A_184 = arith.constant 0 : i32
        %dma_start3A_185 = tpu.memref_slice %arg8[%add3A_113, %dma_start3A_184] : memref<125x80xi32, #tpu.memory_space<vmem>> -> memref<1x80xi32, #tpu.memory_space<vmem>>
        %dma_start3A_186 = tpu.memref_squeeze %dma_start3A_185 : memref<1x80xi32, #tpu.memory_space<vmem>> -> memref<80xi32, #tpu.memory_space<vmem>>
        %dma_start3A_187 = arith.constant 0 : i32
        %dma_start3A_188 = arith.constant 0 : i32
        %dma_start3A_189 = tpu.memref_slice %arg10[%dma_start3A_187, %dma_start3A_188] : memref<5120x128xf32, #tpu.memory_space<vmem_shared>> -> memref<5120x128xf32, #tpu.memory_space<vmem_shared>>
        tpu.enqueue_indirect_dma source(%dma_start3A_183 : memref<80x128xf32, #tpu.memory_space<vmem>>) target(%dma_start3A_189 : memref<5120x128xf32, #tpu.memory_space<vmem_shared>>) offsets(%dma_start3A_186 : memref<80xi32, #tpu.memory_space<vmem>>) semaphore(%run_scoped3A_179 : memref<!tpu.dma_semaphore, #tpu.memory_space<semaphore_mem>>) {add = true}
        %dma_wait3A_190 = arith.constant 0 : i32
        %dma_wait3A_191 = arith.constant 0 : i32
        %dma_wait3A_192 = tpu.memref_slice %arg9[%run_scoped3A_125, %dma_wait3A_190, %dma_wait3A_191] : memref<5x80x128xf32, #tpu.memory_space<vmem>> -> memref<1x80x128xf32, #tpu.memory_space<vmem>>
        %dma_wait3A_193 = tpu.memref_squeeze %dma_wait3A_192 : memref<1x80x128xf32, #tpu.memory_space<vmem>> -> memref<80x128xf32, #tpu.memory_space<vmem>>
        %dma_wait3A_194 = arith.constant 0 : i32
        %dma_wait3A_195 = tpu.memref_slice %arg8[%add3A_113, %dma_wait3A_194] : memref<125x80xi32, #tpu.memory_space<vmem>> -> memref<1x80xi32, #tpu.memory_space<vmem>>
        %dma_wait3A_196 = tpu.memref_squeeze %dma_wait3A_195 : memref<1x80xi32, #tpu.memory_space<vmem>> -> memref<80xi32, #tpu.memory_space<vmem>>
        %dma_wait3A_197 = arith.constant 0 : i32
        %dma_wait3A_198 = arith.constant 0 : i32
        %dma_wait3A_199 = tpu.memref_slice %arg10[%dma_wait3A_197, %dma_wait3A_198] : memref<5120x128xf32, #tpu.memory_space<vmem_shared>> -> memref<5120x128xf32, #tpu.memory_space<vmem_shared>>
        tpu.wait_indirect_dma semaphore(%run_scoped3A_179 : memref<!tpu.dma_semaphore, #tpu.memory_space<semaphore_mem>>) src(%dma_wait3A_193 : memref<80x128xf32, #tpu.memory_space<vmem>>) dst(%dma_wait3A_199 : memref<5120x128xf32, #tpu.memory_space<vmem_shared>>)
        tpu.yield
      }) : () -> ()
      %add3A_126 = arith.constant 5 : i32
      %add3A_127 = arith.addi %add3A_113, %add3A_126 : i32
      %lt3A_128 = arith.constant 125 : i32
      %lt3A_129 = arith.cmpi slt, %add3A_127, %lt3A_128 : i32
      %convert_element_type3A_130 = arith.extui %lt3A_129 : i1 to i32
      %cond3A_131 = arith.constant 0 : i32
      %cond3A_132 = arith.cmpi ne, %convert_element_type3A_130, %cond3A_131 : i32
      scf.if %cond3A_132 {
        %add3A_179 = arith.constant 5 : i32
        %add3A_180 = arith.addi %add3A_113, %add3A_179 : i32
        %dma_start3A_181 = arith.constant 2 : i32
        %dma_start3A_182 = arith.constant 0 : i32
        %dma_start3A_183 = arith.constant 0 : i32
        %dma_start3A_184 = tpu.memref_slice %arg9[%dma_start3A_181, %dma_start3A_182, %dma_start3A_183] : memref<5x80x128xf32, #tpu.memory_space<vmem>> -> memref<1x80x128xf32, #tpu.memory_space<vmem>>
        %dma_start3A_185 = tpu.memref_squeeze %dma_start3A_184 : memref<1x80x128xf32, #tpu.memory_space<vmem>> -> memref<80x128xf32, #tpu.memory_space<vmem>>
        %dma_start3A_186 = arith.constant 0 : i32
        %dma_start3A_187 = tpu.memref_slice %arg7[%add3A_180, %dma_start3A_186] : memref<125x80xi32, #tpu.memory_space<vmem>> -> memref<1x80xi32, #tpu.memory_space<vmem>>
        %dma_start3A_188 = tpu.memref_squeeze %dma_start3A_187 : memref<1x80xi32, #tpu.memory_space<vmem>> -> memref<80xi32, #tpu.memory_space<vmem>>
        %dma_start3A_189 = arith.constant 0 : i32
        %dma_start3A_190 = arith.constant 0 : i32
        %dma_start3A_191 = tpu.memref_slice %arg2[%dma_start3A_189, %dma_start3A_190] : memref<10000x128xf32, #tpu.memory_space<hbm>> -> memref<10000x128xf32, #tpu.memory_space<hbm>>
        tpu.enqueue_indirect_dma source(%dma_start3A_191 : memref<10000x128xf32, #tpu.memory_space<hbm>>) target(%dma_start3A_185 : memref<80x128xf32, #tpu.memory_space<vmem>>) offsets(%dma_start3A_188 : memref<80xi32, #tpu.memory_space<vmem>>) semaphore(%arg13 : memref<!tpu.dma_semaphore, #tpu.memory_space<semaphore_mem>>)
      } else {
      }
      %mul3A_133 = arith.constant 5 : i32
      %mul3A_134 = arith.muli %scan3A_68, %mul3A_133 : i32
      %add3A_135 = arith.constant 3 : i32
      %add3A_136 = arith.addi %mul3A_134, %add3A_135 : i32
      %dma_wait3A_137 = arith.constant 3 : i32
      %dma_wait3A_138 = arith.constant 0 : i32
      %dma_wait3A_139 = arith.constant 0 : i32
      %dma_wait3A_140 = tpu.memref_slice %arg9[%dma_wait3A_137, %dma_wait3A_138, %dma_wait3A_139] : memref<5x80x128xf32, #tpu.memory_space<vmem>> -> memref<1x80x128xf32, #tpu.memory_space<vmem>>
      %dma_wait3A_141 = tpu.memref_squeeze %dma_wait3A_140 : memref<1x80x128xf32, #tpu.memory_space<vmem>> -> memref<80x128xf32, #tpu.memory_space<vmem>>
      %dma_wait3A_142 = arith.constant 0 : i32
      %dma_wait3A_143 = tpu.memref_slice %arg7[%add3A_136, %dma_wait3A_142] : memref<125x80xi32, #tpu.memory_space<vmem>> -> memref<1x80xi32, #tpu.memory_space<vmem>>
      %dma_wait3A_144 = tpu.memref_squeeze %dma_wait3A_143 : memref<1x80xi32, #tpu.memory_space<vmem>> -> memref<80xi32, #tpu.memory_space<vmem>>
      %dma_wait3A_145 = arith.constant 0 : i32
      %dma_wait3A_146 = arith.constant 0 : i32
      %dma_wait3A_147 = tpu.memref_slice %arg2[%dma_wait3A_145, %dma_wait3A_146] : memref<10000x128xf32, #tpu.memory_space<hbm>> -> memref<10000x128xf32, #tpu.memory_space<hbm>>
      tpu.wait_indirect_dma semaphore(%arg14 : memref<!tpu.dma_semaphore, #tpu.memory_space<semaphore_mem>>) src(%dma_wait3A_147 : memref<10000x128xf32, #tpu.memory_space<hbm>>) dst(%dma_wait3A_141 : memref<80x128xf32, #tpu.memory_space<vmem>>)
      %run_scoped3A_148 = arith.constant 3 : i32
      "tpu.region"() ({
        %run_scoped3A_179 = tpu.sem_alloc : memref<!tpu.dma_semaphore, #tpu.memory_space<semaphore_mem>>
        %dma_start3A_180 = arith.constant 0 : i32
        %dma_start3A_181 = arith.constant 0 : i32
        %dma_start3A_182 = tpu.memref_slice %arg9[%run_scoped3A_148, %dma_start3A_180, %dma_start3A_181] : memref<5x80x128xf32, #tpu.memory_space<vmem>> -> memref<1x80x128xf32, #tpu.memory_space<vmem>>
        %dma_start3A_183 = tpu.memref_squeeze %dma_start3A_182 : memref<1x80x128xf32, #tpu.memory_space<vmem>> -> memref<80x128xf32, #tpu.memory_space<vmem>>
        %dma_start3A_184 = arith.constant 0 : i32
        %dma_start3A_185 = tpu.memref_slice %arg8[%add3A_136, %dma_start3A_184] : memref<125x80xi32, #tpu.memory_space<vmem>> -> memref<1x80xi32, #tpu.memory_space<vmem>>
        %dma_start3A_186 = tpu.memref_squeeze %dma_start3A_185 : memref<1x80xi32, #tpu.memory_space<vmem>> -> memref<80xi32, #tpu.memory_space<vmem>>
        %dma_start3A_187 = arith.constant 0 : i32
        %dma_start3A_188 = arith.constant 0 : i32
        %dma_start3A_189 = tpu.memref_slice %arg10[%dma_start3A_187, %dma_start3A_188] : memref<5120x128xf32, #tpu.memory_space<vmem_shared>> -> memref<5120x128xf32, #tpu.memory_space<vmem_shared>>
        tpu.enqueue_indirect_dma source(%dma_start3A_183 : memref<80x128xf32, #tpu.memory_space<vmem>>) target(%dma_start3A_189 : memref<5120x128xf32, #tpu.memory_space<vmem_shared>>) offsets(%dma_start3A_186 : memref<80xi32, #tpu.memory_space<vmem>>) semaphore(%run_scoped3A_179 : memref<!tpu.dma_semaphore, #tpu.memory_space<semaphore_mem>>) {add = true}
        %dma_wait3A_190 = arith.constant 0 : i32
        %dma_wait3A_191 = arith.constant 0 : i32
        %dma_wait3A_192 = tpu.memref_slice %arg9[%run_scoped3A_148, %dma_wait3A_190, %dma_wait3A_191] : memref<5x80x128xf32, #tpu.memory_space<vmem>> -> memref<1x80x128xf32, #tpu.memory_space<vmem>>
        %dma_wait3A_193 = tpu.memref_squeeze %dma_wait3A_192 : memref<1x80x128xf32, #tpu.memory_space<vmem>> -> memref<80x128xf32, #tpu.memory_space<vmem>>
        %dma_wait3A_194 = arith.constant 0 : i32
        %dma_wait3A_195 = tpu.memref_slice %arg8[%add3A_136, %dma_wait3A_194] : memref<125x80xi32, #tpu.memory_space<vmem>> -> memref<1x80xi32, #tpu.memory_space<vmem>>
        %dma_wait3A_196 = tpu.memref_squeeze %dma_wait3A_195 : memref<1x80xi32, #tpu.memory_space<vmem>> -> memref<80xi32, #tpu.memory_space<vmem>>
        %dma_wait3A_197 = arith.constant 0 : i32
        %dma_wait3A_198 = arith.constant 0 : i32
        %dma_wait3A_199 = tpu.memref_slice %arg10[%dma_wait3A_197, %dma_wait3A_198] : memref<5120x128xf32, #tpu.memory_space<vmem_shared>> -> memref<5120x128xf32, #tpu.memory_space<vmem_shared>>
        tpu.wait_indirect_dma semaphore(%run_scoped3A_179 : memref<!tpu.dma_semaphore, #tpu.memory_space<semaphore_mem>>) src(%dma_wait3A_193 : memref<80x128xf32, #tpu.memory_space<vmem>>) dst(%dma_wait3A_199 : memref<5120x128xf32, #tpu.memory_space<vmem_shared>>)
        tpu.yield
      }) : () -> ()
      %add3A_149 = arith.constant 5 : i32
      %add3A_150 = arith.addi %add3A_136, %add3A_149 : i32
      %lt3A_151 = arith.constant 125 : i32
      %lt3A_152 = arith.cmpi slt, %add3A_150, %lt3A_151 : i32
      %convert_element_type3A_153 = arith.extui %lt3A_152 : i1 to i32
      %cond3A_154 = arith.constant 0 : i32
      %cond3A_155 = arith.cmpi ne, %convert_element_type3A_153, %cond3A_154 : i32
      scf.if %cond3A_155 {
        %add3A_179 = arith.constant 5 : i32
        %add3A_180 = arith.addi %add3A_136, %add3A_179 : i32
        %dma_start3A_181 = arith.constant 3 : i32
        %dma_start3A_182 = arith.constant 0 : i32
        %dma_start3A_183 = arith.constant 0 : i32
        %dma_start3A_184 = tpu.memref_slice %arg9[%dma_start3A_181, %dma_start3A_182, %dma_start3A_183] : memref<5x80x128xf32, #tpu.memory_space<vmem>> -> memref<1x80x128xf32, #tpu.memory_space<vmem>>
        %dma_start3A_185 = tpu.memref_squeeze %dma_start3A_184 : memref<1x80x128xf32, #tpu.memory_space<vmem>> -> memref<80x128xf32, #tpu.memory_space<vmem>>
        %dma_start3A_186 = arith.constant 0 : i32
        %dma_start3A_187 = tpu.memref_slice %arg7[%add3A_180, %dma_start3A_186] : memref<125x80xi32, #tpu.memory_space<vmem>> -> memref<1x80xi32, #tpu.memory_space<vmem>>
        %dma_start3A_188 = tpu.memref_squeeze %dma_start3A_187 : memref<1x80xi32, #tpu.memory_space<vmem>> -> memref<80xi32, #tpu.memory_space<vmem>>
        %dma_start3A_189 = arith.constant 0 : i32
        %dma_start3A_190 = arith.constant 0 : i32
        %dma_start3A_191 = tpu.memref_slice %arg2[%dma_start3A_189, %dma_start3A_190] : memref<10000x128xf32, #tpu.memory_space<hbm>> -> memref<10000x128xf32, #tpu.memory_space<hbm>>
        tpu.enqueue_indirect_dma source(%dma_start3A_191 : memref<10000x128xf32, #tpu.memory_space<hbm>>) target(%dma_start3A_185 : memref<80x128xf32, #tpu.memory_space<vmem>>) offsets(%dma_start3A_188 : memref<80xi32, #tpu.memory_space<vmem>>) semaphore(%arg14 : memref<!tpu.dma_semaphore, #tpu.memory_space<semaphore_mem>>)
      } else {
      }
      %mul3A_156 = arith.constant 5 : i32
      %mul3A_157 = arith.muli %scan3A_68, %mul3A_156 : i32
      %add3A_158 = arith.constant 4 : i32
      %add3A_159 = arith.addi %mul3A_157, %add3A_158 : i32
      %dma_wait3A_160 = arith.constant 4 : i32
      %dma_wait3A_161 = arith.constant 0 : i32
      %dma_wait3A_162 = arith.constant 0 : i32
      %dma_wait3A_163 = tpu.memref_slice %arg9[%dma_wait3A_160, %dma_wait3A_161, %dma_wait3A_162] : memref<5x80x128xf32, #tpu.memory_space<vmem>> -> memref<1x80x128xf32, #tpu.memory_space<vmem>>
      %dma_wait3A_164 = tpu.memref_squeeze %dma_wait3A_163 : memref<1x80x128xf32, #tpu.memory_space<vmem>> -> memref<80x128xf32, #tpu.memory_space<vmem>>
      %dma_wait3A_165 = arith.constant 0 : i32
      %dma_wait3A_166 = tpu.memref_slice %arg7[%add3A_159, %dma_wait3A_165] : memref<125x80xi32, #tpu.memory_space<vmem>> -> memref<1x80xi32, #tpu.memory_space<vmem>>
      %dma_wait3A_167 = tpu.memref_squeeze %dma_wait3A_166 : memref<1x80xi32, #tpu.memory_space<vmem>> -> memref<80xi32, #tpu.memory_space<vmem>>
      %dma_wait3A_168 = arith.constant 0 : i32
      %dma_wait3A_169 = arith.constant 0 : i32
      %dma_wait3A_170 = tpu.memref_slice %arg2[%dma_wait3A_168, %dma_wait3A_169] : memref<10000x128xf32, #tpu.memory_space<hbm>> -> memref<10000x128xf32, #tpu.memory_space<hbm>>
      tpu.wait_indirect_dma semaphore(%arg15 : memref<!tpu.dma_semaphore, #tpu.memory_space<semaphore_mem>>) src(%dma_wait3A_170 : memref<10000x128xf32, #tpu.memory_space<hbm>>) dst(%dma_wait3A_164 : memref<80x128xf32, #tpu.memory_space<vmem>>)
      %run_scoped3A_171 = arith.constant 4 : i32
      "tpu.region"() ({
        %run_scoped3A_179 = tpu.sem_alloc : memref<!tpu.dma_semaphore, #tpu.memory_space<semaphore_mem>>
        %dma_start3A_180 = arith.constant 0 : i32
        %dma_start3A_181 = arith.constant 0 : i32
        %dma_start3A_182 = tpu.memref_slice %arg9[%run_scoped3A_171, %dma_start3A_180, %dma_start3A_181] : memref<5x80x128xf32, #tpu.memory_space<vmem>> -> memref<1x80x128xf32, #tpu.memory_space<vmem>>
        %dma_start3A_183 = tpu.memref_squeeze %dma_start3A_182 : memref<1x80x128xf32, #tpu.memory_space<vmem>> -> memref<80x128xf32, #tpu.memory_space<vmem>>
        %dma_start3A_184 = arith.constant 0 : i32
        %dma_start3A_185 = tpu.memref_slice %arg8[%add3A_159, %dma_start3A_184] : memref<125x80xi32, #tpu.memory_space<vmem>> -> memref<1x80xi32, #tpu.memory_space<vmem>>
        %dma_start3A_186 = tpu.memref_squeeze %dma_start3A_185 : memref<1x80xi32, #tpu.memory_space<vmem>> -> memref<80xi32, #tpu.memory_space<vmem>>
        %dma_start3A_187 = arith.constant 0 : i32
        %dma_start3A_188 = arith.constant 0 : i32
        %dma_start3A_189 = tpu.memref_slice %arg10[%dma_start3A_187, %dma_start3A_188] : memref<5120x128xf32, #tpu.memory_space<vmem_shared>> -> memref<5120x128xf32, #tpu.memory_space<vmem_shared>>
        tpu.enqueue_indirect_dma source(%dma_start3A_183 : memref<80x128xf32, #tpu.memory_space<vmem>>) target(%dma_start3A_189 : memref<5120x128xf32, #tpu.memory_space<vmem_shared>>) offsets(%dma_start3A_186 : memref<80xi32, #tpu.memory_space<vmem>>) semaphore(%run_scoped3A_179 : memref<!tpu.dma_semaphore, #tpu.memory_space<semaphore_mem>>) {add = true}
        %dma_wait3A_190 = arith.constant 0 : i32
        %dma_wait3A_191 = arith.constant 0 : i32
        %dma_wait3A_192 = tpu.memref_slice %arg9[%run_scoped3A_171, %dma_wait3A_190, %dma_wait3A_191] : memref<5x80x128xf32, #tpu.memory_space<vmem>> -> memref<1x80x128xf32, #tpu.memory_space<vmem>>
        %dma_wait3A_193 = tpu.memref_squeeze %dma_wait3A_192 : memref<1x80x128xf32, #tpu.memory_space<vmem>> -> memref<80x128xf32, #tpu.memory_space<vmem>>
        %dma_wait3A_194 = arith.constant 0 : i32
        %dma_wait3A_195 = tpu.memref_slice %arg8[%add3A_159, %dma_wait3A_194] : memref<125x80xi32, #tpu.memory_space<vmem>> -> memref<1x80xi32, #tpu.memory_space<vmem>>
        %dma_wait3A_196 = tpu.memref_squeeze %dma_wait3A_195 : memref<1x80xi32, #tpu.memory_space<vmem>> -> memref<80xi32, #tpu.memory_space<vmem>>
        %dma_wait3A_197 = arith.constant 0 : i32
        %dma_wait3A_198 = arith.constant 0 : i32
        %dma_wait3A_199 = tpu.memref_slice %arg10[%dma_wait3A_197, %dma_wait3A_198] : memref<5120x128xf32, #tpu.memory_space<vmem_shared>> -> memref<5120x128xf32, #tpu.memory_space<vmem_shared>>
        tpu.wait_indirect_dma semaphore(%run_scoped3A_179 : memref<!tpu.dma_semaphore, #tpu.memory_space<semaphore_mem>>) src(%dma_wait3A_193 : memref<80x128xf32, #tpu.memory_space<vmem>>) dst(%dma_wait3A_199 : memref<5120x128xf32, #tpu.memory_space<vmem_shared>>)
        tpu.yield
      }) : () -> ()
      %add3A_172 = arith.constant 5 : i32
      %add3A_173 = arith.addi %add3A_159, %add3A_172 : i32
      %lt3A_174 = arith.constant 125 : i32
      %lt3A_175 = arith.cmpi slt, %add3A_173, %lt3A_174 : i32
      %convert_element_type3A_176 = arith.extui %lt3A_175 : i1 to i32
      %cond3A_177 = arith.constant 0 : i32
      %cond3A_178 = arith.cmpi ne, %convert_element_type3A_176, %cond3A_177 : i32
      scf.if %cond3A_178 {
        %add3A_179 = arith.constant 5 : i32
        %add3A_180 = arith.addi %add3A_159, %add3A_179 : i32
        %dma_start3A_181 = arith.constant 4 : i32
        %dma_start3A_182 = arith.constant 0 : i32
        %dma_start3A_183 = arith.constant 0 : i32
        %dma_start3A_184 = tpu.memref_slice %arg9[%dma_start3A_181, %dma_start3A_182, %dma_start3A_183] : memref<5x80x128xf32, #tpu.memory_space<vmem>> -> memref<1x80x128xf32, #tpu.memory_space<vmem>>
        %dma_start3A_185 = tpu.memref_squeeze %dma_start3A_184 : memref<1x80x128xf32, #tpu.memory_space<vmem>> -> memref<80x128xf32, #tpu.memory_space<vmem>>
        %dma_start3A_186 = arith.constant 0 : i32
        %dma_start3A_187 = tpu.memref_slice %arg7[%add3A_180, %dma_start3A_186] : memref<125x80xi32, #tpu.memory_space<vmem>> -> memref<1x80xi32, #tpu.memory_space<vmem>>
        %dma_start3A_188 = tpu.memref_squeeze %dma_start3A_187 : memref<1x80xi32, #tpu.memory_space<vmem>> -> memref<80xi32, #tpu.memory_space<vmem>>
        %dma_start3A_189 = arith.constant 0 : i32
        %dma_start3A_190 = arith.constant 0 : i32
        %dma_start3A_191 = tpu.memref_slice %arg2[%dma_start3A_189, %dma_start3A_190] : memref<10000x128xf32, #tpu.memory_space<hbm>> -> memref<10000x128xf32, #tpu.memory_space<hbm>>
        tpu.enqueue_indirect_dma source(%dma_start3A_191 : memref<10000x128xf32, #tpu.memory_space<hbm>>) target(%dma_start3A_185 : memref<80x128xf32, #tpu.memory_space<vmem>>) offsets(%dma_start3A_188 : memref<80xi32, #tpu.memory_space<vmem>>) semaphore(%arg15 : memref<!tpu.dma_semaphore, #tpu.memory_space<semaphore_mem>>)
      } else {
      }
    }
    %scan3A_66 = arith.constant 25 : i32
    %barrier3A_67 = arith.constant 0 : index
    tpu.barrier barrier_id(%barrier3A_67)
    "tpu.region"() ({
      %run_scoped3A = tpu.sem_alloc : memref<!tpu.dma_semaphore, #tpu.memory_space<semaphore_mem>>
      %dma_start3A_68 = arith.constant 0 : i32
      %dma_start3A_69 = arith.constant 0 : i32
      %dma_start3A_70 = tpu.memref_slice %arg6[%arg0, %dma_start3A_68, %dma_start3A_69] : memref<2x5120x128xf32, #tpu.memory_space<hbm>> -> memref<1x5120x128xf32, #tpu.memory_space<hbm>>
      %dma_start3A_71 = tpu.memref_squeeze %dma_start3A_70 : memref<1x5120x128xf32, #tpu.memory_space<hbm>> -> memref<5120x128xf32, #tpu.memory_space<hbm>>
      %dma_start3A_72 = arith.constant 0 : i32
      %dma_start3A_73 = tpu.memref_slice %dma_start3A_71[%mul3A_2, %dma_start3A_72] : memref<5120x128xf32, #tpu.memory_space<hbm>> -> memref<320x128xf32, #tpu.memory_space<hbm>>
      %dma_start3A_74 = arith.constant 0 : i32
      %dma_start3A_75 = tpu.memref_slice %arg10[%mul3A_2, %dma_start3A_74] : memref<5120x128xf32, #tpu.memory_space<vmem_shared>> -> memref<320x128xf32, #tpu.memory_space<vmem_shared>>
      tpu.enqueue_dma source(%dma_start3A_75 : memref<320x128xf32, #tpu.memory_space<vmem_shared>>) target(%dma_start3A_73 : memref<320x128xf32, #tpu.memory_space<hbm>>) target_semaphore(%run_scoped3A : memref<!tpu.dma_semaphore, #tpu.memory_space<semaphore_mem>>)
      %dma_wait3A = arith.constant 0 : i32
      %dma_wait3A_76 = arith.constant 0 : i32
      %dma_wait3A_77 = tpu.memref_slice %arg6[%arg0, %dma_wait3A, %dma_wait3A_76] : memref<2x5120x128xf32, #tpu.memory_space<hbm>> -> memref<1x5120x128xf32, #tpu.memory_space<hbm>>
      %dma_wait3A_78 = tpu.memref_squeeze %dma_wait3A_77 : memref<1x5120x128xf32, #tpu.memory_space<hbm>> -> memref<5120x128xf32, #tpu.memory_space<hbm>>
      %dma_wait3A_79 = arith.constant 0 : i32
      %dma_wait3A_80 = tpu.memref_slice %dma_wait3A_78[%mul3A_2, %dma_wait3A_79] : memref<5120x128xf32, #tpu.memory_space<hbm>> -> memref<320x128xf32, #tpu.memory_space<hbm>>
      %dma_wait3A_81 = arith.constant 0 : i32
      %dma_wait3A_82 = tpu.memref_slice %arg10[%mul3A_2, %dma_wait3A_81] : memref<5120x128xf32, #tpu.memory_space<vmem_shared>> -> memref<320x128xf32, #tpu.memory_space<vmem_shared>>
      tpu.wait_dma2 semaphore(%run_scoped3A : memref<!tpu.dma_semaphore, #tpu.memory_space<semaphore_mem>>) src(%dma_wait3A_82 : memref<320x128xf32, #tpu.memory_space<vmem_shared>>) dst(%dma_wait3A_80 : memref<320x128xf32, #tpu.memory_space<hbm>>)
      tpu.yield
    }) : () -> ()
    return
  }
}

#map = affine_map<(d0, d1) -> (0, 0)>
#map1 = affine_map<(d0, d1) -> (0, 0, 0)>
module attributes {stable_mosaic.version = 14 : i64} {
  func.func @_agg_kernel(%arg0: i32, %arg1: i32, %arg2: memref<10000x128xf32, #tpu.memory_space<hbm>>, %arg3: memref<32x125x80xi32, #tpu.memory_space<hbm>>, %arg4: memref<32x125x80xi32, #tpu.memory_space<hbm>>, %arg5: memref<320x128xf32, #tpu.memory_space<hbm>>, %arg6: memref<2x5120x128xf32, #tpu.memory_space<hbm>>, %arg7: memref<125x80xi32, #tpu.memory_space<vmem>>, %arg8: memref<125x80xi32, #tpu.memory_space<vmem>>, %arg9: memref<5x80x128xf32, #tpu.memory_space<vmem>>, %arg10: memref<5120x128xf32, #tpu.memory_space<vmem_shared>>, %arg11: memref<!tpu.dma_semaphore, #tpu.memory_space<semaphore_mem>>, %arg12: memref<!tpu.dma_semaphore, #tpu.memory_space<semaphore_mem>>, %arg13: memref<!tpu.dma_semaphore, #tpu.memory_space<semaphore_mem>>, %arg14: memref<!tpu.dma_semaphore, #tpu.memory_space<semaphore_mem>>, %arg15: memref<!tpu.dma_semaphore, #tpu.memory_space<semaphore_mem>>) attributes {dimension_semantics = [#tpu.dimension_semantics<core_parallel>, #tpu.dimension_semantics<subcore_parallel>], iteration_bounds = array<i64: 2, 16>, scalar_prefetch = 0 : i64, scratch_operands = 9 : i64, tpu.core_type = #tpu.core_type<sc_vector_subcore>, window_params = [{transform_indices = #map}, {transform_indices = #map1}, {transform_indices = #map1}, {transform_indices = #map}, {transform_indices = #map1}]} {
    %mul3A = arith.constant 2 : i32
    %mul3A_0 = arith.muli %arg1, %mul3A : i32
    %add3A = arith.addi %mul3A_0, %arg0 : i32
    "tpu.region"() ({
      %run_scoped3A = tpu.sem_alloc : memref<!tpu.dma_semaphore, #tpu.memory_space<semaphore_mem>>
      %dma_start3A_68 = arith.constant 0 : i32
      %dma_start3A_69 = arith.constant 0 : i32
      %dma_start3A_70 = tpu.memref_slice %arg3[%add3A, %dma_start3A_68, %dma_start3A_69] : memref<32x125x80xi32, #tpu.memory_space<hbm>> -> memref<1x125x80xi32, #tpu.memory_space<hbm>>
      %dma_start3A_71 = tpu.memref_squeeze %dma_start3A_70 : memref<1x125x80xi32, #tpu.memory_space<hbm>> -> memref<125x80xi32, #tpu.memory_space<hbm>>
      %dma_start3A_72 = arith.constant 0 : i32
      %dma_start3A_73 = arith.constant 0 : i32
      %dma_start3A_74 = tpu.memref_slice %arg3[%add3A, %dma_start3A_72, %dma_start3A_73] : memref<32x125x80xi32, #tpu.memory_space<hbm>> -> memref<1x125x80xi32, #tpu.memory_space<hbm>>
      %dma_start3A_75 = tpu.memref_squeeze %dma_start3A_74 : memref<1x125x80xi32, #tpu.memory_space<hbm>> -> memref<125x80xi32, #tpu.memory_space<hbm>>
      tpu.enqueue_dma source(%dma_start3A_75 : memref<125x80xi32, #tpu.memory_space<hbm>>) target(%arg7 : memref<125x80xi32, #tpu.memory_space<vmem>>) target_semaphore(%run_scoped3A : memref<!tpu.dma_semaphore, #tpu.memory_space<semaphore_mem>>)
      %dma_wait3A = arith.constant 0 : i32
      %dma_wait3A_76 = arith.constant 0 : i32
      %dma_wait3A_77 = tpu.memref_slice %arg3[%add3A, %dma_wait3A, %dma_wait3A_76] : memref<32x125x80xi32, #tpu.memory_space<hbm>> -> memref<1x125x80xi32, #tpu.memory_space<hbm>>
      %dma_wait3A_78 = tpu.memref_squeeze %dma_wait3A_77 : memref<1x125x80xi32, #tpu.memory_space<hbm>> -> memref<125x80xi32, #tpu.memory_space<hbm>>
      %dma_wait3A_79 = arith.constant 0 : i32
      %dma_wait3A_80 = arith.constant 0 : i32
      %dma_wait3A_81 = tpu.memref_slice %arg3[%add3A, %dma_wait3A_79, %dma_wait3A_80] : memref<32x125x80xi32, #tpu.memory_space<hbm>> -> memref<1x125x80xi32, #tpu.memory_space<hbm>>
      %dma_wait3A_82 = tpu.memref_squeeze %dma_wait3A_81 : memref<1x125x80xi32, #tpu.memory_space<hbm>> -> memref<125x80xi32, #tpu.memory_space<hbm>>
      tpu.wait_dma2 semaphore(%run_scoped3A : memref<!tpu.dma_semaphore, #tpu.memory_space<semaphore_mem>>) src(%dma_wait3A_82 : memref<125x80xi32, #tpu.memory_space<hbm>>) dst(%arg7 : memref<125x80xi32, #tpu.memory_space<vmem>>)
      tpu.yield
    }) : () -> ()
    "tpu.region"() ({
      %run_scoped3A = tpu.sem_alloc : memref<!tpu.dma_semaphore, #tpu.memory_space<semaphore_mem>>
      %dma_start3A_68 = arith.constant 0 : i32
      %dma_start3A_69 = arith.constant 0 : i32
      %dma_start3A_70 = tpu.memref_slice %arg4[%add3A, %dma_start3A_68, %dma_start3A_69] : memref<32x125x80xi32, #tpu.memory_space<hbm>> -> memref<1x125x80xi32, #tpu.memory_space<hbm>>
      %dma_start3A_71 = tpu.memref_squeeze %dma_start3A_70 : memref<1x125x80xi32, #tpu.memory_space<hbm>> -> memref<125x80xi32, #tpu.memory_space<hbm>>
      %dma_start3A_72 = arith.constant 0 : i32
      %dma_start3A_73 = arith.constant 0 : i32
      %dma_start3A_74 = tpu.memref_slice %arg4[%add3A, %dma_start3A_72, %dma_start3A_73] : memref<32x125x80xi32, #tpu.memory_space<hbm>> -> memref<1x125x80xi32, #tpu.memory_space<hbm>>
      %dma_start3A_75 = tpu.memref_squeeze %dma_start3A_74 : memref<1x125x80xi32, #tpu.memory_space<hbm>> -> memref<125x80xi32, #tpu.memory_space<hbm>>
      tpu.enqueue_dma source(%dma_start3A_75 : memref<125x80xi32, #tpu.memory_space<hbm>>) target(%arg8 : memref<125x80xi32, #tpu.memory_space<vmem>>) target_semaphore(%run_scoped3A : memref<!tpu.dma_semaphore, #tpu.memory_space<semaphore_mem>>)
      %dma_wait3A = arith.constant 0 : i32
      %dma_wait3A_76 = arith.constant 0 : i32
      %dma_wait3A_77 = tpu.memref_slice %arg4[%add3A, %dma_wait3A, %dma_wait3A_76] : memref<32x125x80xi32, #tpu.memory_space<hbm>> -> memref<1x125x80xi32, #tpu.memory_space<hbm>>
      %dma_wait3A_78 = tpu.memref_squeeze %dma_wait3A_77 : memref<1x125x80xi32, #tpu.memory_space<hbm>> -> memref<125x80xi32, #tpu.memory_space<hbm>>
      %dma_wait3A_79 = arith.constant 0 : i32
      %dma_wait3A_80 = arith.constant 0 : i32
      %dma_wait3A_81 = tpu.memref_slice %arg4[%add3A, %dma_wait3A_79, %dma_wait3A_80] : memref<32x125x80xi32, #tpu.memory_space<hbm>> -> memref<1x125x80xi32, #tpu.memory_space<hbm>>
      %dma_wait3A_82 = tpu.memref_squeeze %dma_wait3A_81 : memref<1x125x80xi32, #tpu.memory_space<hbm>> -> memref<125x80xi32, #tpu.memory_space<hbm>>
      tpu.wait_dma2 semaphore(%run_scoped3A : memref<!tpu.dma_semaphore, #tpu.memory_space<semaphore_mem>>) src(%dma_wait3A_82 : memref<125x80xi32, #tpu.memory_space<hbm>>) dst(%arg8 : memref<125x80xi32, #tpu.memory_space<vmem>>)
      tpu.yield
    }) : () -> ()
    %mul3A_1 = arith.constant 320 : i32
    %mul3A_2 = arith.muli %arg1, %mul3A_1 : i32
    "tpu.region"() ({
      %run_scoped3A = tpu.sem_alloc : memref<!tpu.dma_semaphore, #tpu.memory_space<semaphore_mem>>
      %dma_start3A_68 = arith.constant 0 : i32
      %dma_start3A_69 = tpu.memref_slice %arg10[%mul3A_2, %dma_start3A_68] : memref<5120x128xf32, #tpu.memory_space<vmem_shared>> -> memref<320x128xf32, #tpu.memory_space<vmem_shared>>
      tpu.enqueue_dma source(%arg5 : memref<320x128xf32, #tpu.memory_space<hbm>>) target(%dma_start3A_69 : memref<320x128xf32, #tpu.memory_space<vmem_shared>>) target_semaphore(%run_scoped3A : memref<!tpu.dma_semaphore, #tpu.memory_space<semaphore_mem>>)
      %dma_wait3A = arith.constant 0 : i32
      %dma_wait3A_70 = tpu.memref_slice %arg10[%mul3A_2, %dma_wait3A] : memref<5120x128xf32, #tpu.memory_space<vmem_shared>> -> memref<320x128xf32, #tpu.memory_space<vmem_shared>>
      tpu.wait_dma2 semaphore(%run_scoped3A : memref<!tpu.dma_semaphore, #tpu.memory_space<semaphore_mem>>) src(%arg5 : memref<320x128xf32, #tpu.memory_space<hbm>>) dst(%dma_wait3A_70 : memref<320x128xf32, #tpu.memory_space<vmem_shared>>)
      tpu.yield
    }) : () -> ()
    %barrier3A = arith.constant 0 : index
    tpu.barrier barrier_id(%barrier3A)
    %dma_start3A = arith.constant 0 : i32
    %dma_start3A_3 = arith.constant 0 : i32
    %dma_start3A_4 = arith.constant 0 : i32
    %dma_start3A_5 = arith.constant 0 : i32
    %dma_start3A_6 = tpu.memref_slice %arg9[%dma_start3A_3, %dma_start3A_4, %dma_start3A_5] : memref<5x80x128xf32, #tpu.memory_space<vmem>> -> memref<1x80x128xf32, #tpu.memory_space<vmem>>
    %dma_start3A_7 = tpu.memref_squeeze %dma_start3A_6 : memref<1x80x128xf32, #tpu.memory_space<vmem>> -> memref<80x128xf32, #tpu.memory_space<vmem>>
    %dma_start3A_8 = arith.constant 0 : i32
    %dma_start3A_9 = tpu.memref_slice %arg7[%dma_start3A, %dma_start3A_8] : memref<125x80xi32, #tpu.memory_space<vmem>> -> memref<1x80xi32, #tpu.memory_space<vmem>>
    %dma_start3A_10 = tpu.memref_squeeze %dma_start3A_9 : memref<1x80xi32, #tpu.memory_space<vmem>> -> memref<80xi32, #tpu.memory_space<vmem>>
    %dma_start3A_11 = arith.constant 0 : i32
    %dma_start3A_12 = arith.constant 0 : i32
    %dma_start3A_13 = tpu.memref_slice %arg2[%dma_start3A_11, %dma_start3A_12] : memref<10000x128xf32, #tpu.memory_space<hbm>> -> memref<10000x128xf32, #tpu.memory_space<hbm>>
    tpu.enqueue_indirect_dma source(%dma_start3A_13 : memref<10000x128xf32, #tpu.memory_space<hbm>>) target(%dma_start3A_7 : memref<80x128xf32, #tpu.memory_space<vmem>>) offsets(%dma_start3A_10 : memref<80xi32, #tpu.memory_space<vmem>>) semaphore(%arg11 : memref<!tpu.dma_semaphore, #tpu.memory_space<semaphore_mem>>)
    %dma_start3A_14 = arith.constant 1 : i32
    %dma_start3A_15 = arith.constant 1 : i32
    %dma_start3A_16 = arith.constant 0 : i32
    %dma_start3A_17 = arith.constant 0 : i32
    %dma_start3A_18 = tpu.memref_slice %arg9[%dma_start3A_15, %dma_start3A_16, %dma_start3A_17] : memref<5x80x128xf32, #tpu.memory_space<vmem>> -> memref<1x80x128xf32, #tpu.memory_space<vmem>>
    %dma_start3A_19 = tpu.memref_squeeze %dma_start3A_18 : memref<1x80x128xf32, #tpu.memory_space<vmem>> -> memref<80x128xf32, #tpu.memory_space<vmem>>
    %dma_start3A_20 = arith.constant 0 : i32
    %dma_start3A_21 = tpu.memref_slice %arg7[%dma_start3A_14, %dma_start3A_20] : memref<125x80xi32, #tpu.memory_space<vmem>> -> memref<1x80xi32, #tpu.memory_space<vmem>>
    %dma_start3A_22 = tpu.memref_squeeze %dma_start3A_21 : memref<1x80xi32, #tpu.memory_space<vmem>> -> memref<80xi32, #tpu.memory_space<vmem>>
    %dma_start3A_23 = arith.constant 0 : i32
    %dma_start3A_24 = arith.constant 0 : i32
    %dma_start3A_25 = tpu.memref_slice %arg2[%dma_start3A_23, %dma_start3A_24] : memref<10000x128xf32, #tpu.memory_space<hbm>> -> memref<10000x128xf32, #tpu.memory_space<hbm>>
    tpu.enqueue_indirect_dma source(%dma_start3A_25 : memref<10000x128xf32, #tpu.memory_space<hbm>>) target(%dma_start3A_19 : memref<80x128xf32, #tpu.memory_space<vmem>>) offsets(%dma_start3A_22 : memref<80xi32, #tpu.memory_space<vmem>>) semaphore(%arg12 : memref<!tpu.dma_semaphore, #tpu.memory_space<semaphore_mem>>)
    %dma_start3A_26 = arith.constant 2 : i32
    %dma_start3A_27 = arith.constant 2 : i32
    %dma_start3A_28 = arith.constant 0 : i32
    %dma_start3A_29 = arith.constant 0 : i32
    %dma_start3A_30 = tpu.memref_slice %arg9[%dma_start3A_27, %dma_start3A_28, %dma_start3A_29] : memref<5x80x128xf32, #tpu.memory_space<vmem>> -> memref<1x80x128xf32, #tpu.memory_space<vmem>>
    %dma_start3A_31 = tpu.memref_squeeze %dma_start3A_30 : memref<1x80x128xf32, #tpu.memory_space<vmem>> -> memref<80x128xf32, #tpu.memory_space<vmem>>
    %dma_start3A_32 = arith.constant 0 : i32
    %dma_start3A_33 = tpu.memref_slice %arg7[%dma_start3A_26, %dma_start3A_32] : memref<125x80xi32, #tpu.memory_space<vmem>> -> memref<1x80xi32, #tpu.memory_space<vmem>>
    %dma_start3A_34 = tpu.memref_squeeze %dma_start3A_33 : memref<1x80xi32, #tpu.memory_space<vmem>> -> memref<80xi32, #tpu.memory_space<vmem>>
    %dma_start3A_35 = arith.constant 0 : i32
    %dma_start3A_36 = arith.constant 0 : i32
    %dma_start3A_37 = tpu.memref_slice %arg2[%dma_start3A_35, %dma_start3A_36] : memref<10000x128xf32, #tpu.memory_space<hbm>> -> memref<10000x128xf32, #tpu.memory_space<hbm>>
    tpu.enqueue_indirect_dma source(%dma_start3A_37 : memref<10000x128xf32, #tpu.memory_space<hbm>>) target(%dma_start3A_31 : memref<80x128xf32, #tpu.memory_space<vmem>>) offsets(%dma_start3A_34 : memref<80xi32, #tpu.memory_space<vmem>>) semaphore(%arg13 : memref<!tpu.dma_semaphore, #tpu.memory_space<semaphore_mem>>)
    %dma_start3A_38 = arith.constant 3 : i32
    %dma_start3A_39 = arith.constant 3 : i32
    %dma_start3A_40 = arith.constant 0 : i32
    %dma_start3A_41 = arith.constant 0 : i32
    %dma_start3A_42 = tpu.memref_slice %arg9[%dma_start3A_39, %dma_start3A_40, %dma_start3A_41] : memref<5x80x128xf32, #tpu.memory_space<vmem>> -> memref<1x80x128xf32, #tpu.memory_space<vmem>>
    %dma_start3A_43 = tpu.memref_squeeze %dma_start3A_42 : memref<1x80x128xf32, #tpu.memory_space<vmem>> -> memref<80x128xf32, #tpu.memory_space<vmem>>
    %dma_start3A_44 = arith.constant 0 : i32
    %dma_start3A_45 = tpu.memref_slice %arg7[%dma_start3A_38, %dma_start3A_44] : memref<125x80xi32, #tpu.memory_space<vmem>> -> memref<1x80xi32, #tpu.memory_space<vmem>>
    %dma_start3A_46 = tpu.memref_squeeze %dma_start3A_45 : memref<1x80xi32, #tpu.memory_space<vmem>> -> memref<80xi32, #tpu.memory_space<vmem>>
    %dma_start3A_47 = arith.constant 0 : i32
    %dma_start3A_48 = arith.constant 0 : i32
    %dma_start3A_49 = tpu.memref_slice %arg2[%dma_start3A_47, %dma_start3A_48] : memref<10000x128xf32, #tpu.memory_space<hbm>> -> memref<10000x128xf32, #tpu.memory_space<hbm>>
    tpu.enqueue_indirect_dma source(%dma_start3A_49 : memref<10000x128xf32, #tpu.memory_space<hbm>>) target(%dma_start3A_43 : memref<80x128xf32, #tpu.memory_space<vmem>>) offsets(%dma_start3A_46 : memref<80xi32, #tpu.memory_space<vmem>>) semaphore(%arg14 : memref<!tpu.dma_semaphore, #tpu.memory_space<semaphore_mem>>)
    %dma_start3A_50 = arith.constant 4 : i32
    %dma_start3A_51 = arith.constant 4 : i32
    %dma_start3A_52 = arith.constant 0 : i32
    %dma_start3A_53 = arith.constant 0 : i32
    %dma_start3A_54 = tpu.memref_slice %arg9[%dma_start3A_51, %dma_start3A_52, %dma_start3A_53] : memref<5x80x128xf32, #tpu.memory_space<vmem>> -> memref<1x80x128xf32, #tpu.memory_space<vmem>>
    %dma_start3A_55 = tpu.memref_squeeze %dma_start3A_54 : memref<1x80x128xf32, #tpu.memory_space<vmem>> -> memref<80x128xf32, #tpu.memory_space<vmem>>
    %dma_start3A_56 = arith.constant 0 : i32
    %dma_start3A_57 = tpu.memref_slice %arg7[%dma_start3A_50, %dma_start3A_56] : memref<125x80xi32, #tpu.memory_space<vmem>> -> memref<1x80xi32, #tpu.memory_space<vmem>>
    %dma_start3A_58 = tpu.memref_squeeze %dma_start3A_57 : memref<1x80xi32, #tpu.memory_space<vmem>> -> memref<80xi32, #tpu.memory_space<vmem>>
    %dma_start3A_59 = arith.constant 0 : i32
    %dma_start3A_60 = arith.constant 0 : i32
    %dma_start3A_61 = tpu.memref_slice %arg2[%dma_start3A_59, %dma_start3A_60] : memref<10000x128xf32, #tpu.memory_space<hbm>> -> memref<10000x128xf32, #tpu.memory_space<hbm>>
    tpu.enqueue_indirect_dma source(%dma_start3A_61 : memref<10000x128xf32, #tpu.memory_space<hbm>>) target(%dma_start3A_55 : memref<80x128xf32, #tpu.memory_space<vmem>>) offsets(%dma_start3A_58 : memref<80xi32, #tpu.memory_space<vmem>>) semaphore(%arg15 : memref<!tpu.dma_semaphore, #tpu.memory_space<semaphore_mem>>)
    %scan3A = arith.constant 0 : i32
    %scan3A_62 = arith.constant 0 : i32
    %scan3A_63 = arith.constant 25 : i32
    %scan3A_64 = arith.addi %scan3A_62, %scan3A_63 : i32
    %scan3A_65 = arith.constant 1 : i32
    scf.for %scan3A_68 = %scan3A_62 to %scan3A_64 step %scan3A_65  : i32 {
      %mul3A_69 = arith.constant 5 : i32
      %mul3A_70 = arith.muli %scan3A_68, %mul3A_69 : i32
      %add3A_71 = arith.constant 0 : i32
      %add3A_72 = arith.addi %mul3A_70, %add3A_71 : i32
      %dma_wait3A = arith.constant 0 : i32
      %dma_wait3A_73 = arith.constant 0 : i32
      %dma_wait3A_74 = arith.constant 0 : i32
      %dma_wait3A_75 = tpu.memref_slice %arg9[%dma_wait3A, %dma_wait3A_73, %dma_wait3A_74] : memref<5x80x128xf32, #tpu.memory_space<vmem>> -> memref<1x80x128xf32, #tpu.memory_space<vmem>>
      %dma_wait3A_76 = tpu.memref_squeeze %dma_wait3A_75 : memref<1x80x128xf32, #tpu.memory_space<vmem>> -> memref<80x128xf32, #tpu.memory_space<vmem>>
      %dma_wait3A_77 = arith.constant 0 : i32
      %dma_wait3A_78 = tpu.memref_slice %arg7[%add3A_72, %dma_wait3A_77] : memref<125x80xi32, #tpu.memory_space<vmem>> -> memref<1x80xi32, #tpu.memory_space<vmem>>
      %dma_wait3A_79 = tpu.memref_squeeze %dma_wait3A_78 : memref<1x80xi32, #tpu.memory_space<vmem>> -> memref<80xi32, #tpu.memory_space<vmem>>
      %dma_wait3A_80 = arith.constant 0 : i32
      %dma_wait3A_81 = arith.constant 0 : i32
      %dma_wait3A_82 = tpu.memref_slice %arg2[%dma_wait3A_80, %dma_wait3A_81] : memref<10000x128xf32, #tpu.memory_space<hbm>> -> memref<10000x128xf32, #tpu.memory_space<hbm>>
      tpu.wait_indirect_dma semaphore(%arg11 : memref<!tpu.dma_semaphore, #tpu.memory_space<semaphore_mem>>) src(%dma_wait3A_82 : memref<10000x128xf32, #tpu.memory_space<hbm>>) dst(%dma_wait3A_76 : memref<80x128xf32, #tpu.memory_space<vmem>>)
      %run_scoped3A = arith.constant 0 : i32
      "tpu.region"() ({
        %run_scoped3A_179 = tpu.sem_alloc : memref<!tpu.dma_semaphore, #tpu.memory_space<semaphore_mem>>
        %dma_start3A_180 = arith.constant 0 : i32
        %dma_start3A_181 = arith.constant 0 : i32
        %dma_start3A_182 = tpu.memref_slice %arg9[%run_scoped3A, %dma_start3A_180, %dma_start3A_181] : memref<5x80x128xf32, #tpu.memory_space<vmem>> -> memref<1x80x128xf32, #tpu.memory_space<vmem>>
        %dma_start3A_183 = tpu.memref_squeeze %dma_start3A_182 : memref<1x80x128xf32, #tpu.memory_space<vmem>> -> memref<80x128xf32, #tpu.memory_space<vmem>>
        %dma_start3A_184 = arith.constant 0 : i32
        %dma_start3A_185 = tpu.memref_slice %arg8[%add3A_72, %dma_start3A_184] : memref<125x80xi32, #tpu.memory_space<vmem>> -> memref<1x80xi32, #tpu.memory_space<vmem>>
        %dma_start3A_186 = tpu.memref_squeeze %dma_start3A_185 : memref<1x80xi32, #tpu.memory_space<vmem>> -> memref<80xi32, #tpu.memory_space<vmem>>
        %dma_start3A_187 = arith.constant 0 : i32
        %dma_start3A_188 = arith.constant 0 : i32
        %dma_start3A_189 = tpu.memref_slice %arg10[%dma_start3A_187, %dma_start3A_188] : memref<5120x128xf32, #tpu.memory_space<vmem_shared>> -> memref<5120x128xf32, #tpu.memory_space<vmem_shared>>
        tpu.enqueue_indirect_dma source(%dma_start3A_183 : memref<80x128xf32, #tpu.memory_space<vmem>>) target(%dma_start3A_189 : memref<5120x128xf32, #tpu.memory_space<vmem_shared>>) offsets(%dma_start3A_186 : memref<80xi32, #tpu.memory_space<vmem>>) semaphore(%run_scoped3A_179 : memref<!tpu.dma_semaphore, #tpu.memory_space<semaphore_mem>>) {add = true}
        %dma_wait3A_190 = arith.constant 0 : i32
        %dma_wait3A_191 = arith.constant 0 : i32
        %dma_wait3A_192 = tpu.memref_slice %arg9[%run_scoped3A, %dma_wait3A_190, %dma_wait3A_191] : memref<5x80x128xf32, #tpu.memory_space<vmem>> -> memref<1x80x128xf32, #tpu.memory_space<vmem>>
        %dma_wait3A_193 = tpu.memref_squeeze %dma_wait3A_192 : memref<1x80x128xf32, #tpu.memory_space<vmem>> -> memref<80x128xf32, #tpu.memory_space<vmem>>
        %dma_wait3A_194 = arith.constant 0 : i32
        %dma_wait3A_195 = tpu.memref_slice %arg8[%add3A_72, %dma_wait3A_194] : memref<125x80xi32, #tpu.memory_space<vmem>> -> memref<1x80xi32, #tpu.memory_space<vmem>>
        %dma_wait3A_196 = tpu.memref_squeeze %dma_wait3A_195 : memref<1x80xi32, #tpu.memory_space<vmem>> -> memref<80xi32, #tpu.memory_space<vmem>>
        %dma_wait3A_197 = arith.constant 0 : i32
        %dma_wait3A_198 = arith.constant 0 : i32
        %dma_wait3A_199 = tpu.memref_slice %arg10[%dma_wait3A_197, %dma_wait3A_198] : memref<5120x128xf32, #tpu.memory_space<vmem_shared>> -> memref<5120x128xf32, #tpu.memory_space<vmem_shared>>
        tpu.wait_indirect_dma semaphore(%run_scoped3A_179 : memref<!tpu.dma_semaphore, #tpu.memory_space<semaphore_mem>>) src(%dma_wait3A_193 : memref<80x128xf32, #tpu.memory_space<vmem>>) dst(%dma_wait3A_199 : memref<5120x128xf32, #tpu.memory_space<vmem_shared>>)
        tpu.yield
      }) : () -> ()
      %add3A_83 = arith.constant 5 : i32
      %add3A_84 = arith.addi %add3A_72, %add3A_83 : i32
      %lt3A = arith.constant 125 : i32
      %lt3A_85 = arith.cmpi slt, %add3A_84, %lt3A : i32
      %convert_element_type3A = arith.extui %lt3A_85 : i1 to i32
      %cond3A = arith.constant 0 : i32
      %cond3A_86 = arith.cmpi ne, %convert_element_type3A, %cond3A : i32
      scf.if %cond3A_86 {
        %add3A_179 = arith.constant 5 : i32
        %add3A_180 = arith.addi %add3A_72, %add3A_179 : i32
        %dma_start3A_181 = arith.constant 0 : i32
        %dma_start3A_182 = arith.constant 0 : i32
        %dma_start3A_183 = arith.constant 0 : i32
        %dma_start3A_184 = tpu.memref_slice %arg9[%dma_start3A_181, %dma_start3A_182, %dma_start3A_183] : memref<5x80x128xf32, #tpu.memory_space<vmem>> -> memref<1x80x128xf32, #tpu.memory_space<vmem>>
        %dma_start3A_185 = tpu.memref_squeeze %dma_start3A_184 : memref<1x80x128xf32, #tpu.memory_space<vmem>> -> memref<80x128xf32, #tpu.memory_space<vmem>>
        %dma_start3A_186 = arith.constant 0 : i32
        %dma_start3A_187 = tpu.memref_slice %arg7[%add3A_180, %dma_start3A_186] : memref<125x80xi32, #tpu.memory_space<vmem>> -> memref<1x80xi32, #tpu.memory_space<vmem>>
        %dma_start3A_188 = tpu.memref_squeeze %dma_start3A_187 : memref<1x80xi32, #tpu.memory_space<vmem>> -> memref<80xi32, #tpu.memory_space<vmem>>
        %dma_start3A_189 = arith.constant 0 : i32
        %dma_start3A_190 = arith.constant 0 : i32
        %dma_start3A_191 = tpu.memref_slice %arg2[%dma_start3A_189, %dma_start3A_190] : memref<10000x128xf32, #tpu.memory_space<hbm>> -> memref<10000x128xf32, #tpu.memory_space<hbm>>
        tpu.enqueue_indirect_dma source(%dma_start3A_191 : memref<10000x128xf32, #tpu.memory_space<hbm>>) target(%dma_start3A_185 : memref<80x128xf32, #tpu.memory_space<vmem>>) offsets(%dma_start3A_188 : memref<80xi32, #tpu.memory_space<vmem>>) semaphore(%arg11 : memref<!tpu.dma_semaphore, #tpu.memory_space<semaphore_mem>>)
      } else {
      }
      %mul3A_87 = arith.constant 5 : i32
      %mul3A_88 = arith.muli %scan3A_68, %mul3A_87 : i32
      %add3A_89 = arith.constant 1 : i32
      %add3A_90 = arith.addi %mul3A_88, %add3A_89 : i32
      %dma_wait3A_91 = arith.constant 1 : i32
      %dma_wait3A_92 = arith.constant 0 : i32
      %dma_wait3A_93 = arith.constant 0 : i32
      %dma_wait3A_94 = tpu.memref_slice %arg9[%dma_wait3A_91, %dma_wait3A_92, %dma_wait3A_93] : memref<5x80x128xf32, #tpu.memory_space<vmem>> -> memref<1x80x128xf32, #tpu.memory_space<vmem>>
      %dma_wait3A_95 = tpu.memref_squeeze %dma_wait3A_94 : memref<1x80x128xf32, #tpu.memory_space<vmem>> -> memref<80x128xf32, #tpu.memory_space<vmem>>
      %dma_wait3A_96 = arith.constant 0 : i32
      %dma_wait3A_97 = tpu.memref_slice %arg7[%add3A_90, %dma_wait3A_96] : memref<125x80xi32, #tpu.memory_space<vmem>> -> memref<1x80xi32, #tpu.memory_space<vmem>>
      %dma_wait3A_98 = tpu.memref_squeeze %dma_wait3A_97 : memref<1x80xi32, #tpu.memory_space<vmem>> -> memref<80xi32, #tpu.memory_space<vmem>>
      %dma_wait3A_99 = arith.constant 0 : i32
      %dma_wait3A_100 = arith.constant 0 : i32
      %dma_wait3A_101 = tpu.memref_slice %arg2[%dma_wait3A_99, %dma_wait3A_100] : memref<10000x128xf32, #tpu.memory_space<hbm>> -> memref<10000x128xf32, #tpu.memory_space<hbm>>
      tpu.wait_indirect_dma semaphore(%arg12 : memref<!tpu.dma_semaphore, #tpu.memory_space<semaphore_mem>>) src(%dma_wait3A_101 : memref<10000x128xf32, #tpu.memory_space<hbm>>) dst(%dma_wait3A_95 : memref<80x128xf32, #tpu.memory_space<vmem>>)
      %run_scoped3A_102 = arith.constant 1 : i32
      "tpu.region"() ({
        %run_scoped3A_179 = tpu.sem_alloc : memref<!tpu.dma_semaphore, #tpu.memory_space<semaphore_mem>>
        %dma_start3A_180 = arith.constant 0 : i32
        %dma_start3A_181 = arith.constant 0 : i32
        %dma_start3A_182 = tpu.memref_slice %arg9[%run_scoped3A_102, %dma_start3A_180, %dma_start3A_181] : memref<5x80x128xf32, #tpu.memory_space<vmem>> -> memref<1x80x128xf32, #tpu.memory_space<vmem>>
        %dma_start3A_183 = tpu.memref_squeeze %dma_start3A_182 : memref<1x80x128xf32, #tpu.memory_space<vmem>> -> memref<80x128xf32, #tpu.memory_space<vmem>>
        %dma_start3A_184 = arith.constant 0 : i32
        %dma_start3A_185 = tpu.memref_slice %arg8[%add3A_90, %dma_start3A_184] : memref<125x80xi32, #tpu.memory_space<vmem>> -> memref<1x80xi32, #tpu.memory_space<vmem>>
        %dma_start3A_186 = tpu.memref_squeeze %dma_start3A_185 : memref<1x80xi32, #tpu.memory_space<vmem>> -> memref<80xi32, #tpu.memory_space<vmem>>
        %dma_start3A_187 = arith.constant 0 : i32
        %dma_start3A_188 = arith.constant 0 : i32
        %dma_start3A_189 = tpu.memref_slice %arg10[%dma_start3A_187, %dma_start3A_188] : memref<5120x128xf32, #tpu.memory_space<vmem_shared>> -> memref<5120x128xf32, #tpu.memory_space<vmem_shared>>
        tpu.enqueue_indirect_dma source(%dma_start3A_183 : memref<80x128xf32, #tpu.memory_space<vmem>>) target(%dma_start3A_189 : memref<5120x128xf32, #tpu.memory_space<vmem_shared>>) offsets(%dma_start3A_186 : memref<80xi32, #tpu.memory_space<vmem>>) semaphore(%run_scoped3A_179 : memref<!tpu.dma_semaphore, #tpu.memory_space<semaphore_mem>>) {add = true}
        %dma_wait3A_190 = arith.constant 0 : i32
        %dma_wait3A_191 = arith.constant 0 : i32
        %dma_wait3A_192 = tpu.memref_slice %arg9[%run_scoped3A_102, %dma_wait3A_190, %dma_wait3A_191] : memref<5x80x128xf32, #tpu.memory_space<vmem>> -> memref<1x80x128xf32, #tpu.memory_space<vmem>>
        %dma_wait3A_193 = tpu.memref_squeeze %dma_wait3A_192 : memref<1x80x128xf32, #tpu.memory_space<vmem>> -> memref<80x128xf32, #tpu.memory_space<vmem>>
        %dma_wait3A_194 = arith.constant 0 : i32
        %dma_wait3A_195 = tpu.memref_slice %arg8[%add3A_90, %dma_wait3A_194] : memref<125x80xi32, #tpu.memory_space<vmem>> -> memref<1x80xi32, #tpu.memory_space<vmem>>
        %dma_wait3A_196 = tpu.memref_squeeze %dma_wait3A_195 : memref<1x80xi32, #tpu.memory_space<vmem>> -> memref<80xi32, #tpu.memory_space<vmem>>
        %dma_wait3A_197 = arith.constant 0 : i32
        %dma_wait3A_198 = arith.constant 0 : i32
        %dma_wait3A_199 = tpu.memref_slice %arg10[%dma_wait3A_197, %dma_wait3A_198] : memref<5120x128xf32, #tpu.memory_space<vmem_shared>> -> memref<5120x128xf32, #tpu.memory_space<vmem_shared>>
        tpu.wait_indirect_dma semaphore(%run_scoped3A_179 : memref<!tpu.dma_semaphore, #tpu.memory_space<semaphore_mem>>) src(%dma_wait3A_193 : memref<80x128xf32, #tpu.memory_space<vmem>>) dst(%dma_wait3A_199 : memref<5120x128xf32, #tpu.memory_space<vmem_shared>>)
        tpu.yield
      }) : () -> ()
      %add3A_103 = arith.constant 5 : i32
      %add3A_104 = arith.addi %add3A_90, %add3A_103 : i32
      %lt3A_105 = arith.constant 125 : i32
      %lt3A_106 = arith.cmpi slt, %add3A_104, %lt3A_105 : i32
      %convert_element_type3A_107 = arith.extui %lt3A_106 : i1 to i32
      %cond3A_108 = arith.constant 0 : i32
      %cond3A_109 = arith.cmpi ne, %convert_element_type3A_107, %cond3A_108 : i32
      scf.if %cond3A_109 {
        %add3A_179 = arith.constant 5 : i32
        %add3A_180 = arith.addi %add3A_90, %add3A_179 : i32
        %dma_start3A_181 = arith.constant 1 : i32
        %dma_start3A_182 = arith.constant 0 : i32
        %dma_start3A_183 = arith.constant 0 : i32
        %dma_start3A_184 = tpu.memref_slice %arg9[%dma_start3A_181, %dma_start3A_182, %dma_start3A_183] : memref<5x80x128xf32, #tpu.memory_space<vmem>> -> memref<1x80x128xf32, #tpu.memory_space<vmem>>
        %dma_start3A_185 = tpu.memref_squeeze %dma_start3A_184 : memref<1x80x128xf32, #tpu.memory_space<vmem>> -> memref<80x128xf32, #tpu.memory_space<vmem>>
        %dma_start3A_186 = arith.constant 0 : i32
        %dma_start3A_187 = tpu.memref_slice %arg7[%add3A_180, %dma_start3A_186] : memref<125x80xi32, #tpu.memory_space<vmem>> -> memref<1x80xi32, #tpu.memory_space<vmem>>
        %dma_start3A_188 = tpu.memref_squeeze %dma_start3A_187 : memref<1x80xi32, #tpu.memory_space<vmem>> -> memref<80xi32, #tpu.memory_space<vmem>>
        %dma_start3A_189 = arith.constant 0 : i32
        %dma_start3A_190 = arith.constant 0 : i32
        %dma_start3A_191 = tpu.memref_slice %arg2[%dma_start3A_189, %dma_start3A_190] : memref<10000x128xf32, #tpu.memory_space<hbm>> -> memref<10000x128xf32, #tpu.memory_space<hbm>>
        tpu.enqueue_indirect_dma source(%dma_start3A_191 : memref<10000x128xf32, #tpu.memory_space<hbm>>) target(%dma_start3A_185 : memref<80x128xf32, #tpu.memory_space<vmem>>) offsets(%dma_start3A_188 : memref<80xi32, #tpu.memory_space<vmem>>) semaphore(%arg12 : memref<!tpu.dma_semaphore, #tpu.memory_space<semaphore_mem>>)
      } else {
      }
      %mul3A_110 = arith.constant 5 : i32
      %mul3A_111 = arith.muli %scan3A_68, %mul3A_110 : i32
      %add3A_112 = arith.constant 2 : i32
      %add3A_113 = arith.addi %mul3A_111, %add3A_112 : i32
      %dma_wait3A_114 = arith.constant 2 : i32
      %dma_wait3A_115 = arith.constant 0 : i32
      %dma_wait3A_116 = arith.constant 0 : i32
      %dma_wait3A_117 = tpu.memref_slice %arg9[%dma_wait3A_114, %dma_wait3A_115, %dma_wait3A_116] : memref<5x80x128xf32, #tpu.memory_space<vmem>> -> memref<1x80x128xf32, #tpu.memory_space<vmem>>
      %dma_wait3A_118 = tpu.memref_squeeze %dma_wait3A_117 : memref<1x80x128xf32, #tpu.memory_space<vmem>> -> memref<80x128xf32, #tpu.memory_space<vmem>>
      %dma_wait3A_119 = arith.constant 0 : i32
      %dma_wait3A_120 = tpu.memref_slice %arg7[%add3A_113, %dma_wait3A_119] : memref<125x80xi32, #tpu.memory_space<vmem>> -> memref<1x80xi32, #tpu.memory_space<vmem>>
      %dma_wait3A_121 = tpu.memref_squeeze %dma_wait3A_120 : memref<1x80xi32, #tpu.memory_space<vmem>> -> memref<80xi32, #tpu.memory_space<vmem>>
      %dma_wait3A_122 = arith.constant 0 : i32
      %dma_wait3A_123 = arith.constant 0 : i32
      %dma_wait3A_124 = tpu.memref_slice %arg2[%dma_wait3A_122, %dma_wait3A_123] : memref<10000x128xf32, #tpu.memory_space<hbm>> -> memref<10000x128xf32, #tpu.memory_space<hbm>>
      tpu.wait_indirect_dma semaphore(%arg13 : memref<!tpu.dma_semaphore, #tpu.memory_space<semaphore_mem>>) src(%dma_wait3A_124 : memref<10000x128xf32, #tpu.memory_space<hbm>>) dst(%dma_wait3A_118 : memref<80x128xf32, #tpu.memory_space<vmem>>)
      %run_scoped3A_125 = arith.constant 2 : i32
      "tpu.region"() ({
        %run_scoped3A_179 = tpu.sem_alloc : memref<!tpu.dma_semaphore, #tpu.memory_space<semaphore_mem>>
        %dma_start3A_180 = arith.constant 0 : i32
        %dma_start3A_181 = arith.constant 0 : i32
        %dma_start3A_182 = tpu.memref_slice %arg9[%run_scoped3A_125, %dma_start3A_180, %dma_start3A_181] : memref<5x80x128xf32, #tpu.memory_space<vmem>> -> memref<1x80x128xf32, #tpu.memory_space<vmem>>
        %dma_start3A_183 = tpu.memref_squeeze %dma_start3A_182 : memref<1x80x128xf32, #tpu.memory_space<vmem>> -> memref<80x128xf32, #tpu.memory_space<vmem>>
        %dma_start3A_184 = arith.constant 0 : i32
        %dma_start3A_185 = tpu.memref_slice %arg8[%add3A_113, %dma_start3A_184] : memref<125x80xi32, #tpu.memory_space<vmem>> -> memref<1x80xi32, #tpu.memory_space<vmem>>
        %dma_start3A_186 = tpu.memref_squeeze %dma_start3A_185 : memref<1x80xi32, #tpu.memory_space<vmem>> -> memref<80xi32, #tpu.memory_space<vmem>>
        %dma_start3A_187 = arith.constant 0 : i32
        %dma_start3A_188 = arith.constant 0 : i32
        %dma_start3A_189 = tpu.memref_slice %arg10[%dma_start3A_187, %dma_start3A_188] : memref<5120x128xf32, #tpu.memory_space<vmem_shared>> -> memref<5120x128xf32, #tpu.memory_space<vmem_shared>>
        tpu.enqueue_indirect_dma source(%dma_start3A_183 : memref<80x128xf32, #tpu.memory_space<vmem>>) target(%dma_start3A_189 : memref<5120x128xf32, #tpu.memory_space<vmem_shared>>) offsets(%dma_start3A_186 : memref<80xi32, #tpu.memory_space<vmem>>) semaphore(%run_scoped3A_179 : memref<!tpu.dma_semaphore, #tpu.memory_space<semaphore_mem>>) {add = true}
        %dma_wait3A_190 = arith.constant 0 : i32
        %dma_wait3A_191 = arith.constant 0 : i32
        %dma_wait3A_192 = tpu.memref_slice %arg9[%run_scoped3A_125, %dma_wait3A_190, %dma_wait3A_191] : memref<5x80x128xf32, #tpu.memory_space<vmem>> -> memref<1x80x128xf32, #tpu.memory_space<vmem>>
        %dma_wait3A_193 = tpu.memref_squeeze %dma_wait3A_192 : memref<1x80x128xf32, #tpu.memory_space<vmem>> -> memref<80x128xf32, #tpu.memory_space<vmem>>
        %dma_wait3A_194 = arith.constant 0 : i32
        %dma_wait3A_195 = tpu.memref_slice %arg8[%add3A_113, %dma_wait3A_194] : memref<125x80xi32, #tpu.memory_space<vmem>> -> memref<1x80xi32, #tpu.memory_space<vmem>>
        %dma_wait3A_196 = tpu.memref_squeeze %dma_wait3A_195 : memref<1x80xi32, #tpu.memory_space<vmem>> -> memref<80xi32, #tpu.memory_space<vmem>>
        %dma_wait3A_197 = arith.constant 0 : i32
        %dma_wait3A_198 = arith.constant 0 : i32
        %dma_wait3A_199 = tpu.memref_slice %arg10[%dma_wait3A_197, %dma_wait3A_198] : memref<5120x128xf32, #tpu.memory_space<vmem_shared>> -> memref<5120x128xf32, #tpu.memory_space<vmem_shared>>
        tpu.wait_indirect_dma semaphore(%run_scoped3A_179 : memref<!tpu.dma_semaphore, #tpu.memory_space<semaphore_mem>>) src(%dma_wait3A_193 : memref<80x128xf32, #tpu.memory_space<vmem>>) dst(%dma_wait3A_199 : memref<5120x128xf32, #tpu.memory_space<vmem_shared>>)
        tpu.yield
      }) : () -> ()
      %add3A_126 = arith.constant 5 : i32
      %add3A_127 = arith.addi %add3A_113, %add3A_126 : i32
      %lt3A_128 = arith.constant 125 : i32
      %lt3A_129 = arith.cmpi slt, %add3A_127, %lt3A_128 : i32
      %convert_element_type3A_130 = arith.extui %lt3A_129 : i1 to i32
      %cond3A_131 = arith.constant 0 : i32
      %cond3A_132 = arith.cmpi ne, %convert_element_type3A_130, %cond3A_131 : i32
      scf.if %cond3A_132 {
        %add3A_179 = arith.constant 5 : i32
        %add3A_180 = arith.addi %add3A_113, %add3A_179 : i32
        %dma_start3A_181 = arith.constant 2 : i32
        %dma_start3A_182 = arith.constant 0 : i32
        %dma_start3A_183 = arith.constant 0 : i32
        %dma_start3A_184 = tpu.memref_slice %arg9[%dma_start3A_181, %dma_start3A_182, %dma_start3A_183] : memref<5x80x128xf32, #tpu.memory_space<vmem>> -> memref<1x80x128xf32, #tpu.memory_space<vmem>>
        %dma_start3A_185 = tpu.memref_squeeze %dma_start3A_184 : memref<1x80x128xf32, #tpu.memory_space<vmem>> -> memref<80x128xf32, #tpu.memory_space<vmem>>
        %dma_start3A_186 = arith.constant 0 : i32
        %dma_start3A_187 = tpu.memref_slice %arg7[%add3A_180, %dma_start3A_186] : memref<125x80xi32, #tpu.memory_space<vmem>> -> memref<1x80xi32, #tpu.memory_space<vmem>>
        %dma_start3A_188 = tpu.memref_squeeze %dma_start3A_187 : memref<1x80xi32, #tpu.memory_space<vmem>> -> memref<80xi32, #tpu.memory_space<vmem>>
        %dma_start3A_189 = arith.constant 0 : i32
        %dma_start3A_190 = arith.constant 0 : i32
        %dma_start3A_191 = tpu.memref_slice %arg2[%dma_start3A_189, %dma_start3A_190] : memref<10000x128xf32, #tpu.memory_space<hbm>> -> memref<10000x128xf32, #tpu.memory_space<hbm>>
        tpu.enqueue_indirect_dma source(%dma_start3A_191 : memref<10000x128xf32, #tpu.memory_space<hbm>>) target(%dma_start3A_185 : memref<80x128xf32, #tpu.memory_space<vmem>>) offsets(%dma_start3A_188 : memref<80xi32, #tpu.memory_space<vmem>>) semaphore(%arg13 : memref<!tpu.dma_semaphore, #tpu.memory_space<semaphore_mem>>)
      } else {
      }
      %mul3A_133 = arith.constant 5 : i32
      %mul3A_134 = arith.muli %scan3A_68, %mul3A_133 : i32
      %add3A_135 = arith.constant 3 : i32
      %add3A_136 = arith.addi %mul3A_134, %add3A_135 : i32
      %dma_wait3A_137 = arith.constant 3 : i32
      %dma_wait3A_138 = arith.constant 0 : i32
      %dma_wait3A_139 = arith.constant 0 : i32
      %dma_wait3A_140 = tpu.memref_slice %arg9[%dma_wait3A_137, %dma_wait3A_138, %dma_wait3A_139] : memref<5x80x128xf32, #tpu.memory_space<vmem>> -> memref<1x80x128xf32, #tpu.memory_space<vmem>>
      %dma_wait3A_141 = tpu.memref_squeeze %dma_wait3A_140 : memref<1x80x128xf32, #tpu.memory_space<vmem>> -> memref<80x128xf32, #tpu.memory_space<vmem>>
      %dma_wait3A_142 = arith.constant 0 : i32
      %dma_wait3A_143 = tpu.memref_slice %arg7[%add3A_136, %dma_wait3A_142] : memref<125x80xi32, #tpu.memory_space<vmem>> -> memref<1x80xi32, #tpu.memory_space<vmem>>
      %dma_wait3A_144 = tpu.memref_squeeze %dma_wait3A_143 : memref<1x80xi32, #tpu.memory_space<vmem>> -> memref<80xi32, #tpu.memory_space<vmem>>
      %dma_wait3A_145 = arith.constant 0 : i32
      %dma_wait3A_146 = arith.constant 0 : i32
      %dma_wait3A_147 = tpu.memref_slice %arg2[%dma_wait3A_145, %dma_wait3A_146] : memref<10000x128xf32, #tpu.memory_space<hbm>> -> memref<10000x128xf32, #tpu.memory_space<hbm>>
      tpu.wait_indirect_dma semaphore(%arg14 : memref<!tpu.dma_semaphore, #tpu.memory_space<semaphore_mem>>) src(%dma_wait3A_147 : memref<10000x128xf32, #tpu.memory_space<hbm>>) dst(%dma_wait3A_141 : memref<80x128xf32, #tpu.memory_space<vmem>>)
      %run_scoped3A_148 = arith.constant 3 : i32
      "tpu.region"() ({
        %run_scoped3A_179 = tpu.sem_alloc : memref<!tpu.dma_semaphore, #tpu.memory_space<semaphore_mem>>
        %dma_start3A_180 = arith.constant 0 : i32
        %dma_start3A_181 = arith.constant 0 : i32
        %dma_start3A_182 = tpu.memref_slice %arg9[%run_scoped3A_148, %dma_start3A_180, %dma_start3A_181] : memref<5x80x128xf32, #tpu.memory_space<vmem>> -> memref<1x80x128xf32, #tpu.memory_space<vmem>>
        %dma_start3A_183 = tpu.memref_squeeze %dma_start3A_182 : memref<1x80x128xf32, #tpu.memory_space<vmem>> -> memref<80x128xf32, #tpu.memory_space<vmem>>
        %dma_start3A_184 = arith.constant 0 : i32
        %dma_start3A_185 = tpu.memref_slice %arg8[%add3A_136, %dma_start3A_184] : memref<125x80xi32, #tpu.memory_space<vmem>> -> memref<1x80xi32, #tpu.memory_space<vmem>>
        %dma_start3A_186 = tpu.memref_squeeze %dma_start3A_185 : memref<1x80xi32, #tpu.memory_space<vmem>> -> memref<80xi32, #tpu.memory_space<vmem>>
        %dma_start3A_187 = arith.constant 0 : i32
        %dma_start3A_188 = arith.constant 0 : i32
        %dma_start3A_189 = tpu.memref_slice %arg10[%dma_start3A_187, %dma_start3A_188] : memref<5120x128xf32, #tpu.memory_space<vmem_shared>> -> memref<5120x128xf32, #tpu.memory_space<vmem_shared>>
        tpu.enqueue_indirect_dma source(%dma_start3A_183 : memref<80x128xf32, #tpu.memory_space<vmem>>) target(%dma_start3A_189 : memref<5120x128xf32, #tpu.memory_space<vmem_shared>>) offsets(%dma_start3A_186 : memref<80xi32, #tpu.memory_space<vmem>>) semaphore(%run_scoped3A_179 : memref<!tpu.dma_semaphore, #tpu.memory_space<semaphore_mem>>) {add = true}
        %dma_wait3A_190 = arith.constant 0 : i32
        %dma_wait3A_191 = arith.constant 0 : i32
        %dma_wait3A_192 = tpu.memref_slice %arg9[%run_scoped3A_148, %dma_wait3A_190, %dma_wait3A_191] : memref<5x80x128xf32, #tpu.memory_space<vmem>> -> memref<1x80x128xf32, #tpu.memory_space<vmem>>
        %dma_wait3A_193 = tpu.memref_squeeze %dma_wait3A_192 : memref<1x80x128xf32, #tpu.memory_space<vmem>> -> memref<80x128xf32, #tpu.memory_space<vmem>>
        %dma_wait3A_194 = arith.constant 0 : i32
        %dma_wait3A_195 = tpu.memref_slice %arg8[%add3A_136, %dma_wait3A_194] : memref<125x80xi32, #tpu.memory_space<vmem>> -> memref<1x80xi32, #tpu.memory_space<vmem>>
        %dma_wait3A_196 = tpu.memref_squeeze %dma_wait3A_195 : memref<1x80xi32, #tpu.memory_space<vmem>> -> memref<80xi32, #tpu.memory_space<vmem>>
        %dma_wait3A_197 = arith.constant 0 : i32
        %dma_wait3A_198 = arith.constant 0 : i32
        %dma_wait3A_199 = tpu.memref_slice %arg10[%dma_wait3A_197, %dma_wait3A_198] : memref<5120x128xf32, #tpu.memory_space<vmem_shared>> -> memref<5120x128xf32, #tpu.memory_space<vmem_shared>>
        tpu.wait_indirect_dma semaphore(%run_scoped3A_179 : memref<!tpu.dma_semaphore, #tpu.memory_space<semaphore_mem>>) src(%dma_wait3A_193 : memref<80x128xf32, #tpu.memory_space<vmem>>) dst(%dma_wait3A_199 : memref<5120x128xf32, #tpu.memory_space<vmem_shared>>)
        tpu.yield
      }) : () -> ()
      %add3A_149 = arith.constant 5 : i32
      %add3A_150 = arith.addi %add3A_136, %add3A_149 : i32
      %lt3A_151 = arith.constant 125 : i32
      %lt3A_152 = arith.cmpi slt, %add3A_150, %lt3A_151 : i32
      %convert_element_type3A_153 = arith.extui %lt3A_152 : i1 to i32
      %cond3A_154 = arith.constant 0 : i32
      %cond3A_155 = arith.cmpi ne, %convert_element_type3A_153, %cond3A_154 : i32
      scf.if %cond3A_155 {
        %add3A_179 = arith.constant 5 : i32
        %add3A_180 = arith.addi %add3A_136, %add3A_179 : i32
        %dma_start3A_181 = arith.constant 3 : i32
        %dma_start3A_182 = arith.constant 0 : i32
        %dma_start3A_183 = arith.constant 0 : i32
        %dma_start3A_184 = tpu.memref_slice %arg9[%dma_start3A_181, %dma_start3A_182, %dma_start3A_183] : memref<5x80x128xf32, #tpu.memory_space<vmem>> -> memref<1x80x128xf32, #tpu.memory_space<vmem>>
        %dma_start3A_185 = tpu.memref_squeeze %dma_start3A_184 : memref<1x80x128xf32, #tpu.memory_space<vmem>> -> memref<80x128xf32, #tpu.memory_space<vmem>>
        %dma_start3A_186 = arith.constant 0 : i32
        %dma_start3A_187 = tpu.memref_slice %arg7[%add3A_180, %dma_start3A_186] : memref<125x80xi32, #tpu.memory_space<vmem>> -> memref<1x80xi32, #tpu.memory_space<vmem>>
        %dma_start3A_188 = tpu.memref_squeeze %dma_start3A_187 : memref<1x80xi32, #tpu.memory_space<vmem>> -> memref<80xi32, #tpu.memory_space<vmem>>
        %dma_start3A_189 = arith.constant 0 : i32
        %dma_start3A_190 = arith.constant 0 : i32
        %dma_start3A_191 = tpu.memref_slice %arg2[%dma_start3A_189, %dma_start3A_190] : memref<10000x128xf32, #tpu.memory_space<hbm>> -> memref<10000x128xf32, #tpu.memory_space<hbm>>
        tpu.enqueue_indirect_dma source(%dma_start3A_191 : memref<10000x128xf32, #tpu.memory_space<hbm>>) target(%dma_start3A_185 : memref<80x128xf32, #tpu.memory_space<vmem>>) offsets(%dma_start3A_188 : memref<80xi32, #tpu.memory_space<vmem>>) semaphore(%arg14 : memref<!tpu.dma_semaphore, #tpu.memory_space<semaphore_mem>>)
      } else {
      }
      %mul3A_156 = arith.constant 5 : i32
      %mul3A_157 = arith.muli %scan3A_68, %mul3A_156 : i32
      %add3A_158 = arith.constant 4 : i32
      %add3A_159 = arith.addi %mul3A_157, %add3A_158 : i32
      %dma_wait3A_160 = arith.constant 4 : i32
      %dma_wait3A_161 = arith.constant 0 : i32
      %dma_wait3A_162 = arith.constant 0 : i32
      %dma_wait3A_163 = tpu.memref_slice %arg9[%dma_wait3A_160, %dma_wait3A_161, %dma_wait3A_162] : memref<5x80x128xf32, #tpu.memory_space<vmem>> -> memref<1x80x128xf32, #tpu.memory_space<vmem>>
      %dma_wait3A_164 = tpu.memref_squeeze %dma_wait3A_163 : memref<1x80x128xf32, #tpu.memory_space<vmem>> -> memref<80x128xf32, #tpu.memory_space<vmem>>
      %dma_wait3A_165 = arith.constant 0 : i32
      %dma_wait3A_166 = tpu.memref_slice %arg7[%add3A_159, %dma_wait3A_165] : memref<125x80xi32, #tpu.memory_space<vmem>> -> memref<1x80xi32, #tpu.memory_space<vmem>>
      %dma_wait3A_167 = tpu.memref_squeeze %dma_wait3A_166 : memref<1x80xi32, #tpu.memory_space<vmem>> -> memref<80xi32, #tpu.memory_space<vmem>>
      %dma_wait3A_168 = arith.constant 0 : i32
      %dma_wait3A_169 = arith.constant 0 : i32
      %dma_wait3A_170 = tpu.memref_slice %arg2[%dma_wait3A_168, %dma_wait3A_169] : memref<10000x128xf32, #tpu.memory_space<hbm>> -> memref<10000x128xf32, #tpu.memory_space<hbm>>
      tpu.wait_indirect_dma semaphore(%arg15 : memref<!tpu.dma_semaphore, #tpu.memory_space<semaphore_mem>>) src(%dma_wait3A_170 : memref<10000x128xf32, #tpu.memory_space<hbm>>) dst(%dma_wait3A_164 : memref<80x128xf32, #tpu.memory_space<vmem>>)
      %run_scoped3A_171 = arith.constant 4 : i32
      "tpu.region"() ({
        %run_scoped3A_179 = tpu.sem_alloc : memref<!tpu.dma_semaphore, #tpu.memory_space<semaphore_mem>>
        %dma_start3A_180 = arith.constant 0 : i32
        %dma_start3A_181 = arith.constant 0 : i32
        %dma_start3A_182 = tpu.memref_slice %arg9[%run_scoped3A_171, %dma_start3A_180, %dma_start3A_181] : memref<5x80x128xf32, #tpu.memory_space<vmem>> -> memref<1x80x128xf32, #tpu.memory_space<vmem>>
        %dma_start3A_183 = tpu.memref_squeeze %dma_start3A_182 : memref<1x80x128xf32, #tpu.memory_space<vmem>> -> memref<80x128xf32, #tpu.memory_space<vmem>>
        %dma_start3A_184 = arith.constant 0 : i32
        %dma_start3A_185 = tpu.memref_slice %arg8[%add3A_159, %dma_start3A_184] : memref<125x80xi32, #tpu.memory_space<vmem>> -> memref<1x80xi32, #tpu.memory_space<vmem>>
        %dma_start3A_186 = tpu.memref_squeeze %dma_start3A_185 : memref<1x80xi32, #tpu.memory_space<vmem>> -> memref<80xi32, #tpu.memory_space<vmem>>
        %dma_start3A_187 = arith.constant 0 : i32
        %dma_start3A_188 = arith.constant 0 : i32
        %dma_start3A_189 = tpu.memref_slice %arg10[%dma_start3A_187, %dma_start3A_188] : memref<5120x128xf32, #tpu.memory_space<vmem_shared>> -> memref<5120x128xf32, #tpu.memory_space<vmem_shared>>
        tpu.enqueue_indirect_dma source(%dma_start3A_183 : memref<80x128xf32, #tpu.memory_space<vmem>>) target(%dma_start3A_189 : memref<5120x128xf32, #tpu.memory_space<vmem_shared>>) offsets(%dma_start3A_186 : memref<80xi32, #tpu.memory_space<vmem>>) semaphore(%run_scoped3A_179 : memref<!tpu.dma_semaphore, #tpu.memory_space<semaphore_mem>>) {add = true}
        %dma_wait3A_190 = arith.constant 0 : i32
        %dma_wait3A_191 = arith.constant 0 : i32
        %dma_wait3A_192 = tpu.memref_slice %arg9[%run_scoped3A_171, %dma_wait3A_190, %dma_wait3A_191] : memref<5x80x128xf32, #tpu.memory_space<vmem>> -> memref<1x80x128xf32, #tpu.memory_space<vmem>>
        %dma_wait3A_193 = tpu.memref_squeeze %dma_wait3A_192 : memref<1x80x128xf32, #tpu.memory_space<vmem>> -> memref<80x128xf32, #tpu.memory_space<vmem>>
        %dma_wait3A_194 = arith.constant 0 : i32
        %dma_wait3A_195 = tpu.memref_slice %arg8[%add3A_159, %dma_wait3A_194] : memref<125x80xi32, #tpu.memory_space<vmem>> -> memref<1x80xi32, #tpu.memory_space<vmem>>
        %dma_wait3A_196 = tpu.memref_squeeze %dma_wait3A_195 : memref<1x80xi32, #tpu.memory_space<vmem>> -> memref<80xi32, #tpu.memory_space<vmem>>
        %dma_wait3A_197 = arith.constant 0 : i32
        %dma_wait3A_198 = arith.constant 0 : i32
        %dma_wait3A_199 = tpu.memref_slice %arg10[%dma_wait3A_197, %dma_wait3A_198] : memref<5120x128xf32, #tpu.memory_space<vmem_shared>> -> memref<5120x128xf32, #tpu.memory_space<vmem_shared>>
        tpu.wait_indirect_dma semaphore(%run_scoped3A_179 : memref<!tpu.dma_semaphore, #tpu.memory_space<semaphore_mem>>) src(%dma_wait3A_193 : memref<80x128xf32, #tpu.memory_space<vmem>>) dst(%dma_wait3A_199 : memref<5120x128xf32, #tpu.memory_space<vmem_shared>>)
        tpu.yield
      }) : () -> ()
      %add3A_172 = arith.constant 5 : i32
      %add3A_173 = arith.addi %add3A_159, %add3A_172 : i32
      %lt3A_174 = arith.constant 125 : i32
      %lt3A_175 = arith.cmpi slt, %add3A_173, %lt3A_174 : i32
      %convert_element_type3A_176 = arith.extui %lt3A_175 : i1 to i32
      %cond3A_177 = arith.constant 0 : i32
      %cond3A_178 = arith.cmpi ne, %convert_element_type3A_176, %cond3A_177 : i32
      scf.if %cond3A_178 {
        %add3A_179 = arith.constant 5 : i32
        %add3A_180 = arith.addi %add3A_159, %add3A_179 : i32
        %dma_start3A_181 = arith.constant 4 : i32
        %dma_start3A_182 = arith.constant 0 : i32
        %dma_start3A_183 = arith.constant 0 : i32
        %dma_start3A_184 = tpu.memref_slice %arg9[%dma_start3A_181, %dma_start3A_182, %dma_start3A_183] : memref<5x80x128xf32, #tpu.memory_space<vmem>> -> memref<1x80x128xf32, #tpu.memory_space<vmem>>
        %dma_start3A_185 = tpu.memref_squeeze %dma_start3A_184 : memref<1x80x128xf32, #tpu.memory_space<vmem>> -> memref<80x128xf32, #tpu.memory_space<vmem>>
        %dma_start3A_186 = arith.constant 0 : i32
        %dma_start3A_187 = tpu.memref_slice %arg7[%add3A_180, %dma_start3A_186] : memref<125x80xi32, #tpu.memory_space<vmem>> -> memref<1x80xi32, #tpu.memory_space<vmem>>
        %dma_start3A_188 = tpu.memref_squeeze %dma_start3A_187 : memref<1x80xi32, #tpu.memory_space<vmem>> -> memref<80xi32, #tpu.memory_space<vmem>>
        %dma_start3A_189 = arith.constant 0 : i32
        %dma_start3A_190 = arith.constant 0 : i32
        %dma_start3A_191 = tpu.memref_slice %arg2[%dma_start3A_189, %dma_start3A_190] : memref<10000x128xf32, #tpu.memory_space<hbm>> -> memref<10000x128xf32, #tpu.memory_space<hbm>>
        tpu.enqueue_indirect_dma source(%dma_start3A_191 : memref<10000x128xf32, #tpu.memory_space<hbm>>) target(%dma_start3A_185 : memref<80x128xf32, #tpu.memory_space<vmem>>) offsets(%dma_start3A_188 : memref<80xi32, #tpu.memory_space<vmem>>) semaphore(%arg15 : memref<!tpu.dma_semaphore, #tpu.memory_space<semaphore_mem>>)
      } else {
      }
    }
    %scan3A_66 = arith.constant 25 : i32
    %barrier3A_67 = arith.constant 0 : index
    tpu.barrier barrier_id(%barrier3A_67)
    "tpu.region"() ({
      %run_scoped3A = tpu.sem_alloc : memref<!tpu.dma_semaphore, #tpu.memory_space<semaphore_mem>>
      %dma_start3A_68 = arith.constant 0 : i32
      %dma_start3A_69 = arith.constant 0 : i32
      %dma_start3A_70 = tpu.memref_slice %arg6[%arg0, %dma_start3A_68, %dma_start3A_69] : memref<2x5120x128xf32, #tpu.memory_space<hbm>> -> memref<1x5120x128xf32, #tpu.memory_space<hbm>>
      %dma_start3A_71 = tpu.memref_squeeze %dma_start3A_70 : memref<1x5120x128xf32, #tpu.memory_space<hbm>> -> memref<5120x128xf32, #tpu.memory_space<hbm>>
      %dma_start3A_72 = arith.constant 0 : i32
      %dma_start3A_73 = tpu.memref_slice %dma_start3A_71[%mul3A_2, %dma_start3A_72] : memref<5120x128xf32, #tpu.memory_space<hbm>> -> memref<320x128xf32, #tpu.memory_space<hbm>>
      %dma_start3A_74 = arith.constant 0 : i32
      %dma_start3A_75 = tpu.memref_slice %arg10[%mul3A_2, %dma_start3A_74] : memref<5120x128xf32, #tpu.memory_space<vmem_shared>> -> memref<320x128xf32, #tpu.memory_space<vmem_shared>>
      tpu.enqueue_dma source(%dma_start3A_75 : memref<320x128xf32, #tpu.memory_space<vmem_shared>>) target(%dma_start3A_73 : memref<320x128xf32, #tpu.memory_space<hbm>>) target_semaphore(%run_scoped3A : memref<!tpu.dma_semaphore, #tpu.memory_space<semaphore_mem>>)
      %dma_wait3A = arith.constant 0 : i32
      %dma_wait3A_76 = arith.constant 0 : i32
      %dma_wait3A_77 = tpu.memref_slice %arg6[%arg0, %dma_wait3A, %dma_wait3A_76] : memref<2x5120x128xf32, #tpu.memory_space<hbm>> -> memref<1x5120x128xf32, #tpu.memory_space<hbm>>
      %dma_wait3A_78 = tpu.memref_squeeze %dma_wait3A_77 : memref<1x5120x128xf32, #tpu.memory_space<hbm>> -> memref<5120x128xf32, #tpu.memory_space<hbm>>
      %dma_wait3A_79 = arith.constant 0 : i32
      %dma_wait3A_80 = tpu.memref_slice %dma_wait3A_78[%mul3A_2, %dma_wait3A_79] : memref<5120x128xf32, #tpu.memory_space<hbm>> -> memref<320x128xf32, #tpu.memory_space<hbm>>
      %dma_wait3A_81 = arith.constant 0 : i32
      %dma_wait3A_82 = tpu.memref_slice %arg10[%mul3A_2, %dma_wait3A_81] : memref<5120x128xf32, #tpu.memory_space<vmem_shared>> -> memref<320x128xf32, #tpu.memory_space<vmem_shared>>
      tpu.wait_dma2 semaphore(%run_scoped3A : memref<!tpu.dma_semaphore, #tpu.memory_space<semaphore_mem>>) src(%dma_wait3A_82 : memref<320x128xf32, #tpu.memory_space<vmem_shared>>) dst(%dma_wait3A_80 : memref<320x128xf32, #tpu.memory_space<hbm>>)
      tpu.yield
    }) : () -> ()
    return
  }
}

module attributes {stable_mosaic.version = 14 : i64} {
  func.func @_mm1_body(%arg0: i32, %arg1: memref<2x1000x128xf32, #tpu.memory_space<vmem>>, %arg2: memref<2x1000x128xf32, #tpu.memory_space<vmem>>, %arg3: memref<1000x128xf32, #tpu.memory_space<vmem>>, %arg4: memref<128x128xf32, #tpu.memory_space<vmem>>, %arg5: memref<1000x128xf32, #tpu.memory_space<vmem>>) attributes {dimension_semantics = [#tpu.dimension_semantics<arbitrary>], iteration_bounds = array<i64: 10>, scalar_prefetch = 0 : i64, scratch_operands = 0 : i64, tpu.core_type = #tpu.core_type<tc>, window_params = [{transform_indices = @transform_0, window_bounds = array<i64: 2, 1000, 128>}, {transform_indices = @transform_1, window_bounds = array<i64: 2, 1000, 128>}, {transform_indices = @transform_2, window_bounds = array<i64: 1000, 128>}, {pipeline_mode = #tpu.pipeline_mode<synchronous>, transform_indices = @transform_3, window_bounds = array<i64: 128, 128>}, {transform_indices = @transform_4, window_bounds = array<i64: 1000, 128>}]} {
    %get3A = arith.constant 0 : index
    %get3A_0 = arith.constant 0 : index
    %get3A_1 = vector.load %arg3[%get3A, %get3A_0] : memref<1000x128xf32, #tpu.memory_space<vmem>>, vector<1000x128xf32>
    %get3A_2 = arith.constant 0 : index
    %get3A_3 = arith.constant 0 : index
    %get3A_4 = vector.load %arg4[%get3A_2, %get3A_3] : memref<128x128xf32, #tpu.memory_space<vmem>>, vector<128x128xf32>
    %dot_general3A = arith.constant dense<0.000000e+00> : vector<1000x128xf32>
    %dot_general3A_5 = tpu.matmul %get3A_1, %get3A_4, %dot_general3A {dimension_numbers = #tpu.dot_dimension_numbers<[1], [0], [0], [1], [0, 0, 1, 1], [], []>, precision = #tpu.contract_precision<fp32>, transpose_lhs_hint = false} : vector<1000x128xf32>, vector<128x128xf32>, vector<1000x128xf32> -> vector<1000x128xf32>
    %lt3A = arith.constant 5 : i32
    %lt3A_6 = arith.cmpi slt, %arg0, %lt3A : i32
    %get3A_7 = arith.constant 0 : index
    %get3A_8 = arith.constant 0 : index
    %get3A_9 = arith.constant 0 : index
    %get3A_10 = vector.load %arg1[%get3A_7, %get3A_8, %get3A_9] : memref<2x1000x128xf32, #tpu.memory_space<vmem>>, vector<1x1000x128xf32>
    %get3A_11 = vector.shape_cast %get3A_10 : vector<1x1000x128xf32> to vector<1000x128xf32>
    %get3A_12 = arith.constant 1 : index
    %get3A_13 = arith.constant 0 : index
    %get3A_14 = arith.constant 0 : index
    %get3A_15 = vector.load %arg1[%get3A_12, %get3A_13, %get3A_14] : memref<2x1000x128xf32, #tpu.memory_space<vmem>>, vector<1x1000x128xf32>
    %get3A_16 = vector.shape_cast %get3A_15 : vector<1x1000x128xf32> to vector<1000x128xf32>
    %add3A = arith.addf %get3A_11, %get3A_16 : vector<1000x128xf32>
    %get3A_17 = arith.constant 0 : index
    %get3A_18 = arith.constant 0 : index
    %get3A_19 = arith.constant 0 : index
    %get3A_20 = vector.load %arg2[%get3A_17, %get3A_18, %get3A_19] : memref<2x1000x128xf32, #tpu.memory_space<vmem>>, vector<1x1000x128xf32>
    %get3A_21 = vector.shape_cast %get3A_20 : vector<1x1000x128xf32> to vector<1000x128xf32>
    %get3A_22 = arith.constant 1 : index
    %get3A_23 = arith.constant 0 : index
    %get3A_24 = arith.constant 0 : index
    %get3A_25 = vector.load %arg2[%get3A_22, %get3A_23, %get3A_24] : memref<2x1000x128xf32, #tpu.memory_space<vmem>>, vector<1x1000x128xf32>
    %get3A_26 = vector.shape_cast %get3A_25 : vector<1x1000x128xf32> to vector<1000x128xf32>
    %add3A_27 = arith.addf %get3A_21, %get3A_26 : vector<1000x128xf32>
    %select_n3A = arith.select %lt3A_6, %add3A, %add3A_27 : vector<1000x128xf32>
    %slice3A = vector.extract_strided_slice %select_n3A {offsets = [0, 0], sizes = [1000, 1], strides = [1, 1]} : vector<1000x128xf32> to vector<1000x1xf32>
    %add3A_28 = arith.constant 1.000000e+00 : f32
    %add3A_29 = vector.broadcast %add3A_28 : f32 to vector<1000x1xf32>
    %add3A_30 = arith.addf %slice3A, %add3A_29 : vector<1000x1xf32>
    %rsqrt3A = math.rsqrt %add3A_30 : vector<1000x1xf32>
    %mul3A = vector.broadcast %rsqrt3A : vector<1000x1xf32> to vector<1000x128xf32>
    %mul3A_31 = arith.mulf %dot_general3A_5, %mul3A : vector<1000x128xf32>
    %swap3A = arith.constant 0 : index
    %swap3A_32 = arith.constant 0 : index
    %swap3A_33 = vector.load %arg5[%swap3A, %swap3A_32] : memref<1000x128xf32, #tpu.memory_space<vmem>>, vector<1000x128xf32>
    tpu.vector_store %arg5[%swap3A, %swap3A_32], %mul3A_31 {strides = array<i32>} : memref<1000x128xf32, #tpu.memory_space<vmem>>, vector<1000x128xf32>,
    return
  }
  func.func @transform_0(%arg0: i32) -> (i32, i32, i32) {
    %min3A = arith.constant 4 : i32
    %min3A_0 = arith.minsi %arg0, %min3A : i32
    %c0_i32 = arith.constant 0 : i32
    %c0_i32_1 = arith.constant 0 : i32
    %c0_i32_2 = arith.constant 0 : i32
    return %c0_i32, %min3A_0, %c0_i32_1 : i32, i32, i32
  }
  func.func @transform_1(%arg0: i32) -> (i32, i32, i32) {
    %sub3A = arith.constant 5 : i32
    %sub3A_0 = arith.subi %arg0, %sub3A : i32
    %max3A = arith.constant 0 : i32
    %max3A_1 = arith.maxsi %sub3A_0, %max3A : i32
    %c0_i32 = arith.constant 0 : i32
    %c0_i32_2 = arith.constant 0 : i32
    %c0_i32_3 = arith.constant 0 : i32
    return %c0_i32, %max3A_1, %c0_i32_2 : i32, i32, i32
  }
  func.func @transform_2(%arg0: i32) -> (i32, i32) {
    %c0_i32 = arith.constant 0 : i32
    %c0_i32_0 = arith.constant 0 : i32
    return %arg0, %c0_i32 : i32, i32
  }
  func.func @transform_3(%arg0: i32) -> (i32, i32) {
    %c0_i32 = arith.constant 0 : i32
    %c0_i32_0 = arith.constant 0 : i32
    %c0_i32_1 = arith.constant 0 : i32
    return %c0_i32, %c0_i32_0 : i32, i32
  }
  func.func @transform_4(%arg0: i32) -> (i32, i32) {
    %c0_i32 = arith.constant 0 : i32
    %c0_i32_0 = arith.constant 0 : i32
    return %arg0, %c0_i32 : i32, i32
  }
}

module attributes {stable_mosaic.version = 14 : i64} {
  func.func @_mid_body(%arg0: i32, %arg1: memref<2x1000x128xf32, #tpu.memory_space<vmem>>, %arg2: memref<2x1000x128xf32, #tpu.memory_space<vmem>>, %arg3: memref<2x1000x128xf32, #tpu.memory_space<vmem>>, %arg4: memref<2x1000x128xf32, #tpu.memory_space<vmem>>, %arg5: memref<1000x128xf32, #tpu.memory_space<vmem>>, %arg6: memref<1x128xf32, #tpu.memory_space<vmem>>, %arg7: memref<128x128xf32, #tpu.memory_space<vmem>>, %arg8: memref<1000x128xf32, #tpu.memory_space<vmem>>) attributes {dimension_semantics = [#tpu.dimension_semantics<arbitrary>], iteration_bounds = array<i64: 10>, scalar_prefetch = 0 : i64, scratch_operands = 0 : i64, tpu.core_type = #tpu.core_type<tc>, window_params = [{transform_indices = @transform_0, window_bounds = array<i64: 2, 1000, 128>}, {transform_indices = @transform_1, window_bounds = array<i64: 2, 1000, 128>}, {transform_indices = @transform_2, window_bounds = array<i64: 2, 1000, 128>}, {transform_indices = @transform_3, window_bounds = array<i64: 2, 1000, 128>}, {transform_indices = @transform_4, window_bounds = array<i64: 1000, 128>}, {pipeline_mode = #tpu.pipeline_mode<synchronous>, transform_indices = @transform_5, window_bounds = array<i64: 1, 128>}, {pipeline_mode = #tpu.pipeline_mode<synchronous>, transform_indices = @transform_6, window_bounds = array<i64: 128, 128>}, {transform_indices = @transform_7, window_bounds = array<i64: 1000, 128>}]} {
    %lt3A = arith.constant 5 : i32
    %lt3A_0 = arith.cmpi slt, %arg0, %lt3A : i32
    %get3A = arith.constant 0 : index
    %get3A_1 = arith.constant 0 : index
    %get3A_2 = arith.constant 0 : index
    %get3A_3 = vector.load %arg1[%get3A, %get3A_1, %get3A_2] : memref<2x1000x128xf32, #tpu.memory_space<vmem>>, vector<1x1000x128xf32>
    %get3A_4 = vector.shape_cast %get3A_3 : vector<1x1000x128xf32> to vector<1000x128xf32>
    %get3A_5 = arith.constant 1 : index
    %get3A_6 = arith.constant 0 : index
    %get3A_7 = arith.constant 0 : index
    %get3A_8 = vector.load %arg1[%get3A_5, %get3A_6, %get3A_7] : memref<2x1000x128xf32, #tpu.memory_space<vmem>>, vector<1x1000x128xf32>
    %get3A_9 = vector.shape_cast %get3A_8 : vector<1x1000x128xf32> to vector<1000x128xf32>
    %add3A = arith.addf %get3A_4, %get3A_9 : vector<1000x128xf32>
    %get3A_10 = arith.constant 0 : index
    %get3A_11 = arith.constant 0 : index
    %get3A_12 = arith.constant 0 : index
    %get3A_13 = vector.load %arg2[%get3A_10, %get3A_11, %get3A_12] : memref<2x1000x128xf32, #tpu.memory_space<vmem>>, vector<1x1000x128xf32>
    %get3A_14 = vector.shape_cast %get3A_13 : vector<1x1000x128xf32> to vector<1000x128xf32>
    %get3A_15 = arith.constant 1 : index
    %get3A_16 = arith.constant 0 : index
    %get3A_17 = arith.constant 0 : index
    %get3A_18 = vector.load %arg2[%get3A_15, %get3A_16, %get3A_17] : memref<2x1000x128xf32, #tpu.memory_space<vmem>>, vector<1x1000x128xf32>
    %get3A_19 = vector.shape_cast %get3A_18 : vector<1x1000x128xf32> to vector<1000x128xf32>
    %add3A_20 = arith.addf %get3A_14, %get3A_19 : vector<1000x128xf32>
    %select_n3A = arith.select %lt3A_0, %add3A, %add3A_20 : vector<1000x128xf32>
    %slice3A = vector.extract_strided_slice %select_n3A {offsets = [0, 0], sizes = [1000, 1], strides = [1, 1]} : vector<1000x128xf32> to vector<1000x1xf32>
    %add3A_21 = arith.constant 1.000000e+00 : f32
    %add3A_22 = vector.broadcast %add3A_21 : f32 to vector<1000x1xf32>
    %add3A_23 = arith.addf %slice3A, %add3A_22 : vector<1000x1xf32>
    %rsqrt3A = math.rsqrt %add3A_23 : vector<1000x1xf32>
    %lt3A_24 = arith.constant 5 : i32
    %lt3A_25 = arith.cmpi slt, %arg0, %lt3A_24 : i32
    %get3A_26 = arith.constant 0 : index
    %get3A_27 = arith.constant 0 : index
    %get3A_28 = arith.constant 0 : index
    %get3A_29 = vector.load %arg3[%get3A_26, %get3A_27, %get3A_28] : memref<2x1000x128xf32, #tpu.memory_space<vmem>>, vector<1x1000x128xf32>
    %get3A_30 = vector.shape_cast %get3A_29 : vector<1x1000x128xf32> to vector<1000x128xf32>
    %get3A_31 = arith.constant 1 : index
    %get3A_32 = arith.constant 0 : index
    %get3A_33 = arith.constant 0 : index
    %get3A_34 = vector.load %arg3[%get3A_31, %get3A_32, %get3A_33] : memref<2x1000x128xf32, #tpu.memory_space<vmem>>, vector<1x1000x128xf32>
    %get3A_35 = vector.shape_cast %get3A_34 : vector<1x1000x128xf32> to vector<1000x128xf32>
    %add3A_36 = arith.addf %get3A_30, %get3A_35 : vector<1000x128xf32>
    %get3A_37 = arith.constant 0 : index
    %get3A_38 = arith.constant 0 : index
    %get3A_39 = arith.constant 0 : index
    %get3A_40 = vector.load %arg4[%get3A_37, %get3A_38, %get3A_39] : memref<2x1000x128xf32, #tpu.memory_space<vmem>>, vector<1x1000x128xf32>
    %get3A_41 = vector.shape_cast %get3A_40 : vector<1x1000x128xf32> to vector<1000x128xf32>
    %get3A_42 = arith.constant 1 : index
    %get3A_43 = arith.constant 0 : index
    %get3A_44 = arith.constant 0 : index
    %get3A_45 = vector.load %arg4[%get3A_42, %get3A_43, %get3A_44] : memref<2x1000x128xf32, #tpu.memory_space<vmem>>, vector<1x1000x128xf32>
    %get3A_46 = vector.shape_cast %get3A_45 : vector<1x1000x128xf32> to vector<1000x128xf32>
    %add3A_47 = arith.addf %get3A_41, %get3A_46 : vector<1000x128xf32>
    %select_n3A_48 = arith.select %lt3A_25, %add3A_36, %add3A_47 : vector<1000x128xf32>
    %get3A_49 = arith.constant 0 : index
    %get3A_50 = arith.constant 0 : index
    %get3A_51 = vector.load %arg5[%get3A_49, %get3A_50] : memref<1000x128xf32, #tpu.memory_space<vmem>>, vector<1000x128xf32>
    %add3A_52 = arith.addf %select_n3A_48, %get3A_51 : vector<1000x128xf32>
    %mul3A = vector.broadcast %rsqrt3A : vector<1000x1xf32> to vector<1000x128xf32>
    %mul3A_53 = arith.mulf %add3A_52, %mul3A : vector<1000x128xf32>
    %get3A_54 = arith.constant 0 : index
    %get3A_55 = arith.constant 0 : index
    %get3A_56 = vector.load %arg6[%get3A_54, %get3A_55] : memref<1x128xf32, #tpu.memory_space<vmem>>, vector<1x128xf32>
    %add3A_57 = vector.broadcast %get3A_56 : vector<1x128xf32> to vector<1000x128xf32>
    %add3A_58 = arith.addf %mul3A_53, %add3A_57 : vector<1000x128xf32>
    %max3A = arith.constant 0.000000e+00 : f32
    %max3A_59 = vector.broadcast %max3A : f32 to vector<1000x128xf32>
    %max3A_60 = arith.maximumf %add3A_58, %max3A_59 : vector<1000x128xf32>
    %get3A_61 = arith.constant 0 : index
    %get3A_62 = arith.constant 0 : index
    %get3A_63 = vector.load %arg7[%get3A_61, %get3A_62] : memref<128x128xf32, #tpu.memory_space<vmem>>, vector<128x128xf32>
    %dot_general3A = arith.constant dense<0.000000e+00> : vector<1000x128xf32>
    %dot_general3A_64 = tpu.matmul %max3A_60, %get3A_63, %dot_general3A {dimension_numbers = #tpu.dot_dimension_numbers<[1], [0], [0], [1], [0, 0, 1, 1], [], []>, precision = #tpu.contract_precision<fp32>, transpose_lhs_hint = false} : vector<1000x128xf32>, vector<128x128xf32>, vector<1000x128xf32> -> vector<1000x128xf32>
    %mul3A_65 = vector.broadcast %rsqrt3A : vector<1000x1xf32> to vector<1000x128xf32>
    %mul3A_66 = arith.mulf %dot_general3A_64, %mul3A_65 : vector<1000x128xf32>
    %swap3A = arith.constant 0 : index
    %swap3A_67 = arith.constant 0 : index
    %swap3A_68 = vector.load %arg8[%swap3A, %swap3A_67] : memref<1000x128xf32, #tpu.memory_space<vmem>>, vector<1000x128xf32>
    tpu.vector_store %arg8[%swap3A, %swap3A_67], %mul3A_66 {strides = array<i32>} : memref<1000x128xf32, #tpu.memory_space<vmem>>, vector<1000x128xf32>,
    return
  }
  func.func @transform_0(%arg0: i32) -> (i32, i32, i32) {
    %min3A = arith.constant 4 : i32
    %min3A_0 = arith.minsi %arg0, %min3A : i32
    %c0_i32 = arith.constant 0 : i32
    %c0_i32_1 = arith.constant 0 : i32
    %c0_i32_2 = arith.constant 0 : i32
    return %c0_i32, %min3A_0, %c0_i32_1 : i32, i32, i32
  }
  func.func @transform_1(%arg0: i32) -> (i32, i32, i32) {
    %sub3A = arith.constant 5 : i32
    %sub3A_0 = arith.subi %arg0, %sub3A : i32
    %max3A = arith.constant 0 : i32
    %max3A_1 = arith.maxsi %sub3A_0, %max3A : i32
    %c0_i32 = arith.constant 0 : i32
    %c0_i32_2 = arith.constant 0 : i32
    %c0_i32_3 = arith.constant 0 : i32
    return %c0_i32, %max3A_1, %c0_i32_2 : i32, i32, i32
  }
  func.func @transform_2(%arg0: i32) -> (i32, i32, i32) {
    %min3A = arith.constant 4 : i32
    %min3A_0 = arith.minsi %arg0, %min3A : i32
    %c0_i32 = arith.constant 0 : i32
    %c0_i32_1 = arith.constant 0 : i32
    %c0_i32_2 = arith.constant 0 : i32
    return %c0_i32, %min3A_0, %c0_i32_1 : i32, i32, i32
  }
  func.func @transform_3(%arg0: i32) -> (i32, i32, i32) {
    %sub3A = arith.constant 5 : i32
    %sub3A_0 = arith.subi %arg0, %sub3A : i32
    %max3A = arith.constant 0 : i32
    %max3A_1 = arith.maxsi %sub3A_0, %max3A : i32
    %c0_i32 = arith.constant 0 : i32
    %c0_i32_2 = arith.constant 0 : i32
    %c0_i32_3 = arith.constant 0 : i32
    return %c0_i32, %max3A_1, %c0_i32_2 : i32, i32, i32
  }
  func.func @transform_4(%arg0: i32) -> (i32, i32) {
    %c0_i32 = arith.constant 0 : i32
    %c0_i32_0 = arith.constant 0 : i32
    return %arg0, %c0_i32 : i32, i32
  }
  func.func @transform_5(%arg0: i32) -> (i32, i32) {
    %c0_i32 = arith.constant 0 : i32
    %c0_i32_0 = arith.constant 0 : i32
    %c0_i32_1 = arith.constant 0 : i32
    return %c0_i32, %c0_i32_0 : i32, i32
  }
  func.func @transform_6(%arg0: i32) -> (i32, i32) {
    %c0_i32 = arith.constant 0 : i32
    %c0_i32_0 = arith.constant 0 : i32
    %c0_i32_1 = arith.constant 0 : i32
    return %c0_i32, %c0_i32_0 : i32, i32
  }
  func.func @transform_7(%arg0: i32) -> (i32, i32) {
    %c0_i32 = arith.constant 0 : i32
    %c0_i32_0 = arith.constant 0 : i32
    return %arg0, %c0_i32 : i32, i32
  }
}

module attributes {stable_mosaic.version = 14 : i64} {
  func.func @_fin_body(%arg0: i32, %arg1: memref<2x1000x128xf32, #tpu.memory_space<vmem>>, %arg2: memref<2x1000x128xf32, #tpu.memory_space<vmem>>, %arg3: memref<2x1000x128xf32, #tpu.memory_space<vmem>>, %arg4: memref<2x1000x128xf32, #tpu.memory_space<vmem>>, %arg5: memref<1000x128xf32, #tpu.memory_space<vmem>>, %arg6: memref<1x128xf32, #tpu.memory_space<vmem>>, %arg7: memref<1000x128xf32, #tpu.memory_space<vmem>>) attributes {dimension_semantics = [#tpu.dimension_semantics<arbitrary>], iteration_bounds = array<i64: 10>, scalar_prefetch = 0 : i64, scratch_operands = 0 : i64, tpu.core_type = #tpu.core_type<tc>, window_params = [{transform_indices = @transform_0, window_bounds = array<i64: 2, 1000, 128>}, {transform_indices = @transform_1, window_bounds = array<i64: 2, 1000, 128>}, {transform_indices = @transform_2, window_bounds = array<i64: 2, 1000, 128>}, {transform_indices = @transform_3, window_bounds = array<i64: 2, 1000, 128>}, {transform_indices = @transform_4, window_bounds = array<i64: 1000, 128>}, {pipeline_mode = #tpu.pipeline_mode<synchronous>, transform_indices = @transform_5, window_bounds = array<i64: 1, 128>}, {transform_indices = @transform_6, window_bounds = array<i64: 1000, 128>}]} {
    %lt3A = arith.constant 5 : i32
    %lt3A_0 = arith.cmpi slt, %arg0, %lt3A : i32
    %get3A = arith.constant 0 : index
    %get3A_1 = arith.constant 0 : index
    %get3A_2 = arith.constant 0 : index
    %get3A_3 = vector.load %arg3[%get3A, %get3A_1, %get3A_2] : memref<2x1000x128xf32, #tpu.memory_space<vmem>>, vector<1x1000x128xf32>
    %get3A_4 = vector.shape_cast %get3A_3 : vector<1x1000x128xf32> to vector<1000x128xf32>
    %get3A_5 = arith.constant 1 : index
    %get3A_6 = arith.constant 0 : index
    %get3A_7 = arith.constant 0 : index
    %get3A_8 = vector.load %arg3[%get3A_5, %get3A_6, %get3A_7] : memref<2x1000x128xf32, #tpu.memory_space<vmem>>, vector<1x1000x128xf32>
    %get3A_9 = vector.shape_cast %get3A_8 : vector<1x1000x128xf32> to vector<1000x128xf32>
    %add3A = arith.addf %get3A_4, %get3A_9 : vector<1000x128xf32>
    %get3A_10 = arith.constant 0 : index
    %get3A_11 = arith.constant 0 : index
    %get3A_12 = arith.constant 0 : index
    %get3A_13 = vector.load %arg4[%get3A_10, %get3A_11, %get3A_12] : memref<2x1000x128xf32, #tpu.memory_space<vmem>>, vector<1x1000x128xf32>
    %get3A_14 = vector.shape_cast %get3A_13 : vector<1x1000x128xf32> to vector<1000x128xf32>
    %get3A_15 = arith.constant 1 : index
    %get3A_16 = arith.constant 0 : index
    %get3A_17 = arith.constant 0 : index
    %get3A_18 = vector.load %arg4[%get3A_15, %get3A_16, %get3A_17] : memref<2x1000x128xf32, #tpu.memory_space<vmem>>, vector<1x1000x128xf32>
    %get3A_19 = vector.shape_cast %get3A_18 : vector<1x1000x128xf32> to vector<1000x128xf32>
    %add3A_20 = arith.addf %get3A_14, %get3A_19 : vector<1000x128xf32>
    %select_n3A = arith.select %lt3A_0, %add3A, %add3A_20 : vector<1000x128xf32>
    %get3A_21 = arith.constant 0 : index
    %get3A_22 = arith.constant 0 : index
    %get3A_23 = vector.load %arg5[%get3A_21, %get3A_22] : memref<1000x128xf32, #tpu.memory_space<vmem>>, vector<1000x128xf32>
    %add3A_24 = arith.addf %select_n3A, %get3A_23 : vector<1000x128xf32>
    %lt3A_25 = arith.constant 5 : i32
    %lt3A_26 = arith.cmpi slt, %arg0, %lt3A_25 : i32
    %get3A_27 = arith.constant 0 : index
    %get3A_28 = arith.constant 0 : index
    %get3A_29 = arith.constant 0 : index
    %get3A_30 = vector.load %arg1[%get3A_27, %get3A_28, %get3A_29] : memref<2x1000x128xf32, #tpu.memory_space<vmem>>, vector<1x1000x128xf32>
    %get3A_31 = vector.shape_cast %get3A_30 : vector<1x1000x128xf32> to vector<1000x128xf32>
    %get3A_32 = arith.constant 1 : index
    %get3A_33 = arith.constant 0 : index
    %get3A_34 = arith.constant 0 : index
    %get3A_35 = vector.load %arg1[%get3A_32, %get3A_33, %get3A_34] : memref<2x1000x128xf32, #tpu.memory_space<vmem>>, vector<1x1000x128xf32>
    %get3A_36 = vector.shape_cast %get3A_35 : vector<1x1000x128xf32> to vector<1000x128xf32>
    %add3A_37 = arith.addf %get3A_31, %get3A_36 : vector<1000x128xf32>
    %get3A_38 = arith.constant 0 : index
    %get3A_39 = arith.constant 0 : index
    %get3A_40 = arith.constant 0 : index
    %get3A_41 = vector.load %arg2[%get3A_38, %get3A_39, %get3A_40] : memref<2x1000x128xf32, #tpu.memory_space<vmem>>, vector<1x1000x128xf32>
    %get3A_42 = vector.shape_cast %get3A_41 : vector<1x1000x128xf32> to vector<1000x128xf32>
    %get3A_43 = arith.constant 1 : index
    %get3A_44 = arith.constant 0 : index
    %get3A_45 = arith.constant 0 : index
    %get3A_46 = vector.load %arg2[%get3A_43, %get3A_44, %get3A_45] : memref<2x1000x128xf32, #tpu.memory_space<vmem>>, vector<1x1000x128xf32>
    %get3A_47 = vector.shape_cast %get3A_46 : vector<1x1000x128xf32> to vector<1000x128xf32>
    %add3A_48 = arith.addf %get3A_42, %get3A_47 : vector<1000x128xf32>
    %select_n3A_49 = arith.select %lt3A_26, %add3A_37, %add3A_48 : vector<1000x128xf32>
    %slice3A = vector.extract_strided_slice %select_n3A_49 {offsets = [0, 0], sizes = [1000, 1], strides = [1, 1]} : vector<1000x128xf32> to vector<1000x1xf32>
    %add3A_50 = arith.constant 1.000000e+00 : f32
    %add3A_51 = vector.broadcast %add3A_50 : f32 to vector<1000x1xf32>
    %add3A_52 = arith.addf %slice3A, %add3A_51 : vector<1000x1xf32>
    %rsqrt3A = math.rsqrt %add3A_52 : vector<1000x1xf32>
    %mul3A = vector.broadcast %rsqrt3A : vector<1000x1xf32> to vector<1000x128xf32>
    %mul3A_53 = arith.mulf %add3A_24, %mul3A : vector<1000x128xf32>
    %get3A_54 = arith.constant 0 : index
    %get3A_55 = arith.constant 0 : index
    %get3A_56 = vector.load %arg6[%get3A_54, %get3A_55] : memref<1x128xf32, #tpu.memory_space<vmem>>, vector<1x128xf32>
    %add3A_57 = vector.broadcast %get3A_56 : vector<1x128xf32> to vector<1000x128xf32>
    %add3A_58 = arith.addf %mul3A_53, %add3A_57 : vector<1000x128xf32>
    %swap3A = arith.constant 0 : index
    %swap3A_59 = arith.constant 0 : index
    %swap3A_60 = vector.load %arg7[%swap3A, %swap3A_59] : memref<1000x128xf32, #tpu.memory_space<vmem>>, vector<1000x128xf32>
    tpu.vector_store %arg7[%swap3A, %swap3A_59], %add3A_58 {strides = array<i32>} : memref<1000x128xf32, #tpu.memory_space<vmem>>, vector<1000x128xf32>,
    return
  }
  func.func @transform_0(%arg0: i32) -> (i32, i32, i32) {
    %min3A = arith.constant 4 : i32
    %min3A_0 = arith.minsi %arg0, %min3A : i32
    %c0_i32 = arith.constant 0 : i32
    %c0_i32_1 = arith.constant 0 : i32
    %c0_i32_2 = arith.constant 0 : i32
    return %c0_i32, %min3A_0, %c0_i32_1 : i32, i32, i32
  }
  func.func @transform_1(%arg0: i32) -> (i32, i32, i32) {
    %sub3A = arith.constant 5 : i32
    %sub3A_0 = arith.subi %arg0, %sub3A : i32
    %max3A = arith.constant 0 : i32
    %max3A_1 = arith.maxsi %sub3A_0, %max3A : i32
    %c0_i32 = arith.constant 0 : i32
    %c0_i32_2 = arith.constant 0 : i32
    %c0_i32_3 = arith.constant 0 : i32
    return %c0_i32, %max3A_1, %c0_i32_2 : i32, i32, i32
  }
  func.func @transform_2(%arg0: i32) -> (i32, i32, i32) {
    %min3A = arith.constant 4 : i32
    %min3A_0 = arith.minsi %arg0, %min3A : i32
    %c0_i32 = arith.constant 0 : i32
    %c0_i32_1 = arith.constant 0 : i32
    %c0_i32_2 = arith.constant 0 : i32
    return %c0_i32, %min3A_0, %c0_i32_1 : i32, i32, i32
  }
  func.func @transform_3(%arg0: i32) -> (i32, i32, i32) {
    %sub3A = arith.constant 5 : i32
    %sub3A_0 = arith.subi %arg0, %sub3A : i32
    %max3A = arith.constant 0 : i32
    %max3A_1 = arith.maxsi %sub3A_0, %max3A : i32
    %c0_i32 = arith.constant 0 : i32
    %c0_i32_2 = arith.constant 0 : i32
    %c0_i32_3 = arith.constant 0 : i32
    return %c0_i32, %max3A_1, %c0_i32_2 : i32, i32, i32
  }
  func.func @transform_4(%arg0: i32) -> (i32, i32) {
    %c0_i32 = arith.constant 0 : i32
    %c0_i32_0 = arith.constant 0 : i32
    return %arg0, %c0_i32 : i32, i32
  }
  func.func @transform_5(%arg0: i32) -> (i32, i32) {
    %c0_i32 = arith.constant 0 : i32
    %c0_i32_0 = arith.constant 0 : i32
    %c0_i32_1 = arith.constant 0 : i32
    return %c0_i32, %c0_i32_0 : i32, i32
  }
  func.func @transform_6(%arg0: i32) -> (i32, i32) {
    %c0_i32 = arith.constant 0 : i32
    %c0_i32_0 = arith.constant 0 : i32
    return %arg0, %c0_i32 : i32, i32
  }
}

</mosaic_0001>

<sc_bundles>
// kernel: kernel.11.cloned.1.call-start
scs
__scs_entry_jumppad:
0x0: {  	(pc) =	sbr.rel $0x88, $3  }
0x1: {  	(tag) =	ssettag $0x0;
	lr =	simm.s32 $0x1  }
0x2: {  	[smem:$0x3F9B] =	sst lr;
	_ =	strace $0xD0000000  }
0x3: {  	_ = 	snop  }
0x4: {  	_ = 	snop  }
0x5: {  	_ = 	snop  }
0x6: {  	_ = 	snop  }
0x7: {  	_ = 	snop  }
__scs_overlays_trampoline_lowered:
0x8: {  	[smem:$0x3FAA] =	sst s0  }
0x9: {  	[smem:$0x3FAB] =	sst s1  }
0xa: {  	[smem:$0x3FAC] =	sst s2  }
0xb: {  	[smem:$0x3FAD] =	sst s3  }
0xc: {  	[smem:$0x3FAE] =	sst s4  }
0xd: {  	[smem:$0x3FAF] =	sst s5  }
0xe: {  	[smem:$0x3FB0] =	sst s6  }
0xf: {  	[smem:$0x3FB1] =	sst s7  }
0x10: {  	[smem:$0x3FB2] =	sst s8  }
0x11: {  	[smem:$0x3FB3] =	sst s9;
	s0 =	simm.s32 @!p0 $0x0  }
0x12: {  	s1 =	sld [smem:$0x3F99];
	s0 =	simm.s32 @p0 $0x1  }
0x13: {  	[smem:$0x3FB4] =	sst s0;
	s0 =	simm.s32 @!p1 $0x0  }
0x14: {  	s2 =	sld [smem:$0x3F98];
	s0 =	simm.s32 @p1 $0x1  }
0x15: {  	[smem:$0x3FB5] =	sst s0;
	s0 =	simm.s32 @!p2 $0x0  }
0x16: {  	s3 =	sld [smem:$0x3FDB];
	s0 =	simm.s32 @p2 $0x1  }
0x17: {  	s4 =	simm.s32 $0x1BF5;
	[smem:$0x3FB7] =	sst s0  }
0x18: {  	s0 =	sld [smem:$0x3F9A];
	_ =	swait.ge [sflag:s4], $0x0  }
0x19: {  	s7 =	sld [smem:$0x3F9B]  }
0x1a: {  	s8 =	sadd.s32 $0xFFFFE003, lr  }
0x1b: {  	s9 =	sadd.s32 $0xFFFFFEF7, lr;
	s5 =	simm.s32 $0xFFFFFFFF;
	p2 =	slt.u32 s8, $0xFFFFF086  }
0x1c: {  	p1 =	slt.u32 s9, $0xF7A;
	s5 =	simm.s32 @!p2 $0x0  }
0x1d: {  	s5 =	simm.s32 @p1 $0x1;
	p0 =	seq.s32 s7, s2  }
0x1e: {  	s7 =	smul.u32 @!p0 $0xF7A, s2;
	p2 =	seq.s32 @!p0 s5, $0x0  }
0x1f: {  	s9 =	smul.u32 $0xF7A, s1;
	s8 =	simm.s32 @!p0 $0x1BF5;
	p2 =	por !p2, p0  }
0x20: {  	[sflag:s8] =	ssyncset.s32 @!p0 $0xFFFFF086;
	s6 =	sadd.s32 @!p0 s3, s7;
	s7 =	simm.s32 @!p0 $0x108  }
0x21: {  	s3 =	sadd.s32 s3, s9;
	s6 =	sadd.s32 @!p0 $0x88, s6;
	s7 =	simm.s32 @p2 $0x1082  }
0x22: {  	[simem:s7], [sflag:s8] =	dma.local @!p0 [hbm:s6], $0xF7A  }
0x23: {  	s9 =	sor.u32 $0xD0000000, s2;
	s6 =	simm.s32 $0x108;
	_ =	swait.ge @!p0 [sflag:s8], $0x0  }
0x24: {  	s3 =	sadd.s32 $0x88, s3;
	s6 =	simm.s32 @!p1 $0x1082;
	[sflag:s4] =	ssyncset.s32 $0xFFFFF086  }
0x25: {  	[simem:s6], [sflag:s4] =	dma.local [hbm:s3], $0xF7A  }
0x26: {  	[smem:$0x3F9B] =	sst s1;
	(tag) =	ssettag s2;
	_ =	strace s9  }
0x27: {  	s1 =	sld [smem:$0x3FAB]  }
0x28: {  	s2 =	sld [smem:$0x3FAC]  }
0x29: {  	s4 =	sld [smem:$0x3FAE]  }
0x2a: {  	p0 =	seq.s32 s5, $0x0;
	s5 =	sld [smem:$0x3FAF]  }
0x2b: {  	s6 =	sld [smem:$0x3FB0]  }
0x2c: {  	s7 =	sld [smem:$0x3FB1]  }
0x2d: {  	s3 =	simm.s32 $0x108;
	s8 =	sld [smem:$0x3FB2]  }
0x2e: {  	s3 =	simm.s32 @!p0 $0x1082;
	s9 =	sld [smem:$0x3FB3]  }
0x2f: {  	lr =	sadd.s32 s0, s3;
	s0 =	sld [smem:$0x3FAA]  }
0x30: {  	s3 =	sld [smem:$0x3FAD]  }
0x31: {  	[smem:$0x3FB6] =	sst s10  }
0x32: {  	s10 =	sld [smem:$0x3FB4];
	_ =	sdelay $0x3  }
0x33: {  	p0 =	seq.s32 s10, $0x1;
	s10 =	sld [smem:$0x3FB6];
	_ =	sdelay $0x3  }
0x34: {  	[smem:$0x3FB6] =	sst s10  }
0x35: {  	s10 =	sld [smem:$0x3FB5];
	_ =	sdelay $0x3  }
0x36: {  	p1 =	seq.s32 s10, $0x1;
	s10 =	sld [smem:$0x3FB6];
	_ =	sdelay $0x3  }
0x37: {  	[smem:$0x3FB6] =	sst s10  }
0x38: {  	s10 =	sld [smem:$0x3FB7]  }
0x39: {  	_ = 	snop;
	(pc) =	sbr.ind lr, $3  }
0x3a: {  	_ = 	snop  }
0x3b: {  	_ = 	snop  }
0x3c: {  	p2 =	seq.s32 s10, $0x1;
	s10 =	sld [smem:$0x3FB6]  }
0x3d: {  	_ =	shalt  }
0x3e: {  	_ =	shalt  }
0x3f: {  	_ =	shalt  }
0x40: {  	_ =	shalt  }
0x41: {  	_ =	shalt  }
0x42: {  	_ =	shalt  }
0x43: {  	_ =	shalt  }
0x44: {  	_ =	shalt  }
0x45: {  	_ =	shalt  }
0x46: {  	_ =	shalt  }
0x47: {  	_ =	shalt  }
0x48: {  	_ =	shalt  }
0x49: {  	_ =	shalt  }
0x4a: {  	_ =	shalt  }
0x4b: {  	_ =	shalt  }
0x4c: {  	_ =	shalt  }
0x4d: {  	_ =	shalt  }
0x4e: {  	_ =	shalt  }
0x4f: {  	_ =	shalt  }
0x50: {  	_ =	shalt  }
0x51: {  	_ =	shalt  }
0x52: {  	_ =	shalt  }
0x53: {  	_ =	shalt  }
0x54: {  	_ =	shalt  }
0x55: {  	_ =	shalt  }
0x56: {  	_ =	shalt  }
0x57: {  	_ =	shalt  }
0x58: {  	_ =	shalt  }
0x59: {  	_ =	shalt  }
0x5a: {  	_ =	shalt  }
0x5b: {  	_ =	shalt  }
0x5c: {  	_ =	shalt  }
0x5d: {  	_ =	shalt  }
0x5e: {  	_ =	shalt  }
0x5f: {  	_ =	shalt  }
0x60: {  	_ =	shalt  }
0x61: {  	_ =	shalt  }
0x62: {  	_ =	shalt  }
0x63: {  	_ =	shalt  }
0x64: {  	_ =	shalt  }
0x65: {  	_ =	shalt  }
0x66: {  	_ =	shalt  }
0x67: {  	_ =	shalt  }
0x68: {  	_ =	shalt  }
0x69: {  	_ =	shalt  }
0x6a: {  	_ =	shalt  }
0x6b: {  	_ =	shalt  }
0x6c: {  	_ =	shalt  }
0x6d: {  	_ =	shalt  }
0x6e: {  	_ =	shalt  }
0x6f: {  	_ =	shalt  }
0x70: {  	_ =	shalt  }
0x71: {  	_ =	shalt  }
0x72: {  	_ =	shalt  }
0x73: {  	_ =	shalt  }
0x74: {  	_ =	shalt  }
0x75: {  	_ =	shalt  }
0x76: {  	_ =	shalt  }
0x77: {  	_ =	shalt  }
0x78: {  	_ =	shalt  }
0x79: {  	_ =	shalt  }
0x7a: {  	_ =	shalt  }
0x7b: {  	_ =	shalt  }
0x7c: {  	_ =	shalt  }
0x7d: {  	_ =	shalt  }
0x7e: {  	_ =	shalt  }
0x7f: {  	_ =	shalt  }
0x80: {  	_ =	shalt  }
0x81: {  	_ =	shalt  }
0x82: {  	_ =	shalt  }
0x83: {  	_ =	shalt  }
0x84: {  	_ =	shalt  }
0x85: {  	_ =	shalt  }
0x86: {  	_ =	shalt  }
0x87: {  	_ =	shalt  }
.Lfunc_end0:
.L_simem_size_0:
called_computation_lowered:
.L_overlay_start_0:
0x88: {  	s2 =	sld [smem:$0x3FD9]  }
0x89: {  	s3 =	sld [smem:$0x3FFE];
	_ =	sdelay $0x1  }
0x8a: {  	s1 =	srdreg.scid  }
0x8b: {  	s0 =	sand.u32 $0x1, s1  }
0x8c: {  	s17 =	sshll.u32 s0, $0xA;
	s2 =	sadd.s32 s3, s2  }
0x8d: {  	s2 =	sadd.s32 s2, s17  }
0x8e: {  	[smem:$0x3FC2] =	sst s2  }
0x8f: {  	_ = 	snop  }
0x90: {  	s18 =	sld [smem:$0x3FD0];
	(tm) =	ssettm $0x1  }
0x91: {  	s19 =	sld [smem:$0x3FFB];
	_ =	sdelay $0x3  }
0x92: {  	_ =	strace s19  }
0x93: {  	s2 =	sld [smem:$0x3FFC];
	_ =	sdelay $0x3  }
0x94: {  	_ =	strace s2  }
0x95: {  	s2 =	sld [smem:$0x3FFD];
	_ =	sdelay $0x3  }
0x96: {  	_ =	strace s2  }
0x97: {  	_ =	strace $0x8FFFFFFF  }
0x98: {  	s20 =	sld [smem:$0x3FDB];
	_ =	sdelay $0x1  }
0x99: {  	s4 =	simm.s32 $_scs_section_size  }
0x9a: {  	s5 =	simm.s32 $_size__tile_overlayer_lowered;
	s6 =	simm.s32 $_tile_overlayer_lowered  }
0x9b: {  	s7 =	simm.s32 $0x1BFF;
	s21 =	sshll.u32 s6, $0x1;
	s4 =	sadd.s32 s4, s20  }
0x9c: {  	s22 =	simm.s32 $0x0;
	s5 =	sshll.u32 s5, $0x1;
	s6 =	sadd.s32 s21, s4  }
0x9d: {  	[timem:s22], [sflag:s7] =	dma.local [hbm:s6], s5  }
0x9e: {  	_ =	swait.ge [sflag:s7], s5  }
0x9f: {  	s5 =	ssub.s32 $0x0, s5;
	[sflag:s7] =	ssyncset.done $0x0  }
0xa0: {  	[sflag:s7] =	ssyncadd.s32 s5;
	_ =	sdelay $0x1  }
0xa1: {  	s23 =	simm.s32 $0x1B8B  }
0xa2: {  	_ =	swait.ge [sflag:s23], $0x1  }
0xa3: {  	[sflag:s23] =	ssyncset.done $0x0  }
0xa4: {  	[sflag:s23] =	ssyncadd.s32 $0xFFFFFFFF  }
0xa5: {  	s5 =	sld [smem:$0x0]  }
0xa6: {  	s6 =	sand.u32 $0xFFFFFFFE, s1  }
0xa7: {  	p0 =	sne.s32 s1, s6  }
0xa8: {  	s6 =	sshll.u32 @p0 s6, $0xE  }
0xa9: {  	s6 =	sadd.s32 @p0 $0x11B8D, s6;
	s7 =	sshll.u32 @p0 s5, $0x11  }
0xaa: {  	s6 =	sor.u32 @p0 s7, s6  }
0xab: {  	[sflag:s6] =	ssyncadd.remote.s32 @p0 $0x1;
	_ =	sdelay $0x1  }
0xac: {  	s6 =	simm.s32 @p0 $0x1B8D  }
0xad: {  	_ =	swait.eq @p0 [sflag:s6], $0x1  }
0xae: {  	[sflag:s6] =	ssyncadd.s32 @p0 $0xFFFFFFFF  }
0xaf: {  	s7 =	sshll.u32 @!p0 s1, $0xE  }
0xb0: {  	s7 =	sor.u32 @!p0 $0x4000, s7;
	s6 =	simm.s32 @!p0 $0x1B8D  }
0xb1: {  	s5 =	sshll.u32 @!p0 s5, $0x11;
	s7 =	sadd.s32 @!p0 $0x11B8D, s7;
	_ =	swait.eq @!p0 [sflag:s6], $0x1  }
0xb2: {  	s5 =	sor.u32 @!p0 s5, s7;
	[sflag:s6] =	ssyncadd.s32 @!p0 $0xFFFFFFFF  }
0xb3: {  	s25 =	simm.s32 $0x1B8E;
	s24 =	sld [smem:$0x3FFE];
	[sflag:s5] =	ssyncadd.remote.s32 @!p0 $0x1  }
0xb4: {  	s26 =	simm.s32 $execute0_lowered;
	[smem:$0x3FD2] =	sst s25  }
0xb5: {  	s6 =	sshll.u32 s26, $0x1;
	_ =	strace $0x80000049;
	[dreg:$0x1] =	wrdreg $0xFFFFFFFF  }
0xb6: {  	s28 =	simm.s32 $_size_execute0_lowered;
	s4 =	sadd.s32 s4, s6;
	[dreg:$0x0] =	wrdreg $0x0  }
0xb7: {  	s6 =	sshll.u32 s28, $0x1;
	[dreg:$0x2] =	wrdreg s4  }
0xb8: {  	[dreg:$0x3] =	wrdreg s6  }
0xb9: {  	[dreg:$0x4] =	wrdreg $0xC0  }
0xba: {  	_ =	task [dreg:s22], $0x5FFFF  }
0xbb: {  	[dreg:$0x1] =	wrdreg $0xFFFFFFFF  }
0xbc: {  	[dreg:$0x0] =	wrdreg $0x60  }
0xbd: {  	[dreg:$0x2] =	wrdreg s18  }
0xbe: {  	[dreg:$0x3] =	wrdreg s24  }
0xbf: {  	[dreg:$0x4] =	wrdreg $0x148000  }
0xc0: {  	[dreg:$0x5] =	wrdreg $0x9  }
0xc1: {  	_ =	task.clear_ibuf [dreg:s22], $0x6FFFF;
	_ =	strace $0x90000049  }
0xc2: {  	s29 =	simm.s32 $0x9;
	_ =	strace $0x8000004B  }
0xc3: {  	_ =	swait.ge [sflag:s29], $0x1  }
0xc4: {  	[sflag:s29] =	ssyncadd.s32 $0xFFFFFFFF  }
0xc5: {  	_ =	strace $0x9000004B  }
0xc6: {  	_ =	sfence  }
0xc7: {  	s30 =	sld [smem:$0x0];
	_ =	sdelay $0x2  }
0xc8: {  	s31 =	sshll.u32 s1, $0xD;
	s1 =	sshrl.u32 s1, $0x2  }
0xc9: {  	s4 =	sand.u32 $0x4000, s31;
	s1 =	sadd.s32 s1, s30  }
0xca: {  	s0 =	sor.u32 s4, s0;
	s1 =	sshll.u32 s1, $0x11  }
0xcb: {  	s0 =	sor.u32 s1, s0  }
0xcc: {  	s0 =	sadd.s32 $0x8F2B, s0  }
0xcd: {  	[sflag:s0] =	ssyncadd.remote.s32 $0x1  }
0xce: {  	_ =	sfence.sel $0xFFFF  }
0xcf: {  	[dreg:$0x0] =	wrdreg $0xFFFFFFFF;
	(pc) =	sbr.abs _section_cstart, $3  }
0xd0: {  	[dreg:$0x1] =	wrdreg $0xFFFFFFFF  }
0xd1: {  	_ =	task.clear_ibuf [dreg:s22], $0x2FFFF;
	_ =	strace $0x9FFFFFFF  }
0xd2: {  	(tm) =	ssettm $0x7FFFFFFF  }
0xd3: {  	_ =	shalt  }
tec
execute0_lowered:
.L_overlay_start_1:
0x0: {  	(tag) =	ssettag $0x1  }
0x1: {  	s1 =	rddreg [dreg:$0x0]  }
0x2: {  	s0 =	rddreg [dreg:$0x1]  }
0x3: {  	s2 =	rddreg [dreg:$0x2];
	s4 =	simm.s32 $0x0  }
0x4: {  	s3 =	srdreg.scid;
	s11 =	stileid.u32;
	s13 =	simm.s32 $0x50  }
0x5: {  	s14 =	simm.s32 $0x8000;
	s16 =	simm.s32 $0xA800;
	s18 =	simm.s32 $0xD000  }
0x6: {  	s20 =	simm.s32 $0xF800;
	s22 =	simm.s32 $0x12000;
	s23 =	simm.s32 $0x1  }
0x7: {  	s28 =	simm.s32 $0x4;
	s29 =	simm.s32 $0x5;
	s30 =	simm.s32 $0x7C00  }
0x8: {  	s31 =	simm.s32 $0x7C80;
	[smem:$0x7FF] =	sst s4;
	s24 =	smul.u32 $0x28000, s11  }
0x9: {  	s3 =	sand.u32 $0x1, s3;
	s5 =	sshll.u32 s11, $0xC;
	s15 =	smul.u32 $0x1400, s11  }
0xa: {  	s26 =	sshll.u32 s11, $0x6;
	_ =	strace $0x8000004A;
	s6 =	sshll.u32 s3, $0xB  }
0xb: {  	s7 =	smul.u32 $0x14000, s3;
	s3 =	ssub.s32 $0x2, s3;
	s11 =	sor.u32 $0x1C06, s26  }
0xc: {  	s26 =	simm.s32 $0x3;
	s5 =	sor.u32 s6, s5;
	s9 =	sshrl.u32 s3, $0x1  }
0xd: {  	s25 =	sshrl.u32 s24, $0x2;
	s8 =	sadd.s32 s5, s0;
	s5 =	sadd.s32 $0x23C00, s0  }
0xe: {  	s0 =	sadd.s32 s7, s0;
	s3 =	ssub.s32 s3, s9;
	s10 =	sadd.s32 s25, s2  }
0xf: {  	s9 =	simm.s32 $0x6;
	s25 =	simm.s32 $0x2;
	s6 =	sadd.s32 $0x25000, s8  }
0x10: {  	s7 =	sadd.s32 $0x13C00, s8;
	s0 =	sadd.s32 $0x5D000, s0;
	s8 =	smax.u32 s3, $0x1  }
0x11: {  	s12 =	sshrl.u32 s10, $0x3;
	s3 =	simm.s32 $0x7D80;
	s10 =	simm.s32 $0x7E00  }
0x12: {  	s24 =	sadd.s32 s15, s0;
	s0 =	simm.s32 $0x7D00;
	s15 =	simm.s32 $0x0  }
.LBB2_1:
0x13: {  	[tilespmem:s4], [sflag:$0x6] =	stream.linear.gather [hbm4b:s6+s4], $0x3E80, $0x38;
	[tilespmem:$0x1E800] =	vst v63  }
0x14: {  	_ =	swait.ge [sflag:s9], $0x3E80  }
0x15: {  	[sflag:s9] =	ssyncset.done $0x0  }
0x16: {  	s17 =	simm.s32 $0x4000;
	[sflag:s9] =	ssyncadd.s32 $0xFFFFC180  }
0x17: {  	[tilespmem:s17], [sflag:$0x6] =	stream.linear.gather [hbm4b:s7+s4], $0x3E80, $0x38;
	[tilespmem:$0x1E800] =	vst v63  }
0x18: {  	_ =	swait.ge [sflag:s9], $0x3E80  }
0x19: {  	[sflag:s9] =	ssyncset.done $0x0  }
0x1a: {  	[sflag:s9] =	ssyncadd.s32 $0xFFFFC180  }
0x1b: {  	[spmem:s12], [sflag:s11] =	dma.local [hbm:s5], $0x1400  }
0x1c: {  	_ =	swait.ge [sflag:s9], $0x1400  }
0x1d: {  	[sflag:s9] =	ssyncset.done $0x0  }
0x1e: {  	[sflag:s9] =	ssyncadd.s32 $0xFFFFEC00  }
0x1f: {  	[bflag:$0x0] =	sbarrier.arrive $0xFFFF  }
0x20: {  	[tilespmem:s14], [sflag:$0x1] =	stream.indirect.gather [hbm4b:s1+s13], $0x80, s4, s13, $0xb8;
	[tilespmem:$0x1E800] =	vst v63  }
0x21: {  	s21 =	simm.s32 $0x80  }
0x22: {  	[tilespmem:s16], [sflag:$0x2] =	stream.indirect.gather [hbm4b:s1+s13], $0x80, s21, s13, $0xb8;
	[tilespmem:$0x1E800] =	vst v63  }
0x23: {  	s19 =	simm.s32 $0x100  }
0x24: {  	[tilespmem:s18], [sflag:$0x3] =	stream.indirect.gather [hbm4b:s1+s13], $0x80, s19, s13, $0xb8;
	[tilespmem:$0x1E800] =	vst v63  }
0x25: {  	s21 =	simm.s32 $0x180  }
0x26: {  	[tilespmem:s20], [sflag:$0x4] =	stream.indirect.gather [hbm4b:s1+s13], $0x80, s21, s13, $0xb8;
	[tilespmem:$0x1E800] =	vst v63  }
0x27: {  	s19 =	simm.s32 $0x200  }
0x28: {  	[tilespmem:s22], [sflag:$0x5] =	stream.indirect.gather [hbm4b:s1+s13], $0x80, s19, s13, $0xb8;
	[tilespmem:$0x1E800] =	vst v63  }
0x29: {  	_ =	swait.ge [sflag:s23], $0x2800  }
0x2a: {  	[sflag:s23] =	ssyncset.done $0x0  }
0x2b: {  	s21 =	simm.s32 $0x4000;
	[sflag:s23] =	ssyncadd.s32 $0xFFFFD800  }
0x2c: {  	[spmem:s2] =	stream.indirect.scatter.add.f32 [tilespmem:s14], [sflag:$0x6], $0x80, s21, s13, $0xb8;
	[tilespmem:$0x1E800] =	vst v63  }
0x2d: {  	_ =	swait.ge [sflag:s9], $0x2800  }
0x2e: {  	[sflag:s9] =	ssyncset.done $0x0  }
0x2f: {  	s19 =	simm.s32 $0x280;
	[sflag:s9] =	ssyncadd.s32 $0xFFFFD800  }
0x30: {  	[tilespmem:s14], [sflag:$0x1] =	stream.indirect.gather [hbm4b:s1+s13], $0x80, s19, s13, $0xb8;
	[tilespmem:$0x1E800] =	vst v63  }
0x31: {  	_ =	swait.ge [sflag:s25], $0x2800  }
0x32: {  	[sflag:s25] =	ssyncset.done $0x0  }
0x33: {  	s21 =	simm.s32 $0x4080;
	[sflag:s25] =	ssyncadd.s32 $0xFFFFD800  }
0x34: {  	[spmem:s2] =	stream.indirect.scatter.add.f32 [tilespmem:s16], [sflag:$0x6], $0x80, s21, s13, $0xb8;
	[tilespmem:$0x1E800] =	vst v63  }
0x35: {  	_ =	swait.ge [sflag:s9], $0x2800  }
0x36: {  	[sflag:s9] =	ssyncset.done $0x0  }
0x37: {  	s19 =	simm.s32 $0x300;
	[sflag:s9] =	ssyncadd.s32 $0xFFFFD800  }
0x38: {  	[tilespmem:s16], [sflag:$0x2] =	stream.indirect.gather [hbm4b:s1+s13], $0x80, s19, s13, $0xb8;
	[tilespmem:$0x1E800] =	vst v63  }
0x39: {  	_ =	swait.ge [sflag:s26], $0x2800  }
0x3a: {  	[sflag:s26] =	ssyncset.done $0x0  }
0x3b: {  	s21 =	simm.s32 $0x4100;
	[sflag:s26] =	ssyncadd.s32 $0xFFFFD800  }
0x3c: {  	[spmem:s2] =	stream.indirect.scatter.add.f32 [tilespmem:s18], [sflag:$0x6], $0x80, s21, s13, $0xb8;
	[tilespmem:$0x1E800] =	vst v63  }
0x3d: {  	_ =	swait.ge [sflag:s9], $0x2800  }
0x3e: {  	[sflag:s9] =	ssyncset.done $0x0  }
0x3f: {  	s19 =	simm.s32 $0x380;
	[sflag:s9] =	ssyncadd.s32 $0xFFFFD800  }
0x40: {  	[tilespmem:s18], [sflag:$0x3] =	stream.indirect.gather [hbm4b:s1+s13], $0x80, s19, s13, $0xb8;
	[tilespmem:$0x1E800] =	vst v63  }
0x41: {  	_ =	swait.ge [sflag:s28], $0x2800  }
0x42: {  	[sflag:s28] =	ssyncset.done $0x0  }
0x43: {  	s21 =	simm.s32 $0x4180;
	[sflag:s28] =	ssyncadd.s32 $0xFFFFD800  }
0x44: {  	[spmem:s2] =	stream.indirect.scatter.add.f32 [tilespmem:s20], [sflag:$0x6], $0x80, s21, s13, $0xb8;
	[tilespmem:$0x1E800] =	vst v63  }
0x45: {  	_ =	swait.ge [sflag:s9], $0x2800  }
0x46: {  	[sflag:s9] =	ssyncset.done $0x0  }
0x47: {  	s19 =	simm.s32 $0x400;
	[sflag:s9] =	ssyncadd.s32 $0xFFFFD800  }
0x48: {  	[tilespmem:s20], [sflag:$0x4] =	stream.indirect.gather [hbm4b:s1+s13], $0x80, s19, s13, $0xb8;
	[tilespmem:$0x1E800] =	vst v63  }
0x49: {  	_ =	swait.ge [sflag:s29], $0x2800  }
0x4a: {  	[sflag:s29] =	ssyncset.done $0x0  }
0x4b: {  	s21 =	simm.s32 $0x4200;
	[sflag:s29] =	ssyncadd.s32 $0xFFFFD800  }
0x4c: {  	[spmem:s2] =	stream.indirect.scatter.add.f32 [tilespmem:s22], [sflag:$0x6], $0x80, s21, s13, $0xb8;
	[tilespmem:$0x1E800] =	vst v63  }
0x4d: {  	_ =	swait.ge [sflag:s9], $0x2800  }
0x4e: {  	[sflag:s9] =	ssyncset.done $0x0  }
0x4f: {  	s17 =	simm.s32 $0xA00;
	s19 =	simm.s32 $0x480;
	[sflag:s9] =	ssyncadd.s32 $0xFFFFD800  }
.LBB2_2:
0x50: {  	[tilespmem:s22], [sflag:$0x5] =	stream.indirect.gather [hbm4b:s1+s13], $0x80, s19, s13, $0xb8;
	[tilespmem:$0x1E800] =	vst v63  }
0x51: {  	s19 =	smov.u32 s17  }
0x52: {  	p0 =	sne.s32 s17, $0xE600;
	s17 =	sadd.s32 $0xA00, s17;
	_ =	swait.ge [sflag:s23], $0x2800  }
0x53: {  	s19 =	sshra.s32 s19, $0x2;
	[sflag:s23] =	ssyncset.done $0x0  }
0x54: {  	s21 =	sadd.s32 $0x4000, s19;
	[sflag:s23] =	ssyncadd.s32 $0xFFFFD800  }
0x55: {  	[spmem:s2] =	stream.indirect.scatter.add.f32 [tilespmem:s14], [sflag:$0x6], $0x80, s21, s13, $0xb8;
	[tilespmem:$0x1E800] =	vst v63  }
0x56: {  	_ =	swait.ge [sflag:s9], $0x2800  }
0x57: {  	[sflag:s9] =	ssyncset.done $0x0  }
0x58: {  	s21 =	sadd.s32 $0x280, s19;
	[sflag:s9] =	ssyncadd.s32 $0xFFFFD800  }
0x59: {  	[tilespmem:s14], [sflag:$0x1] =	stream.indirect.gather [hbm4b:s1+s13], $0x80, s21, s13, $0xb8;
	[tilespmem:$0x1E800] =	vst v63  }
0x5a: {  	_ =	swait.ge [sflag:s25], $0x2800  }
0x5b: {  	[sflag:s25] =	ssyncset.done $0x0  }
0x5c: {  	s21 =	sadd.s32 $0x4080, s19;
	[sflag:s25] =	ssyncadd.s32 $0xFFFFD800  }
0x5d: {  	[spmem:s2] =	stream.indirect.scatter.add.f32 [tilespmem:s16], [sflag:$0x6], $0x80, s21, s13, $0xb8;
	[tilespmem:$0x1E800] =	vst v63  }
0x5e: {  	_ =	swait.ge [sflag:s9], $0x2800  }
0x5f: {  	[sflag:s9] =	ssyncset.done $0x0  }
0x60: {  	s21 =	sadd.s32 $0x300, s19;
	[sflag:s9] =	ssyncadd.s32 $0xFFFFD800  }
0x61: {  	[tilespmem:s16], [sflag:$0x2] =	stream.indirect.gather [hbm4b:s1+s13], $0x80, s21, s13, $0xb8;
	[tilespmem:$0x1E800] =	vst v63  }
0x62: {  	_ =	swait.ge [sflag:s26], $0x2800  }
0x63: {  	[sflag:s26] =	ssyncset.done $0x0  }
0x64: {  	s21 =	sadd.s32 $0x4100, s19;
	[sflag:s26] =	ssyncadd.s32 $0xFFFFD800  }
0x65: {  	[spmem:s2] =	stream.indirect.scatter.add.f32 [tilespmem:s18], [sflag:$0x6], $0x80, s21, s13, $0xb8;
	[tilespmem:$0x1E800] =	vst v63  }
0x66: {  	_ =	swait.ge [sflag:s9], $0x2800  }
0x67: {  	[sflag:s9] =	ssyncset.done $0x0  }
0x68: {  	s21 =	sadd.s32 $0x380, s19;
	[sflag:s9] =	ssyncadd.s32 $0xFFFFD800  }
0x69: {  	[tilespmem:s18], [sflag:$0x3] =	stream.indirect.gather [hbm4b:s1+s13], $0x80, s21, s13, $0xb8;
	[tilespmem:$0x1E800] =	vst v63  }
0x6a: {  	_ =	swait.ge [sflag:s28], $0x2800  }
0x6b: {  	[sflag:s28] =	ssyncset.done $0x0  }
0x6c: {  	s21 =	sadd.s32 $0x4180, s19;
	[sflag:s28] =	ssyncadd.s32 $0xFFFFD800  }
0x6d: {  	[spmem:s2] =	stream.indirect.scatter.add.f32 [tilespmem:s20], [sflag:$0x6], $0x80, s21, s13, $0xb8;
	[tilespmem:$0x1E800] =	vst v63  }
0x6e: {  	_ =	swait.ge [sflag:s9], $0x2800  }
0x6f: {  	[sflag:s9] =	ssyncset.done $0x0  }
0x70: {  	s21 =	sadd.s32 $0x400, s19;
	[sflag:s9] =	ssyncadd.s32 $0xFFFFD800  }
0x71: {  	[tilespmem:s20], [sflag:$0x4] =	stream.indirect.gather [hbm4b:s1+s13], $0x80, s21, s13, $0xb8;
	[tilespmem:$0x1E800] =	vst v63  }
0x72: {  	_ =	swait.ge [sflag:s29], $0x2800  }
0x73: {  	[sflag:s29] =	ssyncset.done $0x0  }
.Ltmp0:
0x74: {  	s21 =	sadd.s32 $0x4200, s19;
	[sflag:s29] =	ssyncadd.s32 $0xFFFFD800;
	(pc) =	sbr.rel @p0 .LBB2_2-.Ltmp0, $4  }
0x75: {  	[spmem:s2] =	stream.indirect.scatter.add.f32 [tilespmem:s22], [sflag:$0x6], $0x80, s21, s13, $0xb8;
	[tilespmem:$0x1E800] =	vst v63  }
0x76: {  	_ =	swait.ge [sflag:s9], $0x2800  }
0x77: {  	[sflag:s9] =	ssyncset.done $0x0  }
0x78: {  	s19 =	sadd.s32 $0x480, s19;
	[sflag:s9] =	ssyncadd.s32 $0xFFFFD800  }
0x79: {  	[tilespmem:s22], [sflag:$0x5] =	stream.indirect.gather [hbm4b:s1+s13], $0x80, s19, s13, $0xb8;
	[tilespmem:$0x1E800] =	vst v63  }
0x7a: {  	_ =	swait.ge [sflag:s23], $0x2800  }
0x7b: {  	[sflag:s23] =	ssyncset.done $0x0  }
0x7c: {  	[sflag:s23] =	ssyncadd.s32 $0xFFFFD800  }
0x7d: {  	[spmem:s2] =	stream.indirect.scatter.add.f32 [tilespmem:s14], [sflag:$0x6], $0x80, s30, s13, $0xb8;
	[tilespmem:$0x1E800] =	vst v63  }
0x7e: {  	_ =	swait.ge [sflag:s9], $0x2800  }
0x7f: {  	[sflag:s9] =	ssyncset.done $0x0  }
0x80: {  	[sflag:s9] =	ssyncadd.s32 $0xFFFFD800  }
0x81: {  	_ =	swait.ge [sflag:s25], $0x2800  }
0x82: {  	[sflag:s25] =	ssyncset.done $0x0  }
0x83: {  	[sflag:s25] =	ssyncadd.s32 $0xFFFFD800  }
0x84: {  	[spmem:s2] =	stream.indirect.scatter.add.f32 [tilespmem:s16], [sflag:$0x6], $0x80, s31, s13, $0xb8;
	[tilespmem:$0x1E800] =	vst v63  }
0x85: {  	_ =	swait.ge [sflag:s9], $0x2800  }
0x86: {  	[sflag:s9] =	ssyncset.done $0x0  }
0x87: {  	[sflag:s9] =	ssyncadd.s32 $0xFFFFD800  }
0x88: {  	_ =	swait.ge [sflag:s26], $0x2800  }
0x89: {  	[sflag:s26] =	ssyncset.done $0x0  }
0x8a: {  	[sflag:s26] =	ssyncadd.s32 $0xFFFFD800  }
0x8b: {  	[spmem:s2] =	stream.indirect.scatter.add.f32 [tilespmem:s18], [sflag:$0x6], $0x80, s0, s13, $0xb8;
	[tilespmem:$0x1E800] =	vst v63  }
0x8c: {  	_ =	swait.ge [sflag:s9], $0x2800  }
0x8d: {  	[sflag:s9] =	ssyncset.done $0x0  }
0x8e: {  	[sflag:s9] =	ssyncadd.s32 $0xFFFFD800  }
0x8f: {  	_ =	swait.ge [sflag:s28], $0x2800  }
0x90: {  	[sflag:s28] =	ssyncset.done $0x0  }
0x91: {  	[sflag:s28] =	ssyncadd.s32 $0xFFFFD800  }
0x92: {  	[spmem:s2] =	stream.indirect.scatter.add.f32 [tilespmem:s20], [sflag:$0x6], $0x80, s3, s13, $0xb8;
	[tilespmem:$0x1E800] =	vst v63  }
0x93: {  	_ =	swait.ge [sflag:s9], $0x2800  }
0x94: {  	[sflag:s9] =	ssyncset.done $0x0  }
0x95: {  	[sflag:s9] =	ssyncadd.s32 $0xFFFFD800  }
0x96: {  	_ =	swait.ge [sflag:s29], $0x2800  }
0x97: {  	[sflag:s29] =	ssyncset.done $0x0  }
0x98: {  	[sflag:s29] =	ssyncadd.s32 $0xFFFFD800  }
0x99: {  	[spmem:s2] =	stream.indirect.scatter.add.f32 [tilespmem:s22], [sflag:$0x6], $0x80, s10, s13, $0xb8;
	[tilespmem:$0x1E800] =	vst v63  }
0x9a: {  	_ =	swait.ge [sflag:s9], $0x2800  }
0x9b: {  	s15 =	sadd.s32 $0x1, s15;
	[sflag:s9] =	ssyncset.done $0x0  }
0x9c: {  	p0 =	sne.s32 s15, s8;
	[sflag:s9] =	ssyncadd.s32 $0xFFFFD800  }
.Ltmp1:
0x9d: {  	[bflag:$0x0] =	sbarrier.arrive $0xFFFF;
	(pc) =	sbr.rel @p0 .LBB2_1-.Ltmp1, $4  }
0x9e: {  	[hbm:s24], [sflag:s11] =	dma.local [spmem:s12], $0x1400  }
0x9f: {  	_ =	swait.ge [sflag:s9], $0x1400  }
0xa0: {  	[sflag:s9] =	ssyncset.done $0x0  }
0xa1: {  	[sflag:s9] =	ssyncadd.s32 $0xFFFFEC00  }
0xa2: {  	_ =	sfence.sel $0x180000  }
0xa3: {  	[bflag:$0x0] =	sbarrier.arrive $0xFFFF  }
0xa4: {  	_ =	strace $0x9000004A  }
0xa5: {  	s0 =	stileid.u32;
	[bflag:$0x2] =	sbarrier.arrive $0xFFFF  }
0xa6: {  	p0 =	sne.s32 s0, $0x0;
	s0 =	rddreg [dreg:$0x3]  }
0xa7: {  	s0 =	sadd.s32 @!p0 $0x100000, s0  }
0xa8: {  	[sflag:s0] =	ssyncadd.tile.s32 @!p0 $0x1;
	_ =	shalt  }
.Lfunc_end2:
_tile_overlayer_lowered:
.L_overlay_start_2:
0xa9: {  	(tag) =	ssettag $0x2  }
0xaa: {  	s0 =	rddreg [dreg:$0x0];
	s2 =	stileid.u32  }
0xab: {  	s1 =	rddreg [dreg:$0x1];
	p0 =	sne.s32 s2, $0x0  }
0xac: {  	s3 =	rddreg [dreg:$0x2];
	[bflag:$0x3] =	sbarrier.arrive $0xFFFF;
	s2 =	simm.s32 @!p0 $0x1C06  }
0xad: {  	[timem:s3], [sflag:s2] =	dma.local @!p0 [hbm:s0], s1  }
0xae: {  	s0 =	simm.s32 @!p0 $0x6  }
0xaf: {  	_ =	swait.ge @!p0 [sflag:s0], s1  }
0xb0: {  	s1 =	ssub.s32 @!p0 $0x0, s1;
	[sflag:s0] =	ssyncset.done @!p0 $0x0  }
0xb1: {  	[sflag:s0] =	ssyncadd.s32 @!p0 s1  }
0xb2: {  	[bflag:$0x3] =	sbarrier.arrive $0xFFFF  }
0xb3: {  	_ =	shalt  }

// kernel: kernel.14.cloned.1.call-start
scs
__scs_entry_jumppad:
0x0: {  	(pc) =	sbr.rel $0x88, $3  }
0x1: {  	(tag) =	ssettag $0x0;
	lr =	simm.s32 $0x1  }
0x2: {  	[smem:$0x3F9B] =	sst lr;
	_ =	strace $0xD0000000  }
0x3: {  	_ = 	snop  }
0x4: {  	_ = 	snop  }
0x5: {  	_ = 	snop  }
0x6: {  	_ = 	snop  }
0x7: {  	_ = 	snop  }
__scs_overlays_trampoline_lowered:
0x8: {  	[smem:$0x3FAA] =	sst s0  }
0x9: {  	[smem:$0x3FAB] =	sst s1  }
0xa: {  	[smem:$0x3FAC] =	sst s2  }
0xb: {  	[smem:$0x3FAD] =	sst s3  }
0xc: {  	[smem:$0x3FAE] =	sst s4  }
0xd: {  	[smem:$0x3FAF] =	sst s5  }
0xe: {  	[smem:$0x3FB0] =	sst s6  }
0xf: {  	[smem:$0x3FB1] =	sst s7  }
0x10: {  	[smem:$0x3FB2] =	sst s8  }
0x11: {  	[smem:$0x3FB3] =	sst s9;
	s0 =	simm.s32 @!p0 $0x0  }
0x12: {  	s1 =	sld [smem:$0x3F99];
	s0 =	simm.s32 @p0 $0x1  }
0x13: {  	[smem:$0x3FB4] =	sst s0;
	s0 =	simm.s32 @!p1 $0x0  }
0x14: {  	s2 =	sld [smem:$0x3F98];
	s0 =	simm.s32 @p1 $0x1  }
0x15: {  	[smem:$0x3FB5] =	sst s0;
	s0 =	simm.s32 @!p2 $0x0  }
0x16: {  	s3 =	sld [smem:$0x3FDB];
	s0 =	simm.s32 @p2 $0x1  }
0x17: {  	s4 =	simm.s32 $0x1BF5;
	[smem:$0x3FB7] =	sst s0  }
0x18: {  	s0 =	sld [smem:$0x3F9A];
	_ =	swait.ge [sflag:s4], $0x0  }
0x19: {  	s7 =	sld [smem:$0x3F9B]  }
0x1a: {  	s8 =	sadd.s32 $0xFFFFE003, lr  }
0x1b: {  	s9 =	sadd.s32 $0xFFFFFEF7, lr;
	s5 =	simm.s32 $0xFFFFFFFF;
	p2 =	slt.u32 s8, $0xFFFFF086  }
0x1c: {  	p1 =	slt.u32 s9, $0xF7A;
	s5 =	simm.s32 @!p2 $0x0  }
0x1d: {  	s5 =	simm.s32 @p1 $0x1;
	p0 =	seq.s32 s7, s2  }
0x1e: {  	s7 =	smul.u32 @!p0 $0xF7A, s2;
	p2 =	seq.s32 @!p0 s5, $0x0  }
0x1f: {  	s9 =	smul.u32 $0xF7A, s1;
	s8 =	simm.s32 @!p0 $0x1BF5;
	p2 =	por !p2, p0  }
0x20: {  	[sflag:s8] =	ssyncset.s32 @!p0 $0xFFFFF086;
	s6 =	sadd.s32 @!p0 s3, s7;
	s7 =	simm.s32 @!p0 $0x108  }
0x21: {  	s3 =	sadd.s32 s3, s9;
	s6 =	sadd.s32 @!p0 $0x88, s6;
	s7 =	simm.s32 @p2 $0x1082  }
0x22: {  	[simem:s7], [sflag:s8] =	dma.local @!p0 [hbm:s6], $0xF7A  }
0x23: {  	s9 =	sor.u32 $0xD0000000, s2;
	s6 =	simm.s32 $0x108;
	_ =	swait.ge @!p0 [sflag:s8], $0x0  }
0x24: {  	s3 =	sadd.s32 $0x88, s3;
	s6 =	simm.s32 @!p1 $0x1082;
	[sflag:s4] =	ssyncset.s32 $0xFFFFF086  }
0x25: {  	[simem:s6], [sflag:s4] =	dma.local [hbm:s3], $0xF7A  }
0x26: {  	[smem:$0x3F9B] =	sst s1;
	(tag) =	ssettag s2;
	_ =	strace s9  }
0x27: {  	s1 =	sld [smem:$0x3FAB]  }
0x28: {  	s2 =	sld [smem:$0x3FAC]  }
0x29: {  	s4 =	sld [smem:$0x3FAE]  }
0x2a: {  	p0 =	seq.s32 s5, $0x0;
	s5 =	sld [smem:$0x3FAF]  }
0x2b: {  	s6 =	sld [smem:$0x3FB0]  }
0x2c: {  	s7 =	sld [smem:$0x3FB1]  }
0x2d: {  	s3 =	simm.s32 $0x108;
	s8 =	sld [smem:$0x3FB2]  }
0x2e: {  	s3 =	simm.s32 @!p0 $0x1082;
	s9 =	sld [smem:$0x3FB3]  }
0x2f: {  	lr =	sadd.s32 s0, s3;
	s0 =	sld [smem:$0x3FAA]  }
0x30: {  	s3 =	sld [smem:$0x3FAD]  }
0x31: {  	[smem:$0x3FB6] =	sst s10  }
0x32: {  	s10 =	sld [smem:$0x3FB4];
	_ =	sdelay $0x3  }
0x33: {  	p0 =	seq.s32 s10, $0x1;
	s10 =	sld [smem:$0x3FB6];
	_ =	sdelay $0x3  }
0x34: {  	[smem:$0x3FB6] =	sst s10  }
0x35: {  	s10 =	sld [smem:$0x3FB5];
	_ =	sdelay $0x3  }
0x36: {  	p1 =	seq.s32 s10, $0x1;
	s10 =	sld [smem:$0x3FB6];
	_ =	sdelay $0x3  }
0x37: {  	[smem:$0x3FB6] =	sst s10  }
0x38: {  	s10 =	sld [smem:$0x3FB7]  }
0x39: {  	_ = 	snop;
	(pc) =	sbr.ind lr, $3  }
0x3a: {  	_ = 	snop  }
0x3b: {  	_ = 	snop  }
0x3c: {  	p2 =	seq.s32 s10, $0x1;
	s10 =	sld [smem:$0x3FB6]  }
0x3d: {  	_ =	shalt  }
0x3e: {  	_ =	shalt  }
0x3f: {  	_ =	shalt  }
0x40: {  	_ =	shalt  }
0x41: {  	_ =	shalt  }
0x42: {  	_ =	shalt  }
0x43: {  	_ =	shalt  }
0x44: {  	_ =	shalt  }
0x45: {  	_ =	shalt  }
0x46: {  	_ =	shalt  }
0x47: {  	_ =	shalt  }
0x48: {  	_ =	shalt  }
0x49: {  	_ =	shalt  }
0x4a: {  	_ =	shalt  }
0x4b: {  	_ =	shalt  }
0x4c: {  	_ =	shalt  }
0x4d: {  	_ =	shalt  }
0x4e: {  	_ =	shalt  }
0x4f: {  	_ =	shalt  }
0x50: {  	_ =	shalt  }
0x51: {  	_ =	shalt  }
0x52: {  	_ =	shalt  }
0x53: {  	_ =	shalt  }
0x54: {  	_ =	shalt  }
0x55: {  	_ =	shalt  }
0x56: {  	_ =	shalt  }
0x57: {  	_ =	shalt  }
0x58: {  	_ =	shalt  }
0x59: {  	_ =	shalt  }
0x5a: {  	_ =	shalt  }
0x5b: {  	_ =	shalt  }
0x5c: {  	_ =	shalt  }
0x5d: {  	_ =	shalt  }
0x5e: {  	_ =	shalt  }
0x5f: {  	_ =	shalt  }
0x60: {  	_ =	shalt  }
0x61: {  	_ =	shalt  }
0x62: {  	_ =	shalt  }
0x63: {  	_ =	shalt  }
0x64: {  	_ =	shalt  }
0x65: {  	_ =	shalt  }
0x66: {  	_ =	shalt  }
0x67: {  	_ =	shalt  }
0x68: {  	_ =	shalt  }
0x69: {  	_ =	shalt  }
0x6a: {  	_ =	shalt  }
0x6b: {  	_ =	shalt  }
0x6c: {  	_ =	shalt  }
0x6d: {  	_ =	shalt  }
0x6e: {  	_ =	shalt  }
0x6f: {  	_ =	shalt  }
0x70: {  	_ =	shalt  }
0x71: {  	_ =	shalt  }
0x72: {  	_ =	shalt  }
0x73: {  	_ =	shalt  }
0x74: {  	_ =	shalt  }
0x75: {  	_ =	shalt  }
0x76: {  	_ =	shalt  }
0x77: {  	_ =	shalt  }
0x78: {  	_ =	shalt  }
0x79: {  	_ =	shalt  }
0x7a: {  	_ =	shalt  }
0x7b: {  	_ =	shalt  }
0x7c: {  	_ =	shalt  }
0x7d: {  	_ =	shalt  }
0x7e: {  	_ =	shalt  }
0x7f: {  	_ =	shalt  }
0x80: {  	_ =	shalt  }
0x81: {  	_ =	shalt  }
0x82: {  	_ =	shalt  }
0x83: {  	_ =	shalt  }
0x84: {  	_ =	shalt  }
0x85: {  	_ =	shalt  }
0x86: {  	_ =	shalt  }
0x87: {  	_ =	shalt  }
.Lfunc_end0:
.L_simem_size_0:
called_computation.1_lowered:
.L_overlay_start_0:
0x88: {  	s2 =	sld [smem:$0x3FD9]  }
0x89: {  	s3 =	sld [smem:$0x3FFE];
	_ =	sdelay $0x1  }
0x8a: {  	s1 =	srdreg.scid  }
0x8b: {  	s0 =	sand.u32 $0x1, s1  }
0x8c: {  	s17 =	sshll.u32 s0, $0xA;
	s2 =	sadd.s32 s3, s2  }
0x8d: {  	s2 =	sadd.s32 s2, s17  }
0x8e: {  	[smem:$0x3FC2] =	sst s2  }
0x8f: {  	_ = 	snop  }
0x90: {  	s2 =	sld [smem:$0x3FD0];
	(tm) =	ssettm $0x1  }
0x91: {  	s18 =	sld [smem:$0x3FFB];
	_ =	sdelay $0x3  }
0x92: {  	_ =	strace s18  }
0x93: {  	s3 =	sld [smem:$0x3FFC];
	_ =	sdelay $0x3  }
0x94: {  	_ =	strace s3  }
0x95: {  	s3 =	sld [smem:$0x3FFD];
	_ =	sdelay $0x3  }
0x96: {  	_ =	strace s3  }
0x97: {  	_ =	strace $0x8FFFFFFF  }
0x98: {  	s19 =	sld [smem:$0x3FDB];
	_ =	sdelay $0x1  }
0x99: {  	s4 =	simm.s32 $_scs_section_size  }
0x9a: {  	s5 =	simm.s32 $_size__tile_overlayer_lowered;
	s6 =	simm.s32 $_tile_overlayer_lowered  }
0x9b: {  	s22 =	simm.s32 $0x1BFF;
	s21 =	sshll.u32 s6, $0x1;
	s3 =	sadd.s32 s4, s19  }
0x9c: {  	s7 =	simm.s32 $0x0;
	s20 =	sshll.u32 s5, $0x1;
	s5 =	sadd.s32 s21, s3  }
0x9d: {  	[timem:s7], [sflag:s22] =	dma.local [hbm:s5], s20  }
0x9e: {  	_ =	swait.ge [sflag:s22], s20  }
0x9f: {  	s4 =	ssub.s32 $0x0, s20;
	[sflag:s22] =	ssyncset.done $0x0  }
0xa0: {  	[sflag:s22] =	ssyncadd.s32 s4;
	_ =	sdelay $0x1  }
0xa1: {  	s23 =	simm.s32 $0x1B8B  }
0xa2: {  	_ =	swait.ge [sflag:s23], $0x1  }
0xa3: {  	[sflag:s23] =	ssyncset.done $0x0  }
0xa4: {  	s25 =	simm.s32 $0x1B8E;
	s24 =	sld [smem:$0x3FFE];
	[sflag:s23] =	ssyncadd.s32 $0xFFFFFFFF  }
0xa5: {  	s26 =	simm.s32 $execute0_lowered;
	[smem:$0x3FD2] =	sst s25  }
0xa6: {  	s5 =	sshll.u32 s26, $0x1;
	_ =	strace $0x80000046;
	[dreg:$0x1] =	wrdreg $0xFFFFFFFF  }
0xa7: {  	s28 =	simm.s32 $_size_execute0_lowered;
	s3 =	sadd.s32 s3, s5;
	[dreg:$0x0] =	wrdreg $0x0  }
0xa8: {  	s5 =	sshll.u32 s28, $0x1;
	[dreg:$0x2] =	wrdreg s3  }
0xa9: {  	[dreg:$0x3] =	wrdreg s5  }
0xaa: {  	[dreg:$0x4] =	wrdreg $0xC0  }
0xab: {  	_ =	task [dreg:s7], $0x5FFFF  }
0xac: {  	[dreg:$0x1] =	wrdreg $0xFFFFFFFF  }
0xad: {  	[dreg:$0x0] =	wrdreg $0x60  }
0xae: {  	[dreg:$0x2] =	wrdreg s2  }
0xaf: {  	[dreg:$0x3] =	wrdreg s24  }
0xb0: {  	[dreg:$0x4] =	wrdreg $0x148000  }
0xb1: {  	[dreg:$0x5] =	wrdreg $0xA  }
0xb2: {  	_ =	task.clear_ibuf [dreg:s7], $0x6FFFF;
	_ =	strace $0x90000046  }
0xb3: {  	s29 =	simm.s32 $0xA;
	_ =	strace $0x80000048  }
0xb4: {  	_ =	swait.ge [sflag:s29], $0x1  }
0xb5: {  	[sflag:s29] =	ssyncadd.s32 $0xFFFFFFFF  }
0xb6: {  	_ =	strace $0x90000048  }
0xb7: {  	_ =	sfence  }
0xb8: {  	s30 =	sld [smem:$0x0];
	_ =	sdelay $0x2  }
0xb9: {  	s31 =	sshll.u32 s1, $0xD;
	s1 =	sshrl.u32 s1, $0x2  }
0xba: {  	s3 =	sand.u32 $0x4000, s31;
	s1 =	sadd.s32 s1, s30  }
0xbb: {  	s0 =	sor.u32 s3, s0;
	s1 =	sshll.u32 s1, $0x11  }
0xbc: {  	s0 =	sor.u32 s1, s0  }
0xbd: {  	s0 =	sadd.s32 $0x8F2B, s0  }
0xbe: {  	[sflag:s0] =	ssyncadd.remote.s32 $0x1  }
0xbf: {  	_ =	sfence.sel $0xFFFF  }
0xc0: {  	[dreg:$0x0] =	wrdreg $0xFFFFFFFF;
	(pc) =	sbr.abs _section_cstart, $3  }
0xc1: {  	[dreg:$0x1] =	wrdreg $0xFFFFFFFF  }
0xc2: {  	_ =	task.clear_ibuf [dreg:s7], $0x2FFFF;
	_ =	strace $0x9FFFFFFF  }
0xc3: {  	(tm) =	ssettm $0x7FFFFFFF  }
tec
execute0_lowered:
.L_overlay_start_1:
0x0: {  	(tag) =	ssettag $0x1  }
0x1: {  	s1 =	rddreg [dreg:$0x0]  }
0x2: {  	s0 =	rddreg [dreg:$0x1]  }
0x3: {  	s2 =	rddreg [dreg:$0x2];
	s4 =	simm.s32 $0x0  }
0x4: {  	s3 =	srdreg.scid;
	s11 =	stileid.u32;
	s13 =	simm.s32 $0x50  }
0x5: {  	s14 =	simm.s32 $0x8000;
	s16 =	simm.s32 $0xA800;
	s18 =	simm.s32 $0xD000  }
0x6: {  	s20 =	simm.s32 $0xF800;
	s22 =	simm.s32 $0x12000;
	s23 =	simm.s32 $0x1  }
0x7: {  	s28 =	simm.s32 $0x4;
	s29 =	simm.s32 $0x5;
	s30 =	simm.s32 $0x7C00  }
0x8: {  	s31 =	simm.s32 $0x7C80;
	[smem:$0x7FF] =	sst s4;
	s24 =	smul.u32 $0x28000, s11  }
0x9: {  	s3 =	sand.u32 $0x1, s3;
	s5 =	sshll.u32 s11, $0xC;
	s15 =	smul.u32 $0x1400, s11  }
0xa: {  	s26 =	sshll.u32 s11, $0x6;
	_ =	strace $0x80000047;
	s6 =	sshll.u32 s3, $0xB  }
0xb: {  	s7 =	smul.u32 $0x14000, s3;
	s3 =	ssub.s32 $0x2, s3;
	s11 =	sor.u32 $0x1C06, s26  }
0xc: {  	s26 =	simm.s32 $0x3;
	s5 =	sor.u32 s6, s5;
	s9 =	sshrl.u32 s3, $0x1  }
0xd: {  	s25 =	sshrl.u32 s24, $0x2;
	s8 =	sadd.s32 s5, s0;
	s5 =	sadd.s32 $0x23C00, s0  }
0xe: {  	s0 =	sadd.s32 s7, s0;
	s3 =	ssub.s32 s3, s9;
	s10 =	sadd.s32 s25, s2  }
0xf: {  	s9 =	simm.s32 $0x6;
	s25 =	simm.s32 $0x2;
	s6 =	sadd.s32 $0x25000, s8  }
0x10: {  	s7 =	sadd.s32 $0x3C00, s8;
	s0 =	sadd.s32 $0x35000, s0;
	s8 =	smax.u32 s3, $0x1  }
0x11: {  	s12 =	sshrl.u32 s10, $0x3;
	s3 =	simm.s32 $0x7D80;
	s10 =	simm.s32 $0x7E00  }
0x12: {  	s24 =	sadd.s32 s15, s0;
	s0 =	simm.s32 $0x7D00;
	s15 =	simm.s32 $0x0  }
.LBB2_1:
0x13: {  	[tilespmem:s4], [sflag:$0x6] =	stream.linear.gather [hbm4b:s6+s4], $0x3E80, $0x38;
	[tilespmem:$0x1E800] =	vst v63  }
0x14: {  	_ =	swait.ge [sflag:s9], $0x3E80  }
0x15: {  	[sflag:s9] =	ssyncset.done $0x0  }
0x16: {  	s17 =	simm.s32 $0x4000;
	[sflag:s9] =	ssyncadd.s32 $0xFFFFC180  }
0x17: {  	[tilespmem:s17], [sflag:$0x6] =	stream.linear.gather [hbm4b:s7+s4], $0x3E80, $0x38;
	[tilespmem:$0x1E800] =	vst v63  }
0x18: {  	_ =	swait.ge [sflag:s9], $0x3E80  }
0x19: {  	[sflag:s9] =	ssyncset.done $0x0  }
0x1a: {  	[sflag:s9] =	ssyncadd.s32 $0xFFFFC180  }
0x1b: {  	[spmem:s12], [sflag:s11] =	dma.local [hbm:s5], $0x1400  }
0x1c: {  	_ =	swait.ge [sflag:s9], $0x1400  }
0x1d: {  	[sflag:s9] =	ssyncset.done $0x0  }
0x1e: {  	[sflag:s9] =	ssyncadd.s32 $0xFFFFEC00  }
0x1f: {  	[bflag:$0x0] =	sbarrier.arrive $0xFFFF  }
0x20: {  	[tilespmem:s14], [sflag:$0x1] =	stream.indirect.gather [hbm4b:s1+s13], $0x80, s4, s13, $0xb8;
	[tilespmem:$0x1E800] =	vst v63  }
0x21: {  	s21 =	simm.s32 $0x80  }
0x22: {  	[tilespmem:s16], [sflag:$0x2] =	stream.indirect.gather [hbm4b:s1+s13], $0x80, s21, s13, $0xb8;
	[tilespmem:$0x1E800] =	vst v63  }
0x23: {  	s19 =	simm.s32 $0x100  }
0x24: {  	[tilespmem:s18], [sflag:$0x3] =	stream.indirect.gather [hbm4b:s1+s13], $0x80, s19, s13, $0xb8;
	[tilespmem:$0x1E800] =	vst v63  }
0x25: {  	s21 =	simm.s32 $0x180  }
0x26: {  	[tilespmem:s20], [sflag:$0x4] =	stream.indirect.gather [hbm4b:s1+s13], $0x80, s21, s13, $0xb8;
	[tilespmem:$0x1E800] =	vst v63  }
0x27: {  	s19 =	simm.s32 $0x200  }
0x28: {  	[tilespmem:s22], [sflag:$0x5] =	stream.indirect.gather [hbm4b:s1+s13], $0x80, s19, s13, $0xb8;
	[tilespmem:$0x1E800] =	vst v63  }
0x29: {  	_ =	swait.ge [sflag:s23], $0x2800  }
0x2a: {  	[sflag:s23] =	ssyncset.done $0x0  }
0x2b: {  	s21 =	simm.s32 $0x4000;
	[sflag:s23] =	ssyncadd.s32 $0xFFFFD800  }
0x2c: {  	[spmem:s2] =	stream.indirect.scatter.add.f32 [tilespmem:s14], [sflag:$0x6], $0x80, s21, s13, $0xb8;
	[tilespmem:$0x1E800] =	vst v63  }
0x2d: {  	_ =	swait.ge [sflag:s9], $0x2800  }
0x2e: {  	[sflag:s9] =	ssyncset.done $0x0  }
0x2f: {  	s19 =	simm.s32 $0x280;
	[sflag:s9] =	ssyncadd.s32 $0xFFFFD800  }
0x30: {  	[tilespmem:s14], [sflag:$0x1] =	stream.indirect.gather [hbm4b:s1+s13], $0x80, s19, s13, $0xb8;
	[tilespmem:$0x1E800] =	vst v63  }
0x31: {  	_ =	swait.ge [sflag:s25], $0x2800  }
0x32: {  	[sflag:s25] =	ssyncset.done $0x0  }
0x33: {  	s21 =	simm.s32 $0x4080;
	[sflag:s25] =	ssyncadd.s32 $0xFFFFD800  }
0x34: {  	[spmem:s2] =	stream.indirect.scatter.add.f32 [tilespmem:s16], [sflag:$0x6], $0x80, s21, s13, $0xb8;
	[tilespmem:$0x1E800] =	vst v63  }
0x35: {  	_ =	swait.ge [sflag:s9], $0x2800  }
0x36: {  	[sflag:s9] =	ssyncset.done $0x0  }
0x37: {  	s19 =	simm.s32 $0x300;
	[sflag:s9] =	ssyncadd.s32 $0xFFFFD800  }
0x38: {  	[tilespmem:s16], [sflag:$0x2] =	stream.indirect.gather [hbm4b:s1+s13], $0x80, s19, s13, $0xb8;
	[tilespmem:$0x1E800] =	vst v63  }
0x39: {  	_ =	swait.ge [sflag:s26], $0x2800  }
0x3a: {  	[sflag:s26] =	ssyncset.done $0x0  }
0x3b: {  	s21 =	simm.s32 $0x4100;
	[sflag:s26] =	ssyncadd.s32 $0xFFFFD800  }
0x3c: {  	[spmem:s2] =	stream.indirect.scatter.add.f32 [tilespmem:s18], [sflag:$0x6], $0x80, s21, s13, $0xb8;
	[tilespmem:$0x1E800] =	vst v63  }
0x3d: {  	_ =	swait.ge [sflag:s9], $0x2800  }
0x3e: {  	[sflag:s9] =	ssyncset.done $0x0  }
0x3f: {  	s19 =	simm.s32 $0x380;
	[sflag:s9] =	ssyncadd.s32 $0xFFFFD800  }
0x40: {  	[tilespmem:s18], [sflag:$0x3] =	stream.indirect.gather [hbm4b:s1+s13], $0x80, s19, s13, $0xb8;
	[tilespmem:$0x1E800] =	vst v63  }
0x41: {  	_ =	swait.ge [sflag:s28], $0x2800  }
0x42: {  	[sflag:s28] =	ssyncset.done $0x0  }
0x43: {  	s21 =	simm.s32 $0x4180;
	[sflag:s28] =	ssyncadd.s32 $0xFFFFD800  }
0x44: {  	[spmem:s2] =	stream.indirect.scatter.add.f32 [tilespmem:s20], [sflag:$0x6], $0x80, s21, s13, $0xb8;
	[tilespmem:$0x1E800] =	vst v63  }
0x45: {  	_ =	swait.ge [sflag:s9], $0x2800  }
0x46: {  	[sflag:s9] =	ssyncset.done $0x0  }
0x47: {  	s19 =	simm.s32 $0x400;
	[sflag:s9] =	ssyncadd.s32 $0xFFFFD800  }
0x48: {  	[tilespmem:s20], [sflag:$0x4] =	stream.indirect.gather [hbm4b:s1+s13], $0x80, s19, s13, $0xb8;
	[tilespmem:$0x1E800] =	vst v63  }
0x49: {  	_ =	swait.ge [sflag:s29], $0x2800  }
0x4a: {  	[sflag:s29] =	ssyncset.done $0x0  }
0x4b: {  	s21 =	simm.s32 $0x4200;
	[sflag:s29] =	ssyncadd.s32 $0xFFFFD800  }
0x4c: {  	[spmem:s2] =	stream.indirect.scatter.add.f32 [tilespmem:s22], [sflag:$0x6], $0x80, s21, s13, $0xb8;
	[tilespmem:$0x1E800] =	vst v63  }
0x4d: {  	_ =	swait.ge [sflag:s9], $0x2800  }
0x4e: {  	[sflag:s9] =	ssyncset.done $0x0  }
0x4f: {  	s17 =	simm.s32 $0xA00;
	s19 =	simm.s32 $0x480;
	[sflag:s9] =	ssyncadd.s32 $0xFFFFD800  }
.LBB2_2:
0x50: {  	[tilespmem:s22], [sflag:$0x5] =	stream.indirect.gather [hbm4b:s1+s13], $0x80, s19, s13, $0xb8;
	[tilespmem:$0x1E800] =	vst v63  }
0x51: {  	s19 =	smov.u32 s17  }
0x52: {  	p0 =	sne.s32 s17, $0xE600;
	s17 =	sadd.s32 $0xA00, s17;
	_ =	swait.ge [sflag:s23], $0x2800  }
0x53: {  	s19 =	sshra.s32 s19, $0x2;
	[sflag:s23] =	ssyncset.done $0x0  }
0x54: {  	s21 =	sadd.s32 $0x4000, s19;
	[sflag:s23] =	ssyncadd.s32 $0xFFFFD800  }
0x55: {  	[spmem:s2] =	stream.indirect.scatter.add.f32 [tilespmem:s14], [sflag:$0x6], $0x80, s21, s13, $0xb8;
	[tilespmem:$0x1E800] =	vst v63  }
0x56: {  	_ =	swait.ge [sflag:s9], $0x2800  }
0x57: {  	[sflag:s9] =	ssyncset.done $0x0  }
0x58: {  	s21 =	sadd.s32 $0x280, s19;
	[sflag:s9] =	ssyncadd.s32 $0xFFFFD800  }
0x59: {  	[tilespmem:s14], [sflag:$0x1] =	stream.indirect.gather [hbm4b:s1+s13], $0x80, s21, s13, $0xb8;
	[tilespmem:$0x1E800] =	vst v63  }
0x5a: {  	_ =	swait.ge [sflag:s25], $0x2800  }
0x5b: {  	[sflag:s25] =	ssyncset.done $0x0  }
0x5c: {  	s21 =	sadd.s32 $0x4080, s19;
	[sflag:s25] =	ssyncadd.s32 $0xFFFFD800  }
0x5d: {  	[spmem:s2] =	stream.indirect.scatter.add.f32 [tilespmem:s16], [sflag:$0x6], $0x80, s21, s13, $0xb8;
	[tilespmem:$0x1E800] =	vst v63  }
0x5e: {  	_ =	swait.ge [sflag:s9], $0x2800  }
0x5f: {  	[sflag:s9] =	ssyncset.done $0x0  }
0x60: {  	s21 =	sadd.s32 $0x300, s19;
	[sflag:s9] =	ssyncadd.s32 $0xFFFFD800  }
0x61: {  	[tilespmem:s16], [sflag:$0x2] =	stream.indirect.gather [hbm4b:s1+s13], $0x80, s21, s13, $0xb8;
	[tilespmem:$0x1E800] =	vst v63  }
0x62: {  	_ =	swait.ge [sflag:s26], $0x2800  }
0x63: {  	[sflag:s26] =	ssyncset.done $0x0  }
0x64: {  	s21 =	sadd.s32 $0x4100, s19;
	[sflag:s26] =	ssyncadd.s32 $0xFFFFD800  }
0x65: {  	[spmem:s2] =	stream.indirect.scatter.add.f32 [tilespmem:s18], [sflag:$0x6], $0x80, s21, s13, $0xb8;
	[tilespmem:$0x1E800] =	vst v63  }
0x66: {  	_ =	swait.ge [sflag:s9], $0x2800  }
0x67: {  	[sflag:s9] =	ssyncset.done $0x0  }
0x68: {  	s21 =	sadd.s32 $0x380, s19;
	[sflag:s9] =	ssyncadd.s32 $0xFFFFD800  }
0x69: {  	[tilespmem:s18], [sflag:$0x3] =	stream.indirect.gather [hbm4b:s1+s13], $0x80, s21, s13, $0xb8;
	[tilespmem:$0x1E800] =	vst v63  }
0x6a: {  	_ =	swait.ge [sflag:s28], $0x2800  }
0x6b: {  	[sflag:s28] =	ssyncset.done $0x0  }
0x6c: {  	s21 =	sadd.s32 $0x4180, s19;
	[sflag:s28] =	ssyncadd.s32 $0xFFFFD800  }
0x6d: {  	[spmem:s2] =	stream.indirect.scatter.add.f32 [tilespmem:s20], [sflag:$0x6], $0x80, s21, s13, $0xb8;
	[tilespmem:$0x1E800] =	vst v63  }
0x6e: {  	_ =	swait.ge [sflag:s9], $0x2800  }
0x6f: {  	[sflag:s9] =	ssyncset.done $0x0  }
0x70: {  	s21 =	sadd.s32 $0x400, s19;
	[sflag:s9] =	ssyncadd.s32 $0xFFFFD800  }
0x71: {  	[tilespmem:s20], [sflag:$0x4] =	stream.indirect.gather [hbm4b:s1+s13], $0x80, s21, s13, $0xb8;
	[tilespmem:$0x1E800] =	vst v63  }
0x72: {  	_ =	swait.ge [sflag:s29], $0x2800  }
0x73: {  	[sflag:s29] =	ssyncset.done $0x0  }
.Ltmp0:
0x74: {  	s21 =	sadd.s32 $0x4200, s19;
	[sflag:s29] =	ssyncadd.s32 $0xFFFFD800;
	(pc) =	sbr.rel @p0 .LBB2_2-.Ltmp0, $4  }
0x75: {  	[spmem:s2] =	stream.indirect.scatter.add.f32 [tilespmem:s22], [sflag:$0x6], $0x80, s21, s13, $0xb8;
	[tilespmem:$0x1E800] =	vst v63  }
0x76: {  	_ =	swait.ge [sflag:s9], $0x2800  }
0x77: {  	[sflag:s9] =	ssyncset.done $0x0  }
0x78: {  	s19 =	sadd.s32 $0x480, s19;
	[sflag:s9] =	ssyncadd.s32 $0xFFFFD800  }
0x79: {  	[tilespmem:s22], [sflag:$0x5] =	stream.indirect.gather [hbm4b:s1+s13], $0x80, s19, s13, $0xb8;
	[tilespmem:$0x1E800] =	vst v63  }
0x7a: {  	_ =	swait.ge [sflag:s23], $0x2800  }
0x7b: {  	[sflag:s23] =	ssyncset.done $0x0  }
0x7c: {  	[sflag:s23] =	ssyncadd.s32 $0xFFFFD800  }
0x7d: {  	[spmem:s2] =	stream.indirect.scatter.add.f32 [tilespmem:s14], [sflag:$0x6], $0x80, s30, s13, $0xb8;
	[tilespmem:$0x1E800] =	vst v63  }
0x7e: {  	_ =	swait.ge [sflag:s9], $0x2800  }
0x7f: {  	[sflag:s9] =	ssyncset.done $0x0  }
0x80: {  	[sflag:s9] =	ssyncadd.s32 $0xFFFFD800  }
0x81: {  	_ =	swait.ge [sflag:s25], $0x2800  }
0x82: {  	[sflag:s25] =	ssyncset.done $0x0  }
0x83: {  	[sflag:s25] =	ssyncadd.s32 $0xFFFFD800  }
0x84: {  	[spmem:s2] =	stream.indirect.scatter.add.f32 [tilespmem:s16], [sflag:$0x6], $0x80, s31, s13, $0xb8;
	[tilespmem:$0x1E800] =	vst v63  }
0x85: {  	_ =	swait.ge [sflag:s9], $0x2800  }
0x86: {  	[sflag:s9] =	ssyncset.done $0x0  }
0x87: {  	[sflag:s9] =	ssyncadd.s32 $0xFFFFD800  }
0x88: {  	_ =	swait.ge [sflag:s26], $0x2800  }
0x89: {  	[sflag:s26] =	ssyncset.done $0x0  }
0x8a: {  	[sflag:s26] =	ssyncadd.s32 $0xFFFFD800  }
0x8b: {  	[spmem:s2] =	stream.indirect.scatter.add.f32 [tilespmem:s18], [sflag:$0x6], $0x80, s0, s13, $0xb8;
	[tilespmem:$0x1E800] =	vst v63  }
0x8c: {  	_ =	swait.ge [sflag:s9], $0x2800  }
0x8d: {  	[sflag:s9] =	ssyncset.done $0x0  }
0x8e: {  	[sflag:s9] =	ssyncadd.s32 $0xFFFFD800  }
0x8f: {  	_ =	swait.ge [sflag:s28], $0x2800  }
0x90: {  	[sflag:s28] =	ssyncset.done $0x0  }
0x91: {  	[sflag:s28] =	ssyncadd.s32 $0xFFFFD800  }
0x92: {  	[spmem:s2] =	stream.indirect.scatter.add.f32 [tilespmem:s20], [sflag:$0x6], $0x80, s3, s13, $0xb8;
	[tilespmem:$0x1E800] =	vst v63  }
0x93: {  	_ =	swait.ge [sflag:s9], $0x2800  }
0x94: {  	[sflag:s9] =	ssyncset.done $0x0  }
0x95: {  	[sflag:s9] =	ssyncadd.s32 $0xFFFFD800  }
0x96: {  	_ =	swait.ge [sflag:s29], $0x2800  }
0x97: {  	[sflag:s29] =	ssyncset.done $0x0  }
0x98: {  	[sflag:s29] =	ssyncadd.s32 $0xFFFFD800  }
0x99: {  	[spmem:s2] =	stream.indirect.scatter.add.f32 [tilespmem:s22], [sflag:$0x6], $0x80, s10, s13, $0xb8;
	[tilespmem:$0x1E800] =	vst v63  }
0x9a: {  	_ =	swait.ge [sflag:s9], $0x2800  }
0x9b: {  	s15 =	sadd.s32 $0x1, s15;
	[sflag:s9] =	ssyncset.done $0x0  }
0x9c: {  	p0 =	sne.s32 s15, s8;
	[sflag:s9] =	ssyncadd.s32 $0xFFFFD800  }
.Ltmp1:
0x9d: {  	[bflag:$0x0] =	sbarrier.arrive $0xFFFF;
	(pc) =	sbr.rel @p0 .LBB2_1-.Ltmp1, $4  }
0x9e: {  	[hbm:s24], [sflag:s11] =	dma.local [spmem:s12], $0x1400  }
0x9f: {  	_ =	swait.ge [sflag:s9], $0x1400  }
0xa0: {  	[sflag:s9] =	ssyncset.done $0x0  }
0xa1: {  	[sflag:s9] =	ssyncadd.s32 $0xFFFFEC00  }
0xa2: {  	_ =	sfence.sel $0x180000  }
0xa3: {  	[bflag:$0x0] =	sbarrier.arrive $0xFFFF  }
0xa4: {  	_ =	strace $0x90000047  }
0xa5: {  	s0 =	stileid.u32;
	[bflag:$0x2] =	sbarrier.arrive $0xFFFF  }
0xa6: {  	p0 =	sne.s32 s0, $0x0;
	s0 =	rddreg [dreg:$0x3]  }
0xa7: {  	s0 =	sadd.s32 @!p0 $0x100000, s0  }
0xa8: {  	[sflag:s0] =	ssyncadd.tile.s32 @!p0 $0x1;
	_ =	shalt  }
.Lfunc_end2:
_tile_overlayer_lowered:
.L_overlay_start_2:
0xa9: {  	(tag) =	ssettag $0x2  }
0xaa: {  	s0 =	rddreg [dreg:$0x0];
	s2 =	stileid.u32  }
0xab: {  	s1 =	rddreg [dreg:$0x1];
	p0 =	sne.s32 s2, $0x0  }
0xac: {  	s3 =	rddreg [dreg:$0x2];
	[bflag:$0x3] =	sbarrier.arrive $0xFFFF;
	s2 =	simm.s32 @!p0 $0x1C06  }
0xad: {  	[timem:s3], [sflag:s2] =	dma.local @!p0 [hbm:s0], s1  }
0xae: {  	s0 =	simm.s32 @!p0 $0x6  }
0xaf: {  	_ =	swait.ge @!p0 [sflag:s0], s1  }
0xb0: {  	s1 =	ssub.s32 @!p0 $0x0, s1;
	[sflag:s0] =	ssyncset.done @!p0 $0x0  }
0xb1: {  	[sflag:s0] =	ssyncadd.s32 @!p0 s1  }
0xb2: {  	[bflag:$0x3] =	sbarrier.arrive $0xFFFF  }
0xb3: {  	_ =	shalt  }

// kernel: kernel.17.cloned.1.call-start
scs
__scs_entry_jumppad:
0x0: {  	(pc) =	sbr.rel $0x88, $3  }
0x1: {  	(tag) =	ssettag $0x0;
	lr =	simm.s32 $0x1  }
0x2: {  	[smem:$0x3F9B] =	sst lr;
	_ =	strace $0xD0000000  }
0x3: {  	_ = 	snop  }
0x4: {  	_ = 	snop  }
0x5: {  	_ = 	snop  }
0x6: {  	_ = 	snop  }
0x7: {  	_ = 	snop  }
__scs_overlays_trampoline_lowered:
0x8: {  	[smem:$0x3FAA] =	sst s0  }
0x9: {  	[smem:$0x3FAB] =	sst s1  }
0xa: {  	[smem:$0x3FAC] =	sst s2  }
0xb: {  	[smem:$0x3FAD] =	sst s3  }
0xc: {  	[smem:$0x3FAE] =	sst s4  }
0xd: {  	[smem:$0x3FAF] =	sst s5  }
0xe: {  	[smem:$0x3FB0] =	sst s6  }
0xf: {  	[smem:$0x3FB1] =	sst s7  }
0x10: {  	[smem:$0x3FB2] =	sst s8  }
0x11: {  	[smem:$0x3FB3] =	sst s9;
	s0 =	simm.s32 @!p0 $0x0  }
0x12: {  	s1 =	sld [smem:$0x3F99];
	s0 =	simm.s32 @p0 $0x1  }
0x13: {  	[smem:$0x3FB4] =	sst s0;
	s0 =	simm.s32 @!p1 $0x0  }
0x14: {  	s2 =	sld [smem:$0x3F98];
	s0 =	simm.s32 @p1 $0x1  }
0x15: {  	[smem:$0x3FB5] =	sst s0;
	s0 =	simm.s32 @!p2 $0x0  }
0x16: {  	s3 =	sld [smem:$0x3FDB];
	s0 =	simm.s32 @p2 $0x1  }
0x17: {  	s4 =	simm.s32 $0x1BF5;
	[smem:$0x3FB7] =	sst s0  }
0x18: {  	s0 =	sld [smem:$0x3F9A];
	_ =	swait.ge [sflag:s4], $0x0  }
0x19: {  	s7 =	sld [smem:$0x3F9B]  }
0x1a: {  	s8 =	sadd.s32 $0xFFFFE003, lr  }
0x1b: {  	s9 =	sadd.s32 $0xFFFFFEF7, lr;
	s5 =	simm.s32 $0xFFFFFFFF;
	p2 =	slt.u32 s8, $0xFFFFF086  }
0x1c: {  	p1 =	slt.u32 s9, $0xF7A;
	s5 =	simm.s32 @!p2 $0x0  }
0x1d: {  	s5 =	simm.s32 @p1 $0x1;
	p0 =	seq.s32 s7, s2  }
0x1e: {  	s7 =	smul.u32 @!p0 $0xF7A, s2;
	p2 =	seq.s32 @!p0 s5, $0x0  }
0x1f: {  	s9 =	smul.u32 $0xF7A, s1;
	s8 =	simm.s32 @!p0 $0x1BF5;
	p2 =	por !p2, p0  }
0x20: {  	[sflag:s8] =	ssyncset.s32 @!p0 $0xFFFFF086;
	s6 =	sadd.s32 @!p0 s3, s7;
	s7 =	simm.s32 @!p0 $0x108  }
0x21: {  	s3 =	sadd.s32 s3, s9;
	s6 =	sadd.s32 @!p0 $0x88, s6;
	s7 =	simm.s32 @p2 $0x1082  }
0x22: {  	[simem:s7], [sflag:s8] =	dma.local @!p0 [hbm:s6], $0xF7A  }
0x23: {  	s9 =	sor.u32 $0xD0000000, s2;
	s6 =	simm.s32 $0x108;
	_ =	swait.ge @!p0 [sflag:s8], $0x0  }
0x24: {  	s3 =	sadd.s32 $0x88, s3;
	s6 =	simm.s32 @!p1 $0x1082;
	[sflag:s4] =	ssyncset.s32 $0xFFFFF086  }
0x25: {  	[simem:s6], [sflag:s4] =	dma.local [hbm:s3], $0xF7A  }
0x26: {  	[smem:$0x3F9B] =	sst s1;
	(tag) =	ssettag s2;
	_ =	strace s9  }
0x27: {  	s1 =	sld [smem:$0x3FAB]  }
0x28: {  	s2 =	sld [smem:$0x3FAC]  }
0x29: {  	s4 =	sld [smem:$0x3FAE]  }
0x2a: {  	p0 =	seq.s32 s5, $0x0;
	s5 =	sld [smem:$0x3FAF]  }
0x2b: {  	s6 =	sld [smem:$0x3FB0]  }
0x2c: {  	s7 =	sld [smem:$0x3FB1]  }
0x2d: {  	s3 =	simm.s32 $0x108;
	s8 =	sld [smem:$0x3FB2]  }
0x2e: {  	s3 =	simm.s32 @!p0 $0x1082;
	s9 =	sld [smem:$0x3FB3]  }
0x2f: {  	lr =	sadd.s32 s0, s3;
	s0 =	sld [smem:$0x3FAA]  }
0x30: {  	s3 =	sld [smem:$0x3FAD]  }
0x31: {  	[smem:$0x3FB6] =	sst s10  }
0x32: {  	s10 =	sld [smem:$0x3FB4];
	_ =	sdelay $0x3  }
0x33: {  	p0 =	seq.s32 s10, $0x1;
	s10 =	sld [smem:$0x3FB6];
	_ =	sdelay $0x3  }
0x34: {  	[smem:$0x3FB6] =	sst s10  }
0x35: {  	s10 =	sld [smem:$0x3FB5];
	_ =	sdelay $0x3  }
0x36: {  	p1 =	seq.s32 s10, $0x1;
	s10 =	sld [smem:$0x3FB6];
	_ =	sdelay $0x3  }
0x37: {  	[smem:$0x3FB6] =	sst s10  }
0x38: {  	s10 =	sld [smem:$0x3FB7]  }
0x39: {  	_ = 	snop;
	(pc) =	sbr.ind lr, $3  }
0x3a: {  	_ = 	snop  }
0x3b: {  	_ = 	snop  }
0x3c: {  	p2 =	seq.s32 s10, $0x1;
	s10 =	sld [smem:$0x3FB6]  }
0x3d: {  	_ =	shalt  }
0x3e: {  	_ =	shalt  }
0x3f: {  	_ =	shalt  }
0x40: {  	_ =	shalt  }
0x41: {  	_ =	shalt  }
0x42: {  	_ =	shalt  }
0x43: {  	_ =	shalt  }
0x44: {  	_ =	shalt  }
0x45: {  	_ =	shalt  }
0x46: {  	_ =	shalt  }
0x47: {  	_ =	shalt  }
0x48: {  	_ =	shalt  }
0x49: {  	_ =	shalt  }
0x4a: {  	_ =	shalt  }
0x4b: {  	_ =	shalt  }
0x4c: {  	_ =	shalt  }
0x4d: {  	_ =	shalt  }
0x4e: {  	_ =	shalt  }
0x4f: {  	_ =	shalt  }
0x50: {  	_ =	shalt  }
0x51: {  	_ =	shalt  }
0x52: {  	_ =	shalt  }
0x53: {  	_ =	shalt  }
0x54: {  	_ =	shalt  }
0x55: {  	_ =	shalt  }
0x56: {  	_ =	shalt  }
0x57: {  	_ =	shalt  }
0x58: {  	_ =	shalt  }
0x59: {  	_ =	shalt  }
0x5a: {  	_ =	shalt  }
0x5b: {  	_ =	shalt  }
0x5c: {  	_ =	shalt  }
0x5d: {  	_ =	shalt  }
0x5e: {  	_ =	shalt  }
0x5f: {  	_ =	shalt  }
0x60: {  	_ =	shalt  }
0x61: {  	_ =	shalt  }
0x62: {  	_ =	shalt  }
0x63: {  	_ =	shalt  }
0x64: {  	_ =	shalt  }
0x65: {  	_ =	shalt  }
0x66: {  	_ =	shalt  }
0x67: {  	_ =	shalt  }
0x68: {  	_ =	shalt  }
0x69: {  	_ =	shalt  }
0x6a: {  	_ =	shalt  }
0x6b: {  	_ =	shalt  }
0x6c: {  	_ =	shalt  }
0x6d: {  	_ =	shalt  }
0x6e: {  	_ =	shalt  }
0x6f: {  	_ =	shalt  }
0x70: {  	_ =	shalt  }
0x71: {  	_ =	shalt  }
0x72: {  	_ =	shalt  }
0x73: {  	_ =	shalt  }
0x74: {  	_ =	shalt  }
0x75: {  	_ =	shalt  }
0x76: {  	_ =	shalt  }
0x77: {  	_ =	shalt  }
0x78: {  	_ =	shalt  }
0x79: {  	_ =	shalt  }
0x7a: {  	_ =	shalt  }
0x7b: {  	_ =	shalt  }
0x7c: {  	_ =	shalt  }
0x7d: {  	_ =	shalt  }
0x7e: {  	_ =	shalt  }
0x7f: {  	_ =	shalt  }
0x80: {  	_ =	shalt  }
0x81: {  	_ =	shalt  }
0x82: {  	_ =	shalt  }
0x83: {  	_ =	shalt  }
0x84: {  	_ =	shalt  }
0x85: {  	_ =	shalt  }
0x86: {  	_ =	shalt  }
0x87: {  	_ =	shalt  }
.Lfunc_end0:
.L_simem_size_0:
called_computation.2_lowered:
.L_overlay_start_0:
0x88: {  	s2 =	sld [smem:$0x3FD9]  }
0x89: {  	s3 =	sld [smem:$0x3FFE];
	_ =	sdelay $0x1  }
0x8a: {  	s1 =	srdreg.scid  }
0x8b: {  	s0 =	sand.u32 $0x1, s1  }
0x8c: {  	s17 =	sshll.u32 s0, $0xA;
	s2 =	sadd.s32 s3, s2  }
0x8d: {  	s2 =	sadd.s32 s2, s17  }
0x8e: {  	[smem:$0x3FC2] =	sst s2  }
0x8f: {  	_ = 	snop  }
0x90: {  	s18 =	sld [smem:$0x3FD0];
	(tm) =	ssettm $0x1  }
0x91: {  	s19 =	sld [smem:$0x3FFB];
	_ =	sdelay $0x3  }
0x92: {  	_ =	strace s19  }
0x93: {  	s2 =	sld [smem:$0x3FFC];
	_ =	sdelay $0x3  }
0x94: {  	_ =	strace s2  }
0x95: {  	s2 =	sld [smem:$0x3FFD];
	_ =	sdelay $0x3  }
0x96: {  	_ =	strace s2  }
0x97: {  	_ =	strace $0x8FFFFFFF  }
0x98: {  	s20 =	sld [smem:$0x3FDB];
	_ =	sdelay $0x1  }
0x99: {  	s4 =	simm.s32 $_scs_section_size  }
0x9a: {  	s5 =	simm.s32 $_size__tile_overlayer_lowered;
	s6 =	simm.s32 $_tile_overlayer_lowered  }
0x9b: {  	s7 =	simm.s32 $0x1BFF;
	s21 =	sshll.u32 s6, $0x1;
	s4 =	sadd.s32 s4, s20  }
0x9c: {  	s22 =	simm.s32 $0x0;
	s5 =	sshll.u32 s5, $0x1;
	s6 =	sadd.s32 s21, s4  }
0x9d: {  	[timem:s22], [sflag:s7] =	dma.local [hbm:s6], s5  }
0x9e: {  	_ =	swait.ge [sflag:s7], s5  }
0x9f: {  	s5 =	ssub.s32 $0x0, s5;
	[sflag:s7] =	ssyncset.done $0x0  }
0xa0: {  	[sflag:s7] =	ssyncadd.s32 s5;
	_ =	sdelay $0x1  }
0xa1: {  	s23 =	simm.s32 $0x1B8B  }
0xa2: {  	_ =	swait.ge [sflag:s23], $0x1  }
0xa3: {  	[sflag:s23] =	ssyncset.done $0x0  }
0xa4: {  	[sflag:s23] =	ssyncadd.s32 $0xFFFFFFFF  }
0xa5: {  	s5 =	sld [smem:$0x0]  }
0xa6: {  	s6 =	sand.u32 $0xFFFFFFFE, s1  }
0xa7: {  	p0 =	sne.s32 s1, s6  }
0xa8: {  	s6 =	sshll.u32 @p0 s6, $0xE  }
0xa9: {  	s6 =	sadd.s32 @p0 $0x11B8D, s6;
	s7 =	sshll.u32 @p0 s5, $0x11  }
0xaa: {  	s6 =	sor.u32 @p0 s7, s6  }
0xab: {  	[sflag:s6] =	ssyncadd.remote.s32 @p0 $0x1;
	_ =	sdelay $0x1  }
0xac: {  	s6 =	simm.s32 @p0 $0x1B8D  }
0xad: {  	_ =	swait.eq @p0 [sflag:s6], $0x1  }
0xae: {  	[sflag:s6] =	ssyncadd.s32 @p0 $0xFFFFFFFF  }
0xaf: {  	s7 =	sshll.u32 @!p0 s1, $0xE  }
0xb0: {  	s7 =	sor.u32 @!p0 $0x4000, s7;
	s6 =	simm.s32 @!p0 $0x1B8D  }
0xb1: {  	s5 =	sshll.u32 @!p0 s5, $0x11;
	s7 =	sadd.s32 @!p0 $0x11B8D, s7;
	_ =	swait.eq @!p0 [sflag:s6], $0x1  }
0xb2: {  	s5 =	sor.u32 @!p0 s5, s7;
	[sflag:s6] =	ssyncadd.s32 @!p0 $0xFFFFFFFF  }
0xb3: {  	s25 =	simm.s32 $0x1B8E;
	s24 =	sld [smem:$0x3FFE];
	[sflag:s5] =	ssyncadd.remote.s32 @!p0 $0x1  }
0xb4: {  	s26 =	simm.s32 $execute0_lowered;
	[smem:$0x3FD2] =	sst s25  }
0xb5: {  	s6 =	sshll.u32 s26, $0x1;
	_ =	strace $0x8000004F;
	[dreg:$0x1] =	wrdreg $0xFFFFFFFF  }
0xb6: {  	s28 =	simm.s32 $_size_execute0_lowered;
	s4 =	sadd.s32 s4, s6;
	[dreg:$0x0] =	wrdreg $0x0  }
0xb7: {  	s6 =	sshll.u32 s28, $0x1;
	[dreg:$0x2] =	wrdreg s4  }
0xb8: {  	[dreg:$0x3] =	wrdreg s6  }
0xb9: {  	[dreg:$0x4] =	wrdreg $0xC0  }
0xba: {  	_ =	task [dreg:s22], $0x5FFFF  }
0xbb: {  	[dreg:$0x1] =	wrdreg $0xFFFFFFFF  }
0xbc: {  	[dreg:$0x0] =	wrdreg $0x60  }
0xbd: {  	[dreg:$0x2] =	wrdreg s18  }
0xbe: {  	[dreg:$0x3] =	wrdreg s24  }
0xbf: {  	[dreg:$0x4] =	wrdreg $0x148000  }
0xc0: {  	[dreg:$0x5] =	wrdreg $0x9  }
0xc1: {  	_ =	task.clear_ibuf [dreg:s22], $0x6FFFF;
	_ =	strace $0x9000004F  }
0xc2: {  	s29 =	simm.s32 $0x9;
	_ =	strace $0x80000051  }
0xc3: {  	_ =	swait.ge [sflag:s29], $0x1  }
0xc4: {  	[sflag:s29] =	ssyncadd.s32 $0xFFFFFFFF  }
0xc5: {  	_ =	strace $0x90000051  }
0xc6: {  	_ =	sfence  }
0xc7: {  	s30 =	sld [smem:$0x0];
	_ =	sdelay $0x2  }
0xc8: {  	s31 =	sshll.u32 s1, $0xD;
	s1 =	sshrl.u32 s1, $0x2  }
0xc9: {  	s4 =	sand.u32 $0x4000, s31;
	s1 =	sadd.s32 s1, s30  }
0xca: {  	s0 =	sor.u32 s4, s0;
	s1 =	sshll.u32 s1, $0x11  }
0xcb: {  	s0 =	sor.u32 s1, s0  }
0xcc: {  	s0 =	sadd.s32 $0x8F2B, s0  }
0xcd: {  	[sflag:s0] =	ssyncadd.remote.s32 $0x1  }
0xce: {  	_ =	sfence.sel $0xFFFF  }
0xcf: {  	[dreg:$0x0] =	wrdreg $0xFFFFFFFF;
	(pc) =	sbr.abs _section_cstart, $3  }
0xd0: {  	[dreg:$0x1] =	wrdreg $0xFFFFFFFF  }
0xd1: {  	_ =	task.clear_ibuf [dreg:s22], $0x2FFFF;
	_ =	strace $0x9FFFFFFF  }
0xd2: {  	(tm) =	ssettm $0x7FFFFFFF  }
0xd3: {  	_ =	shalt  }
tec
execute0_lowered:
.L_overlay_start_1:
0x0: {  	(tag) =	ssettag $0x1  }
0x1: {  	s1 =	rddreg [dreg:$0x0]  }
0x2: {  	s0 =	rddreg [dreg:$0x1]  }
0x3: {  	s2 =	rddreg [dreg:$0x2];
	s4 =	simm.s32 $0x0  }
0x4: {  	s3 =	srdreg.scid;
	s11 =	stileid.u32;
	s13 =	simm.s32 $0x50  }
0x5: {  	s14 =	simm.s32 $0x8000;
	s16 =	simm.s32 $0xA800;
	s18 =	simm.s32 $0xD000  }
0x6: {  	s20 =	simm.s32 $0xF800;
	s22 =	simm.s32 $0x12000;
	s23 =	simm.s32 $0x1  }
0x7: {  	s28 =	simm.s32 $0x4;
	s29 =	simm.s32 $0x5;
	s30 =	simm.s32 $0x7C00  }
0x8: {  	s31 =	simm.s32 $0x7C80;
	[smem:$0x7FF] =	sst s4;
	s24 =	smul.u32 $0x28000, s11  }
0x9: {  	s3 =	sand.u32 $0x1, s3;
	s5 =	sshll.u32 s11, $0xC;
	s15 =	smul.u32 $0x1400, s11  }
0xa: {  	s26 =	sshll.u32 s11, $0x6;
	_ =	strace $0x80000050;
	s6 =	sshll.u32 s3, $0xB  }
0xb: {  	s7 =	smul.u32 $0x14000, s3;
	s3 =	ssub.s32 $0x2, s3;
	s11 =	sor.u32 $0x1C06, s26  }
0xc: {  	s26 =	simm.s32 $0x3;
	s5 =	sor.u32 s6, s5;
	s9 =	sshrl.u32 s3, $0x1  }
0xd: {  	s25 =	sshrl.u32 s24, $0x2;
	s8 =	sadd.s32 s5, s0;
	s5 =	sadd.s32 $0x23C00, s0  }
0xe: {  	s0 =	sadd.s32 s7, s0;
	s3 =	ssub.s32 s3, s9;
	s10 =	sadd.s32 s25, s2  }
0xf: {  	s9 =	simm.s32 $0x6;
	s25 =	simm.s32 $0x2;
	s6 =	sadd.s32 $0x85000, s8  }
0x10: {  	s7 =	sadd.s32 $0x13C00, s8;
	s0 =	sadd.s32 $0x4D000, s0;
	s8 =	smax.u32 s3, $0x1  }
0x11: {  	s12 =	sshrl.u32 s10, $0x3;
	s3 =	simm.s32 $0x7D80;
	s10 =	simm.s32 $0x7E00  }
0x12: {  	s24 =	sadd.s32 s15, s0;
	s0 =	simm.s32 $0x7D00;
	s15 =	simm.s32 $0x0  }
.LBB2_1:
0x13: {  	[tilespmem:s4], [sflag:$0x6] =	stream.linear.gather [hbm4b:s6+s4], $0x3E80, $0x38;
	[tilespmem:$0x1E800] =	vst v63  }
0x14: {  	_ =	swait.ge [sflag:s9], $0x3E80  }
0x15: {  	[sflag:s9] =	ssyncset.done $0x0  }
0x16: {  	s17 =	simm.s32 $0x4000;
	[sflag:s9] =	ssyncadd.s32 $0xFFFFC180  }
0x17: {  	[tilespmem:s17], [sflag:$0x6] =	stream.linear.gather [hbm4b:s7+s4], $0x3E80, $0x38;
	[tilespmem:$0x1E800] =	vst v63  }
0x18: {  	_ =	swait.ge [sflag:s9], $0x3E80  }
0x19: {  	[sflag:s9] =	ssyncset.done $0x0  }
0x1a: {  	[sflag:s9] =	ssyncadd.s32 $0xFFFFC180  }
0x1b: {  	[spmem:s12], [sflag:s11] =	dma.local [hbm:s5], $0x1400  }
0x1c: {  	_ =	swait.ge [sflag:s9], $0x1400  }
0x1d: {  	[sflag:s9] =	ssyncset.done $0x0  }
0x1e: {  	[sflag:s9] =	ssyncadd.s32 $0xFFFFEC00  }
0x1f: {  	[bflag:$0x0] =	sbarrier.arrive $0xFFFF  }
0x20: {  	[tilespmem:s14], [sflag:$0x1] =	stream.indirect.gather [hbm4b:s1+s13], $0x80, s4, s13, $0xb8;
	[tilespmem:$0x1E800] =	vst v63  }
0x21: {  	s21 =	simm.s32 $0x80  }
0x22: {  	[tilespmem:s16], [sflag:$0x2] =	stream.indirect.gather [hbm4b:s1+s13], $0x80, s21, s13, $0xb8;
	[tilespmem:$0x1E800] =	vst v63  }
0x23: {  	s19 =	simm.s32 $0x100  }
0x24: {  	[tilespmem:s18], [sflag:$0x3] =	stream.indirect.gather [hbm4b:s1+s13], $0x80, s19, s13, $0xb8;
	[tilespmem:$0x1E800] =	vst v63  }
0x25: {  	s21 =	simm.s32 $0x180  }
0x26: {  	[tilespmem:s20], [sflag:$0x4] =	stream.indirect.gather [hbm4b:s1+s13], $0x80, s21, s13, $0xb8;
	[tilespmem:$0x1E800] =	vst v63  }
0x27: {  	s19 =	simm.s32 $0x200  }
0x28: {  	[tilespmem:s22], [sflag:$0x5] =	stream.indirect.gather [hbm4b:s1+s13], $0x80, s19, s13, $0xb8;
	[tilespmem:$0x1E800] =	vst v63  }
0x29: {  	_ =	swait.ge [sflag:s23], $0x2800  }
0x2a: {  	[sflag:s23] =	ssyncset.done $0x0  }
0x2b: {  	s21 =	simm.s32 $0x4000;
	[sflag:s23] =	ssyncadd.s32 $0xFFFFD800  }
0x2c: {  	[spmem:s2] =	stream.indirect.scatter.add.f32 [tilespmem:s14], [sflag:$0x6], $0x80, s21, s13, $0xb8;
	[tilespmem:$0x1E800] =	vst v63  }
0x2d: {  	_ =	swait.ge [sflag:s9], $0x2800  }
0x2e: {  	[sflag:s9] =	ssyncset.done $0x0  }
0x2f: {  	s19 =	simm.s32 $0x280;
	[sflag:s9] =	ssyncadd.s32 $0xFFFFD800  }
0x30: {  	[tilespmem:s14], [sflag:$0x1] =	stream.indirect.gather [hbm4b:s1+s13], $0x80, s19, s13, $0xb8;
	[tilespmem:$0x1E800] =	vst v63  }
0x31: {  	_ =	swait.ge [sflag:s25], $0x2800  }
0x32: {  	[sflag:s25] =	ssyncset.done $0x0  }
0x33: {  	s21 =	simm.s32 $0x4080;
	[sflag:s25] =	ssyncadd.s32 $0xFFFFD800  }
0x34: {  	[spmem:s2] =	stream.indirect.scatter.add.f32 [tilespmem:s16], [sflag:$0x6], $0x80, s21, s13, $0xb8;
	[tilespmem:$0x1E800] =	vst v63  }
0x35: {  	_ =	swait.ge [sflag:s9], $0x2800  }
0x36: {  	[sflag:s9] =	ssyncset.done $0x0  }
0x37: {  	s19 =	simm.s32 $0x300;
	[sflag:s9] =	ssyncadd.s32 $0xFFFFD800  }
0x38: {  	[tilespmem:s16], [sflag:$0x2] =	stream.indirect.gather [hbm4b:s1+s13], $0x80, s19, s13, $0xb8;
	[tilespmem:$0x1E800] =	vst v63  }
0x39: {  	_ =	swait.ge [sflag:s26], $0x2800  }
0x3a: {  	[sflag:s26] =	ssyncset.done $0x0  }
0x3b: {  	s21 =	simm.s32 $0x4100;
	[sflag:s26] =	ssyncadd.s32 $0xFFFFD800  }
0x3c: {  	[spmem:s2] =	stream.indirect.scatter.add.f32 [tilespmem:s18], [sflag:$0x6], $0x80, s21, s13, $0xb8;
	[tilespmem:$0x1E800] =	vst v63  }
0x3d: {  	_ =	swait.ge [sflag:s9], $0x2800  }
0x3e: {  	[sflag:s9] =	ssyncset.done $0x0  }
0x3f: {  	s19 =	simm.s32 $0x380;
	[sflag:s9] =	ssyncadd.s32 $0xFFFFD800  }
0x40: {  	[tilespmem:s18], [sflag:$0x3] =	stream.indirect.gather [hbm4b:s1+s13], $0x80, s19, s13, $0xb8;
	[tilespmem:$0x1E800] =	vst v63  }
0x41: {  	_ =	swait.ge [sflag:s28], $0x2800  }
0x42: {  	[sflag:s28] =	ssyncset.done $0x0  }
0x43: {  	s21 =	simm.s32 $0x4180;
	[sflag:s28] =	ssyncadd.s32 $0xFFFFD800  }
0x44: {  	[spmem:s2] =	stream.indirect.scatter.add.f32 [tilespmem:s20], [sflag:$0x6], $0x80, s21, s13, $0xb8;
	[tilespmem:$0x1E800] =	vst v63  }
0x45: {  	_ =	swait.ge [sflag:s9], $0x2800  }
0x46: {  	[sflag:s9] =	ssyncset.done $0x0  }
0x47: {  	s19 =	simm.s32 $0x400;
	[sflag:s9] =	ssyncadd.s32 $0xFFFFD800  }
0x48: {  	[tilespmem:s20], [sflag:$0x4] =	stream.indirect.gather [hbm4b:s1+s13], $0x80, s19, s13, $0xb8;
	[tilespmem:$0x1E800] =	vst v63  }
0x49: {  	_ =	swait.ge [sflag:s29], $0x2800  }
0x4a: {  	[sflag:s29] =	ssyncset.done $0x0  }
0x4b: {  	s21 =	simm.s32 $0x4200;
	[sflag:s29] =	ssyncadd.s32 $0xFFFFD800  }
0x4c: {  	[spmem:s2] =	stream.indirect.scatter.add.f32 [tilespmem:s22], [sflag:$0x6], $0x80, s21, s13, $0xb8;
	[tilespmem:$0x1E800] =	vst v63  }
0x4d: {  	_ =	swait.ge [sflag:s9], $0x2800  }
0x4e: {  	[sflag:s9] =	ssyncset.done $0x0  }
0x4f: {  	s17 =	simm.s32 $0xA00;
	s19 =	simm.s32 $0x480;
	[sflag:s9] =	ssyncadd.s32 $0xFFFFD800  }
.LBB2_2:
0x50: {  	[tilespmem:s22], [sflag:$0x5] =	stream.indirect.gather [hbm4b:s1+s13], $0x80, s19, s13, $0xb8;
	[tilespmem:$0x1E800] =	vst v63  }
0x51: {  	s19 =	smov.u32 s17  }
0x52: {  	p0 =	sne.s32 s17, $0xE600;
	s17 =	sadd.s32 $0xA00, s17;
	_ =	swait.ge [sflag:s23], $0x2800  }
0x53: {  	s19 =	sshra.s32 s19, $0x2;
	[sflag:s23] =	ssyncset.done $0x0  }
0x54: {  	s21 =	sadd.s32 $0x4000, s19;
	[sflag:s23] =	ssyncadd.s32 $0xFFFFD800  }
0x55: {  	[spmem:s2] =	stream.indirect.scatter.add.f32 [tilespmem:s14], [sflag:$0x6], $0x80, s21, s13, $0xb8;
	[tilespmem:$0x1E800] =	vst v63  }
0x56: {  	_ =	swait.ge [sflag:s9], $0x2800  }
0x57: {  	[sflag:s9] =	ssyncset.done $0x0  }
0x58: {  	s21 =	sadd.s32 $0x280, s19;
	[sflag:s9] =	ssyncadd.s32 $0xFFFFD800  }
0x59: {  	[tilespmem:s14], [sflag:$0x1] =	stream.indirect.gather [hbm4b:s1+s13], $0x80, s21, s13, $0xb8;
	[tilespmem:$0x1E800] =	vst v63  }
0x5a: {  	_ =	swait.ge [sflag:s25], $0x2800  }
0x5b: {  	[sflag:s25] =	ssyncset.done $0x0  }
0x5c: {  	s21 =	sadd.s32 $0x4080, s19;
	[sflag:s25] =	ssyncadd.s32 $0xFFFFD800  }
0x5d: {  	[spmem:s2] =	stream.indirect.scatter.add.f32 [tilespmem:s16], [sflag:$0x6], $0x80, s21, s13, $0xb8;
	[tilespmem:$0x1E800] =	vst v63  }
0x5e: {  	_ =	swait.ge [sflag:s9], $0x2800  }
0x5f: {  	[sflag:s9] =	ssyncset.done $0x0  }
0x60: {  	s21 =	sadd.s32 $0x300, s19;
	[sflag:s9] =	ssyncadd.s32 $0xFFFFD800  }
0x61: {  	[tilespmem:s16], [sflag:$0x2] =	stream.indirect.gather [hbm4b:s1+s13], $0x80, s21, s13, $0xb8;
	[tilespmem:$0x1E800] =	vst v63  }
0x62: {  	_ =	swait.ge [sflag:s26], $0x2800  }
0x63: {  	[sflag:s26] =	ssyncset.done $0x0  }
0x64: {  	s21 =	sadd.s32 $0x4100, s19;
	[sflag:s26] =	ssyncadd.s32 $0xFFFFD800  }
0x65: {  	[spmem:s2] =	stream.indirect.scatter.add.f32 [tilespmem:s18], [sflag:$0x6], $0x80, s21, s13, $0xb8;
	[tilespmem:$0x1E800] =	vst v63  }
0x66: {  	_ =	swait.ge [sflag:s9], $0x2800  }
0x67: {  	[sflag:s9] =	ssyncset.done $0x0  }
0x68: {  	s21 =	sadd.s32 $0x380, s19;
	[sflag:s9] =	ssyncadd.s32 $0xFFFFD800  }
0x69: {  	[tilespmem:s18], [sflag:$0x3] =	stream.indirect.gather [hbm4b:s1+s13], $0x80, s21, s13, $0xb8;
	[tilespmem:$0x1E800] =	vst v63  }
0x6a: {  	_ =	swait.ge [sflag:s28], $0x2800  }
0x6b: {  	[sflag:s28] =	ssyncset.done $0x0  }
0x6c: {  	s21 =	sadd.s32 $0x4180, s19;
	[sflag:s28] =	ssyncadd.s32 $0xFFFFD800  }
0x6d: {  	[spmem:s2] =	stream.indirect.scatter.add.f32 [tilespmem:s20], [sflag:$0x6], $0x80, s21, s13, $0xb8;
	[tilespmem:$0x1E800] =	vst v63  }
0x6e: {  	_ =	swait.ge [sflag:s9], $0x2800  }
0x6f: {  	[sflag:s9] =	ssyncset.done $0x0  }
0x70: {  	s21 =	sadd.s32 $0x400, s19;
	[sflag:s9] =	ssyncadd.s32 $0xFFFFD800  }
0x71: {  	[tilespmem:s20], [sflag:$0x4] =	stream.indirect.gather [hbm4b:s1+s13], $0x80, s21, s13, $0xb8;
	[tilespmem:$0x1E800] =	vst v63  }
0x72: {  	_ =	swait.ge [sflag:s29], $0x2800  }
0x73: {  	[sflag:s29] =	ssyncset.done $0x0  }
.Ltmp0:
0x74: {  	s21 =	sadd.s32 $0x4200, s19;
	[sflag:s29] =	ssyncadd.s32 $0xFFFFD800;
	(pc) =	sbr.rel @p0 .LBB2_2-.Ltmp0, $4  }
0x75: {  	[spmem:s2] =	stream.indirect.scatter.add.f32 [tilespmem:s22], [sflag:$0x6], $0x80, s21, s13, $0xb8;
	[tilespmem:$0x1E800] =	vst v63  }
0x76: {  	_ =	swait.ge [sflag:s9], $0x2800  }
0x77: {  	[sflag:s9] =	ssyncset.done $0x0  }
0x78: {  	s19 =	sadd.s32 $0x480, s19;
	[sflag:s9] =	ssyncadd.s32 $0xFFFFD800  }
0x79: {  	[tilespmem:s22], [sflag:$0x5] =	stream.indirect.gather [hbm4b:s1+s13], $0x80, s19, s13, $0xb8;
	[tilespmem:$0x1E800] =	vst v63  }
0x7a: {  	_ =	swait.ge [sflag:s23], $0x2800  }
0x7b: {  	[sflag:s23] =	ssyncset.done $0x0  }
0x7c: {  	[sflag:s23] =	ssyncadd.s32 $0xFFFFD800  }
0x7d: {  	[spmem:s2] =	stream.indirect.scatter.add.f32 [tilespmem:s14], [sflag:$0x6], $0x80, s30, s13, $0xb8;
	[tilespmem:$0x1E800] =	vst v63  }
0x7e: {  	_ =	swait.ge [sflag:s9], $0x2800  }
0x7f: {  	[sflag:s9] =	ssyncset.done $0x0  }
0x80: {  	[sflag:s9] =	ssyncadd.s32 $0xFFFFD800  }
0x81: {  	_ =	swait.ge [sflag:s25], $0x2800  }
0x82: {  	[sflag:s25] =	ssyncset.done $0x0  }
0x83: {  	[sflag:s25] =	ssyncadd.s32 $0xFFFFD800  }
0x84: {  	[spmem:s2] =	stream.indirect.scatter.add.f32 [tilespmem:s16], [sflag:$0x6], $0x80, s31, s13, $0xb8;
	[tilespmem:$0x1E800] =	vst v63  }
0x85: {  	_ =	swait.ge [sflag:s9], $0x2800  }
0x86: {  	[sflag:s9] =	ssyncset.done $0x0  }
0x87: {  	[sflag:s9] =	ssyncadd.s32 $0xFFFFD800  }
0x88: {  	_ =	swait.ge [sflag:s26], $0x2800  }
0x89: {  	[sflag:s26] =	ssyncset.done $0x0  }
0x8a: {  	[sflag:s26] =	ssyncadd.s32 $0xFFFFD800  }
0x8b: {  	[spmem:s2] =	stream.indirect.scatter.add.f32 [tilespmem:s18], [sflag:$0x6], $0x80, s0, s13, $0xb8;
	[tilespmem:$0x1E800] =	vst v63  }
0x8c: {  	_ =	swait.ge [sflag:s9], $0x2800  }
0x8d: {  	[sflag:s9] =	ssyncset.done $0x0  }
0x8e: {  	[sflag:s9] =	ssyncadd.s32 $0xFFFFD800  }
0x8f: {  	_ =	swait.ge [sflag:s28], $0x2800  }
0x90: {  	[sflag:s28] =	ssyncset.done $0x0  }
0x91: {  	[sflag:s28] =	ssyncadd.s32 $0xFFFFD800  }
0x92: {  	[spmem:s2] =	stream.indirect.scatter.add.f32 [tilespmem:s20], [sflag:$0x6], $0x80, s3, s13, $0xb8;
	[tilespmem:$0x1E800] =	vst v63  }
0x93: {  	_ =	swait.ge [sflag:s9], $0x2800  }
0x94: {  	[sflag:s9] =	ssyncset.done $0x0  }
0x95: {  	[sflag:s9] =	ssyncadd.s32 $0xFFFFD800  }
0x96: {  	_ =	swait.ge [sflag:s29], $0x2800  }
0x97: {  	[sflag:s29] =	ssyncset.done $0x0  }
0x98: {  	[sflag:s29] =	ssyncadd.s32 $0xFFFFD800  }
0x99: {  	[spmem:s2] =	stream.indirect.scatter.add.f32 [tilespmem:s22], [sflag:$0x6], $0x80, s10, s13, $0xb8;
	[tilespmem:$0x1E800] =	vst v63  }
0x9a: {  	_ =	swait.ge [sflag:s9], $0x2800  }
0x9b: {  	s15 =	sadd.s32 $0x1, s15;
	[sflag:s9] =	ssyncset.done $0x0  }
0x9c: {  	p0 =	sne.s32 s15, s8;
	[sflag:s9] =	ssyncadd.s32 $0xFFFFD800  }
.Ltmp1:
0x9d: {  	[bflag:$0x0] =	sbarrier.arrive $0xFFFF;
	(pc) =	sbr.rel @p0 .LBB2_1-.Ltmp1, $4  }
0x9e: {  	[hbm:s24], [sflag:s11] =	dma.local [spmem:s12], $0x1400  }
0x9f: {  	_ =	swait.ge [sflag:s9], $0x1400  }
0xa0: {  	[sflag:s9] =	ssyncset.done $0x0  }
0xa1: {  	[sflag:s9] =	ssyncadd.s32 $0xFFFFEC00  }
0xa2: {  	_ =	sfence.sel $0x180000  }
0xa3: {  	[bflag:$0x0] =	sbarrier.arrive $0xFFFF  }
0xa4: {  	_ =	strace $0x90000050  }
0xa5: {  	s0 =	stileid.u32;
	[bflag:$0x2] =	sbarrier.arrive $0xFFFF  }
0xa6: {  	p0 =	sne.s32 s0, $0x0;
	s0 =	rddreg [dreg:$0x3]  }
0xa7: {  	s0 =	sadd.s32 @!p0 $0x100000, s0  }
0xa8: {  	[sflag:s0] =	ssyncadd.tile.s32 @!p0 $0x1;
	_ =	shalt  }
.Lfunc_end2:
_tile_overlayer_lowered:
.L_overlay_start_2:
0xa9: {  	(tag) =	ssettag $0x2  }
0xaa: {  	s0 =	rddreg [dreg:$0x0];
	s2 =	stileid.u32  }
0xab: {  	s1 =	rddreg [dreg:$0x1];
	p0 =	sne.s32 s2, $0x0  }
0xac: {  	s3 =	rddreg [dreg:$0x2];
	[bflag:$0x3] =	sbarrier.arrive $0xFFFF;
	s2 =	simm.s32 @!p0 $0x1C06  }
0xad: {  	[timem:s3], [sflag:s2] =	dma.local @!p0 [hbm:s0], s1  }
0xae: {  	s0 =	simm.s32 @!p0 $0x6  }
0xaf: {  	_ =	swait.ge @!p0 [sflag:s0], s1  }
0xb0: {  	s1 =	ssub.s32 @!p0 $0x0, s1;
	[sflag:s0] =	ssyncset.done @!p0 $0x0  }
0xb1: {  	[sflag:s0] =	ssyncadd.s32 @!p0 s1  }
0xb2: {  	[bflag:$0x3] =	sbarrier.arrive $0xFFFF  }
0xb3: {  	_ =	shalt  }

// kernel: kernel.20.cloned.1.call-start
scs
__scs_entry_jumppad:
0x0: {  	(pc) =	sbr.rel $0x88, $3  }
0x1: {  	(tag) =	ssettag $0x0;
	lr =	simm.s32 $0x1  }
0x2: {  	[smem:$0x3F9B] =	sst lr;
	_ =	strace $0xD0000000  }
0x3: {  	_ = 	snop  }
0x4: {  	_ = 	snop  }
0x5: {  	_ = 	snop  }
0x6: {  	_ = 	snop  }
0x7: {  	_ = 	snop  }
__scs_overlays_trampoline_lowered:
0x8: {  	[smem:$0x3FAA] =	sst s0  }
0x9: {  	[smem:$0x3FAB] =	sst s1  }
0xa: {  	[smem:$0x3FAC] =	sst s2  }
0xb: {  	[smem:$0x3FAD] =	sst s3  }
0xc: {  	[smem:$0x3FAE] =	sst s4  }
0xd: {  	[smem:$0x3FAF] =	sst s5  }
0xe: {  	[smem:$0x3FB0] =	sst s6  }
0xf: {  	[smem:$0x3FB1] =	sst s7  }
0x10: {  	[smem:$0x3FB2] =	sst s8  }
0x11: {  	[smem:$0x3FB3] =	sst s9;
	s0 =	simm.s32 @!p0 $0x0  }
0x12: {  	s1 =	sld [smem:$0x3F99];
	s0 =	simm.s32 @p0 $0x1  }
0x13: {  	[smem:$0x3FB4] =	sst s0;
	s0 =	simm.s32 @!p1 $0x0  }
0x14: {  	s2 =	sld [smem:$0x3F98];
	s0 =	simm.s32 @p1 $0x1  }
0x15: {  	[smem:$0x3FB5] =	sst s0;
	s0 =	simm.s32 @!p2 $0x0  }
0x16: {  	s3 =	sld [smem:$0x3FDB];
	s0 =	simm.s32 @p2 $0x1  }
0x17: {  	s4 =	simm.s32 $0x1BF5;
	[smem:$0x3FB7] =	sst s0  }
0x18: {  	s0 =	sld [smem:$0x3F9A];
	_ =	swait.ge [sflag:s4], $0x0  }
0x19: {  	s7 =	sld [smem:$0x3F9B]  }
0x1a: {  	s8 =	sadd.s32 $0xFFFFE003, lr  }
0x1b: {  	s9 =	sadd.s32 $0xFFFFFEF7, lr;
	s5 =	simm.s32 $0xFFFFFFFF;
	p2 =	slt.u32 s8, $0xFFFFF086  }
0x1c: {  	p1 =	slt.u32 s9, $0xF7A;
	s5 =	simm.s32 @!p2 $0x0  }
0x1d: {  	s5 =	simm.s32 @p1 $0x1;
	p0 =	seq.s32 s7, s2  }
0x1e: {  	s7 =	smul.u32 @!p0 $0xF7A, s2;
	p2 =	seq.s32 @!p0 s5, $0x0  }
0x1f: {  	s9 =	smul.u32 $0xF7A, s1;
	s8 =	simm.s32 @!p0 $0x1BF5;
	p2 =	por !p2, p0  }
0x20: {  	[sflag:s8] =	ssyncset.s32 @!p0 $0xFFFFF086;
	s6 =	sadd.s32 @!p0 s3, s7;
	s7 =	simm.s32 @!p0 $0x108  }
0x21: {  	s3 =	sadd.s32 s3, s9;
	s6 =	sadd.s32 @!p0 $0x88, s6;
	s7 =	simm.s32 @p2 $0x1082  }
0x22: {  	[simem:s7], [sflag:s8] =	dma.local @!p0 [hbm:s6], $0xF7A  }
0x23: {  	s9 =	sor.u32 $0xD0000000, s2;
	s6 =	simm.s32 $0x108;
	_ =	swait.ge @!p0 [sflag:s8], $0x0  }
0x24: {  	s3 =	sadd.s32 $0x88, s3;
	s6 =	simm.s32 @!p1 $0x1082;
	[sflag:s4] =	ssyncset.s32 $0xFFFFF086  }
0x25: {  	[simem:s6], [sflag:s4] =	dma.local [hbm:s3], $0xF7A  }
0x26: {  	[smem:$0x3F9B] =	sst s1;
	(tag) =	ssettag s2;
	_ =	strace s9  }
0x27: {  	s1 =	sld [smem:$0x3FAB]  }
0x28: {  	s2 =	sld [smem:$0x3FAC]  }
0x29: {  	s4 =	sld [smem:$0x3FAE]  }
0x2a: {  	p0 =	seq.s32 s5, $0x0;
	s5 =	sld [smem:$0x3FAF]  }
0x2b: {  	s6 =	sld [smem:$0x3FB0]  }
0x2c: {  	s7 =	sld [smem:$0x3FB1]  }
0x2d: {  	s3 =	simm.s32 $0x108;
	s8 =	sld [smem:$0x3FB2]  }
0x2e: {  	s3 =	simm.s32 @!p0 $0x1082;
	s9 =	sld [smem:$0x3FB3]  }
0x2f: {  	lr =	sadd.s32 s0, s3;
	s0 =	sld [smem:$0x3FAA]  }
0x30: {  	s3 =	sld [smem:$0x3FAD]  }
0x31: {  	[smem:$0x3FB6] =	sst s10  }
0x32: {  	s10 =	sld [smem:$0x3FB4];
	_ =	sdelay $0x3  }
0x33: {  	p0 =	seq.s32 s10, $0x1;
	s10 =	sld [smem:$0x3FB6];
	_ =	sdelay $0x3  }
0x34: {  	[smem:$0x3FB6] =	sst s10  }
0x35: {  	s10 =	sld [smem:$0x3FB5];
	_ =	sdelay $0x3  }
0x36: {  	p1 =	seq.s32 s10, $0x1;
	s10 =	sld [smem:$0x3FB6];
	_ =	sdelay $0x3  }
0x37: {  	[smem:$0x3FB6] =	sst s10  }
0x38: {  	s10 =	sld [smem:$0x3FB7]  }
0x39: {  	_ = 	snop;
	(pc) =	sbr.ind lr, $3  }
0x3a: {  	_ = 	snop  }
0x3b: {  	_ = 	snop  }
0x3c: {  	p2 =	seq.s32 s10, $0x1;
	s10 =	sld [smem:$0x3FB6]  }
0x3d: {  	_ =	shalt  }
0x3e: {  	_ =	shalt  }
0x3f: {  	_ =	shalt  }
0x40: {  	_ =	shalt  }
0x41: {  	_ =	shalt  }
0x42: {  	_ =	shalt  }
0x43: {  	_ =	shalt  }
0x44: {  	_ =	shalt  }
0x45: {  	_ =	shalt  }
0x46: {  	_ =	shalt  }
0x47: {  	_ =	shalt  }
0x48: {  	_ =	shalt  }
0x49: {  	_ =	shalt  }
0x4a: {  	_ =	shalt  }
0x4b: {  	_ =	shalt  }
0x4c: {  	_ =	shalt  }
0x4d: {  	_ =	shalt  }
0x4e: {  	_ =	shalt  }
0x4f: {  	_ =	shalt  }
0x50: {  	_ =	shalt  }
0x51: {  	_ =	shalt  }
0x52: {  	_ =	shalt  }
0x53: {  	_ =	shalt  }
0x54: {  	_ =	shalt  }
0x55: {  	_ =	shalt  }
0x56: {  	_ =	shalt  }
0x57: {  	_ =	shalt  }
0x58: {  	_ =	shalt  }
0x59: {  	_ =	shalt  }
0x5a: {  	_ =	shalt  }
0x5b: {  	_ =	shalt  }
0x5c: {  	_ =	shalt  }
0x5d: {  	_ =	shalt  }
0x5e: {  	_ =	shalt  }
0x5f: {  	_ =	shalt  }
0x60: {  	_ =	shalt  }
0x61: {  	_ =	shalt  }
0x62: {  	_ =	shalt  }
0x63: {  	_ =	shalt  }
0x64: {  	_ =	shalt  }
0x65: {  	_ =	shalt  }
0x66: {  	_ =	shalt  }
0x67: {  	_ =	shalt  }
0x68: {  	_ =	shalt  }
0x69: {  	_ =	shalt  }
0x6a: {  	_ =	shalt  }
0x6b: {  	_ =	shalt  }
0x6c: {  	_ =	shalt  }
0x6d: {  	_ =	shalt  }
0x6e: {  	_ =	shalt  }
0x6f: {  	_ =	shalt  }
0x70: {  	_ =	shalt  }
0x71: {  	_ =	shalt  }
0x72: {  	_ =	shalt  }
0x73: {  	_ =	shalt  }
0x74: {  	_ =	shalt  }
0x75: {  	_ =	shalt  }
0x76: {  	_ =	shalt  }
0x77: {  	_ =	shalt  }
0x78: {  	_ =	shalt  }
0x79: {  	_ =	shalt  }
0x7a: {  	_ =	shalt  }
0x7b: {  	_ =	shalt  }
0x7c: {  	_ =	shalt  }
0x7d: {  	_ =	shalt  }
0x7e: {  	_ =	shalt  }
0x7f: {  	_ =	shalt  }
0x80: {  	_ =	shalt  }
0x81: {  	_ =	shalt  }
0x82: {  	_ =	shalt  }
0x83: {  	_ =	shalt  }
0x84: {  	_ =	shalt  }
0x85: {  	_ =	shalt  }
0x86: {  	_ =	shalt  }
0x87: {  	_ =	shalt  }
.Lfunc_end0:
.L_simem_size_0:
called_computation.3_lowered:
.L_overlay_start_0:
0x88: {  	s2 =	sld [smem:$0x3FD9]  }
0x89: {  	s3 =	sld [smem:$0x3FFE];
	_ =	sdelay $0x1  }
0x8a: {  	s1 =	srdreg.scid  }
0x8b: {  	s0 =	sand.u32 $0x1, s1  }
0x8c: {  	s17 =	sshll.u32 s0, $0xA;
	s2 =	sadd.s32 s3, s2  }
0x8d: {  	s2 =	sadd.s32 s2, s17  }
0x8e: {  	[smem:$0x3FC2] =	sst s2  }
0x8f: {  	_ = 	snop  }
0x90: {  	s2 =	sld [smem:$0x3FD0];
	(tm) =	ssettm $0x1  }
0x91: {  	s18 =	sld [smem:$0x3FFB];
	_ =	sdelay $0x3  }
0x92: {  	_ =	strace s18  }
0x93: {  	s3 =	sld [smem:$0x3FFC];
	_ =	sdelay $0x3  }
0x94: {  	_ =	strace s3  }
0x95: {  	s3 =	sld [smem:$0x3FFD];
	_ =	sdelay $0x3  }
0x96: {  	_ =	strace s3  }
0x97: {  	_ =	strace $0x8FFFFFFF  }
0x98: {  	s19 =	sld [smem:$0x3FDB];
	_ =	sdelay $0x1  }
0x99: {  	s4 =	simm.s32 $_scs_section_size  }
0x9a: {  	s5 =	simm.s32 $_size__tile_overlayer_lowered;
	s6 =	simm.s32 $_tile_overlayer_lowered  }
0x9b: {  	s22 =	simm.s32 $0x1BFF;
	s21 =	sshll.u32 s6, $0x1;
	s3 =	sadd.s32 s4, s19  }
0x9c: {  	s7 =	simm.s32 $0x0;
	s20 =	sshll.u32 s5, $0x1;
	s5 =	sadd.s32 s21, s3  }
0x9d: {  	[timem:s7], [sflag:s22] =	dma.local [hbm:s5], s20  }
0x9e: {  	_ =	swait.ge [sflag:s22], s20  }
0x9f: {  	s4 =	ssub.s32 $0x0, s20;
	[sflag:s22] =	ssyncset.done $0x0  }
0xa0: {  	[sflag:s22] =	ssyncadd.s32 s4;
	_ =	sdelay $0x1  }
0xa1: {  	s23 =	simm.s32 $0x1B8B  }
0xa2: {  	_ =	swait.ge [sflag:s23], $0x1  }
0xa3: {  	[sflag:s23] =	ssyncset.done $0x0  }
0xa4: {  	s25 =	simm.s32 $0x1B8E;
	s24 =	sld [smem:$0x3FFE];
	[sflag:s23] =	ssyncadd.s32 $0xFFFFFFFF  }
0xa5: {  	s26 =	simm.s32 $execute0_lowered;
	[smem:$0x3FD2] =	sst s25  }
0xa6: {  	s5 =	sshll.u32 s26, $0x1;
	_ =	strace $0x8000004C;
	[dreg:$0x1] =	wrdreg $0xFFFFFFFF  }
0xa7: {  	s28 =	simm.s32 $_size_execute0_lowered;
	s3 =	sadd.s32 s3, s5;
	[dreg:$0x0] =	wrdreg $0x0  }
0xa8: {  	s5 =	sshll.u32 s28, $0x1;
	[dreg:$0x2] =	wrdreg s3  }
0xa9: {  	[dreg:$0x3] =	wrdreg s5  }
0xaa: {  	[dreg:$0x4] =	wrdreg $0xC0  }
0xab: {  	_ =	task [dreg:s7], $0x5FFFF  }
0xac: {  	[dreg:$0x1] =	wrdreg $0xFFFFFFFF  }
0xad: {  	[dreg:$0x0] =	wrdreg $0x60  }
0xae: {  	[dreg:$0x2] =	wrdreg s2  }
0xaf: {  	[dreg:$0x3] =	wrdreg s24  }
0xb0: {  	[dreg:$0x4] =	wrdreg $0x148000  }
0xb1: {  	[dreg:$0x5] =	wrdreg $0xA  }
0xb2: {  	_ =	task.clear_ibuf [dreg:s7], $0x6FFFF;
	_ =	strace $0x9000004C  }
0xb3: {  	s29 =	simm.s32 $0xA;
	_ =	strace $0x8000004E  }
0xb4: {  	_ =	swait.ge [sflag:s29], $0x1  }
0xb5: {  	[sflag:s29] =	ssyncadd.s32 $0xFFFFFFFF  }
0xb6: {  	_ =	strace $0x9000004E  }
0xb7: {  	_ =	sfence  }
0xb8: {  	s30 =	sld [smem:$0x0];
	_ =	sdelay $0x2  }
0xb9: {  	s31 =	sshll.u32 s1, $0xD;
	s1 =	sshrl.u32 s1, $0x2  }
0xba: {  	s3 =	sand.u32 $0x4000, s31;
	s1 =	sadd.s32 s1, s30  }
0xbb: {  	s0 =	sor.u32 s3, s0;
	s1 =	sshll.u32 s1, $0x11  }
0xbc: {  	s0 =	sor.u32 s1, s0  }
0xbd: {  	s0 =	sadd.s32 $0x8F2B, s0  }
0xbe: {  	[sflag:s0] =	ssyncadd.remote.s32 $0x1  }
0xbf: {  	_ =	sfence.sel $0xFFFF  }
0xc0: {  	[dreg:$0x0] =	wrdreg $0xFFFFFFFF;
	(pc) =	sbr.abs _section_cstart, $3  }
0xc1: {  	[dreg:$0x1] =	wrdreg $0xFFFFFFFF  }
0xc2: {  	_ =	task.clear_ibuf [dreg:s7], $0x2FFFF;
	_ =	strace $0x9FFFFFFF  }
0xc3: {  	(tm) =	ssettm $0x7FFFFFFF  }
tec
execute0_lowered:
.L_overlay_start_1:
0x0: {  	(tag) =	ssettag $0x1  }
0x1: {  	s1 =	rddreg [dreg:$0x0]  }
0x2: {  	s0 =	rddreg [dreg:$0x1]  }
0x3: {  	s2 =	rddreg [dreg:$0x2];
	s4 =	simm.s32 $0x0  }
0x4: {  	s3 =	srdreg.scid;
	s11 =	stileid.u32;
	s13 =	simm.s32 $0x50  }
0x5: {  	s14 =	simm.s32 $0x8000;
	s16 =	simm.s32 $0xA800;
	s18 =	simm.s32 $0xD000  }
0x6: {  	s20 =	simm.s32 $0xF800;
	s22 =	simm.s32 $0x12000;
	s23 =	simm.s32 $0x1  }
0x7: {  	s28 =	simm.s32 $0x4;
	s29 =	simm.s32 $0x5;
	s30 =	simm.s32 $0x7C00  }
0x8: {  	s31 =	simm.s32 $0x7C80;
	[smem:$0x7FF] =	sst s4;
	s24 =	smul.u32 $0x28000, s11  }
0x9: {  	s3 =	sand.u32 $0x1, s3;
	s5 =	sshll.u32 s11, $0xC;
	s15 =	smul.u32 $0x1400, s11  }
0xa: {  	s26 =	sshll.u32 s11, $0x6;
	_ =	strace $0x8000004D;
	s6 =	sshll.u32 s3, $0xB  }
0xb: {  	s7 =	smul.u32 $0x14000, s3;
	s3 =	ssub.s32 $0x2, s3;
	s11 =	sor.u32 $0x1C06, s26  }
0xc: {  	s26 =	simm.s32 $0x3;
	s5 =	sor.u32 s6, s5;
	s9 =	sshrl.u32 s3, $0x1  }
0xd: {  	s25 =	sshrl.u32 s24, $0x2;
	s8 =	sadd.s32 s5, s0;
	s5 =	sadd.s32 $0x23C00, s0  }
0xe: {  	s0 =	sadd.s32 s7, s0;
	s3 =	ssub.s32 s3, s9;
	s10 =	sadd.s32 s25, s2  }
0xf: {  	s9 =	simm.s32 $0x6;
	s25 =	simm.s32 $0x2;
	s6 =	sadd.s32 $0x85000, s8  }
0x10: {  	s7 =	sadd.s32 $0x3C00, s8;
	s0 =	sadd.s32 $0x25000, s0;
	s8 =	smax.u32 s3, $0x1  }
0x11: {  	s12 =	sshrl.u32 s10, $0x3;
	s3 =	simm.s32 $0x7D80;
	s10 =	simm.s32 $0x7E00  }
0x12: {  	s24 =	sadd.s32 s15, s0;
	s0 =	simm.s32 $0x7D00;
	s15 =	simm.s32 $0x0  }
.LBB2_1:
0x13: {  	[tilespmem:s4], [sflag:$0x6] =	stream.linear.gather [hbm4b:s6+s4], $0x3E80, $0x38;
	[tilespmem:$0x1E800] =	vst v63  }
0x14: {  	_ =	swait.ge [sflag:s9], $0x3E80  }
0x15: {  	[sflag:s9] =	ssyncset.done $0x0  }
0x16: {  	s17 =	simm.s32 $0x4000;
	[sflag:s9] =	ssyncadd.s32 $0xFFFFC180  }
0x17: {  	[tilespmem:s17], [sflag:$0x6] =	stream.linear.gather [hbm4b:s7+s4], $0x3E80, $0x38;
	[tilespmem:$0x1E800] =	vst v63  }
0x18: {  	_ =	swait.ge [sflag:s9], $0x3E80  }
0x19: {  	[sflag:s9] =	ssyncset.done $0x0  }
0x1a: {  	[sflag:s9] =	ssyncadd.s32 $0xFFFFC180  }
0x1b: {  	[spmem:s12], [sflag:s11] =	dma.local [hbm:s5], $0x1400  }
0x1c: {  	_ =	swait.ge [sflag:s9], $0x1400  }
0x1d: {  	[sflag:s9] =	ssyncset.done $0x0  }
0x1e: {  	[sflag:s9] =	ssyncadd.s32 $0xFFFFEC00  }
0x1f: {  	[bflag:$0x0] =	sbarrier.arrive $0xFFFF  }
0x20: {  	[tilespmem:s14], [sflag:$0x1] =	stream.indirect.gather [hbm4b:s1+s13], $0x80, s4, s13, $0xb8;
	[tilespmem:$0x1E800] =	vst v63  }
0x21: {  	s21 =	simm.s32 $0x80  }
0x22: {  	[tilespmem:s16], [sflag:$0x2] =	stream.indirect.gather [hbm4b:s1+s13], $0x80, s21, s13, $0xb8;
	[tilespmem:$0x1E800] =	vst v63  }
0x23: {  	s19 =	simm.s32 $0x100  }
0x24: {  	[tilespmem:s18], [sflag:$0x3] =	stream.indirect.gather [hbm4b:s1+s13], $0x80, s19, s13, $0xb8;
	[tilespmem:$0x1E800] =	vst v63  }
0x25: {  	s21 =	simm.s32 $0x180  }
0x26: {  	[tilespmem:s20], [sflag:$0x4] =	stream.indirect.gather [hbm4b:s1+s13], $0x80, s21, s13, $0xb8;
	[tilespmem:$0x1E800] =	vst v63  }
0x27: {  	s19 =	simm.s32 $0x200  }
0x28: {  	[tilespmem:s22], [sflag:$0x5] =	stream.indirect.gather [hbm4b:s1+s13], $0x80, s19, s13, $0xb8;
	[tilespmem:$0x1E800] =	vst v63  }
0x29: {  	_ =	swait.ge [sflag:s23], $0x2800  }
0x2a: {  	[sflag:s23] =	ssyncset.done $0x0  }
0x2b: {  	s21 =	simm.s32 $0x4000;
	[sflag:s23] =	ssyncadd.s32 $0xFFFFD800  }
0x2c: {  	[spmem:s2] =	stream.indirect.scatter.add.f32 [tilespmem:s14], [sflag:$0x6], $0x80, s21, s13, $0xb8;
	[tilespmem:$0x1E800] =	vst v63  }
0x2d: {  	_ =	swait.ge [sflag:s9], $0x2800  }
0x2e: {  	[sflag:s9] =	ssyncset.done $0x0  }
0x2f: {  	s19 =	simm.s32 $0x280;
	[sflag:s9] =	ssyncadd.s32 $0xFFFFD800  }
0x30: {  	[tilespmem:s14], [sflag:$0x1] =	stream.indirect.gather [hbm4b:s1+s13], $0x80, s19, s13, $0xb8;
	[tilespmem:$0x1E800] =	vst v63  }
0x31: {  	_ =	swait.ge [sflag:s25], $0x2800  }
0x32: {  	[sflag:s25] =	ssyncset.done $0x0  }
0x33: {  	s21 =	simm.s32 $0x4080;
	[sflag:s25] =	ssyncadd.s32 $0xFFFFD800  }
0x34: {  	[spmem:s2] =	stream.indirect.scatter.add.f32 [tilespmem:s16], [sflag:$0x6], $0x80, s21, s13, $0xb8;
	[tilespmem:$0x1E800] =	vst v63  }
0x35: {  	_ =	swait.ge [sflag:s9], $0x2800  }
0x36: {  	[sflag:s9] =	ssyncset.done $0x0  }
0x37: {  	s19 =	simm.s32 $0x300;
	[sflag:s9] =	ssyncadd.s32 $0xFFFFD800  }
0x38: {  	[tilespmem:s16], [sflag:$0x2] =	stream.indirect.gather [hbm4b:s1+s13], $0x80, s19, s13, $0xb8;
	[tilespmem:$0x1E800] =	vst v63  }
0x39: {  	_ =	swait.ge [sflag:s26], $0x2800  }
0x3a: {  	[sflag:s26] =	ssyncset.done $0x0  }
0x3b: {  	s21 =	simm.s32 $0x4100;
	[sflag:s26] =	ssyncadd.s32 $0xFFFFD800  }
0x3c: {  	[spmem:s2] =	stream.indirect.scatter.add.f32 [tilespmem:s18], [sflag:$0x6], $0x80, s21, s13, $0xb8;
	[tilespmem:$0x1E800] =	vst v63  }
0x3d: {  	_ =	swait.ge [sflag:s9], $0x2800  }
0x3e: {  	[sflag:s9] =	ssyncset.done $0x0  }
0x3f: {  	s19 =	simm.s32 $0x380;
	[sflag:s9] =	ssyncadd.s32 $0xFFFFD800  }
0x40: {  	[tilespmem:s18], [sflag:$0x3] =	stream.indirect.gather [hbm4b:s1+s13], $0x80, s19, s13, $0xb8;
	[tilespmem:$0x1E800] =	vst v63  }
0x41: {  	_ =	swait.ge [sflag:s28], $0x2800  }
0x42: {  	[sflag:s28] =	ssyncset.done $0x0  }
0x43: {  	s21 =	simm.s32 $0x4180;
	[sflag:s28] =	ssyncadd.s32 $0xFFFFD800  }
0x44: {  	[spmem:s2] =	stream.indirect.scatter.add.f32 [tilespmem:s20], [sflag:$0x6], $0x80, s21, s13, $0xb8;
	[tilespmem:$0x1E800] =	vst v63  }
0x45: {  	_ =	swait.ge [sflag:s9], $0x2800  }
0x46: {  	[sflag:s9] =	ssyncset.done $0x0  }
0x47: {  	s19 =	simm.s32 $0x400;
	[sflag:s9] =	ssyncadd.s32 $0xFFFFD800  }
0x48: {  	[tilespmem:s20], [sflag:$0x4] =	stream.indirect.gather [hbm4b:s1+s13], $0x80, s19, s13, $0xb8;
	[tilespmem:$0x1E800] =	vst v63  }
0x49: {  	_ =	swait.ge [sflag:s29], $0x2800  }
0x4a: {  	[sflag:s29] =	ssyncset.done $0x0  }
0x4b: {  	s21 =	simm.s32 $0x4200;
	[sflag:s29] =	ssyncadd.s32 $0xFFFFD800  }
0x4c: {  	[spmem:s2] =	stream.indirect.scatter.add.f32 [tilespmem:s22], [sflag:$0x6], $0x80, s21, s13, $0xb8;
	[tilespmem:$0x1E800] =	vst v63  }
0x4d: {  	_ =	swait.ge [sflag:s9], $0x2800  }
0x4e: {  	[sflag:s9] =	ssyncset.done $0x0  }
0x4f: {  	s17 =	simm.s32 $0xA00;
	s19 =	simm.s32 $0x480;
	[sflag:s9] =	ssyncadd.s32 $0xFFFFD800  }
.LBB2_2:
0x50: {  	[tilespmem:s22], [sflag:$0x5] =	stream.indirect.gather [hbm4b:s1+s13], $0x80, s19, s13, $0xb8;
	[tilespmem:$0x1E800] =	vst v63  }
0x51: {  	s19 =	smov.u32 s17  }
0x52: {  	p0 =	sne.s32 s17, $0xE600;
	s17 =	sadd.s32 $0xA00, s17;
	_ =	swait.ge [sflag:s23], $0x2800  }
0x53: {  	s19 =	sshra.s32 s19, $0x2;
	[sflag:s23] =	ssyncset.done $0x0  }
0x54: {  	s21 =	sadd.s32 $0x4000, s19;
	[sflag:s23] =	ssyncadd.s32 $0xFFFFD800  }
0x55: {  	[spmem:s2] =	stream.indirect.scatter.add.f32 [tilespmem:s14], [sflag:$0x6], $0x80, s21, s13, $0xb8;
	[tilespmem:$0x1E800] =	vst v63  }
0x56: {  	_ =	swait.ge [sflag:s9], $0x2800  }
0x57: {  	[sflag:s9] =	ssyncset.done $0x0  }
0x58: {  	s21 =	sadd.s32 $0x280, s19;
	[sflag:s9] =	ssyncadd.s32 $0xFFFFD800  }
0x59: {  	[tilespmem:s14], [sflag:$0x1] =	stream.indirect.gather [hbm4b:s1+s13], $0x80, s21, s13, $0xb8;
	[tilespmem:$0x1E800] =	vst v63  }
0x5a: {  	_ =	swait.ge [sflag:s25], $0x2800  }
0x5b: {  	[sflag:s25] =	ssyncset.done $0x0  }
0x5c: {  	s21 =	sadd.s32 $0x4080, s19;
	[sflag:s25] =	ssyncadd.s32 $0xFFFFD800  }
0x5d: {  	[spmem:s2] =	stream.indirect.scatter.add.f32 [tilespmem:s16], [sflag:$0x6], $0x80, s21, s13, $0xb8;
	[tilespmem:$0x1E800] =	vst v63  }
0x5e: {  	_ =	swait.ge [sflag:s9], $0x2800  }
0x5f: {  	[sflag:s9] =	ssyncset.done $0x0  }
0x60: {  	s21 =	sadd.s32 $0x300, s19;
	[sflag:s9] =	ssyncadd.s32 $0xFFFFD800  }
0x61: {  	[tilespmem:s16], [sflag:$0x2] =	stream.indirect.gather [hbm4b:s1+s13], $0x80, s21, s13, $0xb8;
	[tilespmem:$0x1E800] =	vst v63  }
0x62: {  	_ =	swait.ge [sflag:s26], $0x2800  }
0x63: {  	[sflag:s26] =	ssyncset.done $0x0  }
0x64: {  	s21 =	sadd.s32 $0x4100, s19;
	[sflag:s26] =	ssyncadd.s32 $0xFFFFD800  }
0x65: {  	[spmem:s2] =	stream.indirect.scatter.add.f32 [tilespmem:s18], [sflag:$0x6], $0x80, s21, s13, $0xb8;
	[tilespmem:$0x1E800] =	vst v63  }
0x66: {  	_ =	swait.ge [sflag:s9], $0x2800  }
0x67: {  	[sflag:s9] =	ssyncset.done $0x0  }
0x68: {  	s21 =	sadd.s32 $0x380, s19;
	[sflag:s9] =	ssyncadd.s32 $0xFFFFD800  }
0x69: {  	[tilespmem:s18], [sflag:$0x3] =	stream.indirect.gather [hbm4b:s1+s13], $0x80, s21, s13, $0xb8;
	[tilespmem:$0x1E800] =	vst v63  }
0x6a: {  	_ =	swait.ge [sflag:s28], $0x2800  }
0x6b: {  	[sflag:s28] =	ssyncset.done $0x0  }
0x6c: {  	s21 =	sadd.s32 $0x4180, s19;
	[sflag:s28] =	ssyncadd.s32 $0xFFFFD800  }
0x6d: {  	[spmem:s2] =	stream.indirect.scatter.add.f32 [tilespmem:s20], [sflag:$0x6], $0x80, s21, s13, $0xb8;
	[tilespmem:$0x1E800] =	vst v63  }
0x6e: {  	_ =	swait.ge [sflag:s9], $0x2800  }
0x6f: {  	[sflag:s9] =	ssyncset.done $0x0  }
0x70: {  	s21 =	sadd.s32 $0x400, s19;
	[sflag:s9] =	ssyncadd.s32 $0xFFFFD800  }
0x71: {  	[tilespmem:s20], [sflag:$0x4] =	stream.indirect.gather [hbm4b:s1+s13], $0x80, s21, s13, $0xb8;
	[tilespmem:$0x1E800] =	vst v63  }
0x72: {  	_ =	swait.ge [sflag:s29], $0x2800  }
0x73: {  	[sflag:s29] =	ssyncset.done $0x0  }
.Ltmp0:
0x74: {  	s21 =	sadd.s32 $0x4200, s19;
	[sflag:s29] =	ssyncadd.s32 $0xFFFFD800;
	(pc) =	sbr.rel @p0 .LBB2_2-.Ltmp0, $4  }
0x75: {  	[spmem:s2] =	stream.indirect.scatter.add.f32 [tilespmem:s22], [sflag:$0x6], $0x80, s21, s13, $0xb8;
	[tilespmem:$0x1E800] =	vst v63  }
0x76: {  	_ =	swait.ge [sflag:s9], $0x2800  }
0x77: {  	[sflag:s9] =	ssyncset.done $0x0  }
0x78: {  	s19 =	sadd.s32 $0x480, s19;
	[sflag:s9] =	ssyncadd.s32 $0xFFFFD800  }
0x79: {  	[tilespmem:s22], [sflag:$0x5] =	stream.indirect.gather [hbm4b:s1+s13], $0x80, s19, s13, $0xb8;
	[tilespmem:$0x1E800] =	vst v63  }
0x7a: {  	_ =	swait.ge [sflag:s23], $0x2800  }
0x7b: {  	[sflag:s23] =	ssyncset.done $0x0  }
0x7c: {  	[sflag:s23] =	ssyncadd.s32 $0xFFFFD800  }
0x7d: {  	[spmem:s2] =	stream.indirect.scatter.add.f32 [tilespmem:s14], [sflag:$0x6], $0x80, s30, s13, $0xb8;
	[tilespmem:$0x1E800] =	vst v63  }
0x7e: {  	_ =	swait.ge [sflag:s9], $0x2800  }
0x7f: {  	[sflag:s9] =	ssyncset.done $0x0  }
0x80: {  	[sflag:s9] =	ssyncadd.s32 $0xFFFFD800  }
0x81: {  	_ =	swait.ge [sflag:s25], $0x2800  }
0x82: {  	[sflag:s25] =	ssyncset.done $0x0  }
0x83: {  	[sflag:s25] =	ssyncadd.s32 $0xFFFFD800  }
0x84: {  	[spmem:s2] =	stream.indirect.scatter.add.f32 [tilespmem:s16], [sflag:$0x6], $0x80, s31, s13, $0xb8;
	[tilespmem:$0x1E800] =	vst v63  }
0x85: {  	_ =	swait.ge [sflag:s9], $0x2800  }
0x86: {  	[sflag:s9] =	ssyncset.done $0x0  }
0x87: {  	[sflag:s9] =	ssyncadd.s32 $0xFFFFD800  }
0x88: {  	_ =	swait.ge [sflag:s26], $0x2800  }
0x89: {  	[sflag:s26] =	ssyncset.done $0x0  }
0x8a: {  	[sflag:s26] =	ssyncadd.s32 $0xFFFFD800  }
0x8b: {  	[spmem:s2] =	stream.indirect.scatter.add.f32 [tilespmem:s18], [sflag:$0x6], $0x80, s0, s13, $0xb8;
	[tilespmem:$0x1E800] =	vst v63  }
0x8c: {  	_ =	swait.ge [sflag:s9], $0x2800  }
0x8d: {  	[sflag:s9] =	ssyncset.done $0x0  }
0x8e: {  	[sflag:s9] =	ssyncadd.s32 $0xFFFFD800  }
0x8f: {  	_ =	swait.ge [sflag:s28], $0x2800  }
0x90: {  	[sflag:s28] =	ssyncset.done $0x0  }
0x91: {  	[sflag:s28] =	ssyncadd.s32 $0xFFFFD800  }
0x92: {  	[spmem:s2] =	stream.indirect.scatter.add.f32 [tilespmem:s20], [sflag:$0x6], $0x80, s3, s13, $0xb8;
	[tilespmem:$0x1E800] =	vst v63  }
0x93: {  	_ =	swait.ge [sflag:s9], $0x2800  }
0x94: {  	[sflag:s9] =	ssyncset.done $0x0  }
0x95: {  	[sflag:s9] =	ssyncadd.s32 $0xFFFFD800  }
0x96: {  	_ =	swait.ge [sflag:s29], $0x2800  }
0x97: {  	[sflag:s29] =	ssyncset.done $0x0  }
0x98: {  	[sflag:s29] =	ssyncadd.s32 $0xFFFFD800  }
0x99: {  	[spmem:s2] =	stream.indirect.scatter.add.f32 [tilespmem:s22], [sflag:$0x6], $0x80, s10, s13, $0xb8;
	[tilespmem:$0x1E800] =	vst v63  }
0x9a: {  	_ =	swait.ge [sflag:s9], $0x2800  }
0x9b: {  	s15 =	sadd.s32 $0x1, s15;
	[sflag:s9] =	ssyncset.done $0x0  }
0x9c: {  	p0 =	sne.s32 s15, s8;
	[sflag:s9] =	ssyncadd.s32 $0xFFFFD800  }
.Ltmp1:
0x9d: {  	[bflag:$0x0] =	sbarrier.arrive $0xFFFF;
	(pc) =	sbr.rel @p0 .LBB2_1-.Ltmp1, $4  }
0x9e: {  	[hbm:s24], [sflag:s11] =	dma.local [spmem:s12], $0x1400  }
0x9f: {  	_ =	swait.ge [sflag:s9], $0x1400  }
0xa0: {  	[sflag:s9] =	ssyncset.done $0x0  }
0xa1: {  	[sflag:s9] =	ssyncadd.s32 $0xFFFFEC00  }
0xa2: {  	_ =	sfence.sel $0x180000  }
0xa3: {  	[bflag:$0x0] =	sbarrier.arrive $0xFFFF  }
0xa4: {  	_ =	strace $0x9000004D  }
0xa5: {  	s0 =	stileid.u32;
	[bflag:$0x2] =	sbarrier.arrive $0xFFFF  }
0xa6: {  	p0 =	sne.s32 s0, $0x0;
	s0 =	rddreg [dreg:$0x3]  }
0xa7: {  	s0 =	sadd.s32 @!p0 $0x100000, s0  }
0xa8: {  	[sflag:s0] =	ssyncadd.tile.s32 @!p0 $0x1;
	_ =	shalt  }
.Lfunc_end2:
_tile_overlayer_lowered:
.L_overlay_start_2:
0xa9: {  	(tag) =	ssettag $0x2  }
0xaa: {  	s0 =	rddreg [dreg:$0x0];
	s2 =	stileid.u32  }
0xab: {  	s1 =	rddreg [dreg:$0x1];
	p0 =	sne.s32 s2, $0x0  }
0xac: {  	s3 =	rddreg [dreg:$0x2];
	[bflag:$0x3] =	sbarrier.arrive $0xFFFF;
	s2 =	simm.s32 @!p0 $0x1C06  }
0xad: {  	[timem:s3], [sflag:s2] =	dma.local @!p0 [hbm:s0], s1  }
0xae: {  	s0 =	simm.s32 @!p0 $0x6  }
0xaf: {  	_ =	swait.ge @!p0 [sflag:s0], s1  }
0xb0: {  	s1 =	ssub.s32 @!p0 $0x0, s1;
	[sflag:s0] =	ssyncset.done @!p0 $0x0  }
0xb1: {  	[sflag:s0] =	ssyncadd.s32 @!p0 s1  }
0xb2: {  	[bflag:$0x3] =	sbarrier.arrive $0xFFFF  }
0xb3: {  	_ =	shalt  }

// kernel: kernel.23.cloned.1.call-start
scs
__scs_entry_jumppad:
0x0: {  	(pc) =	sbr.rel $0x88, $3  }
0x1: {  	(tag) =	ssettag $0x0;
	lr =	simm.s32 $0x1  }
0x2: {  	[smem:$0x3F9B] =	sst lr;
	_ =	strace $0xD0000000  }
0x3: {  	_ = 	snop  }
0x4: {  	_ = 	snop  }
0x5: {  	_ = 	snop  }
0x6: {  	_ = 	snop  }
0x7: {  	_ = 	snop  }
__scs_overlays_trampoline_lowered:
0x8: {  	[smem:$0x3FAA] =	sst s0  }
0x9: {  	[smem:$0x3FAB] =	sst s1  }
0xa: {  	[smem:$0x3FAC] =	sst s2  }
0xb: {  	[smem:$0x3FAD] =	sst s3  }
0xc: {  	[smem:$0x3FAE] =	sst s4  }
0xd: {  	[smem:$0x3FAF] =	sst s5  }
0xe: {  	[smem:$0x3FB0] =	sst s6  }
0xf: {  	[smem:$0x3FB1] =	sst s7  }
0x10: {  	[smem:$0x3FB2] =	sst s8  }
0x11: {  	[smem:$0x3FB3] =	sst s9;
	s0 =	simm.s32 @!p0 $0x0  }
0x12: {  	s1 =	sld [smem:$0x3F99];
	s0 =	simm.s32 @p0 $0x1  }
0x13: {  	[smem:$0x3FB4] =	sst s0;
	s0 =	simm.s32 @!p1 $0x0  }
0x14: {  	s2 =	sld [smem:$0x3F98];
	s0 =	simm.s32 @p1 $0x1  }
0x15: {  	[smem:$0x3FB5] =	sst s0;
	s0 =	simm.s32 @!p2 $0x0  }
0x16: {  	s3 =	sld [smem:$0x3FDB];
	s0 =	simm.s32 @p2 $0x1  }
0x17: {  	s4 =	simm.s32 $0x1BF5;
	[smem:$0x3FB7] =	sst s0  }
0x18: {  	s0 =	sld [smem:$0x3F9A];
	_ =	swait.ge [sflag:s4], $0x0  }
0x19: {  	s7 =	sld [smem:$0x3F9B]  }
0x1a: {  	s8 =	sadd.s32 $0xFFFFE003, lr  }
0x1b: {  	s9 =	sadd.s32 $0xFFFFFEF7, lr;
	s5 =	simm.s32 $0xFFFFFFFF;
	p2 =	slt.u32 s8, $0xFFFFF086  }
0x1c: {  	p1 =	slt.u32 s9, $0xF7A;
	s5 =	simm.s32 @!p2 $0x0  }
0x1d: {  	s5 =	simm.s32 @p1 $0x1;
	p0 =	seq.s32 s7, s2  }
0x1e: {  	s7 =	smul.u32 @!p0 $0xF7A, s2;
	p2 =	seq.s32 @!p0 s5, $0x0  }
0x1f: {  	s9 =	smul.u32 $0xF7A, s1;
	s8 =	simm.s32 @!p0 $0x1BF5;
	p2 =	por !p2, p0  }
0x20: {  	[sflag:s8] =	ssyncset.s32 @!p0 $0xFFFFF086;
	s6 =	sadd.s32 @!p0 s3, s7;
	s7 =	simm.s32 @!p0 $0x108  }
0x21: {  	s3 =	sadd.s32 s3, s9;
	s6 =	sadd.s32 @!p0 $0x88, s6;
	s7 =	simm.s32 @p2 $0x1082  }
0x22: {  	[simem:s7], [sflag:s8] =	dma.local @!p0 [hbm:s6], $0xF7A  }
0x23: {  	s9 =	sor.u32 $0xD0000000, s2;
	s6 =	simm.s32 $0x108;
	_ =	swait.ge @!p0 [sflag:s8], $0x0  }
0x24: {  	s3 =	sadd.s32 $0x88, s3;
	s6 =	simm.s32 @!p1 $0x1082;
	[sflag:s4] =	ssyncset.s32 $0xFFFFF086  }
0x25: {  	[simem:s6], [sflag:s4] =	dma.local [hbm:s3], $0xF7A  }
0x26: {  	[smem:$0x3F9B] =	sst s1;
	(tag) =	ssettag s2;
	_ =	strace s9  }
0x27: {  	s1 =	sld [smem:$0x3FAB]  }
0x28: {  	s2 =	sld [smem:$0x3FAC]  }
0x29: {  	s4 =	sld [smem:$0x3FAE]  }
0x2a: {  	p0 =	seq.s32 s5, $0x0;
	s5 =	sld [smem:$0x3FAF]  }
0x2b: {  	s6 =	sld [smem:$0x3FB0]  }
0x2c: {  	s7 =	sld [smem:$0x3FB1]  }
0x2d: {  	s3 =	simm.s32 $0x108;
	s8 =	sld [smem:$0x3FB2]  }
0x2e: {  	s3 =	simm.s32 @!p0 $0x1082;
	s9 =	sld [smem:$0x3FB3]  }
0x2f: {  	lr =	sadd.s32 s0, s3;
	s0 =	sld [smem:$0x3FAA]  }
0x30: {  	s3 =	sld [smem:$0x3FAD]  }
0x31: {  	[smem:$0x3FB6] =	sst s10  }
0x32: {  	s10 =	sld [smem:$0x3FB4];
	_ =	sdelay $0x3  }
0x33: {  	p0 =	seq.s32 s10, $0x1;
	s10 =	sld [smem:$0x3FB6];
	_ =	sdelay $0x3  }
0x34: {  	[smem:$0x3FB6] =	sst s10  }
0x35: {  	s10 =	sld [smem:$0x3FB5];
	_ =	sdelay $0x3  }
0x36: {  	p1 =	seq.s32 s10, $0x1;
	s10 =	sld [smem:$0x3FB6];
	_ =	sdelay $0x3  }
0x37: {  	[smem:$0x3FB6] =	sst s10  }
0x38: {  	s10 =	sld [smem:$0x3FB7]  }
0x39: {  	_ = 	snop;
	(pc) =	sbr.ind lr, $3  }
0x3a: {  	_ = 	snop  }
0x3b: {  	_ = 	snop  }
0x3c: {  	p2 =	seq.s32 s10, $0x1;
	s10 =	sld [smem:$0x3FB6]  }
0x3d: {  	_ =	shalt  }
0x3e: {  	_ =	shalt  }
0x3f: {  	_ =	shalt  }
0x40: {  	_ =	shalt  }
0x41: {  	_ =	shalt  }
0x42: {  	_ =	shalt  }
0x43: {  	_ =	shalt  }
0x44: {  	_ =	shalt  }
0x45: {  	_ =	shalt  }
0x46: {  	_ =	shalt  }
0x47: {  	_ =	shalt  }
0x48: {  	_ =	shalt  }
0x49: {  	_ =	shalt  }
0x4a: {  	_ =	shalt  }
0x4b: {  	_ =	shalt  }
0x4c: {  	_ =	shalt  }
0x4d: {  	_ =	shalt  }
0x4e: {  	_ =	shalt  }
0x4f: {  	_ =	shalt  }
0x50: {  	_ =	shalt  }
0x51: {  	_ =	shalt  }
0x52: {  	_ =	shalt  }
0x53: {  	_ =	shalt  }
0x54: {  	_ =	shalt  }
0x55: {  	_ =	shalt  }
0x56: {  	_ =	shalt  }
0x57: {  	_ =	shalt  }
0x58: {  	_ =	shalt  }
0x59: {  	_ =	shalt  }
0x5a: {  	_ =	shalt  }
0x5b: {  	_ =	shalt  }
0x5c: {  	_ =	shalt  }
0x5d: {  	_ =	shalt  }
0x5e: {  	_ =	shalt  }
0x5f: {  	_ =	shalt  }
0x60: {  	_ =	shalt  }
0x61: {  	_ =	shalt  }
0x62: {  	_ =	shalt  }
0x63: {  	_ =	shalt  }
0x64: {  	_ =	shalt  }
0x65: {  	_ =	shalt  }
0x66: {  	_ =	shalt  }
0x67: {  	_ =	shalt  }
0x68: {  	_ =	shalt  }
0x69: {  	_ =	shalt  }
0x6a: {  	_ =	shalt  }
0x6b: {  	_ =	shalt  }
0x6c: {  	_ =	shalt  }
0x6d: {  	_ =	shalt  }
0x6e: {  	_ =	shalt  }
0x6f: {  	_ =	shalt  }
0x70: {  	_ =	shalt  }
0x71: {  	_ =	shalt  }
0x72: {  	_ =	shalt  }
0x73: {  	_ =	shalt  }
0x74: {  	_ =	shalt  }
0x75: {  	_ =	shalt  }
0x76: {  	_ =	shalt  }
0x77: {  	_ =	shalt  }
0x78: {  	_ =	shalt  }
0x79: {  	_ =	shalt  }
0x7a: {  	_ =	shalt  }
0x7b: {  	_ =	shalt  }
0x7c: {  	_ =	shalt  }
0x7d: {  	_ =	shalt  }
0x7e: {  	_ =	shalt  }
0x7f: {  	_ =	shalt  }
0x80: {  	_ =	shalt  }
0x81: {  	_ =	shalt  }
0x82: {  	_ =	shalt  }
0x83: {  	_ =	shalt  }
0x84: {  	_ =	shalt  }
0x85: {  	_ =	shalt  }
0x86: {  	_ =	shalt  }
0x87: {  	_ =	shalt  }
.Lfunc_end0:
.L_simem_size_0:
called_computation.4_lowered:
.L_overlay_start_0:
0x88: {  	s2 =	sld [smem:$0x3FD9]  }
0x89: {  	s3 =	sld [smem:$0x3FFE];
	_ =	sdelay $0x1  }
0x8a: {  	s1 =	srdreg.scid  }
0x8b: {  	s0 =	sand.u32 $0x1, s1  }
0x8c: {  	s17 =	sshll.u32 s0, $0xA;
	s2 =	sadd.s32 s3, s2  }
0x8d: {  	s2 =	sadd.s32 s2, s17  }
0x8e: {  	[smem:$0x3FC2] =	sst s2  }
0x8f: {  	_ = 	snop  }
0x90: {  	s18 =	sld [smem:$0x3FD0];
	(tm) =	ssettm $0x1  }
0x91: {  	s19 =	sld [smem:$0x3FFB];
	_ =	sdelay $0x3  }
0x92: {  	_ =	strace s19  }
0x93: {  	s2 =	sld [smem:$0x3FFC];
	_ =	sdelay $0x3  }
0x94: {  	_ =	strace s2  }
0x95: {  	s2 =	sld [smem:$0x3FFD];
	_ =	sdelay $0x3  }
0x96: {  	_ =	strace s2  }
0x97: {  	_ =	strace $0x8FFFFFFF  }
0x98: {  	s20 =	sld [smem:$0x3FDB];
	_ =	sdelay $0x1  }
0x99: {  	s4 =	simm.s32 $_scs_section_size  }
0x9a: {  	s5 =	simm.s32 $_size__tile_overlayer_lowered;
	s6 =	simm.s32 $_tile_overlayer_lowered  }
0x9b: {  	s7 =	simm.s32 $0x1BFF;
	s21 =	sshll.u32 s6, $0x1;
	s4 =	sadd.s32 s4, s20  }
0x9c: {  	s22 =	simm.s32 $0x0;
	s5 =	sshll.u32 s5, $0x1;
	s6 =	sadd.s32 s21, s4  }
0x9d: {  	[timem:s22], [sflag:s7] =	dma.local [hbm:s6], s5  }
0x9e: {  	_ =	swait.ge [sflag:s7], s5  }
0x9f: {  	s5 =	ssub.s32 $0x0, s5;
	[sflag:s7] =	ssyncset.done $0x0  }
0xa0: {  	[sflag:s7] =	ssyncadd.s32 s5;
	_ =	sdelay $0x1  }
0xa1: {  	s23 =	simm.s32 $0x1B8B  }
0xa2: {  	_ =	swait.ge [sflag:s23], $0x1  }
0xa3: {  	[sflag:s23] =	ssyncset.done $0x0  }
0xa4: {  	[sflag:s23] =	ssyncadd.s32 $0xFFFFFFFF  }
0xa5: {  	s5 =	sld [smem:$0x0]  }
0xa6: {  	s6 =	sand.u32 $0xFFFFFFFE, s1  }
0xa7: {  	p0 =	sne.s32 s1, s6  }
0xa8: {  	s6 =	sshll.u32 @p0 s6, $0xE  }
0xa9: {  	s6 =	sadd.s32 @p0 $0x11B8D, s6;
	s7 =	sshll.u32 @p0 s5, $0x11  }
0xaa: {  	s6 =	sor.u32 @p0 s7, s6  }
0xab: {  	[sflag:s6] =	ssyncadd.remote.s32 @p0 $0x1;
	_ =	sdelay $0x1  }
0xac: {  	s6 =	simm.s32 @p0 $0x1B8D  }
0xad: {  	_ =	swait.eq @p0 [sflag:s6], $0x1  }
0xae: {  	[sflag:s6] =	ssyncadd.s32 @p0 $0xFFFFFFFF  }
0xaf: {  	s7 =	sshll.u32 @!p0 s1, $0xE  }
0xb0: {  	s7 =	sor.u32 @!p0 $0x4000, s7;
	s6 =	simm.s32 @!p0 $0x1B8D  }
0xb1: {  	s5 =	sshll.u32 @!p0 s5, $0x11;
	s7 =	sadd.s32 @!p0 $0x11B8D, s7;
	_ =	swait.eq @!p0 [sflag:s6], $0x1  }
0xb2: {  	s5 =	sor.u32 @!p0 s5, s7;
	[sflag:s6] =	ssyncadd.s32 @!p0 $0xFFFFFFFF  }
0xb3: {  	s25 =	simm.s32 $0x1B8E;
	s24 =	sld [smem:$0x3FFE];
	[sflag:s5] =	ssyncadd.remote.s32 @!p0 $0x1  }
0xb4: {  	s26 =	simm.s32 $execute0_lowered;
	[smem:$0x3FD2] =	sst s25  }
0xb5: {  	s6 =	sshll.u32 s26, $0x1;
	_ =	strace $0x80000055;
	[dreg:$0x1] =	wrdreg $0xFFFFFFFF  }
0xb6: {  	s28 =	simm.s32 $_size_execute0_lowered;
	s4 =	sadd.s32 s4, s6;
	[dreg:$0x0] =	wrdreg $0x0  }
0xb7: {  	s6 =	sshll.u32 s28, $0x1;
	[dreg:$0x2] =	wrdreg s4  }
0xb8: {  	[dreg:$0x3] =	wrdreg s6  }
0xb9: {  	[dreg:$0x4] =	wrdreg $0xC0  }
0xba: {  	_ =	task [dreg:s22], $0x5FFFF  }
0xbb: {  	[dreg:$0x1] =	wrdreg $0xFFFFFFFF  }
0xbc: {  	[dreg:$0x0] =	wrdreg $0x60  }
0xbd: {  	[dreg:$0x2] =	wrdreg s18  }
0xbe: {  	[dreg:$0x3] =	wrdreg s24  }
0xbf: {  	[dreg:$0x4] =	wrdreg $0x148000  }
0xc0: {  	[dreg:$0x5] =	wrdreg $0x9  }
0xc1: {  	_ =	task.clear_ibuf [dreg:s22], $0x6FFFF;
	_ =	strace $0x90000055  }
0xc2: {  	s29 =	simm.s32 $0x9;
	_ =	strace $0x80000057  }
0xc3: {  	_ =	swait.ge [sflag:s29], $0x1  }
0xc4: {  	[sflag:s29] =	ssyncadd.s32 $0xFFFFFFFF  }
0xc5: {  	_ =	strace $0x90000057  }
0xc6: {  	_ =	sfence  }
0xc7: {  	s30 =	sld [smem:$0x0];
	_ =	sdelay $0x2  }
0xc8: {  	s31 =	sshll.u32 s1, $0xD;
	s1 =	sshrl.u32 s1, $0x2  }
0xc9: {  	s4 =	sand.u32 $0x4000, s31;
	s1 =	sadd.s32 s1, s30  }
0xca: {  	s0 =	sor.u32 s4, s0;
	s1 =	sshll.u32 s1, $0x11  }
0xcb: {  	s0 =	sor.u32 s1, s0  }
0xcc: {  	s0 =	sadd.s32 $0x8F2B, s0  }
0xcd: {  	[sflag:s0] =	ssyncadd.remote.s32 $0x1  }
0xce: {  	_ =	sfence.sel $0xFFFF  }
0xcf: {  	[dreg:$0x0] =	wrdreg $0xFFFFFFFF;
	(pc) =	sbr.abs _section_cstart, $3  }
0xd0: {  	[dreg:$0x1] =	wrdreg $0xFFFFFFFF  }
0xd1: {  	_ =	task.clear_ibuf [dreg:s22], $0x2FFFF;
	_ =	strace $0x9FFFFFFF  }
0xd2: {  	(tm) =	ssettm $0x7FFFFFFF  }
0xd3: {  	_ =	shalt  }
tec
execute0_lowered:
.L_overlay_start_1:
0x0: {  	(tag) =	ssettag $0x1  }
0x1: {  	s1 =	rddreg [dreg:$0x0]  }
0x2: {  	s0 =	rddreg [dreg:$0x1]  }
0x3: {  	s2 =	rddreg [dreg:$0x2];
	s4 =	simm.s32 $0x0  }
0x4: {  	s3 =	srdreg.scid;
	s11 =	stileid.u32;
	s13 =	simm.s32 $0x50  }
0x5: {  	s14 =	simm.s32 $0x8000;
	s16 =	simm.s32 $0xA800;
	s18 =	simm.s32 $0xD000  }
0x6: {  	s20 =	simm.s32 $0xF800;
	s22 =	simm.s32 $0x12000;
	s23 =	simm.s32 $0x1  }
0x7: {  	s28 =	simm.s32 $0x4;
	s29 =	simm.s32 $0x5;
	s30 =	simm.s32 $0x7C00  }
0x8: {  	s31 =	simm.s32 $0x7C80;
	[smem:$0x7FF] =	sst s4;
	s24 =	smul.u32 $0x28000, s11  }
0x9: {  	s3 =	sand.u32 $0x1, s3;
	s5 =	sshll.u32 s11, $0xC;
	s15 =	smul.u32 $0x1400, s11  }
0xa: {  	s26 =	sshll.u32 s11, $0x6;
	_ =	strace $0x80000056;
	s6 =	sshll.u32 s3, $0xB  }
0xb: {  	s7 =	smul.u32 $0x14000, s3;
	s3 =	ssub.s32 $0x2, s3;
	s11 =	sor.u32 $0x1C06, s26  }
0xc: {  	s26 =	simm.s32 $0x3;
	s5 =	sor.u32 s6, s5;
	s9 =	sshrl.u32 s3, $0x1  }
0xd: {  	s25 =	sshrl.u32 s24, $0x2;
	s8 =	sadd.s32 s5, s0;
	s5 =	sadd.s32 $0x23C00, s0  }
0xe: {  	s0 =	sadd.s32 s7, s0;
	s3 =	ssub.s32 s3, s9;
	s10 =	sadd.s32 s25, s2  }
0xf: {  	s9 =	simm.s32 $0x6;
	s25 =	simm.s32 $0x2;
	s6 =	sadd.s32 $0x85000, s8  }
0x10: {  	s7 =	sadd.s32 $0x13C00, s8;
	s0 =	sadd.s32 $0x4D000, s0;
	s8 =	smax.u32 s3, $0x1  }
0x11: {  	s12 =	sshrl.u32 s10, $0x3;
	s3 =	simm.s32 $0x7D80;
	s10 =	simm.s32 $0x7E00  }
0x12: {  	s24 =	sadd.s32 s15, s0;
	s0 =	simm.s32 $0x7D00;
	s15 =	simm.s32 $0x0  }
.LBB2_1:
0x13: {  	[tilespmem:s4], [sflag:$0x6] =	stream.linear.gather [hbm4b:s6+s4], $0x3E80, $0x38;
	[tilespmem:$0x1E800] =	vst v63  }
0x14: {  	_ =	swait.ge [sflag:s9], $0x3E80  }
0x15: {  	[sflag:s9] =	ssyncset.done $0x0  }
0x16: {  	s17 =	simm.s32 $0x4000;
	[sflag:s9] =	ssyncadd.s32 $0xFFFFC180  }
0x17: {  	[tilespmem:s17], [sflag:$0x6] =	stream.linear.gather [hbm4b:s7+s4], $0x3E80, $0x38;
	[tilespmem:$0x1E800] =	vst v63  }
0x18: {  	_ =	swait.ge [sflag:s9], $0x3E80  }
0x19: {  	[sflag:s9] =	ssyncset.done $0x0  }
0x1a: {  	[sflag:s9] =	ssyncadd.s32 $0xFFFFC180  }
0x1b: {  	[spmem:s12], [sflag:s11] =	dma.local [hbm:s5], $0x1400  }
0x1c: {  	_ =	swait.ge [sflag:s9], $0x1400  }
0x1d: {  	[sflag:s9] =	ssyncset.done $0x0  }
0x1e: {  	[sflag:s9] =	ssyncadd.s32 $0xFFFFEC00  }
0x1f: {  	[bflag:$0x0] =	sbarrier.arrive $0xFFFF  }
0x20: {  	[tilespmem:s14], [sflag:$0x1] =	stream.indirect.gather [hbm4b:s1+s13], $0x80, s4, s13, $0xb8;
	[tilespmem:$0x1E800] =	vst v63  }
0x21: {  	s21 =	simm.s32 $0x80  }
0x22: {  	[tilespmem:s16], [sflag:$0x2] =	stream.indirect.gather [hbm4b:s1+s13], $0x80, s21, s13, $0xb8;
	[tilespmem:$0x1E800] =	vst v63  }
0x23: {  	s19 =	simm.s32 $0x100  }
0x24: {  	[tilespmem:s18], [sflag:$0x3] =	stream.indirect.gather [hbm4b:s1+s13], $0x80, s19, s13, $0xb8;
	[tilespmem:$0x1E800] =	vst v63  }
0x25: {  	s21 =	simm.s32 $0x180  }
0x26: {  	[tilespmem:s20], [sflag:$0x4] =	stream.indirect.gather [hbm4b:s1+s13], $0x80, s21, s13, $0xb8;
	[tilespmem:$0x1E800] =	vst v63  }
0x27: {  	s19 =	simm.s32 $0x200  }
0x28: {  	[tilespmem:s22], [sflag:$0x5] =	stream.indirect.gather [hbm4b:s1+s13], $0x80, s19, s13, $0xb8;
	[tilespmem:$0x1E800] =	vst v63  }
0x29: {  	_ =	swait.ge [sflag:s23], $0x2800  }
0x2a: {  	[sflag:s23] =	ssyncset.done $0x0  }
0x2b: {  	s21 =	simm.s32 $0x4000;
	[sflag:s23] =	ssyncadd.s32 $0xFFFFD800  }
0x2c: {  	[spmem:s2] =	stream.indirect.scatter.add.f32 [tilespmem:s14], [sflag:$0x6], $0x80, s21, s13, $0xb8;
	[tilespmem:$0x1E800] =	vst v63  }
0x2d: {  	_ =	swait.ge [sflag:s9], $0x2800  }
0x2e: {  	[sflag:s9] =	ssyncset.done $0x0  }
0x2f: {  	s19 =	simm.s32 $0x280;
	[sflag:s9] =	ssyncadd.s32 $0xFFFFD800  }
0x30: {  	[tilespmem:s14], [sflag:$0x1] =	stream.indirect.gather [hbm4b:s1+s13], $0x80, s19, s13, $0xb8;
	[tilespmem:$0x1E800] =	vst v63  }
0x31: {  	_ =	swait.ge [sflag:s25], $0x2800  }
0x32: {  	[sflag:s25] =	ssyncset.done $0x0  }
0x33: {  	s21 =	simm.s32 $0x4080;
	[sflag:s25] =	ssyncadd.s32 $0xFFFFD800  }
0x34: {  	[spmem:s2] =	stream.indirect.scatter.add.f32 [tilespmem:s16], [sflag:$0x6], $0x80, s21, s13, $0xb8;
	[tilespmem:$0x1E800] =	vst v63  }
0x35: {  	_ =	swait.ge [sflag:s9], $0x2800  }
0x36: {  	[sflag:s9] =	ssyncset.done $0x0  }
0x37: {  	s19 =	simm.s32 $0x300;
	[sflag:s9] =	ssyncadd.s32 $0xFFFFD800  }
0x38: {  	[tilespmem:s16], [sflag:$0x2] =	stream.indirect.gather [hbm4b:s1+s13], $0x80, s19, s13, $0xb8;
	[tilespmem:$0x1E800] =	vst v63  }
0x39: {  	_ =	swait.ge [sflag:s26], $0x2800  }
0x3a: {  	[sflag:s26] =	ssyncset.done $0x0  }
0x3b: {  	s21 =	simm.s32 $0x4100;
	[sflag:s26] =	ssyncadd.s32 $0xFFFFD800  }
0x3c: {  	[spmem:s2] =	stream.indirect.scatter.add.f32 [tilespmem:s18], [sflag:$0x6], $0x80, s21, s13, $0xb8;
	[tilespmem:$0x1E800] =	vst v63  }
0x3d: {  	_ =	swait.ge [sflag:s9], $0x2800  }
0x3e: {  	[sflag:s9] =	ssyncset.done $0x0  }
0x3f: {  	s19 =	simm.s32 $0x380;
	[sflag:s9] =	ssyncadd.s32 $0xFFFFD800  }
0x40: {  	[tilespmem:s18], [sflag:$0x3] =	stream.indirect.gather [hbm4b:s1+s13], $0x80, s19, s13, $0xb8;
	[tilespmem:$0x1E800] =	vst v63  }
0x41: {  	_ =	swait.ge [sflag:s28], $0x2800  }
0x42: {  	[sflag:s28] =	ssyncset.done $0x0  }
0x43: {  	s21 =	simm.s32 $0x4180;
	[sflag:s28] =	ssyncadd.s32 $0xFFFFD800  }
0x44: {  	[spmem:s2] =	stream.indirect.scatter.add.f32 [tilespmem:s20], [sflag:$0x6], $0x80, s21, s13, $0xb8;
	[tilespmem:$0x1E800] =	vst v63  }
0x45: {  	_ =	swait.ge [sflag:s9], $0x2800  }
0x46: {  	[sflag:s9] =	ssyncset.done $0x0  }
0x47: {  	s19 =	simm.s32 $0x400;
	[sflag:s9] =	ssyncadd.s32 $0xFFFFD800  }
0x48: {  	[tilespmem:s20], [sflag:$0x4] =	stream.indirect.gather [hbm4b:s1+s13], $0x80, s19, s13, $0xb8;
	[tilespmem:$0x1E800] =	vst v63  }
0x49: {  	_ =	swait.ge [sflag:s29], $0x2800  }
0x4a: {  	[sflag:s29] =	ssyncset.done $0x0  }
0x4b: {  	s21 =	simm.s32 $0x4200;
	[sflag:s29] =	ssyncadd.s32 $0xFFFFD800  }
0x4c: {  	[spmem:s2] =	stream.indirect.scatter.add.f32 [tilespmem:s22], [sflag:$0x6], $0x80, s21, s13, $0xb8;
	[tilespmem:$0x1E800] =	vst v63  }
0x4d: {  	_ =	swait.ge [sflag:s9], $0x2800  }
0x4e: {  	[sflag:s9] =	ssyncset.done $0x0  }
0x4f: {  	s17 =	simm.s32 $0xA00;
	s19 =	simm.s32 $0x480;
	[sflag:s9] =	ssyncadd.s32 $0xFFFFD800  }
.LBB2_2:
0x50: {  	[tilespmem:s22], [sflag:$0x5] =	stream.indirect.gather [hbm4b:s1+s13], $0x80, s19, s13, $0xb8;
	[tilespmem:$0x1E800] =	vst v63  }
0x51: {  	s19 =	smov.u32 s17  }
0x52: {  	p0 =	sne.s32 s17, $0xE600;
	s17 =	sadd.s32 $0xA00, s17;
	_ =	swait.ge [sflag:s23], $0x2800  }
0x53: {  	s19 =	sshra.s32 s19, $0x2;
	[sflag:s23] =	ssyncset.done $0x0  }
0x54: {  	s21 =	sadd.s32 $0x4000, s19;
	[sflag:s23] =	ssyncadd.s32 $0xFFFFD800  }
0x55: {  	[spmem:s2] =	stream.indirect.scatter.add.f32 [tilespmem:s14], [sflag:$0x6], $0x80, s21, s13, $0xb8;
	[tilespmem:$0x1E800] =	vst v63  }
0x56: {  	_ =	swait.ge [sflag:s9], $0x2800  }
0x57: {  	[sflag:s9] =	ssyncset.done $0x0  }
0x58: {  	s21 =	sadd.s32 $0x280, s19;
	[sflag:s9] =	ssyncadd.s32 $0xFFFFD800  }
0x59: {  	[tilespmem:s14], [sflag:$0x1] =	stream.indirect.gather [hbm4b:s1+s13], $0x80, s21, s13, $0xb8;
	[tilespmem:$0x1E800] =	vst v63  }
0x5a: {  	_ =	swait.ge [sflag:s25], $0x2800  }
0x5b: {  	[sflag:s25] =	ssyncset.done $0x0  }
0x5c: {  	s21 =	sadd.s32 $0x4080, s19;
	[sflag:s25] =	ssyncadd.s32 $0xFFFFD800  }
0x5d: {  	[spmem:s2] =	stream.indirect.scatter.add.f32 [tilespmem:s16], [sflag:$0x6], $0x80, s21, s13, $0xb8;
	[tilespmem:$0x1E800] =	vst v63  }
0x5e: {  	_ =	swait.ge [sflag:s9], $0x2800  }
0x5f: {  	[sflag:s9] =	ssyncset.done $0x0  }
0x60: {  	s21 =	sadd.s32 $0x300, s19;
	[sflag:s9] =	ssyncadd.s32 $0xFFFFD800  }
0x61: {  	[tilespmem:s16], [sflag:$0x2] =	stream.indirect.gather [hbm4b:s1+s13], $0x80, s21, s13, $0xb8;
	[tilespmem:$0x1E800] =	vst v63  }
0x62: {  	_ =	swait.ge [sflag:s26], $0x2800  }
0x63: {  	[sflag:s26] =	ssyncset.done $0x0  }
0x64: {  	s21 =	sadd.s32 $0x4100, s19;
	[sflag:s26] =	ssyncadd.s32 $0xFFFFD800  }
0x65: {  	[spmem:s2] =	stream.indirect.scatter.add.f32 [tilespmem:s18], [sflag:$0x6], $0x80, s21, s13, $0xb8;
	[tilespmem:$0x1E800] =	vst v63  }
0x66: {  	_ =	swait.ge [sflag:s9], $0x2800  }
0x67: {  	[sflag:s9] =	ssyncset.done $0x0  }
0x68: {  	s21 =	sadd.s32 $0x380, s19;
	[sflag:s9] =	ssyncadd.s32 $0xFFFFD800  }
0x69: {  	[tilespmem:s18], [sflag:$0x3] =	stream.indirect.gather [hbm4b:s1+s13], $0x80, s21, s13, $0xb8;
	[tilespmem:$0x1E800] =	vst v63  }
0x6a: {  	_ =	swait.ge [sflag:s28], $0x2800  }
0x6b: {  	[sflag:s28] =	ssyncset.done $0x0  }
0x6c: {  	s21 =	sadd.s32 $0x4180, s19;
	[sflag:s28] =	ssyncadd.s32 $0xFFFFD800  }
0x6d: {  	[spmem:s2] =	stream.indirect.scatter.add.f32 [tilespmem:s20], [sflag:$0x6], $0x80, s21, s13, $0xb8;
	[tilespmem:$0x1E800] =	vst v63  }
0x6e: {  	_ =	swait.ge [sflag:s9], $0x2800  }
0x6f: {  	[sflag:s9] =	ssyncset.done $0x0  }
0x70: {  	s21 =	sadd.s32 $0x400, s19;
	[sflag:s9] =	ssyncadd.s32 $0xFFFFD800  }
0x71: {  	[tilespmem:s20], [sflag:$0x4] =	stream.indirect.gather [hbm4b:s1+s13], $0x80, s21, s13, $0xb8;
	[tilespmem:$0x1E800] =	vst v63  }
0x72: {  	_ =	swait.ge [sflag:s29], $0x2800  }
0x73: {  	[sflag:s29] =	ssyncset.done $0x0  }
.Ltmp0:
0x74: {  	s21 =	sadd.s32 $0x4200, s19;
	[sflag:s29] =	ssyncadd.s32 $0xFFFFD800;
	(pc) =	sbr.rel @p0 .LBB2_2-.Ltmp0, $4  }
0x75: {  	[spmem:s2] =	stream.indirect.scatter.add.f32 [tilespmem:s22], [sflag:$0x6], $0x80, s21, s13, $0xb8;
	[tilespmem:$0x1E800] =	vst v63  }
0x76: {  	_ =	swait.ge [sflag:s9], $0x2800  }
0x77: {  	[sflag:s9] =	ssyncset.done $0x0  }
0x78: {  	s19 =	sadd.s32 $0x480, s19;
	[sflag:s9] =	ssyncadd.s32 $0xFFFFD800  }
0x79: {  	[tilespmem:s22], [sflag:$0x5] =	stream.indirect.gather [hbm4b:s1+s13], $0x80, s19, s13, $0xb8;
	[tilespmem:$0x1E800] =	vst v63  }
0x7a: {  	_ =	swait.ge [sflag:s23], $0x2800  }
0x7b: {  	[sflag:s23] =	ssyncset.done $0x0  }
0x7c: {  	[sflag:s23] =	ssyncadd.s32 $0xFFFFD800  }
0x7d: {  	[spmem:s2] =	stream.indirect.scatter.add.f32 [tilespmem:s14], [sflag:$0x6], $0x80, s30, s13, $0xb8;
	[tilespmem:$0x1E800] =	vst v63  }
0x7e: {  	_ =	swait.ge [sflag:s9], $0x2800  }
0x7f: {  	[sflag:s9] =	ssyncset.done $0x0  }
0x80: {  	[sflag:s9] =	ssyncadd.s32 $0xFFFFD800  }
0x81: {  	_ =	swait.ge [sflag:s25], $0x2800  }
0x82: {  	[sflag:s25] =	ssyncset.done $0x0  }
0x83: {  	[sflag:s25] =	ssyncadd.s32 $0xFFFFD800  }
0x84: {  	[spmem:s2] =	stream.indirect.scatter.add.f32 [tilespmem:s16], [sflag:$0x6], $0x80, s31, s13, $0xb8;
	[tilespmem:$0x1E800] =	vst v63  }
0x85: {  	_ =	swait.ge [sflag:s9], $0x2800  }
0x86: {  	[sflag:s9] =	ssyncset.done $0x0  }
0x87: {  	[sflag:s9] =	ssyncadd.s32 $0xFFFFD800  }
0x88: {  	_ =	swait.ge [sflag:s26], $0x2800  }
0x89: {  	[sflag:s26] =	ssyncset.done $0x0  }
0x8a: {  	[sflag:s26] =	ssyncadd.s32 $0xFFFFD800  }
0x8b: {  	[spmem:s2] =	stream.indirect.scatter.add.f32 [tilespmem:s18], [sflag:$0x6], $0x80, s0, s13, $0xb8;
	[tilespmem:$0x1E800] =	vst v63  }
0x8c: {  	_ =	swait.ge [sflag:s9], $0x2800  }
0x8d: {  	[sflag:s9] =	ssyncset.done $0x0  }
0x8e: {  	[sflag:s9] =	ssyncadd.s32 $0xFFFFD800  }
0x8f: {  	_ =	swait.ge [sflag:s28], $0x2800  }
0x90: {  	[sflag:s28] =	ssyncset.done $0x0  }
0x91: {  	[sflag:s28] =	ssyncadd.s32 $0xFFFFD800  }
0x92: {  	[spmem:s2] =	stream.indirect.scatter.add.f32 [tilespmem:s20], [sflag:$0x6], $0x80, s3, s13, $0xb8;
	[tilespmem:$0x1E800] =	vst v63  }
0x93: {  	_ =	swait.ge [sflag:s9], $0x2800  }
0x94: {  	[sflag:s9] =	ssyncset.done $0x0  }
0x95: {  	[sflag:s9] =	ssyncadd.s32 $0xFFFFD800  }
0x96: {  	_ =	swait.ge [sflag:s29], $0x2800  }
0x97: {  	[sflag:s29] =	ssyncset.done $0x0  }
0x98: {  	[sflag:s29] =	ssyncadd.s32 $0xFFFFD800  }
0x99: {  	[spmem:s2] =	stream.indirect.scatter.add.f32 [tilespmem:s22], [sflag:$0x6], $0x80, s10, s13, $0xb8;
	[tilespmem:$0x1E800] =	vst v63  }
0x9a: {  	_ =	swait.ge [sflag:s9], $0x2800  }
0x9b: {  	s15 =	sadd.s32 $0x1, s15;
	[sflag:s9] =	ssyncset.done $0x0  }
0x9c: {  	p0 =	sne.s32 s15, s8;
	[sflag:s9] =	ssyncadd.s32 $0xFFFFD800  }
.Ltmp1:
0x9d: {  	[bflag:$0x0] =	sbarrier.arrive $0xFFFF;
	(pc) =	sbr.rel @p0 .LBB2_1-.Ltmp1, $4  }
0x9e: {  	[hbm:s24], [sflag:s11] =	dma.local [spmem:s12], $0x1400  }
0x9f: {  	_ =	swait.ge [sflag:s9], $0x1400  }
0xa0: {  	[sflag:s9] =	ssyncset.done $0x0  }
0xa1: {  	[sflag:s9] =	ssyncadd.s32 $0xFFFFEC00  }
0xa2: {  	_ =	sfence.sel $0x180000  }
0xa3: {  	[bflag:$0x0] =	sbarrier.arrive $0xFFFF  }
0xa4: {  	_ =	strace $0x90000056  }
0xa5: {  	s0 =	stileid.u32;
	[bflag:$0x2] =	sbarrier.arrive $0xFFFF  }
0xa6: {  	p0 =	sne.s32 s0, $0x0;
	s0 =	rddreg [dreg:$0x3]  }
0xa7: {  	s0 =	sadd.s32 @!p0 $0x100000, s0  }
0xa8: {  	[sflag:s0] =	ssyncadd.tile.s32 @!p0 $0x1;
	_ =	shalt  }
.Lfunc_end2:
_tile_overlayer_lowered:
.L_overlay_start_2:
0xa9: {  	(tag) =	ssettag $0x2  }
0xaa: {  	s0 =	rddreg [dreg:$0x0];
	s2 =	stileid.u32  }
0xab: {  	s1 =	rddreg [dreg:$0x1];
	p0 =	sne.s32 s2, $0x0  }
0xac: {  	s3 =	rddreg [dreg:$0x2];
	[bflag:$0x3] =	sbarrier.arrive $0xFFFF;
	s2 =	simm.s32 @!p0 $0x1C06  }
0xad: {  	[timem:s3], [sflag:s2] =	dma.local @!p0 [hbm:s0], s1  }
0xae: {  	s0 =	simm.s32 @!p0 $0x6  }
0xaf: {  	_ =	swait.ge @!p0 [sflag:s0], s1  }
0xb0: {  	s1 =	ssub.s32 @!p0 $0x0, s1;
	[sflag:s0] =	ssyncset.done @!p0 $0x0  }
0xb1: {  	[sflag:s0] =	ssyncadd.s32 @!p0 s1  }
0xb2: {  	[bflag:$0x3] =	sbarrier.arrive $0xFFFF  }
0xb3: {  	_ =	shalt  }

// kernel: kernel.26.cloned.1.call-start
scs
__scs_entry_jumppad:
0x0: {  	(pc) =	sbr.rel $0x88, $3  }
0x1: {  	(tag) =	ssettag $0x0;
	lr =	simm.s32 $0x1  }
0x2: {  	[smem:$0x3F9B] =	sst lr;
	_ =	strace $0xD0000000  }
0x3: {  	_ = 	snop  }
0x4: {  	_ = 	snop  }
0x5: {  	_ = 	snop  }
0x6: {  	_ = 	snop  }
0x7: {  	_ = 	snop  }
__scs_overlays_trampoline_lowered:
0x8: {  	[smem:$0x3FAA] =	sst s0  }
0x9: {  	[smem:$0x3FAB] =	sst s1  }
0xa: {  	[smem:$0x3FAC] =	sst s2  }
0xb: {  	[smem:$0x3FAD] =	sst s3  }
0xc: {  	[smem:$0x3FAE] =	sst s4  }
0xd: {  	[smem:$0x3FAF] =	sst s5  }
0xe: {  	[smem:$0x3FB0] =	sst s6  }
0xf: {  	[smem:$0x3FB1] =	sst s7  }
0x10: {  	[smem:$0x3FB2] =	sst s8  }
0x11: {  	[smem:$0x3FB3] =	sst s9;
	s0 =	simm.s32 @!p0 $0x0  }
0x12: {  	s1 =	sld [smem:$0x3F99];
	s0 =	simm.s32 @p0 $0x1  }
0x13: {  	[smem:$0x3FB4] =	sst s0;
	s0 =	simm.s32 @!p1 $0x0  }
0x14: {  	s2 =	sld [smem:$0x3F98];
	s0 =	simm.s32 @p1 $0x1  }
0x15: {  	[smem:$0x3FB5] =	sst s0;
	s0 =	simm.s32 @!p2 $0x0  }
0x16: {  	s3 =	sld [smem:$0x3FDB];
	s0 =	simm.s32 @p2 $0x1  }
0x17: {  	s4 =	simm.s32 $0x1BF5;
	[smem:$0x3FB7] =	sst s0  }
0x18: {  	s0 =	sld [smem:$0x3F9A];
	_ =	swait.ge [sflag:s4], $0x0  }
0x19: {  	s7 =	sld [smem:$0x3F9B]  }
0x1a: {  	s8 =	sadd.s32 $0xFFFFE003, lr  }
0x1b: {  	s9 =	sadd.s32 $0xFFFFFEF7, lr;
	s5 =	simm.s32 $0xFFFFFFFF;
	p2 =	slt.u32 s8, $0xFFFFF086  }
0x1c: {  	p1 =	slt.u32 s9, $0xF7A;
	s5 =	simm.s32 @!p2 $0x0  }
0x1d: {  	s5 =	simm.s32 @p1 $0x1;
	p0 =	seq.s32 s7, s2  }
0x1e: {  	s7 =	smul.u32 @!p0 $0xF7A, s2;
	p2 =	seq.s32 @!p0 s5, $0x0  }
0x1f: {  	s9 =	smul.u32 $0xF7A, s1;
	s8 =	simm.s32 @!p0 $0x1BF5;
	p2 =	por !p2, p0  }
0x20: {  	[sflag:s8] =	ssyncset.s32 @!p0 $0xFFFFF086;
	s6 =	sadd.s32 @!p0 s3, s7;
	s7 =	simm.s32 @!p0 $0x108  }
0x21: {  	s3 =	sadd.s32 s3, s9;
	s6 =	sadd.s32 @!p0 $0x88, s6;
	s7 =	simm.s32 @p2 $0x1082  }
0x22: {  	[simem:s7], [sflag:s8] =	dma.local @!p0 [hbm:s6], $0xF7A  }
0x23: {  	s9 =	sor.u32 $0xD0000000, s2;
	s6 =	simm.s32 $0x108;
	_ =	swait.ge @!p0 [sflag:s8], $0x0  }
0x24: {  	s3 =	sadd.s32 $0x88, s3;
	s6 =	simm.s32 @!p1 $0x1082;
	[sflag:s4] =	ssyncset.s32 $0xFFFFF086  }
0x25: {  	[simem:s6], [sflag:s4] =	dma.local [hbm:s3], $0xF7A  }
0x26: {  	[smem:$0x3F9B] =	sst s1;
	(tag) =	ssettag s2;
	_ =	strace s9  }
0x27: {  	s1 =	sld [smem:$0x3FAB]  }
0x28: {  	s2 =	sld [smem:$0x3FAC]  }
0x29: {  	s4 =	sld [smem:$0x3FAE]  }
0x2a: {  	p0 =	seq.s32 s5, $0x0;
	s5 =	sld [smem:$0x3FAF]  }
0x2b: {  	s6 =	sld [smem:$0x3FB0]  }
0x2c: {  	s7 =	sld [smem:$0x3FB1]  }
0x2d: {  	s3 =	simm.s32 $0x108;
	s8 =	sld [smem:$0x3FB2]  }
0x2e: {  	s3 =	simm.s32 @!p0 $0x1082;
	s9 =	sld [smem:$0x3FB3]  }
0x2f: {  	lr =	sadd.s32 s0, s3;
	s0 =	sld [smem:$0x3FAA]  }
0x30: {  	s3 =	sld [smem:$0x3FAD]  }
0x31: {  	[smem:$0x3FB6] =	sst s10  }
0x32: {  	s10 =	sld [smem:$0x3FB4];
	_ =	sdelay $0x3  }
0x33: {  	p0 =	seq.s32 s10, $0x1;
	s10 =	sld [smem:$0x3FB6];
	_ =	sdelay $0x3  }
0x34: {  	[smem:$0x3FB6] =	sst s10  }
0x35: {  	s10 =	sld [smem:$0x3FB5];
	_ =	sdelay $0x3  }
0x36: {  	p1 =	seq.s32 s10, $0x1;
	s10 =	sld [smem:$0x3FB6];
	_ =	sdelay $0x3  }
0x37: {  	[smem:$0x3FB6] =	sst s10  }
0x38: {  	s10 =	sld [smem:$0x3FB7]  }
0x39: {  	_ = 	snop;
	(pc) =	sbr.ind lr, $3  }
0x3a: {  	_ = 	snop  }
0x3b: {  	_ = 	snop  }
0x3c: {  	p2 =	seq.s32 s10, $0x1;
	s10 =	sld [smem:$0x3FB6]  }
0x3d: {  	_ =	shalt  }
0x3e: {  	_ =	shalt  }
0x3f: {  	_ =	shalt  }
0x40: {  	_ =	shalt  }
0x41: {  	_ =	shalt  }
0x42: {  	_ =	shalt  }
0x43: {  	_ =	shalt  }
0x44: {  	_ =	shalt  }
0x45: {  	_ =	shalt  }
0x46: {  	_ =	shalt  }
0x47: {  	_ =	shalt  }
0x48: {  	_ =	shalt  }
0x49: {  	_ =	shalt  }
0x4a: {  	_ =	shalt  }
0x4b: {  	_ =	shalt  }
0x4c: {  	_ =	shalt  }
0x4d: {  	_ =	shalt  }
0x4e: {  	_ =	shalt  }
0x4f: {  	_ =	shalt  }
0x50: {  	_ =	shalt  }
0x51: {  	_ =	shalt  }
0x52: {  	_ =	shalt  }
0x53: {  	_ =	shalt  }
0x54: {  	_ =	shalt  }
0x55: {  	_ =	shalt  }
0x56: {  	_ =	shalt  }
0x57: {  	_ =	shalt  }
0x58: {  	_ =	shalt  }
0x59: {  	_ =	shalt  }
0x5a: {  	_ =	shalt  }
0x5b: {  	_ =	shalt  }
0x5c: {  	_ =	shalt  }
0x5d: {  	_ =	shalt  }
0x5e: {  	_ =	shalt  }
0x5f: {  	_ =	shalt  }
0x60: {  	_ =	shalt  }
0x61: {  	_ =	shalt  }
0x62: {  	_ =	shalt  }
0x63: {  	_ =	shalt  }
0x64: {  	_ =	shalt  }
0x65: {  	_ =	shalt  }
0x66: {  	_ =	shalt  }
0x67: {  	_ =	shalt  }
0x68: {  	_ =	shalt  }
0x69: {  	_ =	shalt  }
0x6a: {  	_ =	shalt  }
0x6b: {  	_ =	shalt  }
0x6c: {  	_ =	shalt  }
0x6d: {  	_ =	shalt  }
0x6e: {  	_ =	shalt  }
0x6f: {  	_ =	shalt  }
0x70: {  	_ =	shalt  }
0x71: {  	_ =	shalt  }
0x72: {  	_ =	shalt  }
0x73: {  	_ =	shalt  }
0x74: {  	_ =	shalt  }
0x75: {  	_ =	shalt  }
0x76: {  	_ =	shalt  }
0x77: {  	_ =	shalt  }
0x78: {  	_ =	shalt  }
0x79: {  	_ =	shalt  }
0x7a: {  	_ =	shalt  }
0x7b: {  	_ =	shalt  }
0x7c: {  	_ =	shalt  }
0x7d: {  	_ =	shalt  }
0x7e: {  	_ =	shalt  }
0x7f: {  	_ =	shalt  }
0x80: {  	_ =	shalt  }
0x81: {  	_ =	shalt  }
0x82: {  	_ =	shalt  }
0x83: {  	_ =	shalt  }
0x84: {  	_ =	shalt  }
0x85: {  	_ =	shalt  }
0x86: {  	_ =	shalt  }
0x87: {  	_ =	shalt  }
.Lfunc_end0:
.L_simem_size_0:
called_computation.5_lowered:
.L_overlay_start_0:
0x88: {  	s2 =	sld [smem:$0x3FD9]  }
0x89: {  	s3 =	sld [smem:$0x3FFE];
	_ =	sdelay $0x1  }
0x8a: {  	s1 =	srdreg.scid  }
0x8b: {  	s0 =	sand.u32 $0x1, s1  }
0x8c: {  	s17 =	sshll.u32 s0, $0xA;
	s2 =	sadd.s32 s3, s2  }
0x8d: {  	s2 =	sadd.s32 s2, s17  }
0x8e: {  	[smem:$0x3FC2] =	sst s2  }
0x8f: {  	_ = 	snop  }
0x90: {  	s2 =	sld [smem:$0x3FD0];
	(tm) =	ssettm $0x1  }
0x91: {  	s18 =	sld [smem:$0x3FFB];
	_ =	sdelay $0x3  }
0x92: {  	_ =	strace s18  }
0x93: {  	s3 =	sld [smem:$0x3FFC];
	_ =	sdelay $0x3  }
0x94: {  	_ =	strace s3  }
0x95: {  	s3 =	sld [smem:$0x3FFD];
	_ =	sdelay $0x3  }
0x96: {  	_ =	strace s3  }
0x97: {  	_ =	strace $0x8FFFFFFF  }
0x98: {  	s19 =	sld [smem:$0x3FDB];
	_ =	sdelay $0x1  }
0x99: {  	s4 =	simm.s32 $_scs_section_size  }
0x9a: {  	s5 =	simm.s32 $_size__tile_overlayer_lowered;
	s6 =	simm.s32 $_tile_overlayer_lowered  }
0x9b: {  	s22 =	simm.s32 $0x1BFF;
	s21 =	sshll.u32 s6, $0x1;
	s3 =	sadd.s32 s4, s19  }
0x9c: {  	s7 =	simm.s32 $0x0;
	s20 =	sshll.u32 s5, $0x1;
	s5 =	sadd.s32 s21, s3  }
0x9d: {  	[timem:s7], [sflag:s22] =	dma.local [hbm:s5], s20  }
0x9e: {  	_ =	swait.ge [sflag:s22], s20  }
0x9f: {  	s4 =	ssub.s32 $0x0, s20;
	[sflag:s22] =	ssyncset.done $0x0  }
0xa0: {  	[sflag:s22] =	ssyncadd.s32 s4;
	_ =	sdelay $0x1  }
0xa1: {  	s23 =	simm.s32 $0x1B8B  }
0xa2: {  	_ =	swait.ge [sflag:s23], $0x1  }
0xa3: {  	[sflag:s23] =	ssyncset.done $0x0  }
0xa4: {  	s25 =	simm.s32 $0x1B8E;
	s24 =	sld [smem:$0x3FFE];
	[sflag:s23] =	ssyncadd.s32 $0xFFFFFFFF  }
0xa5: {  	s26 =	simm.s32 $execute0_lowered;
	[smem:$0x3FD2] =	sst s25  }
0xa6: {  	s5 =	sshll.u32 s26, $0x1;
	_ =	strace $0x80000052;
	[dreg:$0x1] =	wrdreg $0xFFFFFFFF  }
0xa7: {  	s28 =	simm.s32 $_size_execute0_lowered;
	s3 =	sadd.s32 s3, s5;
	[dreg:$0x0] =	wrdreg $0x0  }
0xa8: {  	s5 =	sshll.u32 s28, $0x1;
	[dreg:$0x2] =	wrdreg s3  }
0xa9: {  	[dreg:$0x3] =	wrdreg s5  }
0xaa: {  	[dreg:$0x4] =	wrdreg $0xC0  }
0xab: {  	_ =	task [dreg:s7], $0x5FFFF  }
0xac: {  	[dreg:$0x1] =	wrdreg $0xFFFFFFFF  }
0xad: {  	[dreg:$0x0] =	wrdreg $0x60  }
0xae: {  	[dreg:$0x2] =	wrdreg s2  }
0xaf: {  	[dreg:$0x3] =	wrdreg s24  }
0xb0: {  	[dreg:$0x4] =	wrdreg $0x148000  }
0xb1: {  	[dreg:$0x5] =	wrdreg $0xA  }
0xb2: {  	_ =	task.clear_ibuf [dreg:s7], $0x6FFFF;
	_ =	strace $0x90000052  }
0xb3: {  	s29 =	simm.s32 $0xA;
	_ =	strace $0x80000054  }
0xb4: {  	_ =	swait.ge [sflag:s29], $0x1  }
0xb5: {  	[sflag:s29] =	ssyncadd.s32 $0xFFFFFFFF  }
0xb6: {  	_ =	strace $0x90000054  }
0xb7: {  	_ =	sfence  }
0xb8: {  	s30 =	sld [smem:$0x0];
	_ =	sdelay $0x2  }
0xb9: {  	s31 =	sshll.u32 s1, $0xD;
	s1 =	sshrl.u32 s1, $0x2  }
0xba: {  	s3 =	sand.u32 $0x4000, s31;
	s1 =	sadd.s32 s1, s30  }
0xbb: {  	s0 =	sor.u32 s3, s0;
	s1 =	sshll.u32 s1, $0x11  }
0xbc: {  	s0 =	sor.u32 s1, s0  }
0xbd: {  	s0 =	sadd.s32 $0x8F2B, s0  }
0xbe: {  	[sflag:s0] =	ssyncadd.remote.s32 $0x1  }
0xbf: {  	_ =	sfence.sel $0xFFFF  }
0xc0: {  	[dreg:$0x0] =	wrdreg $0xFFFFFFFF;
	(pc) =	sbr.abs _section_cstart, $3  }
0xc1: {  	[dreg:$0x1] =	wrdreg $0xFFFFFFFF  }
0xc2: {  	_ =	task.clear_ibuf [dreg:s7], $0x2FFFF;
	_ =	strace $0x9FFFFFFF  }
0xc3: {  	(tm) =	ssettm $0x7FFFFFFF  }
tec
execute0_lowered:
.L_overlay_start_1:
0x0: {  	(tag) =	ssettag $0x1  }
0x1: {  	s1 =	rddreg [dreg:$0x0]  }
0x2: {  	s0 =	rddreg [dreg:$0x1]  }
0x3: {  	s2 =	rddreg [dreg:$0x2];
	s4 =	simm.s32 $0x0  }
0x4: {  	s3 =	srdreg.scid;
	s11 =	stileid.u32;
	s13 =	simm.s32 $0x50  }
0x5: {  	s14 =	simm.s32 $0x8000;
	s16 =	simm.s32 $0xA800;
	s18 =	simm.s32 $0xD000  }
0x6: {  	s20 =	simm.s32 $0xF800;
	s22 =	simm.s32 $0x12000;
	s23 =	simm.s32 $0x1  }
0x7: {  	s28 =	simm.s32 $0x4;
	s29 =	simm.s32 $0x5;
	s30 =	simm.s32 $0x7C00  }
0x8: {  	s31 =	simm.s32 $0x7C80;
	[smem:$0x7FF] =	sst s4;
	s24 =	smul.u32 $0x28000, s11  }
0x9: {  	s3 =	sand.u32 $0x1, s3;
	s5 =	sshll.u32 s11, $0xC;
	s15 =	smul.u32 $0x1400, s11  }
0xa: {  	s26 =	sshll.u32 s11, $0x6;
	_ =	strace $0x80000053;
	s6 =	sshll.u32 s3, $0xB  }
0xb: {  	s7 =	smul.u32 $0x14000, s3;
	s3 =	ssub.s32 $0x2, s3;
	s11 =	sor.u32 $0x1C06, s26  }
0xc: {  	s26 =	simm.s32 $0x3;
	s5 =	sor.u32 s6, s5;
	s9 =	sshrl.u32 s3, $0x1  }
0xd: {  	s25 =	sshrl.u32 s24, $0x2;
	s8 =	sadd.s32 s5, s0;
	s5 =	sadd.s32 $0x23C00, s0  }
0xe: {  	s0 =	sadd.s32 s7, s0;
	s3 =	ssub.s32 s3, s9;
	s10 =	sadd.s32 s25, s2  }
0xf: {  	s9 =	simm.s32 $0x6;
	s25 =	simm.s32 $0x2;
	s6 =	sadd.s32 $0x85000, s8  }
0x10: {  	s7 =	sadd.s32 $0x3C00, s8;
	s0 =	sadd.s32 $0x25000, s0;
	s8 =	smax.u32 s3, $0x1  }
0x11: {  	s12 =	sshrl.u32 s10, $0x3;
	s3 =	simm.s32 $0x7D80;
	s10 =	simm.s32 $0x7E00  }
0x12: {  	s24 =	sadd.s32 s15, s0;
	s0 =	simm.s32 $0x7D00;
	s15 =	simm.s32 $0x0  }
.LBB2_1:
0x13: {  	[tilespmem:s4], [sflag:$0x6] =	stream.linear.gather [hbm4b:s6+s4], $0x3E80, $0x38;
	[tilespmem:$0x1E800] =	vst v63  }
0x14: {  	_ =	swait.ge [sflag:s9], $0x3E80  }
0x15: {  	[sflag:s9] =	ssyncset.done $0x0  }
0x16: {  	s17 =	simm.s32 $0x4000;
	[sflag:s9] =	ssyncadd.s32 $0xFFFFC180  }
0x17: {  	[tilespmem:s17], [sflag:$0x6] =	stream.linear.gather [hbm4b:s7+s4], $0x3E80, $0x38;
	[tilespmem:$0x1E800] =	vst v63  }
0x18: {  	_ =	swait.ge [sflag:s9], $0x3E80  }
0x19: {  	[sflag:s9] =	ssyncset.done $0x0  }
0x1a: {  	[sflag:s9] =	ssyncadd.s32 $0xFFFFC180  }
0x1b: {  	[spmem:s12], [sflag:s11] =	dma.local [hbm:s5], $0x1400  }
0x1c: {  	_ =	swait.ge [sflag:s9], $0x1400  }
0x1d: {  	[sflag:s9] =	ssyncset.done $0x0  }
0x1e: {  	[sflag:s9] =	ssyncadd.s32 $0xFFFFEC00  }
0x1f: {  	[bflag:$0x0] =	sbarrier.arrive $0xFFFF  }
0x20: {  	[tilespmem:s14], [sflag:$0x1] =	stream.indirect.gather [hbm4b:s1+s13], $0x80, s4, s13, $0xb8;
	[tilespmem:$0x1E800] =	vst v63  }
0x21: {  	s21 =	simm.s32 $0x80  }
0x22: {  	[tilespmem:s16], [sflag:$0x2] =	stream.indirect.gather [hbm4b:s1+s13], $0x80, s21, s13, $0xb8;
	[tilespmem:$0x1E800] =	vst v63  }
0x23: {  	s19 =	simm.s32 $0x100  }
0x24: {  	[tilespmem:s18], [sflag:$0x3] =	stream.indirect.gather [hbm4b:s1+s13], $0x80, s19, s13, $0xb8;
	[tilespmem:$0x1E800] =	vst v63  }
0x25: {  	s21 =	simm.s32 $0x180  }
0x26: {  	[tilespmem:s20], [sflag:$0x4] =	stream.indirect.gather [hbm4b:s1+s13], $0x80, s21, s13, $0xb8;
	[tilespmem:$0x1E800] =	vst v63  }
0x27: {  	s19 =	simm.s32 $0x200  }
0x28: {  	[tilespmem:s22], [sflag:$0x5] =	stream.indirect.gather [hbm4b:s1+s13], $0x80, s19, s13, $0xb8;
	[tilespmem:$0x1E800] =	vst v63  }
0x29: {  	_ =	swait.ge [sflag:s23], $0x2800  }
0x2a: {  	[sflag:s23] =	ssyncset.done $0x0  }
0x2b: {  	s21 =	simm.s32 $0x4000;
	[sflag:s23] =	ssyncadd.s32 $0xFFFFD800  }
0x2c: {  	[spmem:s2] =	stream.indirect.scatter.add.f32 [tilespmem:s14], [sflag:$0x6], $0x80, s21, s13, $0xb8;
	[tilespmem:$0x1E800] =	vst v63  }
0x2d: {  	_ =	swait.ge [sflag:s9], $0x2800  }
0x2e: {  	[sflag:s9] =	ssyncset.done $0x0  }
0x2f: {  	s19 =	simm.s32 $0x280;
	[sflag:s9] =	ssyncadd.s32 $0xFFFFD800  }
0x30: {  	[tilespmem:s14], [sflag:$0x1] =	stream.indirect.gather [hbm4b:s1+s13], $0x80, s19, s13, $0xb8;
	[tilespmem:$0x1E800] =	vst v63  }
0x31: {  	_ =	swait.ge [sflag:s25], $0x2800  }
0x32: {  	[sflag:s25] =	ssyncset.done $0x0  }
0x33: {  	s21 =	simm.s32 $0x4080;
	[sflag:s25] =	ssyncadd.s32 $0xFFFFD800  }
0x34: {  	[spmem:s2] =	stream.indirect.scatter.add.f32 [tilespmem:s16], [sflag:$0x6], $0x80, s21, s13, $0xb8;
	[tilespmem:$0x1E800] =	vst v63  }
0x35: {  	_ =	swait.ge [sflag:s9], $0x2800  }
0x36: {  	[sflag:s9] =	ssyncset.done $0x0  }
0x37: {  	s19 =	simm.s32 $0x300;
	[sflag:s9] =	ssyncadd.s32 $0xFFFFD800  }
0x38: {  	[tilespmem:s16], [sflag:$0x2] =	stream.indirect.gather [hbm4b:s1+s13], $0x80, s19, s13, $0xb8;
	[tilespmem:$0x1E800] =	vst v63  }
0x39: {  	_ =	swait.ge [sflag:s26], $0x2800  }
0x3a: {  	[sflag:s26] =	ssyncset.done $0x0  }
0x3b: {  	s21 =	simm.s32 $0x4100;
	[sflag:s26] =	ssyncadd.s32 $0xFFFFD800  }
0x3c: {  	[spmem:s2] =	stream.indirect.scatter.add.f32 [tilespmem:s18], [sflag:$0x6], $0x80, s21, s13, $0xb8;
	[tilespmem:$0x1E800] =	vst v63  }
0x3d: {  	_ =	swait.ge [sflag:s9], $0x2800  }
0x3e: {  	[sflag:s9] =	ssyncset.done $0x0  }
0x3f: {  	s19 =	simm.s32 $0x380;
	[sflag:s9] =	ssyncadd.s32 $0xFFFFD800  }
0x40: {  	[tilespmem:s18], [sflag:$0x3] =	stream.indirect.gather [hbm4b:s1+s13], $0x80, s19, s13, $0xb8;
	[tilespmem:$0x1E800] =	vst v63  }
0x41: {  	_ =	swait.ge [sflag:s28], $0x2800  }
0x42: {  	[sflag:s28] =	ssyncset.done $0x0  }
0x43: {  	s21 =	simm.s32 $0x4180;
	[sflag:s28] =	ssyncadd.s32 $0xFFFFD800  }
0x44: {  	[spmem:s2] =	stream.indirect.scatter.add.f32 [tilespmem:s20], [sflag:$0x6], $0x80, s21, s13, $0xb8;
	[tilespmem:$0x1E800] =	vst v63  }
0x45: {  	_ =	swait.ge [sflag:s9], $0x2800  }
0x46: {  	[sflag:s9] =	ssyncset.done $0x0  }
0x47: {  	s19 =	simm.s32 $0x400;
	[sflag:s9] =	ssyncadd.s32 $0xFFFFD800  }
0x48: {  	[tilespmem:s20], [sflag:$0x4] =	stream.indirect.gather [hbm4b:s1+s13], $0x80, s19, s13, $0xb8;
	[tilespmem:$0x1E800] =	vst v63  }
0x49: {  	_ =	swait.ge [sflag:s29], $0x2800  }
0x4a: {  	[sflag:s29] =	ssyncset.done $0x0  }
0x4b: {  	s21 =	simm.s32 $0x4200;
	[sflag:s29] =	ssyncadd.s32 $0xFFFFD800  }
0x4c: {  	[spmem:s2] =	stream.indirect.scatter.add.f32 [tilespmem:s22], [sflag:$0x6], $0x80, s21, s13, $0xb8;
	[tilespmem:$0x1E800] =	vst v63  }
0x4d: {  	_ =	swait.ge [sflag:s9], $0x2800  }
0x4e: {  	[sflag:s9] =	ssyncset.done $0x0  }
0x4f: {  	s17 =	simm.s32 $0xA00;
	s19 =	simm.s32 $0x480;
	[sflag:s9] =	ssyncadd.s32 $0xFFFFD800  }
.LBB2_2:
0x50: {  	[tilespmem:s22], [sflag:$0x5] =	stream.indirect.gather [hbm4b:s1+s13], $0x80, s19, s13, $0xb8;
	[tilespmem:$0x1E800] =	vst v63  }
0x51: {  	s19 =	smov.u32 s17  }
0x52: {  	p0 =	sne.s32 s17, $0xE600;
	s17 =	sadd.s32 $0xA00, s17;
	_ =	swait.ge [sflag:s23], $0x2800  }
0x53: {  	s19 =	sshra.s32 s19, $0x2;
	[sflag:s23] =	ssyncset.done $0x0  }
0x54: {  	s21 =	sadd.s32 $0x4000, s19;
	[sflag:s23] =	ssyncadd.s32 $0xFFFFD800  }
0x55: {  	[spmem:s2] =	stream.indirect.scatter.add.f32 [tilespmem:s14], [sflag:$0x6], $0x80, s21, s13, $0xb8;
	[tilespmem:$0x1E800] =	vst v63  }
0x56: {  	_ =	swait.ge [sflag:s9], $0x2800  }
0x57: {  	[sflag:s9] =	ssyncset.done $0x0  }
0x58: {  	s21 =	sadd.s32 $0x280, s19;
	[sflag:s9] =	ssyncadd.s32 $0xFFFFD800  }
0x59: {  	[tilespmem:s14], [sflag:$0x1] =	stream.indirect.gather [hbm4b:s1+s13], $0x80, s21, s13, $0xb8;
	[tilespmem:$0x1E800] =	vst v63  }
0x5a: {  	_ =	swait.ge [sflag:s25], $0x2800  }
0x5b: {  	[sflag:s25] =	ssyncset.done $0x0  }
0x5c: {  	s21 =	sadd.s32 $0x4080, s19;
	[sflag:s25] =	ssyncadd.s32 $0xFFFFD800  }
0x5d: {  	[spmem:s2] =	stream.indirect.scatter.add.f32 [tilespmem:s16], [sflag:$0x6], $0x80, s21, s13, $0xb8;
	[tilespmem:$0x1E800] =	vst v63  }
0x5e: {  	_ =	swait.ge [sflag:s9], $0x2800  }
0x5f: {  	[sflag:s9] =	ssyncset.done $0x0  }
0x60: {  	s21 =	sadd.s32 $0x300, s19;
	[sflag:s9] =	ssyncadd.s32 $0xFFFFD800  }
0x61: {  	[tilespmem:s16], [sflag:$0x2] =	stream.indirect.gather [hbm4b:s1+s13], $0x80, s21, s13, $0xb8;
	[tilespmem:$0x1E800] =	vst v63  }
0x62: {  	_ =	swait.ge [sflag:s26], $0x2800  }
0x63: {  	[sflag:s26] =	ssyncset.done $0x0  }
0x64: {  	s21 =	sadd.s32 $0x4100, s19;
	[sflag:s26] =	ssyncadd.s32 $0xFFFFD800  }
0x65: {  	[spmem:s2] =	stream.indirect.scatter.add.f32 [tilespmem:s18], [sflag:$0x6], $0x80, s21, s13, $0xb8;
	[tilespmem:$0x1E800] =	vst v63  }
0x66: {  	_ =	swait.ge [sflag:s9], $0x2800  }
0x67: {  	[sflag:s9] =	ssyncset.done $0x0  }
0x68: {  	s21 =	sadd.s32 $0x380, s19;
	[sflag:s9] =	ssyncadd.s32 $0xFFFFD800  }
0x69: {  	[tilespmem:s18], [sflag:$0x3] =	stream.indirect.gather [hbm4b:s1+s13], $0x80, s21, s13, $0xb8;
	[tilespmem:$0x1E800] =	vst v63  }
0x6a: {  	_ =	swait.ge [sflag:s28], $0x2800  }
0x6b: {  	[sflag:s28] =	ssyncset.done $0x0  }
0x6c: {  	s21 =	sadd.s32 $0x4180, s19;
	[sflag:s28] =	ssyncadd.s32 $0xFFFFD800  }
0x6d: {  	[spmem:s2] =	stream.indirect.scatter.add.f32 [tilespmem:s20], [sflag:$0x6], $0x80, s21, s13, $0xb8;
	[tilespmem:$0x1E800] =	vst v63  }
0x6e: {  	_ =	swait.ge [sflag:s9], $0x2800  }
0x6f: {  	[sflag:s9] =	ssyncset.done $0x0  }
0x70: {  	s21 =	sadd.s32 $0x400, s19;
	[sflag:s9] =	ssyncadd.s32 $0xFFFFD800  }
0x71: {  	[tilespmem:s20], [sflag:$0x4] =	stream.indirect.gather [hbm4b:s1+s13], $0x80, s21, s13, $0xb8;
	[tilespmem:$0x1E800] =	vst v63  }
0x72: {  	_ =	swait.ge [sflag:s29], $0x2800  }
0x73: {  	[sflag:s29] =	ssyncset.done $0x0  }
.Ltmp0:
0x74: {  	s21 =	sadd.s32 $0x4200, s19;
	[sflag:s29] =	ssyncadd.s32 $0xFFFFD800;
	(pc) =	sbr.rel @p0 .LBB2_2-.Ltmp0, $4  }
0x75: {  	[spmem:s2] =	stream.indirect.scatter.add.f32 [tilespmem:s22], [sflag:$0x6], $0x80, s21, s13, $0xb8;
	[tilespmem:$0x1E800] =	vst v63  }
0x76: {  	_ =	swait.ge [sflag:s9], $0x2800  }
0x77: {  	[sflag:s9] =	ssyncset.done $0x0  }
0x78: {  	s19 =	sadd.s32 $0x480, s19;
	[sflag:s9] =	ssyncadd.s32 $0xFFFFD800  }
0x79: {  	[tilespmem:s22], [sflag:$0x5] =	stream.indirect.gather [hbm4b:s1+s13], $0x80, s19, s13, $0xb8;
	[tilespmem:$0x1E800] =	vst v63  }
0x7a: {  	_ =	swait.ge [sflag:s23], $0x2800  }
0x7b: {  	[sflag:s23] =	ssyncset.done $0x0  }
0x7c: {  	[sflag:s23] =	ssyncadd.s32 $0xFFFFD800  }
0x7d: {  	[spmem:s2] =	stream.indirect.scatter.add.f32 [tilespmem:s14], [sflag:$0x6], $0x80, s30, s13, $0xb8;
	[tilespmem:$0x1E800] =	vst v63  }
0x7e: {  	_ =	swait.ge [sflag:s9], $0x2800  }
0x7f: {  	[sflag:s9] =	ssyncset.done $0x0  }
0x80: {  	[sflag:s9] =	ssyncadd.s32 $0xFFFFD800  }
0x81: {  	_ =	swait.ge [sflag:s25], $0x2800  }
0x82: {  	[sflag:s25] =	ssyncset.done $0x0  }
0x83: {  	[sflag:s25] =	ssyncadd.s32 $0xFFFFD800  }
0x84: {  	[spmem:s2] =	stream.indirect.scatter.add.f32 [tilespmem:s16], [sflag:$0x6], $0x80, s31, s13, $0xb8;
	[tilespmem:$0x1E800] =	vst v63  }
0x85: {  	_ =	swait.ge [sflag:s9], $0x2800  }
0x86: {  	[sflag:s9] =	ssyncset.done $0x0  }
0x87: {  	[sflag:s9] =	ssyncadd.s32 $0xFFFFD800  }
0x88: {  	_ =	swait.ge [sflag:s26], $0x2800  }
0x89: {  	[sflag:s26] =	ssyncset.done $0x0  }
0x8a: {  	[sflag:s26] =	ssyncadd.s32 $0xFFFFD800  }
0x8b: {  	[spmem:s2] =	stream.indirect.scatter.add.f32 [tilespmem:s18], [sflag:$0x6], $0x80, s0, s13, $0xb8;
	[tilespmem:$0x1E800] =	vst v63  }
0x8c: {  	_ =	swait.ge [sflag:s9], $0x2800  }
0x8d: {  	[sflag:s9] =	ssyncset.done $0x0  }
0x8e: {  	[sflag:s9] =	ssyncadd.s32 $0xFFFFD800  }
0x8f: {  	_ =	swait.ge [sflag:s28], $0x2800  }
0x90: {  	[sflag:s28] =	ssyncset.done $0x0  }
0x91: {  	[sflag:s28] =	ssyncadd.s32 $0xFFFFD800  }
0x92: {  	[spmem:s2] =	stream.indirect.scatter.add.f32 [tilespmem:s20], [sflag:$0x6], $0x80, s3, s13, $0xb8;
	[tilespmem:$0x1E800] =	vst v63  }
0x93: {  	_ =	swait.ge [sflag:s9], $0x2800  }
0x94: {  	[sflag:s9] =	ssyncset.done $0x0  }
0x95: {  	[sflag:s9] =	ssyncadd.s32 $0xFFFFD800  }
0x96: {  	_ =	swait.ge [sflag:s29], $0x2800  }
0x97: {  	[sflag:s29] =	ssyncset.done $0x0  }
0x98: {  	[sflag:s29] =	ssyncadd.s32 $0xFFFFD800  }
0x99: {  	[spmem:s2] =	stream.indirect.scatter.add.f32 [tilespmem:s22], [sflag:$0x6], $0x80, s10, s13, $0xb8;
	[tilespmem:$0x1E800] =	vst v63  }
0x9a: {  	_ =	swait.ge [sflag:s9], $0x2800  }
0x9b: {  	s15 =	sadd.s32 $0x1, s15;
	[sflag:s9] =	ssyncset.done $0x0  }
0x9c: {  	p0 =	sne.s32 s15, s8;
	[sflag:s9] =	ssyncadd.s32 $0xFFFFD800  }
.Ltmp1:
0x9d: {  	[bflag:$0x0] =	sbarrier.arrive $0xFFFF;
	(pc) =	sbr.rel @p0 .LBB2_1-.Ltmp1, $4  }
0x9e: {  	[hbm:s24], [sflag:s11] =	dma.local [spmem:s12], $0x1400  }
0x9f: {  	_ =	swait.ge [sflag:s9], $0x1400  }
0xa0: {  	[sflag:s9] =	ssyncset.done $0x0  }
0xa1: {  	[sflag:s9] =	ssyncadd.s32 $0xFFFFEC00  }
0xa2: {  	_ =	sfence.sel $0x180000  }
0xa3: {  	[bflag:$0x0] =	sbarrier.arrive $0xFFFF  }
0xa4: {  	_ =	strace $0x90000053  }
0xa5: {  	s0 =	stileid.u32;
	[bflag:$0x2] =	sbarrier.arrive $0xFFFF  }
0xa6: {  	p0 =	sne.s32 s0, $0x0;
	s0 =	rddreg [dreg:$0x3]  }
0xa7: {  	s0 =	sadd.s32 @!p0 $0x100000, s0  }
0xa8: {  	[sflag:s0] =	ssyncadd.tile.s32 @!p0 $0x1;
	_ =	shalt  }
.Lfunc_end2:
_tile_overlayer_lowered:
.L_overlay_start_2:
0xa9: {  	(tag) =	ssettag $0x2  }
0xaa: {  	s0 =	rddreg [dreg:$0x0];
	s2 =	stileid.u32  }
0xab: {  	s1 =	rddreg [dreg:$0x1];
	p0 =	sne.s32 s2, $0x0  }
0xac: {  	s3 =	rddreg [dreg:$0x2];
	[bflag:$0x3] =	sbarrier.arrive $0xFFFF;
	s2 =	simm.s32 @!p0 $0x1C06  }
0xad: {  	[timem:s3], [sflag:s2] =	dma.local @!p0 [hbm:s0], s1  }
0xae: {  	s0 =	simm.s32 @!p0 $0x6  }
0xaf: {  	_ =	swait.ge @!p0 [sflag:s0], s1  }
0xb0: {  	s1 =	ssub.s32 @!p0 $0x0, s1;
	[sflag:s0] =	ssyncset.done @!p0 $0x0  }
0xb1: {  	[sflag:s0] =	ssyncadd.s32 @!p0 s1  }
0xb2: {  	[bflag:$0x3] =	sbarrier.arrive $0xFFFF  }
0xb3: {  	_ =	shalt  }

</sc_bundles>
